<compile_context>
chip_gen: v7x
topology: tpu7x:2x2x1
jax: 0.10.2.dev20260603
libtpu: 0.0.44.dev20260713+nightly
codegen_flags: <defaults>
</compile_context>

<pallas_src>
import functools

import jax
import jax.numpy as jnp
from jax import lax
from jax.experimental import pallas as pl
from jax.experimental.pallas import tpu as pltpu
from jax.experimental.pallas import tpu_sc as plsc

N = 10000
NP = 10240
D = 16
E = 320000
NSC = 2
NTILE = 16
NW = NSC * NTILE
CHUNK = 128
NCHUNK = 80
NBUF = 8
NGRP = NCHUNK // NBUF
EPW = CHUNK * NCHUNK
EP = EPW * NW
ROWS_PER_TILE = NP // NTILE

NPP = NP * D // 128
BP = NPP // 8
GRID = 8
EROWS = 2 * E // 128
ECROWS = E // 128
PROWS = EP // 128

_MESH = plsc.VectorSubcoreMesh(core_axis_name="c", subcore_axis_name="s")
_SC_PARAMS = pltpu.CompilerParams(use_tc_tiling_on_sc=False)



def _sc_deg_body(col_hbm, ones_hbm, zero_hbm, out_a, out_b, col_v, ones_v,
                 accum_s):
    c = lax.axis_index("c")
    s = lax.axis_index("s")
    wid = c * NTILE + s
    rbase = s * ROWS_PER_TILE

    pltpu.sync_copy(zero_hbm.at[pl.ds(rbase, ROWS_PER_TILE)],
                    accum_s.at[pl.ds(rbase, ROWS_PER_TILE)])
    pltpu.sync_copy(col_hbm.at[wid], col_v)
    pltpu.sync_copy(ones_hbm, ones_v)
    plsc.subcore_barrier()

    def body(j, carry):
        pltpu.sync_copy(ones_v, accum_s.at[col_v.at[j]], add=True)
        return carry

    lax.fori_loop(0, NCHUNK, body, 0)

    plsc.subcore_barrier()

    @pl.when(c == 0)
    def _():
        pltpu.sync_copy(accum_s.at[pl.ds(rbase, ROWS_PER_TILE)],
                        out_a.at[pl.ds(rbase, ROWS_PER_TILE)])

    @pl.when(c != 0)
    def _():
        pltpu.sync_copy(accum_s.at[pl.ds(rbase, ROWS_PER_TILE)],
                        out_b.at[pl.ds(rbase, ROWS_PER_TILE)])


_sc_deg = functools.partial(
    pl.kernel,
    out_type=[jax.ShapeDtypeStruct((NP, D), jnp.float32),
              jax.ShapeDtypeStruct((NP, D), jnp.float32)],
    mesh=_MESH,
    scratch_types=[
        pltpu.VMEM((NCHUNK, CHUNK), jnp.int32),
        pltpu.VMEM((CHUNK, D), jnp.float32),
        pltpu.VMEM_SHARED((NP, D), jnp.float32),
    ],
    compiler_params=_SC_PARAMS,
)(_sc_deg_body)


def _sc_agg_body(g_hbm, row_hbm, col_hbm, zero_hbm, out_a, out_b,
                 row_v, col_v, data_v, accum_s, *sems):
    c = lax.axis_index("c")
    s = lax.axis_index("s")
    wid = c * NTILE + s
    rbase = s * ROWS_PER_TILE
    gsems = sems[:NBUF]
    ssems = sems[NBUF:]

    pltpu.sync_copy(zero_hbm.at[pl.ds(rbase, ROWS_PER_TILE)],
                    accum_s.at[pl.ds(rbase, ROWS_PER_TILE)])

    pltpu.sync_copy(row_hbm.at[wid], row_v)
    pltpu.sync_copy(col_hbm.at[wid], col_v)
    plsc.subcore_barrier()

    for b in range(NBUF):
        pltpu.async_copy(g_hbm.at[row_v.at[b]], data_v.at[b], gsems[b])

    def group(gi, carry):
        for b in range(NBUF):
            j = gi * NBUF + b
            pltpu.make_async_copy(g_hbm.at[row_v.at[j]],
                                  data_v.at[b], gsems[b]).wait()
            pltpu.async_copy(data_v.at[b], accum_s.at[col_v.at[j]],
                             ssems[b], add=True)
        for b in range(NBUF):
            j = gi * NBUF + b
            pltpu.make_async_copy(data_v.at[b], accum_s.at[col_v.at[j]],
                                  ssems[b]).wait()

            @pl.when(j + NBUF < NCHUNK)
            def _():
                pltpu.async_copy(g_hbm.at[row_v.at[j + NBUF]],
                                 data_v.at[b], gsems[b])
        return carry

    lax.fori_loop(0, NGRP, group, 0)

    plsc.subcore_barrier()

    @pl.when(c == 0)
    def _():
        pltpu.sync_copy(accum_s.at[pl.ds(rbase, ROWS_PER_TILE)],
                        out_a.at[pl.ds(rbase, ROWS_PER_TILE)])

    @pl.when(c != 0)
    def _():
        pltpu.sync_copy(accum_s.at[pl.ds(rbase, ROWS_PER_TILE)],
                        out_b.at[pl.ds(rbase, ROWS_PER_TILE)])


_sc_agg = functools.partial(
    pl.kernel,
    out_type=[jax.ShapeDtypeStruct((NP, D), jnp.float32),
              jax.ShapeDtypeStruct((NP, D), jnp.float32)],
    mesh=_MESH,
    scratch_types=[
        pltpu.VMEM((NCHUNK, CHUNK), jnp.int32),
        pltpu.VMEM((NCHUNK, CHUNK), jnp.int32),
        pltpu.VMEM((NBUF, CHUNK, D), jnp.float32),
        pltpu.VMEM_SHARED((NP, D), jnp.float32),
    ] + [pltpu.SemaphoreType.DMA] * (2 * NBUF),
    compiler_params=_SC_PARAMS,
)(_sc_agg_body)



def _tc_prep_body(ei_ref, row_ref, col_ref):
    rv = ei_ref[0:ECROWS, :]
    cv = ei_ref[ECROWS:EROWS, :]
    npad = PROWS - ECROWS
    pr = (lax.broadcasted_iota(jnp.int32, (npad, 128), 0) * 128
          + lax.broadcasted_iota(jnp.int32, (npad, 128), 1))
    rowfull = jnp.concatenate([rv, pr % N], axis=0)
    colfull = jnp.concatenate([cv, N + pr % (NP - N)], axis=0)
    row_ref[...] = (rowfull % NPP) * 8 + rowfull // NPP
    col_ref[...] = (colfull % NPP) * 8 + colfull // NPP


def _tc_prep(ei32):
    out = jax.ShapeDtypeStruct((PROWS, 128), jnp.int32)
    full = pl.BlockSpec((PROWS, 128), lambda i: (0, 0))
    return pl.pallas_call(
        _tc_prep_body,
        grid=(1,),
        in_specs=[pl.BlockSpec((EROWS, 128), lambda i: (0, 0))],
        out_specs=[full, full],
        out_shape=[out, out],
    )(ei32)


_pk_spec = pl.BlockSpec((BP, 128), lambda i: (i, 0))
_b_spec = pl.BlockSpec((8, 128), lambda i: (0, 0))


def _tc_mm_body(x_ref, w_ref, h_ref):
    h = jnp.dot(x_ref[...], w_ref[...], preferred_element_type=jnp.float32)
    h_ref[...] = jnp.concatenate(
        [h[NPP * i:NPP * (i + 1)] for i in range(8)], axis=1)


def _tc_mm(x_p, w1):
    return pl.pallas_call(
        _tc_mm_body,
        grid=(1,),
        in_specs=[
            pl.BlockSpec((NP, 128), lambda i: (0, 0)),
            pl.BlockSpec((128, D), lambda i: (0, 0)),
        ],
        out_specs=pl.BlockSpec((NPP, 128), lambda i: (0, 0)),
        out_shape=jax.ShapeDtypeStruct((NPP, 128), jnp.float32),
    )(x_p, w1)


def _tc_scale_body(h_ref, da_ref, db_ref, g_ref, dinv_ref):
    deg = da_ref[...] + db_ref[...] + 1.0
    dinv = lax.rsqrt(deg)
    dinv_ref[...] = dinv
    g_ref[...] = h_ref[...] * dinv


def _tc_scale(h, deg_a, deg_b):
    return pl.pallas_call(
        _tc_scale_body,
        grid=(GRID,),
        in_specs=[_pk_spec, _pk_spec, _pk_spec],
        out_specs=[_pk_spec, _pk_spec],
        out_shape=[jax.ShapeDtypeStruct((NPP, 128), jnp.float32),
                   jax.ShapeDtypeStruct((NPP, 128), jnp.float32)],
    )(h, deg_a, deg_b)


def _tc_mid1_body(aa_ref, ab_ref, g_in_ref, dinv_ref, b_ref, g_ref):
    dinv = dinv_ref[...]
    z = (aa_ref[...] + ab_ref[...] + g_in_ref[...]) * dinv + b_ref[0:1, :]
    g_ref[...] = jnp.maximum(z, 0.0) * dinv


def _tc_mid1(acc_a, acc_b, g_in, dinv, b_pack):
    return pl.pallas_call(
        _tc_mid1_body,
        grid=(GRID,),
        in_specs=[_pk_spec, _pk_spec, _pk_spec, _pk_spec, _b_spec],
        out_specs=_pk_spec,
        out_shape=jax.ShapeDtypeStruct((NPP, 128), jnp.float32),
    )(acc_a, acc_b, g_in, dinv, b_pack)


def _tc_mid2_body(aa_ref, ab_ref, g_in_ref, dinv_ref, b_ref, wk_ref, g_ref):
    dinv = dinv_ref[...]
    t = (aa_ref[...] + ab_ref[...] + g_in_ref[...]) * dinv
    z = jnp.dot(t, wk_ref[...], preferred_element_type=jnp.float32)
    g_ref[...] = jnp.maximum(z + b_ref[0:1, :], 0.0) * dinv


def _tc_mid2(acc_a, acc_b, g_in, dinv, b_pack, w_kron):
    return pl.pallas_call(
        _tc_mid2_body,
        grid=(GRID,),
        in_specs=[
            _pk_spec,
            _pk_spec,
            _pk_spec,
            _pk_spec,
            _b_spec,
            pl.BlockSpec((128, 128), lambda i: (0, 0)),
        ],
        out_specs=_pk_spec,
        out_shape=jax.ShapeDtypeStruct((NPP, 128), jnp.float32),
    )(acc_a, acc_b, g_in, dinv, b_pack, w_kron)


def _tc_fin_body(aa_ref, ab_ref, g_in_ref, dinv_ref, w_ref, b_ref, o_ref):
    t = (aa_ref[...] + ab_ref[...] + g_in_ref[...]) * dinv_ref[...]
    r = jnp.concatenate([t[:, D * i:D * (i + 1)] for i in range(8)], axis=0)
    z = jnp.dot(r, w_ref[...], preferred_element_type=jnp.float32) + b_ref[0:1, :]
    m = jnp.max(z, axis=1, keepdims=True)
    zs = z - m
    o_ref[...] = zs - jnp.log(jnp.sum(jnp.exp(zs), axis=1, keepdims=True))


def _tc_fin(acc_a, acc_b, g_in, dinv, w2, b2_tiled):
    full = pl.BlockSpec((NPP, 128), lambda i: (0, 0))
    return pl.pallas_call(
        _tc_fin_body,
        grid=(1,),
        in_specs=[
            full,
            full,
            full,
            full,
            pl.BlockSpec((D, 2), lambda i: (0, 0)),
            pl.BlockSpec((8, 2), lambda i: (0, 0)),
        ],
        out_specs=pl.BlockSpec((NP, 2), lambda i: (0, 0)),
        out_shape=jax.ShapeDtypeStruct((NP, 2), jnp.float32),
    )(acc_a, acc_b, g_in, dinv, w2, b2_tiled)



def _packed(a):
    return a.reshape(NPP, 128)


def kernel(x, edge_index, W1, b1, W3, b3, W2, b2):
    ei32 = edge_index.astype(jnp.int32).reshape(EROWS, 128)
    row2, col2 = _tc_prep(ei32)
    row3 = row2.reshape(NW, NCHUNK, CHUNK)
    col3 = col2.reshape(NW, NCHUNK, CHUNK)

    x_p = jnp.pad(x, ((0, NP - N), (0, 0)))
    zeros = jnp.zeros((NP, D), jnp.float32)
    ones_chunk = jnp.ones((CHUNK, D), jnp.float32)
    b1_pk = jnp.tile(b1.reshape(1, D), (8, 8))
    b3_pk = jnp.tile(b3.reshape(1, D), (8, 8))
    b2_t = jnp.tile(b2.reshape(1, 2), (8, 1))
    w3_kron = jnp.kron(jnp.eye(8, dtype=jnp.float32), W3)

    h1 = _tc_mm(x_p, W1)
    deg_a, deg_b = _sc_deg(col3, ones_chunk, zeros)
    g1, dinv = _tc_scale(h1, _packed(deg_a), _packed(deg_b))
    a1, b1_ = _sc_agg(g1.reshape(NP, D), row3, col3, zeros)
    g2 = _tc_mid1(_packed(a1), _packed(b1_), g1, dinv, b1_pk)
    a2, b2_ = _sc_agg(g2.reshape(NP, D), row3, col3, zeros)
    g3 = _tc_mid2(_packed(a2), _packed(b2_), g2, dinv, b3_pk, w3_kron)
    a3, b3_ = _sc_agg(g3.reshape(NP, D), row3, col3, zeros)
    out = _tc_fin(_packed(a3), _packed(b3_), g3, dinv, W2, b2_t)
    return out[:N]

# --- scband reference (transcript-rebuilt; emitter-appended) ---
"""Pipeline reference for scband-net2-79087527788732 (READ-ONLY COPY).

The authoritative reference and input builder live on the scoring server;
editing this copy changes nothing except your own understanding.
"""

import jax, jax.numpy as jnp
import numpy as np

N_NODES = 10000
N_EDGES = 320000
D_IN = 128
D_HID = 16
D_OUT = 2


def _glorot(key, shape):
    limit = float(np.sqrt(6.0 / (shape[0] + shape[1])))
    return jax.random.uniform(key, shape, jnp.float32, -limit, limit)


def setup_inputs(seed: int = 0) -> dict:
    key = jax.random.key(seed)
    ks = jax.random.split(key, 8)
    x = jax.random.normal(ks[0], (N_NODES, D_IN), dtype=jnp.float32)
    edge_index = jax.random.randint(ks[1], (2, N_EDGES), 0, N_NODES, dtype=jnp.int64)
    W1 = _glorot(ks[2], (D_IN, D_HID))
    b1 = jnp.zeros((D_HID,), dtype=jnp.float32)
    W3 = _glorot(ks[3], (D_HID, D_HID))
    b3 = jnp.zeros((D_HID,), dtype=jnp.float32)
    W2 = _glorot(ks[4], (D_HID, D_OUT))
    b2 = jnp.zeros((D_OUT,), dtype=jnp.float32)
    return {"x": x, "edge_index": edge_index, "W1": W1, "b1": b1, "W3": W3, "b3": b3, "W2": W2, "b2": b2}


def gcn_conv(x, edge_index, W, b):
    n = x.shape[0]
    # add self-loops (PyG GCNConv default)
    loop = jnp.arange(n, dtype=edge_index.dtype)
    row = jnp.concatenate([edge_index[0], loop])
    col = jnp.concatenate([edge_index[1], loop])
    # symmetric normalization deg^-1/2 * A * deg^-1/2
    deg = jnp.zeros((n,), dtype=x.dtype).at[col].add(jnp.ones_like(col, dtype=x.dtype))
    dinv = jnp.where(deg > 0, deg ** -0.5, 0.0)
    norm = dinv[row] * dinv[col]
    h = x @ W
    msg = h[row] * norm[:, None]
    out = jnp.zeros((n, W.shape[1]), dtype=x.dtype).at[col].add(msg)
    return out + b


def reference(x, edge_index, W1, b1, W3, b3, W2, b2):
    # conv_number == 3: conv1 -> relu -> (dropout noop in eval) -> conv3 -> relu -> conv2
    h = gcn_conv(x, edge_index, W1, b1)
    h = jax.nn.relu(h)
    h = gcn_conv(h, edge_index, W3, b3)
    h = jax.nn.relu(h)
    h = gcn_conv(h, edge_index, W2, b2)
    return jax.nn.log_softmax(h, axis=1)

if __name__ == "__main__":
    import jax
    _d = setup_inputs()
    print(jax.jit(kernel)(*tuple(_d.values())))

</pallas_src>

<mosaic_0001>
#map = affine_map<(d0, d1) -> (0, 0)>
#map1 = affine_map<(d0, d1) -> (0, 0, 0)>
module attributes {stable_mosaic.version = 14 : i64} {
  func.func @_sc_agg_body(%arg0: i32, %arg1: i32, %arg2: memref<10240x16xf32, #tpu.memory_space<hbm>>, %arg3: memref<32x80x128xi32, #tpu.memory_space<hbm>>, %arg4: memref<32x80x128xi32, #tpu.memory_space<hbm>>, %arg5: memref<10240x16xf32, #tpu.memory_space<hbm>>, %arg6: memref<10240x16xf32, #tpu.memory_space<hbm>>, %arg7: memref<10240x16xf32, #tpu.memory_space<hbm>>, %arg8: memref<80x128xi32, #tpu.memory_space<vmem>>, %arg9: memref<80x128xi32, #tpu.memory_space<vmem>>, %arg10: memref<8x128x16xf32, #tpu.memory_space<vmem>>, %arg11: memref<10240x16xf32, #tpu.memory_space<vmem_shared>>, %arg12: memref<!tpu.dma_semaphore, #tpu.memory_space<semaphore_mem>>, %arg13: memref<!tpu.dma_semaphore, #tpu.memory_space<semaphore_mem>>, %arg14: memref<!tpu.dma_semaphore, #tpu.memory_space<semaphore_mem>>, %arg15: memref<!tpu.dma_semaphore, #tpu.memory_space<semaphore_mem>>, %arg16: memref<!tpu.dma_semaphore, #tpu.memory_space<semaphore_mem>>, %arg17: memref<!tpu.dma_semaphore, #tpu.memory_space<semaphore_mem>>, %arg18: memref<!tpu.dma_semaphore, #tpu.memory_space<semaphore_mem>>, %arg19: memref<!tpu.dma_semaphore, #tpu.memory_space<semaphore_mem>>, %arg20: memref<!tpu.dma_semaphore, #tpu.memory_space<semaphore_mem>>, %arg21: memref<!tpu.dma_semaphore, #tpu.memory_space<semaphore_mem>>, %arg22: memref<!tpu.dma_semaphore, #tpu.memory_space<semaphore_mem>>, %arg23: memref<!tpu.dma_semaphore, #tpu.memory_space<semaphore_mem>>, %arg24: memref<!tpu.dma_semaphore, #tpu.memory_space<semaphore_mem>>, %arg25: memref<!tpu.dma_semaphore, #tpu.memory_space<semaphore_mem>>, %arg26: memref<!tpu.dma_semaphore, #tpu.memory_space<semaphore_mem>>, %arg27: memref<!tpu.dma_semaphore, #tpu.memory_space<semaphore_mem>>) attributes {dimension_semantics = [#tpu.dimension_semantics<core_parallel>, #tpu.dimension_semantics<subcore_parallel>], iteration_bounds = array<i64: 2, 16>, scalar_prefetch = 0 : i64, scratch_operands = 20 : i64, tpu.core_type = #tpu.core_type<sc_vector_subcore>, window_params = [{transform_indices = #map}, {transform_indices = #map1}, {transform_indices = #map1}, {transform_indices = #map}, {transform_indices = #map}, {transform_indices = #map}]} {
    %mul3A = arith.constant 16 : i32
    %mul3A_0 = arith.muli %arg0, %mul3A : i32
    %add3A = arith.addi %mul3A_0, %arg1 : i32
    %mul3A_1 = arith.constant 640 : i32
    %mul3A_2 = arith.muli %arg1, %mul3A_1 : i32
    "tpu.region"() ({
      %run_scoped3A = tpu.sem_alloc : memref<!tpu.dma_semaphore, #tpu.memory_space<semaphore_mem>>
      %dma_start3A_110 = arith.constant 0 : i32
      %dma_start3A_111 = tpu.memref_slice %arg11[%mul3A_2, %dma_start3A_110] : memref<10240x16xf32, #tpu.memory_space<vmem_shared>> -> memref<640x16xf32, #tpu.memory_space<vmem_shared>>
      %dma_start3A_112 = arith.constant 0 : i32
      %dma_start3A_113 = tpu.memref_slice %arg5[%mul3A_2, %dma_start3A_112] : memref<10240x16xf32, #tpu.memory_space<hbm>> -> memref<640x16xf32, #tpu.memory_space<hbm>>
      tpu.enqueue_dma source(%dma_start3A_113 : memref<640x16xf32, #tpu.memory_space<hbm>>) target(%dma_start3A_111 : memref<640x16xf32, #tpu.memory_space<vmem_shared>>) target_semaphore(%run_scoped3A : memref<!tpu.dma_semaphore, #tpu.memory_space<semaphore_mem>>)
      %dma_wait3A = arith.constant 0 : i32
      %dma_wait3A_114 = tpu.memref_slice %arg11[%mul3A_2, %dma_wait3A] : memref<10240x16xf32, #tpu.memory_space<vmem_shared>> -> memref<640x16xf32, #tpu.memory_space<vmem_shared>>
      %dma_wait3A_115 = arith.constant 0 : i32
      %dma_wait3A_116 = tpu.memref_slice %arg5[%mul3A_2, %dma_wait3A_115] : memref<10240x16xf32, #tpu.memory_space<hbm>> -> memref<640x16xf32, #tpu.memory_space<hbm>>
      tpu.wait_dma2 semaphore(%run_scoped3A : memref<!tpu.dma_semaphore, #tpu.memory_space<semaphore_mem>>) src(%dma_wait3A_116 : memref<640x16xf32, #tpu.memory_space<hbm>>) dst(%dma_wait3A_114 : memref<640x16xf32, #tpu.memory_space<vmem_shared>>)
      tpu.yield
    }) : () -> ()
    "tpu.region"() ({
      %run_scoped3A = tpu.sem_alloc : memref<!tpu.dma_semaphore, #tpu.memory_space<semaphore_mem>>
      %dma_start3A_110 = arith.constant 0 : i32
      %dma_start3A_111 = arith.constant 0 : i32
      %dma_start3A_112 = tpu.memref_slice %arg3[%add3A, %dma_start3A_110, %dma_start3A_111] : memref<32x80x128xi32, #tpu.memory_space<hbm>> -> memref<1x80x128xi32, #tpu.memory_space<hbm>>
      %dma_start3A_113 = tpu.memref_squeeze %dma_start3A_112 : memref<1x80x128xi32, #tpu.memory_space<hbm>> -> memref<80x128xi32, #tpu.memory_space<hbm>>
      %dma_start3A_114 = arith.constant 0 : i32
      %dma_start3A_115 = arith.constant 0 : i32
      %dma_start3A_116 = tpu.memref_slice %arg3[%add3A, %dma_start3A_114, %dma_start3A_115] : memref<32x80x128xi32, #tpu.memory_space<hbm>> -> memref<1x80x128xi32, #tpu.memory_space<hbm>>
      %dma_start3A_117 = tpu.memref_squeeze %dma_start3A_116 : memref<1x80x128xi32, #tpu.memory_space<hbm>> -> memref<80x128xi32, #tpu.memory_space<hbm>>
      tpu.enqueue_dma source(%dma_start3A_117 : memref<80x128xi32, #tpu.memory_space<hbm>>) target(%arg8 : memref<80x128xi32, #tpu.memory_space<vmem>>) target_semaphore(%run_scoped3A : memref<!tpu.dma_semaphore, #tpu.memory_space<semaphore_mem>>)
      %dma_wait3A = arith.constant 0 : i32
      %dma_wait3A_118 = arith.constant 0 : i32
      %dma_wait3A_119 = tpu.memref_slice %arg3[%add3A, %dma_wait3A, %dma_wait3A_118] : memref<32x80x128xi32, #tpu.memory_space<hbm>> -> memref<1x80x128xi32, #tpu.memory_space<hbm>>
      %dma_wait3A_120 = tpu.memref_squeeze %dma_wait3A_119 : memref<1x80x128xi32, #tpu.memory_space<hbm>> -> memref<80x128xi32, #tpu.memory_space<hbm>>
      %dma_wait3A_121 = arith.constant 0 : i32
      %dma_wait3A_122 = arith.constant 0 : i32
      %dma_wait3A_123 = tpu.memref_slice %arg3[%add3A, %dma_wait3A_121, %dma_wait3A_122] : memref<32x80x128xi32, #tpu.memory_space<hbm>> -> memref<1x80x128xi32, #tpu.memory_space<hbm>>
      %dma_wait3A_124 = tpu.memref_squeeze %dma_wait3A_123 : memref<1x80x128xi32, #tpu.memory_space<hbm>> -> memref<80x128xi32, #tpu.memory_space<hbm>>
      tpu.wait_dma2 semaphore(%run_scoped3A : memref<!tpu.dma_semaphore, #tpu.memory_space<semaphore_mem>>) src(%dma_wait3A_124 : memref<80x128xi32, #tpu.memory_space<hbm>>) dst(%arg8 : memref<80x128xi32, #tpu.memory_space<vmem>>)
      tpu.yield
    }) : () -> ()
    "tpu.region"() ({
      %run_scoped3A = tpu.sem_alloc : memref<!tpu.dma_semaphore, #tpu.memory_space<semaphore_mem>>
      %dma_start3A_110 = arith.constant 0 : i32
      %dma_start3A_111 = arith.constant 0 : i32
      %dma_start3A_112 = tpu.memref_slice %arg4[%add3A, %dma_start3A_110, %dma_start3A_111] : memref<32x80x128xi32, #tpu.memory_space<hbm>> -> memref<1x80x128xi32, #tpu.memory_space<hbm>>
      %dma_start3A_113 = tpu.memref_squeeze %dma_start3A_112 : memref<1x80x128xi32, #tpu.memory_space<hbm>> -> memref<80x128xi32, #tpu.memory_space<hbm>>
      %dma_start3A_114 = arith.constant 0 : i32
      %dma_start3A_115 = arith.constant 0 : i32
      %dma_start3A_116 = tpu.memref_slice %arg4[%add3A, %dma_start3A_114, %dma_start3A_115] : memref<32x80x128xi32, #tpu.memory_space<hbm>> -> memref<1x80x128xi32, #tpu.memory_space<hbm>>
      %dma_start3A_117 = tpu.memref_squeeze %dma_start3A_116 : memref<1x80x128xi32, #tpu.memory_space<hbm>> -> memref<80x128xi32, #tpu.memory_space<hbm>>
      tpu.enqueue_dma source(%dma_start3A_117 : memref<80x128xi32, #tpu.memory_space<hbm>>) target(%arg9 : memref<80x128xi32, #tpu.memory_space<vmem>>) target_semaphore(%run_scoped3A : memref<!tpu.dma_semaphore, #tpu.memory_space<semaphore_mem>>)
      %dma_wait3A = arith.constant 0 : i32
      %dma_wait3A_118 = arith.constant 0 : i32
      %dma_wait3A_119 = tpu.memref_slice %arg4[%add3A, %dma_wait3A, %dma_wait3A_118] : memref<32x80x128xi32, #tpu.memory_space<hbm>> -> memref<1x80x128xi32, #tpu.memory_space<hbm>>
      %dma_wait3A_120 = tpu.memref_squeeze %dma_wait3A_119 : memref<1x80x128xi32, #tpu.memory_space<hbm>> -> memref<80x128xi32, #tpu.memory_space<hbm>>
      %dma_wait3A_121 = arith.constant 0 : i32
      %dma_wait3A_122 = arith.constant 0 : i32
      %dma_wait3A_123 = tpu.memref_slice %arg4[%add3A, %dma_wait3A_121, %dma_wait3A_122] : memref<32x80x128xi32, #tpu.memory_space<hbm>> -> memref<1x80x128xi32, #tpu.memory_space<hbm>>
      %dma_wait3A_124 = tpu.memref_squeeze %dma_wait3A_123 : memref<1x80x128xi32, #tpu.memory_space<hbm>> -> memref<80x128xi32, #tpu.memory_space<hbm>>
      tpu.wait_dma2 semaphore(%run_scoped3A : memref<!tpu.dma_semaphore, #tpu.memory_space<semaphore_mem>>) src(%dma_wait3A_124 : memref<80x128xi32, #tpu.memory_space<hbm>>) dst(%arg9 : memref<80x128xi32, #tpu.memory_space<vmem>>)
      tpu.yield
    }) : () -> ()
    %barrier3A = arith.constant 0 : index
    tpu.barrier barrier_id(%barrier3A)
    %dma_start3A = arith.constant 0 : i32
    %dma_start3A_3 = arith.constant 0 : i32
    %dma_start3A_4 = arith.constant 0 : i32
    %dma_start3A_5 = arith.constant 0 : i32
    %dma_start3A_6 = tpu.memref_slice %arg10[%dma_start3A_3, %dma_start3A_4, %dma_start3A_5] : memref<8x128x16xf32, #tpu.memory_space<vmem>> -> memref<1x128x16xf32, #tpu.memory_space<vmem>>
    %dma_start3A_7 = tpu.memref_squeeze %dma_start3A_6 : memref<1x128x16xf32, #tpu.memory_space<vmem>> -> memref<128x16xf32, #tpu.memory_space<vmem>>
    %dma_start3A_8 = arith.constant 0 : i32
    %dma_start3A_9 = tpu.memref_slice %arg8[%dma_start3A, %dma_start3A_8] : memref<80x128xi32, #tpu.memory_space<vmem>> -> memref<1x128xi32, #tpu.memory_space<vmem>>
    %dma_start3A_10 = tpu.memref_squeeze %dma_start3A_9 : memref<1x128xi32, #tpu.memory_space<vmem>> -> memref<128xi32, #tpu.memory_space<vmem>>
    %dma_start3A_11 = arith.constant 0 : i32
    %dma_start3A_12 = arith.constant 0 : i32
    %dma_start3A_13 = tpu.memref_slice %arg2[%dma_start3A_11, %dma_start3A_12] : memref<10240x16xf32, #tpu.memory_space<hbm>> -> memref<10240x16xf32, #tpu.memory_space<hbm>>
    tpu.enqueue_indirect_dma source(%dma_start3A_13 : memref<10240x16xf32, #tpu.memory_space<hbm>>) target(%dma_start3A_7 : memref<128x16xf32, #tpu.memory_space<vmem>>) offsets(%dma_start3A_10 : memref<128xi32, #tpu.memory_space<vmem>>) semaphore(%arg12 : memref<!tpu.dma_semaphore, #tpu.memory_space<semaphore_mem>>)
    %dma_start3A_14 = arith.constant 1 : i32
    %dma_start3A_15 = arith.constant 1 : i32
    %dma_start3A_16 = arith.constant 0 : i32
    %dma_start3A_17 = arith.constant 0 : i32
    %dma_start3A_18 = tpu.memref_slice %arg10[%dma_start3A_15, %dma_start3A_16, %dma_start3A_17] : memref<8x128x16xf32, #tpu.memory_space<vmem>> -> memref<1x128x16xf32, #tpu.memory_space<vmem>>
    %dma_start3A_19 = tpu.memref_squeeze %dma_start3A_18 : memref<1x128x16xf32, #tpu.memory_space<vmem>> -> memref<128x16xf32, #tpu.memory_space<vmem>>
    %dma_start3A_20 = arith.constant 0 : i32
    %dma_start3A_21 = tpu.memref_slice %arg8[%dma_start3A_14, %dma_start3A_20] : memref<80x128xi32, #tpu.memory_space<vmem>> -> memref<1x128xi32, #tpu.memory_space<vmem>>
    %dma_start3A_22 = tpu.memref_squeeze %dma_start3A_21 : memref<1x128xi32, #tpu.memory_space<vmem>> -> memref<128xi32, #tpu.memory_space<vmem>>
    %dma_start3A_23 = arith.constant 0 : i32
    %dma_start3A_24 = arith.constant 0 : i32
    %dma_start3A_25 = tpu.memref_slice %arg2[%dma_start3A_23, %dma_start3A_24] : memref<10240x16xf32, #tpu.memory_space<hbm>> -> memref<10240x16xf32, #tpu.memory_space<hbm>>
    tpu.enqueue_indirect_dma source(%dma_start3A_25 : memref<10240x16xf32, #tpu.memory_space<hbm>>) target(%dma_start3A_19 : memref<128x16xf32, #tpu.memory_space<vmem>>) offsets(%dma_start3A_22 : memref<128xi32, #tpu.memory_space<vmem>>) semaphore(%arg13 : memref<!tpu.dma_semaphore, #tpu.memory_space<semaphore_mem>>)
    %dma_start3A_26 = arith.constant 2 : i32
    %dma_start3A_27 = arith.constant 2 : i32
    %dma_start3A_28 = arith.constant 0 : i32
    %dma_start3A_29 = arith.constant 0 : i32
    %dma_start3A_30 = tpu.memref_slice %arg10[%dma_start3A_27, %dma_start3A_28, %dma_start3A_29] : memref<8x128x16xf32, #tpu.memory_space<vmem>> -> memref<1x128x16xf32, #tpu.memory_space<vmem>>
    %dma_start3A_31 = tpu.memref_squeeze %dma_start3A_30 : memref<1x128x16xf32, #tpu.memory_space<vmem>> -> memref<128x16xf32, #tpu.memory_space<vmem>>
    %dma_start3A_32 = arith.constant 0 : i32
    %dma_start3A_33 = tpu.memref_slice %arg8[%dma_start3A_26, %dma_start3A_32] : memref<80x128xi32, #tpu.memory_space<vmem>> -> memref<1x128xi32, #tpu.memory_space<vmem>>
    %dma_start3A_34 = tpu.memref_squeeze %dma_start3A_33 : memref<1x128xi32, #tpu.memory_space<vmem>> -> memref<128xi32, #tpu.memory_space<vmem>>
    %dma_start3A_35 = arith.constant 0 : i32
    %dma_start3A_36 = arith.constant 0 : i32
    %dma_start3A_37 = tpu.memref_slice %arg2[%dma_start3A_35, %dma_start3A_36] : memref<10240x16xf32, #tpu.memory_space<hbm>> -> memref<10240x16xf32, #tpu.memory_space<hbm>>
    tpu.enqueue_indirect_dma source(%dma_start3A_37 : memref<10240x16xf32, #tpu.memory_space<hbm>>) target(%dma_start3A_31 : memref<128x16xf32, #tpu.memory_space<vmem>>) offsets(%dma_start3A_34 : memref<128xi32, #tpu.memory_space<vmem>>) semaphore(%arg14 : memref<!tpu.dma_semaphore, #tpu.memory_space<semaphore_mem>>)
    %dma_start3A_38 = arith.constant 3 : i32
    %dma_start3A_39 = arith.constant 3 : i32
    %dma_start3A_40 = arith.constant 0 : i32
    %dma_start3A_41 = arith.constant 0 : i32
    %dma_start3A_42 = tpu.memref_slice %arg10[%dma_start3A_39, %dma_start3A_40, %dma_start3A_41] : memref<8x128x16xf32, #tpu.memory_space<vmem>> -> memref<1x128x16xf32, #tpu.memory_space<vmem>>
    %dma_start3A_43 = tpu.memref_squeeze %dma_start3A_42 : memref<1x128x16xf32, #tpu.memory_space<vmem>> -> memref<128x16xf32, #tpu.memory_space<vmem>>
    %dma_start3A_44 = arith.constant 0 : i32
    %dma_start3A_45 = tpu.memref_slice %arg8[%dma_start3A_38, %dma_start3A_44] : memref<80x128xi32, #tpu.memory_space<vmem>> -> memref<1x128xi32, #tpu.memory_space<vmem>>
    %dma_start3A_46 = tpu.memref_squeeze %dma_start3A_45 : memref<1x128xi32, #tpu.memory_space<vmem>> -> memref<128xi32, #tpu.memory_space<vmem>>
    %dma_start3A_47 = arith.constant 0 : i32
    %dma_start3A_48 = arith.constant 0 : i32
    %dma_start3A_49 = tpu.memref_slice %arg2[%dma_start3A_47, %dma_start3A_48] : memref<10240x16xf32, #tpu.memory_space<hbm>> -> memref<10240x16xf32, #tpu.memory_space<hbm>>
    tpu.enqueue_indirect_dma source(%dma_start3A_49 : memref<10240x16xf32, #tpu.memory_space<hbm>>) target(%dma_start3A_43 : memref<128x16xf32, #tpu.memory_space<vmem>>) offsets(%dma_start3A_46 : memref<128xi32, #tpu.memory_space<vmem>>) semaphore(%arg15 : memref<!tpu.dma_semaphore, #tpu.memory_space<semaphore_mem>>)
    %dma_start3A_50 = arith.constant 4 : i32
    %dma_start3A_51 = arith.constant 4 : i32
    %dma_start3A_52 = arith.constant 0 : i32
    %dma_start3A_53 = arith.constant 0 : i32
    %dma_start3A_54 = tpu.memref_slice %arg10[%dma_start3A_51, %dma_start3A_52, %dma_start3A_53] : memref<8x128x16xf32, #tpu.memory_space<vmem>> -> memref<1x128x16xf32, #tpu.memory_space<vmem>>
    %dma_start3A_55 = tpu.memref_squeeze %dma_start3A_54 : memref<1x128x16xf32, #tpu.memory_space<vmem>> -> memref<128x16xf32, #tpu.memory_space<vmem>>
    %dma_start3A_56 = arith.constant 0 : i32
    %dma_start3A_57 = tpu.memref_slice %arg8[%dma_start3A_50, %dma_start3A_56] : memref<80x128xi32, #tpu.memory_space<vmem>> -> memref<1x128xi32, #tpu.memory_space<vmem>>
    %dma_start3A_58 = tpu.memref_squeeze %dma_start3A_57 : memref<1x128xi32, #tpu.memory_space<vmem>> -> memref<128xi32, #tpu.memory_space<vmem>>
    %dma_start3A_59 = arith.constant 0 : i32
    %dma_start3A_60 = arith.constant 0 : i32
    %dma_start3A_61 = tpu.memref_slice %arg2[%dma_start3A_59, %dma_start3A_60] : memref<10240x16xf32, #tpu.memory_space<hbm>> -> memref<10240x16xf32, #tpu.memory_space<hbm>>
    tpu.enqueue_indirect_dma source(%dma_start3A_61 : memref<10240x16xf32, #tpu.memory_space<hbm>>) target(%dma_start3A_55 : memref<128x16xf32, #tpu.memory_space<vmem>>) offsets(%dma_start3A_58 : memref<128xi32, #tpu.memory_space<vmem>>) semaphore(%arg16 : memref<!tpu.dma_semaphore, #tpu.memory_space<semaphore_mem>>)
    %dma_start3A_62 = arith.constant 5 : i32
    %dma_start3A_63 = arith.constant 5 : i32
    %dma_start3A_64 = arith.constant 0 : i32
    %dma_start3A_65 = arith.constant 0 : i32
    %dma_start3A_66 = tpu.memref_slice %arg10[%dma_start3A_63, %dma_start3A_64, %dma_start3A_65] : memref<8x128x16xf32, #tpu.memory_space<vmem>> -> memref<1x128x16xf32, #tpu.memory_space<vmem>>
    %dma_start3A_67 = tpu.memref_squeeze %dma_start3A_66 : memref<1x128x16xf32, #tpu.memory_space<vmem>> -> memref<128x16xf32, #tpu.memory_space<vmem>>
    %dma_start3A_68 = arith.constant 0 : i32
    %dma_start3A_69 = tpu.memref_slice %arg8[%dma_start3A_62, %dma_start3A_68] : memref<80x128xi32, #tpu.memory_space<vmem>> -> memref<1x128xi32, #tpu.memory_space<vmem>>
    %dma_start3A_70 = tpu.memref_squeeze %dma_start3A_69 : memref<1x128xi32, #tpu.memory_space<vmem>> -> memref<128xi32, #tpu.memory_space<vmem>>
    %dma_start3A_71 = arith.constant 0 : i32
    %dma_start3A_72 = arith.constant 0 : i32
    %dma_start3A_73 = tpu.memref_slice %arg2[%dma_start3A_71, %dma_start3A_72] : memref<10240x16xf32, #tpu.memory_space<hbm>> -> memref<10240x16xf32, #tpu.memory_space<hbm>>
    tpu.enqueue_indirect_dma source(%dma_start3A_73 : memref<10240x16xf32, #tpu.memory_space<hbm>>) target(%dma_start3A_67 : memref<128x16xf32, #tpu.memory_space<vmem>>) offsets(%dma_start3A_70 : memref<128xi32, #tpu.memory_space<vmem>>) semaphore(%arg17 : memref<!tpu.dma_semaphore, #tpu.memory_space<semaphore_mem>>)
    %dma_start3A_74 = arith.constant 6 : i32
    %dma_start3A_75 = arith.constant 6 : i32
    %dma_start3A_76 = arith.constant 0 : i32
    %dma_start3A_77 = arith.constant 0 : i32
    %dma_start3A_78 = tpu.memref_slice %arg10[%dma_start3A_75, %dma_start3A_76, %dma_start3A_77] : memref<8x128x16xf32, #tpu.memory_space<vmem>> -> memref<1x128x16xf32, #tpu.memory_space<vmem>>
    %dma_start3A_79 = tpu.memref_squeeze %dma_start3A_78 : memref<1x128x16xf32, #tpu.memory_space<vmem>> -> memref<128x16xf32, #tpu.memory_space<vmem>>
    %dma_start3A_80 = arith.constant 0 : i32
    %dma_start3A_81 = tpu.memref_slice %arg8[%dma_start3A_74, %dma_start3A_80] : memref<80x128xi32, #tpu.memory_space<vmem>> -> memref<1x128xi32, #tpu.memory_space<vmem>>
    %dma_start3A_82 = tpu.memref_squeeze %dma_start3A_81 : memref<1x128xi32, #tpu.memory_space<vmem>> -> memref<128xi32, #tpu.memory_space<vmem>>
    %dma_start3A_83 = arith.constant 0 : i32
    %dma_start3A_84 = arith.constant 0 : i32
    %dma_start3A_85 = tpu.memref_slice %arg2[%dma_start3A_83, %dma_start3A_84] : memref<10240x16xf32, #tpu.memory_space<hbm>> -> memref<10240x16xf32, #tpu.memory_space<hbm>>
    tpu.enqueue_indirect_dma source(%dma_start3A_85 : memref<10240x16xf32, #tpu.memory_space<hbm>>) target(%dma_start3A_79 : memref<128x16xf32, #tpu.memory_space<vmem>>) offsets(%dma_start3A_82 : memref<128xi32, #tpu.memory_space<vmem>>) semaphore(%arg18 : memref<!tpu.dma_semaphore, #tpu.memory_space<semaphore_mem>>)
    %dma_start3A_86 = arith.constant 7 : i32
    %dma_start3A_87 = arith.constant 7 : i32
    %dma_start3A_88 = arith.constant 0 : i32
    %dma_start3A_89 = arith.constant 0 : i32
    %dma_start3A_90 = tpu.memref_slice %arg10[%dma_start3A_87, %dma_start3A_88, %dma_start3A_89] : memref<8x128x16xf32, #tpu.memory_space<vmem>> -> memref<1x128x16xf32, #tpu.memory_space<vmem>>
    %dma_start3A_91 = tpu.memref_squeeze %dma_start3A_90 : memref<1x128x16xf32, #tpu.memory_space<vmem>> -> memref<128x16xf32, #tpu.memory_space<vmem>>
    %dma_start3A_92 = arith.constant 0 : i32
    %dma_start3A_93 = tpu.memref_slice %arg8[%dma_start3A_86, %dma_start3A_92] : memref<80x128xi32, #tpu.memory_space<vmem>> -> memref<1x128xi32, #tpu.memory_space<vmem>>
    %dma_start3A_94 = tpu.memref_squeeze %dma_start3A_93 : memref<1x128xi32, #tpu.memory_space<vmem>> -> memref<128xi32, #tpu.memory_space<vmem>>
    %dma_start3A_95 = arith.constant 0 : i32
    %dma_start3A_96 = arith.constant 0 : i32
    %dma_start3A_97 = tpu.memref_slice %arg2[%dma_start3A_95, %dma_start3A_96] : memref<10240x16xf32, #tpu.memory_space<hbm>> -> memref<10240x16xf32, #tpu.memory_space<hbm>>
    tpu.enqueue_indirect_dma source(%dma_start3A_97 : memref<10240x16xf32, #tpu.memory_space<hbm>>) target(%dma_start3A_91 : memref<128x16xf32, #tpu.memory_space<vmem>>) offsets(%dma_start3A_94 : memref<128xi32, #tpu.memory_space<vmem>>) semaphore(%arg19 : memref<!tpu.dma_semaphore, #tpu.memory_space<semaphore_mem>>)
    %scan3A = arith.constant 0 : i32
    %scan3A_98 = arith.constant 0 : i32
    %scan3A_99 = arith.constant 10 : i32
    %scan3A_100 = arith.addi %scan3A_98, %scan3A_99 : i32
    %scan3A_101 = arith.constant 1 : i32
    scf.for %scan3A_110 = %scan3A_98 to %scan3A_100 step %scan3A_101  : i32 {
      %mul3A_111 = arith.constant 8 : i32
      %mul3A_112 = arith.muli %scan3A_110, %mul3A_111 : i32
      %add3A_113 = arith.constant 0 : i32
      %add3A_114 = arith.addi %mul3A_112, %add3A_113 : i32
      %dma_wait3A = arith.constant 0 : i32
      %dma_wait3A_115 = arith.constant 0 : i32
      %dma_wait3A_116 = arith.constant 0 : i32
      %dma_wait3A_117 = tpu.memref_slice %arg10[%dma_wait3A, %dma_wait3A_115, %dma_wait3A_116] : memref<8x128x16xf32, #tpu.memory_space<vmem>> -> memref<1x128x16xf32, #tpu.memory_space<vmem>>
      %dma_wait3A_118 = tpu.memref_squeeze %dma_wait3A_117 : memref<1x128x16xf32, #tpu.memory_space<vmem>> -> memref<128x16xf32, #tpu.memory_space<vmem>>
      %dma_wait3A_119 = arith.constant 0 : i32
      %dma_wait3A_120 = tpu.memref_slice %arg8[%add3A_114, %dma_wait3A_119] : memref<80x128xi32, #tpu.memory_space<vmem>> -> memref<1x128xi32, #tpu.memory_space<vmem>>
      %dma_wait3A_121 = tpu.memref_squeeze %dma_wait3A_120 : memref<1x128xi32, #tpu.memory_space<vmem>> -> memref<128xi32, #tpu.memory_space<vmem>>
      %dma_wait3A_122 = arith.constant 0 : i32
      %dma_wait3A_123 = arith.constant 0 : i32
      %dma_wait3A_124 = tpu.memref_slice %arg2[%dma_wait3A_122, %dma_wait3A_123] : memref<10240x16xf32, #tpu.memory_space<hbm>> -> memref<10240x16xf32, #tpu.memory_space<hbm>>
      tpu.wait_indirect_dma semaphore(%arg12 : memref<!tpu.dma_semaphore, #tpu.memory_space<semaphore_mem>>) src(%dma_wait3A_124 : memref<10240x16xf32, #tpu.memory_space<hbm>>) dst(%dma_wait3A_118 : memref<128x16xf32, #tpu.memory_space<vmem>>)
      %dma_start3A_125 = arith.constant 0 : i32
      %dma_start3A_126 = arith.constant 0 : i32
      %dma_start3A_127 = arith.constant 0 : i32
      %dma_start3A_128 = tpu.memref_slice %arg10[%dma_start3A_125, %dma_start3A_126, %dma_start3A_127] : memref<8x128x16xf32, #tpu.memory_space<vmem>> -> memref<1x128x16xf32, #tpu.memory_space<vmem>>
      %dma_start3A_129 = tpu.memref_squeeze %dma_start3A_128 : memref<1x128x16xf32, #tpu.memory_space<vmem>> -> memref<128x16xf32, #tpu.memory_space<vmem>>
      %dma_start3A_130 = arith.constant 0 : i32
      %dma_start3A_131 = tpu.memref_slice %arg9[%add3A_114, %dma_start3A_130] : memref<80x128xi32, #tpu.memory_space<vmem>> -> memref<1x128xi32, #tpu.memory_space<vmem>>
      %dma_start3A_132 = tpu.memref_squeeze %dma_start3A_131 : memref<1x128xi32, #tpu.memory_space<vmem>> -> memref<128xi32, #tpu.memory_space<vmem>>
      %dma_start3A_133 = arith.constant 0 : i32
      %dma_start3A_134 = arith.constant 0 : i32
      %dma_start3A_135 = tpu.memref_slice %arg11[%dma_start3A_133, %dma_start3A_134] : memref<10240x16xf32, #tpu.memory_space<vmem_shared>> -> memref<10240x16xf32, #tpu.memory_space<vmem_shared>>
      tpu.enqueue_indirect_dma source(%dma_start3A_129 : memref<128x16xf32, #tpu.memory_space<vmem>>) target(%dma_start3A_135 : memref<10240x16xf32, #tpu.memory_space<vmem_shared>>) offsets(%dma_start3A_132 : memref<128xi32, #tpu.memory_space<vmem>>) semaphore(%arg20 : memref<!tpu.dma_semaphore, #tpu.memory_space<semaphore_mem>>) {add = true}
      %mul3A_136 = arith.constant 8 : i32
      %mul3A_137 = arith.muli %scan3A_110, %mul3A_136 : i32
      %add3A_138 = arith.constant 1 : i32
      %add3A_139 = arith.addi %mul3A_137, %add3A_138 : i32
      %dma_wait3A_140 = arith.constant 1 : i32
      %dma_wait3A_141 = arith.constant 0 : i32
      %dma_wait3A_142 = arith.constant 0 : i32
      %dma_wait3A_143 = tpu.memref_slice %arg10[%dma_wait3A_140, %dma_wait3A_141, %dma_wait3A_142] : memref<8x128x16xf32, #tpu.memory_space<vmem>> -> memref<1x128x16xf32, #tpu.memory_space<vmem>>
      %dma_wait3A_144 = tpu.memref_squeeze %dma_wait3A_143 : memref<1x128x16xf32, #tpu.memory_space<vmem>> -> memref<128x16xf32, #tpu.memory_space<vmem>>
      %dma_wait3A_145 = arith.constant 0 : i32
      %dma_wait3A_146 = tpu.memref_slice %arg8[%add3A_139, %dma_wait3A_145] : memref<80x128xi32, #tpu.memory_space<vmem>> -> memref<1x128xi32, #tpu.memory_space<vmem>>
      %dma_wait3A_147 = tpu.memref_squeeze %dma_wait3A_146 : memref<1x128xi32, #tpu.memory_space<vmem>> -> memref<128xi32, #tpu.memory_space<vmem>>
      %dma_wait3A_148 = arith.constant 0 : i32
      %dma_wait3A_149 = arith.constant 0 : i32
      %dma_wait3A_150 = tpu.memref_slice %arg2[%dma_wait3A_148, %dma_wait3A_149] : memref<10240x16xf32, #tpu.memory_space<hbm>> -> memref<10240x16xf32, #tpu.memory_space<hbm>>
      tpu.wait_indirect_dma semaphore(%arg13 : memref<!tpu.dma_semaphore, #tpu.memory_space<semaphore_mem>>) src(%dma_wait3A_150 : memref<10240x16xf32, #tpu.memory_space<hbm>>) dst(%dma_wait3A_144 : memref<128x16xf32, #tpu.memory_space<vmem>>)
      %dma_start3A_151 = arith.constant 1 : i32
      %dma_start3A_152 = arith.constant 0 : i32
      %dma_start3A_153 = arith.constant 0 : i32
      %dma_start3A_154 = tpu.memref_slice %arg10[%dma_start3A_151, %dma_start3A_152, %dma_start3A_153] : memref<8x128x16xf32, #tpu.memory_space<vmem>> -> memref<1x128x16xf32, #tpu.memory_space<vmem>>
      %dma_start3A_155 = tpu.memref_squeeze %dma_start3A_154 : memref<1x128x16xf32, #tpu.memory_space<vmem>> -> memref<128x16xf32, #tpu.memory_space<vmem>>
      %dma_start3A_156 = arith.constant 0 : i32
      %dma_start3A_157 = tpu.memref_slice %arg9[%add3A_139, %dma_start3A_156] : memref<80x128xi32, #tpu.memory_space<vmem>> -> memref<1x128xi32, #tpu.memory_space<vmem>>
      %dma_start3A_158 = tpu.memref_squeeze %dma_start3A_157 : memref<1x128xi32, #tpu.memory_space<vmem>> -> memref<128xi32, #tpu.memory_space<vmem>>
      %dma_start3A_159 = arith.constant 0 : i32
      %dma_start3A_160 = arith.constant 0 : i32
      %dma_start3A_161 = tpu.memref_slice %arg11[%dma_start3A_159, %dma_start3A_160] : memref<10240x16xf32, #tpu.memory_space<vmem_shared>> -> memref<10240x16xf32, #tpu.memory_space<vmem_shared>>
      tpu.enqueue_indirect_dma source(%dma_start3A_155 : memref<128x16xf32, #tpu.memory_space<vmem>>) target(%dma_start3A_161 : memref<10240x16xf32, #tpu.memory_space<vmem_shared>>) offsets(%dma_start3A_158 : memref<128xi32, #tpu.memory_space<vmem>>) semaphore(%arg21 : memref<!tpu.dma_semaphore, #tpu.memory_space<semaphore_mem>>) {add = true}
      %mul3A_162 = arith.constant 8 : i32
      %mul3A_163 = arith.muli %scan3A_110, %mul3A_162 : i32
      %add3A_164 = arith.constant 2 : i32
      %add3A_165 = arith.addi %mul3A_163, %add3A_164 : i32
      %dma_wait3A_166 = arith.constant 2 : i32
      %dma_wait3A_167 = arith.constant 0 : i32
      %dma_wait3A_168 = arith.constant 0 : i32
      %dma_wait3A_169 = tpu.memref_slice %arg10[%dma_wait3A_166, %dma_wait3A_167, %dma_wait3A_168] : memref<8x128x16xf32, #tpu.memory_space<vmem>> -> memref<1x128x16xf32, #tpu.memory_space<vmem>>
      %dma_wait3A_170 = tpu.memref_squeeze %dma_wait3A_169 : memref<1x128x16xf32, #tpu.memory_space<vmem>> -> memref<128x16xf32, #tpu.memory_space<vmem>>
      %dma_wait3A_171 = arith.constant 0 : i32
      %dma_wait3A_172 = tpu.memref_slice %arg8[%add3A_165, %dma_wait3A_171] : memref<80x128xi32, #tpu.memory_space<vmem>> -> memref<1x128xi32, #tpu.memory_space<vmem>>
      %dma_wait3A_173 = tpu.memref_squeeze %dma_wait3A_172 : memref<1x128xi32, #tpu.memory_space<vmem>> -> memref<128xi32, #tpu.memory_space<vmem>>
      %dma_wait3A_174 = arith.constant 0 : i32
      %dma_wait3A_175 = arith.constant 0 : i32
      %dma_wait3A_176 = tpu.memref_slice %arg2[%dma_wait3A_174, %dma_wait3A_175] : memref<10240x16xf32, #tpu.memory_space<hbm>> -> memref<10240x16xf32, #tpu.memory_space<hbm>>
      tpu.wait_indirect_dma semaphore(%arg14 : memref<!tpu.dma_semaphore, #tpu.memory_space<semaphore_mem>>) src(%dma_wait3A_176 : memref<10240x16xf32, #tpu.memory_space<hbm>>) dst(%dma_wait3A_170 : memref<128x16xf32, #tpu.memory_space<vmem>>)
      %dma_start3A_177 = arith.constant 2 : i32
      %dma_start3A_178 = arith.constant 0 : i32
      %dma_start3A_179 = arith.constant 0 : i32
      %dma_start3A_180 = tpu.memref_slice %arg10[%dma_start3A_177, %dma_start3A_178, %dma_start3A_179] : memref<8x128x16xf32, #tpu.memory_space<vmem>> -> memref<1x128x16xf32, #tpu.memory_space<vmem>>
      %dma_start3A_181 = tpu.memref_squeeze %dma_start3A_180 : memref<1x128x16xf32, #tpu.memory_space<vmem>> -> memref<128x16xf32, #tpu.memory_space<vmem>>
      %dma_start3A_182 = arith.constant 0 : i32
      %dma_start3A_183 = tpu.memref_slice %arg9[%add3A_165, %dma_start3A_182] : memref<80x128xi32, #tpu.memory_space<vmem>> -> memref<1x128xi32, #tpu.memory_space<vmem>>
      %dma_start3A_184 = tpu.memref_squeeze %dma_start3A_183 : memref<1x128xi32, #tpu.memory_space<vmem>> -> memref<128xi32, #tpu.memory_space<vmem>>
      %dma_start3A_185 = arith.constant 0 : i32
      %dma_start3A_186 = arith.constant 0 : i32
      %dma_start3A_187 = tpu.memref_slice %arg11[%dma_start3A_185, %dma_start3A_186] : memref<10240x16xf32, #tpu.memory_space<vmem_shared>> -> memref<10240x16xf32, #tpu.memory_space<vmem_shared>>
      tpu.enqueue_indirect_dma source(%dma_start3A_181 : memref<128x16xf32, #tpu.memory_space<vmem>>) target(%dma_start3A_187 : memref<10240x16xf32, #tpu.memory_space<vmem_shared>>) offsets(%dma_start3A_184 : memref<128xi32, #tpu.memory_space<vmem>>) semaphore(%arg22 : memref<!tpu.dma_semaphore, #tpu.memory_space<semaphore_mem>>) {add = true}
      %mul3A_188 = arith.constant 8 : i32
      %mul3A_189 = arith.muli %scan3A_110, %mul3A_188 : i32
      %add3A_190 = arith.constant 3 : i32
      %add3A_191 = arith.addi %mul3A_189, %add3A_190 : i32
      %dma_wait3A_192 = arith.constant 3 : i32
      %dma_wait3A_193 = arith.constant 0 : i32
      %dma_wait3A_194 = arith.constant 0 : i32
      %dma_wait3A_195 = tpu.memref_slice %arg10[%dma_wait3A_192, %dma_wait3A_193, %dma_wait3A_194] : memref<8x128x16xf32, #tpu.memory_space<vmem>> -> memref<1x128x16xf32, #tpu.memory_space<vmem>>
      %dma_wait3A_196 = tpu.memref_squeeze %dma_wait3A_195 : memref<1x128x16xf32, #tpu.memory_space<vmem>> -> memref<128x16xf32, #tpu.memory_space<vmem>>
      %dma_wait3A_197 = arith.constant 0 : i32
      %dma_wait3A_198 = tpu.memref_slice %arg8[%add3A_191, %dma_wait3A_197] : memref<80x128xi32, #tpu.memory_space<vmem>> -> memref<1x128xi32, #tpu.memory_space<vmem>>
      %dma_wait3A_199 = tpu.memref_squeeze %dma_wait3A_198 : memref<1x128xi32, #tpu.memory_space<vmem>> -> memref<128xi32, #tpu.memory_space<vmem>>
      %dma_wait3A_200 = arith.constant 0 : i32
      %dma_wait3A_201 = arith.constant 0 : i32
      %dma_wait3A_202 = tpu.memref_slice %arg2[%dma_wait3A_200, %dma_wait3A_201] : memref<10240x16xf32, #tpu.memory_space<hbm>> -> memref<10240x16xf32, #tpu.memory_space<hbm>>
      tpu.wait_indirect_dma semaphore(%arg15 : memref<!tpu.dma_semaphore, #tpu.memory_space<semaphore_mem>>) src(%dma_wait3A_202 : memref<10240x16xf32, #tpu.memory_space<hbm>>) dst(%dma_wait3A_196 : memref<128x16xf32, #tpu.memory_space<vmem>>)
      %dma_start3A_203 = arith.constant 3 : i32
      %dma_start3A_204 = arith.constant 0 : i32
      %dma_start3A_205 = arith.constant 0 : i32
      %dma_start3A_206 = tpu.memref_slice %arg10[%dma_start3A_203, %dma_start3A_204, %dma_start3A_205] : memref<8x128x16xf32, #tpu.memory_space<vmem>> -> memref<1x128x16xf32, #tpu.memory_space<vmem>>
      %dma_start3A_207 = tpu.memref_squeeze %dma_start3A_206 : memref<1x128x16xf32, #tpu.memory_space<vmem>> -> memref<128x16xf32, #tpu.memory_space<vmem>>
      %dma_start3A_208 = arith.constant 0 : i32
      %dma_start3A_209 = tpu.memref_slice %arg9[%add3A_191, %dma_start3A_208] : memref<80x128xi32, #tpu.memory_space<vmem>> -> memref<1x128xi32, #tpu.memory_space<vmem>>
      %dma_start3A_210 = tpu.memref_squeeze %dma_start3A_209 : memref<1x128xi32, #tpu.memory_space<vmem>> -> memref<128xi32, #tpu.memory_space<vmem>>
      %dma_start3A_211 = arith.constant 0 : i32
      %dma_start3A_212 = arith.constant 0 : i32
      %dma_start3A_213 = tpu.memref_slice %arg11[%dma_start3A_211, %dma_start3A_212] : memref<10240x16xf32, #tpu.memory_space<vmem_shared>> -> memref<10240x16xf32, #tpu.memory_space<vmem_shared>>
      tpu.enqueue_indirect_dma source(%dma_start3A_207 : memref<128x16xf32, #tpu.memory_space<vmem>>) target(%dma_start3A_213 : memref<10240x16xf32, #tpu.memory_space<vmem_shared>>) offsets(%dma_start3A_210 : memref<128xi32, #tpu.memory_space<vmem>>) semaphore(%arg23 : memref<!tpu.dma_semaphore, #tpu.memory_space<semaphore_mem>>) {add = true}
      %mul3A_214 = arith.constant 8 : i32
      %mul3A_215 = arith.muli %scan3A_110, %mul3A_214 : i32
      %add3A_216 = arith.constant 4 : i32
      %add3A_217 = arith.addi %mul3A_215, %add3A_216 : i32
      %dma_wait3A_218 = arith.constant 4 : i32
      %dma_wait3A_219 = arith.constant 0 : i32
      %dma_wait3A_220 = arith.constant 0 : i32
      %dma_wait3A_221 = tpu.memref_slice %arg10[%dma_wait3A_218, %dma_wait3A_219, %dma_wait3A_220] : memref<8x128x16xf32, #tpu.memory_space<vmem>> -> memref<1x128x16xf32, #tpu.memory_space<vmem>>
      %dma_wait3A_222 = tpu.memref_squeeze %dma_wait3A_221 : memref<1x128x16xf32, #tpu.memory_space<vmem>> -> memref<128x16xf32, #tpu.memory_space<vmem>>
      %dma_wait3A_223 = arith.constant 0 : i32
      %dma_wait3A_224 = tpu.memref_slice %arg8[%add3A_217, %dma_wait3A_223] : memref<80x128xi32, #tpu.memory_space<vmem>> -> memref<1x128xi32, #tpu.memory_space<vmem>>
      %dma_wait3A_225 = tpu.memref_squeeze %dma_wait3A_224 : memref<1x128xi32, #tpu.memory_space<vmem>> -> memref<128xi32, #tpu.memory_space<vmem>>
      %dma_wait3A_226 = arith.constant 0 : i32
      %dma_wait3A_227 = arith.constant 0 : i32
      %dma_wait3A_228 = tpu.memref_slice %arg2[%dma_wait3A_226, %dma_wait3A_227] : memref<10240x16xf32, #tpu.memory_space<hbm>> -> memref<10240x16xf32, #tpu.memory_space<hbm>>
      tpu.wait_indirect_dma semaphore(%arg16 : memref<!tpu.dma_semaphore, #tpu.memory_space<semaphore_mem>>) src(%dma_wait3A_228 : memref<10240x16xf32, #tpu.memory_space<hbm>>) dst(%dma_wait3A_222 : memref<128x16xf32, #tpu.memory_space<vmem>>)
      %dma_start3A_229 = arith.constant 4 : i32
      %dma_start3A_230 = arith.constant 0 : i32
      %dma_start3A_231 = arith.constant 0 : i32
      %dma_start3A_232 = tpu.memref_slice %arg10[%dma_start3A_229, %dma_start3A_230, %dma_start3A_231] : memref<8x128x16xf32, #tpu.memory_space<vmem>> -> memref<1x128x16xf32, #tpu.memory_space<vmem>>
      %dma_start3A_233 = tpu.memref_squeeze %dma_start3A_232 : memref<1x128x16xf32, #tpu.memory_space<vmem>> -> memref<128x16xf32, #tpu.memory_space<vmem>>
      %dma_start3A_234 = arith.constant 0 : i32
      %dma_start3A_235 = tpu.memref_slice %arg9[%add3A_217, %dma_start3A_234] : memref<80x128xi32, #tpu.memory_space<vmem>> -> memref<1x128xi32, #tpu.memory_space<vmem>>
      %dma_start3A_236 = tpu.memref_squeeze %dma_start3A_235 : memref<1x128xi32, #tpu.memory_space<vmem>> -> memref<128xi32, #tpu.memory_space<vmem>>
      %dma_start3A_237 = arith.constant 0 : i32
      %dma_start3A_238 = arith.constant 0 : i32
      %dma_start3A_239 = tpu.memref_slice %arg11[%dma_start3A_237, %dma_start3A_238] : memref<10240x16xf32, #tpu.memory_space<vmem_shared>> -> memref<10240x16xf32, #tpu.memory_space<vmem_shared>>
      tpu.enqueue_indirect_dma source(%dma_start3A_233 : memref<128x16xf32, #tpu.memory_space<vmem>>) target(%dma_start3A_239 : memref<10240x16xf32, #tpu.memory_space<vmem_shared>>) offsets(%dma_start3A_236 : memref<128xi32, #tpu.memory_space<vmem>>) semaphore(%arg24 : memref<!tpu.dma_semaphore, #tpu.memory_space<semaphore_mem>>) {add = true}
      %mul3A_240 = arith.constant 8 : i32
      %mul3A_241 = arith.muli %scan3A_110, %mul3A_240 : i32
      %add3A_242 = arith.constant 5 : i32
      %add3A_243 = arith.addi %mul3A_241, %add3A_242 : i32
      %dma_wait3A_244 = arith.constant 5 : i32
      %dma_wait3A_245 = arith.constant 0 : i32
      %dma_wait3A_246 = arith.constant 0 : i32
      %dma_wait3A_247 = tpu.memref_slice %arg10[%dma_wait3A_244, %dma_wait3A_245, %dma_wait3A_246] : memref<8x128x16xf32, #tpu.memory_space<vmem>> -> memref<1x128x16xf32, #tpu.memory_space<vmem>>
      %dma_wait3A_248 = tpu.memref_squeeze %dma_wait3A_247 : memref<1x128x16xf32, #tpu.memory_space<vmem>> -> memref<128x16xf32, #tpu.memory_space<vmem>>
      %dma_wait3A_249 = arith.constant 0 : i32
      %dma_wait3A_250 = tpu.memref_slice %arg8[%add3A_243, %dma_wait3A_249] : memref<80x128xi32, #tpu.memory_space<vmem>> -> memref<1x128xi32, #tpu.memory_space<vmem>>
      %dma_wait3A_251 = tpu.memref_squeeze %dma_wait3A_250 : memref<1x128xi32, #tpu.memory_space<vmem>> -> memref<128xi32, #tpu.memory_space<vmem>>
      %dma_wait3A_252 = arith.constant 0 : i32
      %dma_wait3A_253 = arith.constant 0 : i32
      %dma_wait3A_254 = tpu.memref_slice %arg2[%dma_wait3A_252, %dma_wait3A_253] : memref<10240x16xf32, #tpu.memory_space<hbm>> -> memref<10240x16xf32, #tpu.memory_space<hbm>>
      tpu.wait_indirect_dma semaphore(%arg17 : memref<!tpu.dma_semaphore, #tpu.memory_space<semaphore_mem>>) src(%dma_wait3A_254 : memref<10240x16xf32, #tpu.memory_space<hbm>>) dst(%dma_wait3A_248 : memref<128x16xf32, #tpu.memory_space<vmem>>)
      %dma_start3A_255 = arith.constant 5 : i32
      %dma_start3A_256 = arith.constant 0 : i32
      %dma_start3A_257 = arith.constant 0 : i32
      %dma_start3A_258 = tpu.memref_slice %arg10[%dma_start3A_255, %dma_start3A_256, %dma_start3A_257] : memref<8x128x16xf32, #tpu.memory_space<vmem>> -> memref<1x128x16xf32, #tpu.memory_space<vmem>>
      %dma_start3A_259 = tpu.memref_squeeze %dma_start3A_258 : memref<1x128x16xf32, #tpu.memory_space<vmem>> -> memref<128x16xf32, #tpu.memory_space<vmem>>
      %dma_start3A_260 = arith.constant 0 : i32
      %dma_start3A_261 = tpu.memref_slice %arg9[%add3A_243, %dma_start3A_260] : memref<80x128xi32, #tpu.memory_space<vmem>> -> memref<1x128xi32, #tpu.memory_space<vmem>>
      %dma_start3A_262 = tpu.memref_squeeze %dma_start3A_261 : memref<1x128xi32, #tpu.memory_space<vmem>> -> memref<128xi32, #tpu.memory_space<vmem>>
      %dma_start3A_263 = arith.constant 0 : i32
      %dma_start3A_264 = arith.constant 0 : i32
      %dma_start3A_265 = tpu.memref_slice %arg11[%dma_start3A_263, %dma_start3A_264] : memref<10240x16xf32, #tpu.memory_space<vmem_shared>> -> memref<10240x16xf32, #tpu.memory_space<vmem_shared>>
      tpu.enqueue_indirect_dma source(%dma_start3A_259 : memref<128x16xf32, #tpu.memory_space<vmem>>) target(%dma_start3A_265 : memref<10240x16xf32, #tpu.memory_space<vmem_shared>>) offsets(%dma_start3A_262 : memref<128xi32, #tpu.memory_space<vmem>>) semaphore(%arg25 : memref<!tpu.dma_semaphore, #tpu.memory_space<semaphore_mem>>) {add = true}
      %mul3A_266 = arith.constant 8 : i32
      %mul3A_267 = arith.muli %scan3A_110, %mul3A_266 : i32
      %add3A_268 = arith.constant 6 : i32
      %add3A_269 = arith.addi %mul3A_267, %add3A_268 : i32
      %dma_wait3A_270 = arith.constant 6 : i32
      %dma_wait3A_271 = arith.constant 0 : i32
      %dma_wait3A_272 = arith.constant 0 : i32
      %dma_wait3A_273 = tpu.memref_slice %arg10[%dma_wait3A_270, %dma_wait3A_271, %dma_wait3A_272] : memref<8x128x16xf32, #tpu.memory_space<vmem>> -> memref<1x128x16xf32, #tpu.memory_space<vmem>>
      %dma_wait3A_274 = tpu.memref_squeeze %dma_wait3A_273 : memref<1x128x16xf32, #tpu.memory_space<vmem>> -> memref<128x16xf32, #tpu.memory_space<vmem>>
      %dma_wait3A_275 = arith.constant 0 : i32
      %dma_wait3A_276 = tpu.memref_slice %arg8[%add3A_269, %dma_wait3A_275] : memref<80x128xi32, #tpu.memory_space<vmem>> -> memref<1x128xi32, #tpu.memory_space<vmem>>
      %dma_wait3A_277 = tpu.memref_squeeze %dma_wait3A_276 : memref<1x128xi32, #tpu.memory_space<vmem>> -> memref<128xi32, #tpu.memory_space<vmem>>
      %dma_wait3A_278 = arith.constant 0 : i32
      %dma_wait3A_279 = arith.constant 0 : i32
      %dma_wait3A_280 = tpu.memref_slice %arg2[%dma_wait3A_278, %dma_wait3A_279] : memref<10240x16xf32, #tpu.memory_space<hbm>> -> memref<10240x16xf32, #tpu.memory_space<hbm>>
      tpu.wait_indirect_dma semaphore(%arg18 : memref<!tpu.dma_semaphore, #tpu.memory_space<semaphore_mem>>) src(%dma_wait3A_280 : memref<10240x16xf32, #tpu.memory_space<hbm>>) dst(%dma_wait3A_274 : memref<128x16xf32, #tpu.memory_space<vmem>>)
      %dma_start3A_281 = arith.constant 6 : i32
      %dma_start3A_282 = arith.constant 0 : i32
      %dma_start3A_283 = arith.constant 0 : i32
      %dma_start3A_284 = tpu.memref_slice %arg10[%dma_start3A_281, %dma_start3A_282, %dma_start3A_283] : memref<8x128x16xf32, #tpu.memory_space<vmem>> -> memref<1x128x16xf32, #tpu.memory_space<vmem>>
      %dma_start3A_285 = tpu.memref_squeeze %dma_start3A_284 : memref<1x128x16xf32, #tpu.memory_space<vmem>> -> memref<128x16xf32, #tpu.memory_space<vmem>>
      %dma_start3A_286 = arith.constant 0 : i32
      %dma_start3A_287 = tpu.memref_slice %arg9[%add3A_269, %dma_start3A_286] : memref<80x128xi32, #tpu.memory_space<vmem>> -> memref<1x128xi32, #tpu.memory_space<vmem>>
      %dma_start3A_288 = tpu.memref_squeeze %dma_start3A_287 : memref<1x128xi32, #tpu.memory_space<vmem>> -> memref<128xi32, #tpu.memory_space<vmem>>
      %dma_start3A_289 = arith.constant 0 : i32
      %dma_start3A_290 = arith.constant 0 : i32
      %dma_start3A_291 = tpu.memref_slice %arg11[%dma_start3A_289, %dma_start3A_290] : memref<10240x16xf32, #tpu.memory_space<vmem_shared>> -> memref<10240x16xf32, #tpu.memory_space<vmem_shared>>
      tpu.enqueue_indirect_dma source(%dma_start3A_285 : memref<128x16xf32, #tpu.memory_space<vmem>>) target(%dma_start3A_291 : memref<10240x16xf32, #tpu.memory_space<vmem_shared>>) offsets(%dma_start3A_288 : memref<128xi32, #tpu.memory_space<vmem>>) semaphore(%arg26 : memref<!tpu.dma_semaphore, #tpu.memory_space<semaphore_mem>>) {add = true}
      %mul3A_292 = arith.constant 8 : i32
      %mul3A_293 = arith.muli %scan3A_110, %mul3A_292 : i32
      %add3A_294 = arith.constant 7 : i32
      %add3A_295 = arith.addi %mul3A_293, %add3A_294 : i32
      %dma_wait3A_296 = arith.constant 7 : i32
      %dma_wait3A_297 = arith.constant 0 : i32
      %dma_wait3A_298 = arith.constant 0 : i32
      %dma_wait3A_299 = tpu.memref_slice %arg10[%dma_wait3A_296, %dma_wait3A_297, %dma_wait3A_298] : memref<8x128x16xf32, #tpu.memory_space<vmem>> -> memref<1x128x16xf32, #tpu.memory_space<vmem>>
      %dma_wait3A_300 = tpu.memref_squeeze %dma_wait3A_299 : memref<1x128x16xf32, #tpu.memory_space<vmem>> -> memref<128x16xf32, #tpu.memory_space<vmem>>
      %dma_wait3A_301 = arith.constant 0 : i32
      %dma_wait3A_302 = tpu.memref_slice %arg8[%add3A_295, %dma_wait3A_301] : memref<80x128xi32, #tpu.memory_space<vmem>> -> memref<1x128xi32, #tpu.memory_space<vmem>>
      %dma_wait3A_303 = tpu.memref_squeeze %dma_wait3A_302 : memref<1x128xi32, #tpu.memory_space<vmem>> -> memref<128xi32, #tpu.memory_space<vmem>>
      %dma_wait3A_304 = arith.constant 0 : i32
      %dma_wait3A_305 = arith.constant 0 : i32
      %dma_wait3A_306 = tpu.memref_slice %arg2[%dma_wait3A_304, %dma_wait3A_305] : memref<10240x16xf32, #tpu.memory_space<hbm>> -> memref<10240x16xf32, #tpu.memory_space<hbm>>
      tpu.wait_indirect_dma semaphore(%arg19 : memref<!tpu.dma_semaphore, #tpu.memory_space<semaphore_mem>>) src(%dma_wait3A_306 : memref<10240x16xf32, #tpu.memory_space<hbm>>) dst(%dma_wait3A_300 : memref<128x16xf32, #tpu.memory_space<vmem>>)
      %dma_start3A_307 = arith.constant 7 : i32
      %dma_start3A_308 = arith.constant 0 : i32
      %dma_start3A_309 = arith.constant 0 : i32
      %dma_start3A_310 = tpu.memref_slice %arg10[%dma_start3A_307, %dma_start3A_308, %dma_start3A_309] : memref<8x128x16xf32, #tpu.memory_space<vmem>> -> memref<1x128x16xf32, #tpu.memory_space<vmem>>
      %dma_start3A_311 = tpu.memref_squeeze %dma_start3A_310 : memref<1x128x16xf32, #tpu.memory_space<vmem>> -> memref<128x16xf32, #tpu.memory_space<vmem>>
      %dma_start3A_312 = arith.constant 0 : i32
      %dma_start3A_313 = tpu.memref_slice %arg9[%add3A_295, %dma_start3A_312] : memref<80x128xi32, #tpu.memory_space<vmem>> -> memref<1x128xi32, #tpu.memory_space<vmem>>
      %dma_start3A_314 = tpu.memref_squeeze %dma_start3A_313 : memref<1x128xi32, #tpu.memory_space<vmem>> -> memref<128xi32, #tpu.memory_space<vmem>>
      %dma_start3A_315 = arith.constant 0 : i32
      %dma_start3A_316 = arith.constant 0 : i32
      %dma_start3A_317 = tpu.memref_slice %arg11[%dma_start3A_315, %dma_start3A_316] : memref<10240x16xf32, #tpu.memory_space<vmem_shared>> -> memref<10240x16xf32, #tpu.memory_space<vmem_shared>>
      tpu.enqueue_indirect_dma source(%dma_start3A_311 : memref<128x16xf32, #tpu.memory_space<vmem>>) target(%dma_start3A_317 : memref<10240x16xf32, #tpu.memory_space<vmem_shared>>) offsets(%dma_start3A_314 : memref<128xi32, #tpu.memory_space<vmem>>) semaphore(%arg27 : memref<!tpu.dma_semaphore, #tpu.memory_space<semaphore_mem>>) {add = true}
      %mul3A_318 = arith.constant 8 : i32
      %mul3A_319 = arith.muli %scan3A_110, %mul3A_318 : i32
      %add3A_320 = arith.constant 0 : i32
      %add3A_321 = arith.addi %mul3A_319, %add3A_320 : i32
      %dma_wait3A_322 = arith.constant 0 : i32
      %dma_wait3A_323 = arith.constant 0 : i32
      %dma_wait3A_324 = arith.constant 0 : i32
      %dma_wait3A_325 = tpu.memref_slice %arg10[%dma_wait3A_322, %dma_wait3A_323, %dma_wait3A_324] : memref<8x128x16xf32, #tpu.memory_space<vmem>> -> memref<1x128x16xf32, #tpu.memory_space<vmem>>
      %dma_wait3A_326 = tpu.memref_squeeze %dma_wait3A_325 : memref<1x128x16xf32, #tpu.memory_space<vmem>> -> memref<128x16xf32, #tpu.memory_space<vmem>>
      %dma_wait3A_327 = arith.constant 0 : i32
      %dma_wait3A_328 = tpu.memref_slice %arg9[%add3A_321, %dma_wait3A_327] : memref<80x128xi32, #tpu.memory_space<vmem>> -> memref<1x128xi32, #tpu.memory_space<vmem>>
      %dma_wait3A_329 = tpu.memref_squeeze %dma_wait3A_328 : memref<1x128xi32, #tpu.memory_space<vmem>> -> memref<128xi32, #tpu.memory_space<vmem>>
      %dma_wait3A_330 = arith.constant 0 : i32
      %dma_wait3A_331 = arith.constant 0 : i32
      %dma_wait3A_332 = tpu.memref_slice %arg11[%dma_wait3A_330, %dma_wait3A_331] : memref<10240x16xf32, #tpu.memory_space<vmem_shared>> -> memref<10240x16xf32, #tpu.memory_space<vmem_shared>>
      tpu.wait_indirect_dma semaphore(%arg20 : memref<!tpu.dma_semaphore, #tpu.memory_space<semaphore_mem>>) src(%dma_wait3A_326 : memref<128x16xf32, #tpu.memory_space<vmem>>) dst(%dma_wait3A_332 : memref<10240x16xf32, #tpu.memory_space<vmem_shared>>)
      %add3A_333 = arith.constant 8 : i32
      %add3A_334 = arith.addi %add3A_321, %add3A_333 : i32
      %lt3A = arith.constant 80 : i32
      %lt3A_335 = arith.cmpi slt, %add3A_334, %lt3A : i32
      %convert_element_type3A_336 = arith.extui %lt3A_335 : i1 to i32
      %cond3A_337 = arith.constant 0 : i32
      %cond3A_338 = arith.cmpi ne, %convert_element_type3A_336, %cond3A_337 : i32
      scf.if %cond3A_338 {
        %add3A_493 = arith.constant 8 : i32
        %add3A_494 = arith.addi %add3A_321, %add3A_493 : i32
        %dma_start3A_495 = arith.constant 0 : i32
        %dma_start3A_496 = arith.constant 0 : i32
        %dma_start3A_497 = arith.constant 0 : i32
        %dma_start3A_498 = tpu.memref_slice %arg10[%dma_start3A_495, %dma_start3A_496, %dma_start3A_497] : memref<8x128x16xf32, #tpu.memory_space<vmem>> -> memref<1x128x16xf32, #tpu.memory_space<vmem>>
        %dma_start3A_499 = tpu.memref_squeeze %dma_start3A_498 : memref<1x128x16xf32, #tpu.memory_space<vmem>> -> memref<128x16xf32, #tpu.memory_space<vmem>>
        %dma_start3A_500 = arith.constant 0 : i32
        %dma_start3A_501 = tpu.memref_slice %arg8[%add3A_494, %dma_start3A_500] : memref<80x128xi32, #tpu.memory_space<vmem>> -> memref<1x128xi32, #tpu.memory_space<vmem>>
        %dma_start3A_502 = tpu.memref_squeeze %dma_start3A_501 : memref<1x128xi32, #tpu.memory_space<vmem>> -> memref<128xi32, #tpu.memory_space<vmem>>
        %dma_start3A_503 = arith.constant 0 : i32
        %dma_start3A_504 = arith.constant 0 : i32
        %dma_start3A_505 = tpu.memref_slice %arg2[%dma_start3A_503, %dma_start3A_504] : memref<10240x16xf32, #tpu.memory_space<hbm>> -> memref<10240x16xf32, #tpu.memory_space<hbm>>
        tpu.enqueue_indirect_dma source(%dma_start3A_505 : memref<10240x16xf32, #tpu.memory_space<hbm>>) target(%dma_start3A_499 : memref<128x16xf32, #tpu.memory_space<vmem>>) offsets(%dma_start3A_502 : memref<128xi32, #tpu.memory_space<vmem>>) semaphore(%arg12 : memref<!tpu.dma_semaphore, #tpu.memory_space<semaphore_mem>>)
      } else {
      }
      %mul3A_339 = arith.constant 8 : i32
      %mul3A_340 = arith.muli %scan3A_110, %mul3A_339 : i32
      %add3A_341 = arith.constant 1 : i32
      %add3A_342 = arith.addi %mul3A_340, %add3A_341 : i32
      %dma_wait3A_343 = arith.constant 1 : i32
      %dma_wait3A_344 = arith.constant 0 : i32
      %dma_wait3A_345 = arith.constant 0 : i32
      %dma_wait3A_346 = tpu.memref_slice %arg10[%dma_wait3A_343, %dma_wait3A_344, %dma_wait3A_345] : memref<8x128x16xf32, #tpu.memory_space<vmem>> -> memref<1x128x16xf32, #tpu.memory_space<vmem>>
      %dma_wait3A_347 = tpu.memref_squeeze %dma_wait3A_346 : memref<1x128x16xf32, #tpu.memory_space<vmem>> -> memref<128x16xf32, #tpu.memory_space<vmem>>
      %dma_wait3A_348 = arith.constant 0 : i32
      %dma_wait3A_349 = tpu.memref_slice %arg9[%add3A_342, %dma_wait3A_348] : memref<80x128xi32, #tpu.memory_space<vmem>> -> memref<1x128xi32, #tpu.memory_space<vmem>>
      %dma_wait3A_350 = tpu.memref_squeeze %dma_wait3A_349 : memref<1x128xi32, #tpu.memory_space<vmem>> -> memref<128xi32, #tpu.memory_space<vmem>>
      %dma_wait3A_351 = arith.constant 0 : i32
      %dma_wait3A_352 = arith.constant 0 : i32
      %dma_wait3A_353 = tpu.memref_slice %arg11[%dma_wait3A_351, %dma_wait3A_352] : memref<10240x16xf32, #tpu.memory_space<vmem_shared>> -> memref<10240x16xf32, #tpu.memory_space<vmem_shared>>
      tpu.wait_indirect_dma semaphore(%arg21 : memref<!tpu.dma_semaphore, #tpu.memory_space<semaphore_mem>>) src(%dma_wait3A_347 : memref<128x16xf32, #tpu.memory_space<vmem>>) dst(%dma_wait3A_353 : memref<10240x16xf32, #tpu.memory_space<vmem_shared>>)
      %add3A_354 = arith.constant 8 : i32
      %add3A_355 = arith.addi %add3A_342, %add3A_354 : i32
      %lt3A_356 = arith.constant 80 : i32
      %lt3A_357 = arith.cmpi slt, %add3A_355, %lt3A_356 : i32
      %convert_element_type3A_358 = arith.extui %lt3A_357 : i1 to i32
      %cond3A_359 = arith.constant 0 : i32
      %cond3A_360 = arith.cmpi ne, %convert_element_type3A_358, %cond3A_359 : i32
      scf.if %cond3A_360 {
        %add3A_493 = arith.constant 8 : i32
        %add3A_494 = arith.addi %add3A_342, %add3A_493 : i32
        %dma_start3A_495 = arith.constant 1 : i32
        %dma_start3A_496 = arith.constant 0 : i32
        %dma_start3A_497 = arith.constant 0 : i32
        %dma_start3A_498 = tpu.memref_slice %arg10[%dma_start3A_495, %dma_start3A_496, %dma_start3A_497] : memref<8x128x16xf32, #tpu.memory_space<vmem>> -> memref<1x128x16xf32, #tpu.memory_space<vmem>>
        %dma_start3A_499 = tpu.memref_squeeze %dma_start3A_498 : memref<1x128x16xf32, #tpu.memory_space<vmem>> -> memref<128x16xf32, #tpu.memory_space<vmem>>
        %dma_start3A_500 = arith.constant 0 : i32
        %dma_start3A_501 = tpu.memref_slice %arg8[%add3A_494, %dma_start3A_500] : memref<80x128xi32, #tpu.memory_space<vmem>> -> memref<1x128xi32, #tpu.memory_space<vmem>>
        %dma_start3A_502 = tpu.memref_squeeze %dma_start3A_501 : memref<1x128xi32, #tpu.memory_space<vmem>> -> memref<128xi32, #tpu.memory_space<vmem>>
        %dma_start3A_503 = arith.constant 0 : i32
        %dma_start3A_504 = arith.constant 0 : i32
        %dma_start3A_505 = tpu.memref_slice %arg2[%dma_start3A_503, %dma_start3A_504] : memref<10240x16xf32, #tpu.memory_space<hbm>> -> memref<10240x16xf32, #tpu.memory_space<hbm>>
        tpu.enqueue_indirect_dma source(%dma_start3A_505 : memref<10240x16xf32, #tpu.memory_space<hbm>>) target(%dma_start3A_499 : memref<128x16xf32, #tpu.memory_space<vmem>>) offsets(%dma_start3A_502 : memref<128xi32, #tpu.memory_space<vmem>>) semaphore(%arg13 : memref<!tpu.dma_semaphore, #tpu.memory_space<semaphore_mem>>)
      } else {
      }
      %mul3A_361 = arith.constant 8 : i32
      %mul3A_362 = arith.muli %scan3A_110, %mul3A_361 : i32
      %add3A_363 = arith.constant 2 : i32
      %add3A_364 = arith.addi %mul3A_362, %add3A_363 : i32
      %dma_wait3A_365 = arith.constant 2 : i32
      %dma_wait3A_366 = arith.constant 0 : i32
      %dma_wait3A_367 = arith.constant 0 : i32
      %dma_wait3A_368 = tpu.memref_slice %arg10[%dma_wait3A_365, %dma_wait3A_366, %dma_wait3A_367] : memref<8x128x16xf32, #tpu.memory_space<vmem>> -> memref<1x128x16xf32, #tpu.memory_space<vmem>>
      %dma_wait3A_369 = tpu.memref_squeeze %dma_wait3A_368 : memref<1x128x16xf32, #tpu.memory_space<vmem>> -> memref<128x16xf32, #tpu.memory_space<vmem>>
      %dma_wait3A_370 = arith.constant 0 : i32
      %dma_wait3A_371 = tpu.memref_slice %arg9[%add3A_364, %dma_wait3A_370] : memref<80x128xi32, #tpu.memory_space<vmem>> -> memref<1x128xi32, #tpu.memory_space<vmem>>
      %dma_wait3A_372 = tpu.memref_squeeze %dma_wait3A_371 : memref<1x128xi32, #tpu.memory_space<vmem>> -> memref<128xi32, #tpu.memory_space<vmem>>
      %dma_wait3A_373 = arith.constant 0 : i32
      %dma_wait3A_374 = arith.constant 0 : i32
      %dma_wait3A_375 = tpu.memref_slice %arg11[%dma_wait3A_373, %dma_wait3A_374] : memref<10240x16xf32, #tpu.memory_space<vmem_shared>> -> memref<10240x16xf32, #tpu.memory_space<vmem_shared>>
      tpu.wait_indirect_dma semaphore(%arg22 : memref<!tpu.dma_semaphore, #tpu.memory_space<semaphore_mem>>) src(%dma_wait3A_369 : memref<128x16xf32, #tpu.memory_space<vmem>>) dst(%dma_wait3A_375 : memref<10240x16xf32, #tpu.memory_space<vmem_shared>>)
      %add3A_376 = arith.constant 8 : i32
      %add3A_377 = arith.addi %add3A_364, %add3A_376 : i32
      %lt3A_378 = arith.constant 80 : i32
      %lt3A_379 = arith.cmpi slt, %add3A_377, %lt3A_378 : i32
      %convert_element_type3A_380 = arith.extui %lt3A_379 : i1 to i32
      %cond3A_381 = arith.constant 0 : i32
      %cond3A_382 = arith.cmpi ne, %convert_element_type3A_380, %cond3A_381 : i32
      scf.if %cond3A_382 {
        %add3A_493 = arith.constant 8 : i32
        %add3A_494 = arith.addi %add3A_364, %add3A_493 : i32
        %dma_start3A_495 = arith.constant 2 : i32
        %dma_start3A_496 = arith.constant 0 : i32
        %dma_start3A_497 = arith.constant 0 : i32
        %dma_start3A_498 = tpu.memref_slice %arg10[%dma_start3A_495, %dma_start3A_496, %dma_start3A_497] : memref<8x128x16xf32, #tpu.memory_space<vmem>> -> memref<1x128x16xf32, #tpu.memory_space<vmem>>
        %dma_start3A_499 = tpu.memref_squeeze %dma_start3A_498 : memref<1x128x16xf32, #tpu.memory_space<vmem>> -> memref<128x16xf32, #tpu.memory_space<vmem>>
        %dma_start3A_500 = arith.constant 0 : i32
        %dma_start3A_501 = tpu.memref_slice %arg8[%add3A_494, %dma_start3A_500] : memref<80x128xi32, #tpu.memory_space<vmem>> -> memref<1x128xi32, #tpu.memory_space<vmem>>
        %dma_start3A_502 = tpu.memref_squeeze %dma_start3A_501 : memref<1x128xi32, #tpu.memory_space<vmem>> -> memref<128xi32, #tpu.memory_space<vmem>>
        %dma_start3A_503 = arith.constant 0 : i32
        %dma_start3A_504 = arith.constant 0 : i32
        %dma_start3A_505 = tpu.memref_slice %arg2[%dma_start3A_503, %dma_start3A_504] : memref<10240x16xf32, #tpu.memory_space<hbm>> -> memref<10240x16xf32, #tpu.memory_space<hbm>>
        tpu.enqueue_indirect_dma source(%dma_start3A_505 : memref<10240x16xf32, #tpu.memory_space<hbm>>) target(%dma_start3A_499 : memref<128x16xf32, #tpu.memory_space<vmem>>) offsets(%dma_start3A_502 : memref<128xi32, #tpu.memory_space<vmem>>) semaphore(%arg14 : memref<!tpu.dma_semaphore, #tpu.memory_space<semaphore_mem>>)
      } else {
      }
      %mul3A_383 = arith.constant 8 : i32
      %mul3A_384 = arith.muli %scan3A_110, %mul3A_383 : i32
      %add3A_385 = arith.constant 3 : i32
      %add3A_386 = arith.addi %mul3A_384, %add3A_385 : i32
      %dma_wait3A_387 = arith.constant 3 : i32
      %dma_wait3A_388 = arith.constant 0 : i32
      %dma_wait3A_389 = arith.constant 0 : i32
      %dma_wait3A_390 = tpu.memref_slice %arg10[%dma_wait3A_387, %dma_wait3A_388, %dma_wait3A_389] : memref<8x128x16xf32, #tpu.memory_space<vmem>> -> memref<1x128x16xf32, #tpu.memory_space<vmem>>
      %dma_wait3A_391 = tpu.memref_squeeze %dma_wait3A_390 : memref<1x128x16xf32, #tpu.memory_space<vmem>> -> memref<128x16xf32, #tpu.memory_space<vmem>>
      %dma_wait3A_392 = arith.constant 0 : i32
      %dma_wait3A_393 = tpu.memref_slice %arg9[%add3A_386, %dma_wait3A_392] : memref<80x128xi32, #tpu.memory_space<vmem>> -> memref<1x128xi32, #tpu.memory_space<vmem>>
      %dma_wait3A_394 = tpu.memref_squeeze %dma_wait3A_393 : memref<1x128xi32, #tpu.memory_space<vmem>> -> memref<128xi32, #tpu.memory_space<vmem>>
      %dma_wait3A_395 = arith.constant 0 : i32
      %dma_wait3A_396 = arith.constant 0 : i32
      %dma_wait3A_397 = tpu.memref_slice %arg11[%dma_wait3A_395, %dma_wait3A_396] : memref<10240x16xf32, #tpu.memory_space<vmem_shared>> -> memref<10240x16xf32, #tpu.memory_space<vmem_shared>>
      tpu.wait_indirect_dma semaphore(%arg23 : memref<!tpu.dma_semaphore, #tpu.memory_space<semaphore_mem>>) src(%dma_wait3A_391 : memref<128x16xf32, #tpu.memory_space<vmem>>) dst(%dma_wait3A_397 : memref<10240x16xf32, #tpu.memory_space<vmem_shared>>)
      %add3A_398 = arith.constant 8 : i32
      %add3A_399 = arith.addi %add3A_386, %add3A_398 : i32
      %lt3A_400 = arith.constant 80 : i32
      %lt3A_401 = arith.cmpi slt, %add3A_399, %lt3A_400 : i32
      %convert_element_type3A_402 = arith.extui %lt3A_401 : i1 to i32
      %cond3A_403 = arith.constant 0 : i32
      %cond3A_404 = arith.cmpi ne, %convert_element_type3A_402, %cond3A_403 : i32
      scf.if %cond3A_404 {
        %add3A_493 = arith.constant 8 : i32
        %add3A_494 = arith.addi %add3A_386, %add3A_493 : i32
        %dma_start3A_495 = arith.constant 3 : i32
        %dma_start3A_496 = arith.constant 0 : i32
        %dma_start3A_497 = arith.constant 0 : i32
        %dma_start3A_498 = tpu.memref_slice %arg10[%dma_start3A_495, %dma_start3A_496, %dma_start3A_497] : memref<8x128x16xf32, #tpu.memory_space<vmem>> -> memref<1x128x16xf32, #tpu.memory_space<vmem>>
        %dma_start3A_499 = tpu.memref_squeeze %dma_start3A_498 : memref<1x128x16xf32, #tpu.memory_space<vmem>> -> memref<128x16xf32, #tpu.memory_space<vmem>>
        %dma_start3A_500 = arith.constant 0 : i32
        %dma_start3A_501 = tpu.memref_slice %arg8[%add3A_494, %dma_start3A_500] : memref<80x128xi32, #tpu.memory_space<vmem>> -> memref<1x128xi32, #tpu.memory_space<vmem>>
        %dma_start3A_502 = tpu.memref_squeeze %dma_start3A_501 : memref<1x128xi32, #tpu.memory_space<vmem>> -> memref<128xi32, #tpu.memory_space<vmem>>
        %dma_start3A_503 = arith.constant 0 : i32
        %dma_start3A_504 = arith.constant 0 : i32
        %dma_start3A_505 = tpu.memref_slice %arg2[%dma_start3A_503, %dma_start3A_504] : memref<10240x16xf32, #tpu.memory_space<hbm>> -> memref<10240x16xf32, #tpu.memory_space<hbm>>
        tpu.enqueue_indirect_dma source(%dma_start3A_505 : memref<10240x16xf32, #tpu.memory_space<hbm>>) target(%dma_start3A_499 : memref<128x16xf32, #tpu.memory_space<vmem>>) offsets(%dma_start3A_502 : memref<128xi32, #tpu.memory_space<vmem>>) semaphore(%arg15 : memref<!tpu.dma_semaphore, #tpu.memory_space<semaphore_mem>>)
      } else {
      }
      %mul3A_405 = arith.constant 8 : i32
      %mul3A_406 = arith.muli %scan3A_110, %mul3A_405 : i32
      %add3A_407 = arith.constant 4 : i32
      %add3A_408 = arith.addi %mul3A_406, %add3A_407 : i32
      %dma_wait3A_409 = arith.constant 4 : i32
      %dma_wait3A_410 = arith.constant 0 : i32
      %dma_wait3A_411 = arith.constant 0 : i32
      %dma_wait3A_412 = tpu.memref_slice %arg10[%dma_wait3A_409, %dma_wait3A_410, %dma_wait3A_411] : memref<8x128x16xf32, #tpu.memory_space<vmem>> -> memref<1x128x16xf32, #tpu.memory_space<vmem>>
      %dma_wait3A_413 = tpu.memref_squeeze %dma_wait3A_412 : memref<1x128x16xf32, #tpu.memory_space<vmem>> -> memref<128x16xf32, #tpu.memory_space<vmem>>
      %dma_wait3A_414 = arith.constant 0 : i32
      %dma_wait3A_415 = tpu.memref_slice %arg9[%add3A_408, %dma_wait3A_414] : memref<80x128xi32, #tpu.memory_space<vmem>> -> memref<1x128xi32, #tpu.memory_space<vmem>>
      %dma_wait3A_416 = tpu.memref_squeeze %dma_wait3A_415 : memref<1x128xi32, #tpu.memory_space<vmem>> -> memref<128xi32, #tpu.memory_space<vmem>>
      %dma_wait3A_417 = arith.constant 0 : i32
      %dma_wait3A_418 = arith.constant 0 : i32
      %dma_wait3A_419 = tpu.memref_slice %arg11[%dma_wait3A_417, %dma_wait3A_418] : memref<10240x16xf32, #tpu.memory_space<vmem_shared>> -> memref<10240x16xf32, #tpu.memory_space<vmem_shared>>
      tpu.wait_indirect_dma semaphore(%arg24 : memref<!tpu.dma_semaphore, #tpu.memory_space<semaphore_mem>>) src(%dma_wait3A_413 : memref<128x16xf32, #tpu.memory_space<vmem>>) dst(%dma_wait3A_419 : memref<10240x16xf32, #tpu.memory_space<vmem_shared>>)
      %add3A_420 = arith.constant 8 : i32
      %add3A_421 = arith.addi %add3A_408, %add3A_420 : i32
      %lt3A_422 = arith.constant 80 : i32
      %lt3A_423 = arith.cmpi slt, %add3A_421, %lt3A_422 : i32
      %convert_element_type3A_424 = arith.extui %lt3A_423 : i1 to i32
      %cond3A_425 = arith.constant 0 : i32
      %cond3A_426 = arith.cmpi ne, %convert_element_type3A_424, %cond3A_425 : i32
      scf.if %cond3A_426 {
        %add3A_493 = arith.constant 8 : i32
        %add3A_494 = arith.addi %add3A_408, %add3A_493 : i32
        %dma_start3A_495 = arith.constant 4 : i32
        %dma_start3A_496 = arith.constant 0 : i32
        %dma_start3A_497 = arith.constant 0 : i32
        %dma_start3A_498 = tpu.memref_slice %arg10[%dma_start3A_495, %dma_start3A_496, %dma_start3A_497] : memref<8x128x16xf32, #tpu.memory_space<vmem>> -> memref<1x128x16xf32, #tpu.memory_space<vmem>>
        %dma_start3A_499 = tpu.memref_squeeze %dma_start3A_498 : memref<1x128x16xf32, #tpu.memory_space<vmem>> -> memref<128x16xf32, #tpu.memory_space<vmem>>
        %dma_start3A_500 = arith.constant 0 : i32
        %dma_start3A_501 = tpu.memref_slice %arg8[%add3A_494, %dma_start3A_500] : memref<80x128xi32, #tpu.memory_space<vmem>> -> memref<1x128xi32, #tpu.memory_space<vmem>>
        %dma_start3A_502 = tpu.memref_squeeze %dma_start3A_501 : memref<1x128xi32, #tpu.memory_space<vmem>> -> memref<128xi32, #tpu.memory_space<vmem>>
        %dma_start3A_503 = arith.constant 0 : i32
        %dma_start3A_504 = arith.constant 0 : i32
        %dma_start3A_505 = tpu.memref_slice %arg2[%dma_start3A_503, %dma_start3A_504] : memref<10240x16xf32, #tpu.memory_space<hbm>> -> memref<10240x16xf32, #tpu.memory_space<hbm>>
        tpu.enqueue_indirect_dma source(%dma_start3A_505 : memref<10240x16xf32, #tpu.memory_space<hbm>>) target(%dma_start3A_499 : memref<128x16xf32, #tpu.memory_space<vmem>>) offsets(%dma_start3A_502 : memref<128xi32, #tpu.memory_space<vmem>>) semaphore(%arg16 : memref<!tpu.dma_semaphore, #tpu.memory_space<semaphore_mem>>)
      } else {
      }
      %mul3A_427 = arith.constant 8 : i32
      %mul3A_428 = arith.muli %scan3A_110, %mul3A_427 : i32
      %add3A_429 = arith.constant 5 : i32
      %add3A_430 = arith.addi %mul3A_428, %add3A_429 : i32
      %dma_wait3A_431 = arith.constant 5 : i32
      %dma_wait3A_432 = arith.constant 0 : i32
      %dma_wait3A_433 = arith.constant 0 : i32
      %dma_wait3A_434 = tpu.memref_slice %arg10[%dma_wait3A_431, %dma_wait3A_432, %dma_wait3A_433] : memref<8x128x16xf32, #tpu.memory_space<vmem>> -> memref<1x128x16xf32, #tpu.memory_space<vmem>>
      %dma_wait3A_435 = tpu.memref_squeeze %dma_wait3A_434 : memref<1x128x16xf32, #tpu.memory_space<vmem>> -> memref<128x16xf32, #tpu.memory_space<vmem>>
      %dma_wait3A_436 = arith.constant 0 : i32
      %dma_wait3A_437 = tpu.memref_slice %arg9[%add3A_430, %dma_wait3A_436] : memref<80x128xi32, #tpu.memory_space<vmem>> -> memref<1x128xi32, #tpu.memory_space<vmem>>
      %dma_wait3A_438 = tpu.memref_squeeze %dma_wait3A_437 : memref<1x128xi32, #tpu.memory_space<vmem>> -> memref<128xi32, #tpu.memory_space<vmem>>
      %dma_wait3A_439 = arith.constant 0 : i32
      %dma_wait3A_440 = arith.constant 0 : i32
      %dma_wait3A_441 = tpu.memref_slice %arg11[%dma_wait3A_439, %dma_wait3A_440] : memref<10240x16xf32, #tpu.memory_space<vmem_shared>> -> memref<10240x16xf32, #tpu.memory_space<vmem_shared>>
      tpu.wait_indirect_dma semaphore(%arg25 : memref<!tpu.dma_semaphore, #tpu.memory_space<semaphore_mem>>) src(%dma_wait3A_435 : memref<128x16xf32, #tpu.memory_space<vmem>>) dst(%dma_wait3A_441 : memref<10240x16xf32, #tpu.memory_space<vmem_shared>>)
      %add3A_442 = arith.constant 8 : i32
      %add3A_443 = arith.addi %add3A_430, %add3A_442 : i32
      %lt3A_444 = arith.constant 80 : i32
      %lt3A_445 = arith.cmpi slt, %add3A_443, %lt3A_444 : i32
      %convert_element_type3A_446 = arith.extui %lt3A_445 : i1 to i32
      %cond3A_447 = arith.constant 0 : i32
      %cond3A_448 = arith.cmpi ne, %convert_element_type3A_446, %cond3A_447 : i32
      scf.if %cond3A_448 {
        %add3A_493 = arith.constant 8 : i32
        %add3A_494 = arith.addi %add3A_430, %add3A_493 : i32
        %dma_start3A_495 = arith.constant 5 : i32
        %dma_start3A_496 = arith.constant 0 : i32
        %dma_start3A_497 = arith.constant 0 : i32
        %dma_start3A_498 = tpu.memref_slice %arg10[%dma_start3A_495, %dma_start3A_496, %dma_start3A_497] : memref<8x128x16xf32, #tpu.memory_space<vmem>> -> memref<1x128x16xf32, #tpu.memory_space<vmem>>
        %dma_start3A_499 = tpu.memref_squeeze %dma_start3A_498 : memref<1x128x16xf32, #tpu.memory_space<vmem>> -> memref<128x16xf32, #tpu.memory_space<vmem>>
        %dma_start3A_500 = arith.constant 0 : i32
        %dma_start3A_501 = tpu.memref_slice %arg8[%add3A_494, %dma_start3A_500] : memref<80x128xi32, #tpu.memory_space<vmem>> -> memref<1x128xi32, #tpu.memory_space<vmem>>
        %dma_start3A_502 = tpu.memref_squeeze %dma_start3A_501 : memref<1x128xi32, #tpu.memory_space<vmem>> -> memref<128xi32, #tpu.memory_space<vmem>>
        %dma_start3A_503 = arith.constant 0 : i32
        %dma_start3A_504 = arith.constant 0 : i32
        %dma_start3A_505 = tpu.memref_slice %arg2[%dma_start3A_503, %dma_start3A_504] : memref<10240x16xf32, #tpu.memory_space<hbm>> -> memref<10240x16xf32, #tpu.memory_space<hbm>>
        tpu.enqueue_indirect_dma source(%dma_start3A_505 : memref<10240x16xf32, #tpu.memory_space<hbm>>) target(%dma_start3A_499 : memref<128x16xf32, #tpu.memory_space<vmem>>) offsets(%dma_start3A_502 : memref<128xi32, #tpu.memory_space<vmem>>) semaphore(%arg17 : memref<!tpu.dma_semaphore, #tpu.memory_space<semaphore_mem>>)
      } else {
      }
      %mul3A_449 = arith.constant 8 : i32
      %mul3A_450 = arith.muli %scan3A_110, %mul3A_449 : i32
      %add3A_451 = arith.constant 6 : i32
      %add3A_452 = arith.addi %mul3A_450, %add3A_451 : i32
      %dma_wait3A_453 = arith.constant 6 : i32
      %dma_wait3A_454 = arith.constant 0 : i32
      %dma_wait3A_455 = arith.constant 0 : i32
      %dma_wait3A_456 = tpu.memref_slice %arg10[%dma_wait3A_453, %dma_wait3A_454, %dma_wait3A_455] : memref<8x128x16xf32, #tpu.memory_space<vmem>> -> memref<1x128x16xf32, #tpu.memory_space<vmem>>
      %dma_wait3A_457 = tpu.memref_squeeze %dma_wait3A_456 : memref<1x128x16xf32, #tpu.memory_space<vmem>> -> memref<128x16xf32, #tpu.memory_space<vmem>>
      %dma_wait3A_458 = arith.constant 0 : i32
      %dma_wait3A_459 = tpu.memref_slice %arg9[%add3A_452, %dma_wait3A_458] : memref<80x128xi32, #tpu.memory_space<vmem>> -> memref<1x128xi32, #tpu.memory_space<vmem>>
      %dma_wait3A_460 = tpu.memref_squeeze %dma_wait3A_459 : memref<1x128xi32, #tpu.memory_space<vmem>> -> memref<128xi32, #tpu.memory_space<vmem>>
      %dma_wait3A_461 = arith.constant 0 : i32
      %dma_wait3A_462 = arith.constant 0 : i32
      %dma_wait3A_463 = tpu.memref_slice %arg11[%dma_wait3A_461, %dma_wait3A_462] : memref<10240x16xf32, #tpu.memory_space<vmem_shared>> -> memref<10240x16xf32, #tpu.memory_space<vmem_shared>>
      tpu.wait_indirect_dma semaphore(%arg26 : memref<!tpu.dma_semaphore, #tpu.memory_space<semaphore_mem>>) src(%dma_wait3A_457 : memref<128x16xf32, #tpu.memory_space<vmem>>) dst(%dma_wait3A_463 : memref<10240x16xf32, #tpu.memory_space<vmem_shared>>)
      %add3A_464 = arith.constant 8 : i32
      %add3A_465 = arith.addi %add3A_452, %add3A_464 : i32
      %lt3A_466 = arith.constant 80 : i32
      %lt3A_467 = arith.cmpi slt, %add3A_465, %lt3A_466 : i32
      %convert_element_type3A_468 = arith.extui %lt3A_467 : i1 to i32
      %cond3A_469 = arith.constant 0 : i32
      %cond3A_470 = arith.cmpi ne, %convert_element_type3A_468, %cond3A_469 : i32
      scf.if %cond3A_470 {
        %add3A_493 = arith.constant 8 : i32
        %add3A_494 = arith.addi %add3A_452, %add3A_493 : i32
        %dma_start3A_495 = arith.constant 6 : i32
        %dma_start3A_496 = arith.constant 0 : i32
        %dma_start3A_497 = arith.constant 0 : i32
        %dma_start3A_498 = tpu.memref_slice %arg10[%dma_start3A_495, %dma_start3A_496, %dma_start3A_497] : memref<8x128x16xf32, #tpu.memory_space<vmem>> -> memref<1x128x16xf32, #tpu.memory_space<vmem>>
        %dma_start3A_499 = tpu.memref_squeeze %dma_start3A_498 : memref<1x128x16xf32, #tpu.memory_space<vmem>> -> memref<128x16xf32, #tpu.memory_space<vmem>>
        %dma_start3A_500 = arith.constant 0 : i32
        %dma_start3A_501 = tpu.memref_slice %arg8[%add3A_494, %dma_start3A_500] : memref<80x128xi32, #tpu.memory_space<vmem>> -> memref<1x128xi32, #tpu.memory_space<vmem>>
        %dma_start3A_502 = tpu.memref_squeeze %dma_start3A_501 : memref<1x128xi32, #tpu.memory_space<vmem>> -> memref<128xi32, #tpu.memory_space<vmem>>
        %dma_start3A_503 = arith.constant 0 : i32
        %dma_start3A_504 = arith.constant 0 : i32
        %dma_start3A_505 = tpu.memref_slice %arg2[%dma_start3A_503, %dma_start3A_504] : memref<10240x16xf32, #tpu.memory_space<hbm>> -> memref<10240x16xf32, #tpu.memory_space<hbm>>
        tpu.enqueue_indirect_dma source(%dma_start3A_505 : memref<10240x16xf32, #tpu.memory_space<hbm>>) target(%dma_start3A_499 : memref<128x16xf32, #tpu.memory_space<vmem>>) offsets(%dma_start3A_502 : memref<128xi32, #tpu.memory_space<vmem>>) semaphore(%arg18 : memref<!tpu.dma_semaphore, #tpu.memory_space<semaphore_mem>>)
      } else {
      }
      %mul3A_471 = arith.constant 8 : i32
      %mul3A_472 = arith.muli %scan3A_110, %mul3A_471 : i32
      %add3A_473 = arith.constant 7 : i32
      %add3A_474 = arith.addi %mul3A_472, %add3A_473 : i32
      %dma_wait3A_475 = arith.constant 7 : i32
      %dma_wait3A_476 = arith.constant 0 : i32
      %dma_wait3A_477 = arith.constant 0 : i32
      %dma_wait3A_478 = tpu.memref_slice %arg10[%dma_wait3A_475, %dma_wait3A_476, %dma_wait3A_477] : memref<8x128x16xf32, #tpu.memory_space<vmem>> -> memref<1x128x16xf32, #tpu.memory_space<vmem>>
      %dma_wait3A_479 = tpu.memref_squeeze %dma_wait3A_478 : memref<1x128x16xf32, #tpu.memory_space<vmem>> -> memref<128x16xf32, #tpu.memory_space<vmem>>
      %dma_wait3A_480 = arith.constant 0 : i32
      %dma_wait3A_481 = tpu.memref_slice %arg9[%add3A_474, %dma_wait3A_480] : memref<80x128xi32, #tpu.memory_space<vmem>> -> memref<1x128xi32, #tpu.memory_space<vmem>>
      %dma_wait3A_482 = tpu.memref_squeeze %dma_wait3A_481 : memref<1x128xi32, #tpu.memory_space<vmem>> -> memref<128xi32, #tpu.memory_space<vmem>>
      %dma_wait3A_483 = arith.constant 0 : i32
      %dma_wait3A_484 = arith.constant 0 : i32
      %dma_wait3A_485 = tpu.memref_slice %arg11[%dma_wait3A_483, %dma_wait3A_484] : memref<10240x16xf32, #tpu.memory_space<vmem_shared>> -> memref<10240x16xf32, #tpu.memory_space<vmem_shared>>
      tpu.wait_indirect_dma semaphore(%arg27 : memref<!tpu.dma_semaphore, #tpu.memory_space<semaphore_mem>>) src(%dma_wait3A_479 : memref<128x16xf32, #tpu.memory_space<vmem>>) dst(%dma_wait3A_485 : memref<10240x16xf32, #tpu.memory_space<vmem_shared>>)
      %add3A_486 = arith.constant 8 : i32
      %add3A_487 = arith.addi %add3A_474, %add3A_486 : i32
      %lt3A_488 = arith.constant 80 : i32
      %lt3A_489 = arith.cmpi slt, %add3A_487, %lt3A_488 : i32
      %convert_element_type3A_490 = arith.extui %lt3A_489 : i1 to i32
      %cond3A_491 = arith.constant 0 : i32
      %cond3A_492 = arith.cmpi ne, %convert_element_type3A_490, %cond3A_491 : i32
      scf.if %cond3A_492 {
        %add3A_493 = arith.constant 8 : i32
        %add3A_494 = arith.addi %add3A_474, %add3A_493 : i32
        %dma_start3A_495 = arith.constant 7 : i32
        %dma_start3A_496 = arith.constant 0 : i32
        %dma_start3A_497 = arith.constant 0 : i32
        %dma_start3A_498 = tpu.memref_slice %arg10[%dma_start3A_495, %dma_start3A_496, %dma_start3A_497] : memref<8x128x16xf32, #tpu.memory_space<vmem>> -> memref<1x128x16xf32, #tpu.memory_space<vmem>>
        %dma_start3A_499 = tpu.memref_squeeze %dma_start3A_498 : memref<1x128x16xf32, #tpu.memory_space<vmem>> -> memref<128x16xf32, #tpu.memory_space<vmem>>
        %dma_start3A_500 = arith.constant 0 : i32
        %dma_start3A_501 = tpu.memref_slice %arg8[%add3A_494, %dma_start3A_500] : memref<80x128xi32, #tpu.memory_space<vmem>> -> memref<1x128xi32, #tpu.memory_space<vmem>>
        %dma_start3A_502 = tpu.memref_squeeze %dma_start3A_501 : memref<1x128xi32, #tpu.memory_space<vmem>> -> memref<128xi32, #tpu.memory_space<vmem>>
        %dma_start3A_503 = arith.constant 0 : i32
        %dma_start3A_504 = arith.constant 0 : i32
        %dma_start3A_505 = tpu.memref_slice %arg2[%dma_start3A_503, %dma_start3A_504] : memref<10240x16xf32, #tpu.memory_space<hbm>> -> memref<10240x16xf32, #tpu.memory_space<hbm>>
        tpu.enqueue_indirect_dma source(%dma_start3A_505 : memref<10240x16xf32, #tpu.memory_space<hbm>>) target(%dma_start3A_499 : memref<128x16xf32, #tpu.memory_space<vmem>>) offsets(%dma_start3A_502 : memref<128xi32, #tpu.memory_space<vmem>>) semaphore(%arg19 : memref<!tpu.dma_semaphore, #tpu.memory_space<semaphore_mem>>)
      } else {
      }
    }
    %scan3A_102 = arith.constant 10 : i32
    %barrier3A_103 = arith.constant 0 : index
    tpu.barrier barrier_id(%barrier3A_103)
    %eq3A = arith.constant 0 : i32
    %eq3A_104 = arith.cmpi eq, %arg0, %eq3A : i32
    %convert_element_type3A = arith.extui %eq3A_104 : i1 to i32
    %cond3A = arith.constant 0 : i32
    %cond3A_105 = arith.cmpi ne, %convert_element_type3A, %cond3A : i32
    scf.if %cond3A_105 {
      "tpu.region"() ({
        %run_scoped3A = tpu.sem_alloc : memref<!tpu.dma_semaphore, #tpu.memory_space<semaphore_mem>>
        %dma_start3A_110 = arith.constant 0 : i32
        %dma_start3A_111 = tpu.memref_slice %arg6[%mul3A_2, %dma_start3A_110] : memref<10240x16xf32, #tpu.memory_space<hbm>> -> memref<640x16xf32, #tpu.memory_space<hbm>>
        %dma_start3A_112 = arith.constant 0 : i32
        %dma_start3A_113 = tpu.memref_slice %arg11[%mul3A_2, %dma_start3A_112] : memref<10240x16xf32, #tpu.memory_space<vmem_shared>> -> memref<640x16xf32, #tpu.memory_space<vmem_shared>>
        tpu.enqueue_dma source(%dma_start3A_113 : memref<640x16xf32, #tpu.memory_space<vmem_shared>>) target(%dma_start3A_111 : memref<640x16xf32, #tpu.memory_space<hbm>>) target_semaphore(%run_scoped3A : memref<!tpu.dma_semaphore, #tpu.memory_space<semaphore_mem>>)
        %dma_wait3A = arith.constant 0 : i32
        %dma_wait3A_114 = tpu.memref_slice %arg6[%mul3A_2, %dma_wait3A] : memref<10240x16xf32, #tpu.memory_space<hbm>> -> memref<640x16xf32, #tpu.memory_space<hbm>>
        %dma_wait3A_115 = arith.constant 0 : i32
        %dma_wait3A_116 = tpu.memref_slice %arg11[%mul3A_2, %dma_wait3A_115] : memref<10240x16xf32, #tpu.memory_space<vmem_shared>> -> memref<640x16xf32, #tpu.memory_space<vmem_shared>>
        tpu.wait_dma2 semaphore(%run_scoped3A : memref<!tpu.dma_semaphore, #tpu.memory_space<semaphore_mem>>) src(%dma_wait3A_116 : memref<640x16xf32, #tpu.memory_space<vmem_shared>>) dst(%dma_wait3A_114 : memref<640x16xf32, #tpu.memory_space<hbm>>)
        tpu.yield
      }) : () -> ()
    } else {
    }
    %ne3A = arith.constant 0 : i32
    %ne3A_106 = arith.cmpi ne, %arg0, %ne3A : i32
    %convert_element_type3A_107 = arith.extui %ne3A_106 : i1 to i32
    %cond3A_108 = arith.constant 0 : i32
    %cond3A_109 = arith.cmpi ne, %convert_element_type3A_107, %cond3A_108 : i32
    scf.if %cond3A_109 {
      "tpu.region"() ({
        %run_scoped3A = tpu.sem_alloc : memref<!tpu.dma_semaphore, #tpu.memory_space<semaphore_mem>>
        %dma_start3A_110 = arith.constant 0 : i32
        %dma_start3A_111 = tpu.memref_slice %arg7[%mul3A_2, %dma_start3A_110] : memref<10240x16xf32, #tpu.memory_space<hbm>> -> memref<640x16xf32, #tpu.memory_space<hbm>>
        %dma_start3A_112 = arith.constant 0 : i32
        %dma_start3A_113 = tpu.memref_slice %arg11[%mul3A_2, %dma_start3A_112] : memref<10240x16xf32, #tpu.memory_space<vmem_shared>> -> memref<640x16xf32, #tpu.memory_space<vmem_shared>>
        tpu.enqueue_dma source(%dma_start3A_113 : memref<640x16xf32, #tpu.memory_space<vmem_shared>>) target(%dma_start3A_111 : memref<640x16xf32, #tpu.memory_space<hbm>>) target_semaphore(%run_scoped3A : memref<!tpu.dma_semaphore, #tpu.memory_space<semaphore_mem>>)
        %dma_wait3A = arith.constant 0 : i32
        %dma_wait3A_114 = tpu.memref_slice %arg7[%mul3A_2, %dma_wait3A] : memref<10240x16xf32, #tpu.memory_space<hbm>> -> memref<640x16xf32, #tpu.memory_space<hbm>>
        %dma_wait3A_115 = arith.constant 0 : i32
        %dma_wait3A_116 = tpu.memref_slice %arg11[%mul3A_2, %dma_wait3A_115] : memref<10240x16xf32, #tpu.memory_space<vmem_shared>> -> memref<640x16xf32, #tpu.memory_space<vmem_shared>>
        tpu.wait_dma2 semaphore(%run_scoped3A : memref<!tpu.dma_semaphore, #tpu.memory_space<semaphore_mem>>) src(%dma_wait3A_116 : memref<640x16xf32, #tpu.memory_space<vmem_shared>>) dst(%dma_wait3A_114 : memref<640x16xf32, #tpu.memory_space<hbm>>)
        tpu.yield
      }) : () -> ()
    } else {
    }
    return
  }
}

#map = affine_map<(d0, d1) -> (0, 0, 0)>
#map1 = affine_map<(d0, d1) -> (0, 0)>
module attributes {stable_mosaic.version = 14 : i64} {
  func.func @_sc_deg_body(%arg0: i32, %arg1: i32, %arg2: memref<32x80x128xi32, #tpu.memory_space<hbm>>, %arg3: memref<128x16xf32, #tpu.memory_space<hbm>>, %arg4: memref<10240x16xf32, #tpu.memory_space<hbm>>, %arg5: memref<10240x16xf32, #tpu.memory_space<hbm>>, %arg6: memref<10240x16xf32, #tpu.memory_space<hbm>>, %arg7: memref<80x128xi32, #tpu.memory_space<vmem>>, %arg8: memref<128x16xf32, #tpu.memory_space<vmem>>, %arg9: memref<10240x16xf32, #tpu.memory_space<vmem_shared>>) attributes {dimension_semantics = [#tpu.dimension_semantics<core_parallel>, #tpu.dimension_semantics<subcore_parallel>], iteration_bounds = array<i64: 2, 16>, scalar_prefetch = 0 : i64, scratch_operands = 3 : i64, tpu.core_type = #tpu.core_type<sc_vector_subcore>, window_params = [{transform_indices = #map}, {transform_indices = #map1}, {transform_indices = #map1}, {transform_indices = #map1}, {transform_indices = #map1}]} {
    %mul3A = arith.constant 16 : i32
    %mul3A_0 = arith.muli %arg0, %mul3A : i32
    %add3A = arith.addi %mul3A_0, %arg1 : i32
    %mul3A_1 = arith.constant 640 : i32
    %mul3A_2 = arith.muli %arg1, %mul3A_1 : i32
    "tpu.region"() ({
      %run_scoped3A = tpu.sem_alloc : memref<!tpu.dma_semaphore, #tpu.memory_space<semaphore_mem>>
      %dma_start3A = arith.constant 0 : i32
      %dma_start3A_15 = tpu.memref_slice %arg9[%mul3A_2, %dma_start3A] : memref<10240x16xf32, #tpu.memory_space<vmem_shared>> -> memref<640x16xf32, #tpu.memory_space<vmem_shared>>
      %dma_start3A_16 = arith.constant 0 : i32
      %dma_start3A_17 = tpu.memref_slice %arg4[%mul3A_2, %dma_start3A_16] : memref<10240x16xf32, #tpu.memory_space<hbm>> -> memref<640x16xf32, #tpu.memory_space<hbm>>
      tpu.enqueue_dma source(%dma_start3A_17 : memref<640x16xf32, #tpu.memory_space<hbm>>) target(%dma_start3A_15 : memref<640x16xf32, #tpu.memory_space<vmem_shared>>) target_semaphore(%run_scoped3A : memref<!tpu.dma_semaphore, #tpu.memory_space<semaphore_mem>>)
      %dma_wait3A = arith.constant 0 : i32
      %dma_wait3A_18 = tpu.memref_slice %arg9[%mul3A_2, %dma_wait3A] : memref<10240x16xf32, #tpu.memory_space<vmem_shared>> -> memref<640x16xf32, #tpu.memory_space<vmem_shared>>
      %dma_wait3A_19 = arith.constant 0 : i32
      %dma_wait3A_20 = tpu.memref_slice %arg4[%mul3A_2, %dma_wait3A_19] : memref<10240x16xf32, #tpu.memory_space<hbm>> -> memref<640x16xf32, #tpu.memory_space<hbm>>
      tpu.wait_dma2 semaphore(%run_scoped3A : memref<!tpu.dma_semaphore, #tpu.memory_space<semaphore_mem>>) src(%dma_wait3A_20 : memref<640x16xf32, #tpu.memory_space<hbm>>) dst(%dma_wait3A_18 : memref<640x16xf32, #tpu.memory_space<vmem_shared>>)
      tpu.yield
    }) : () -> ()
    "tpu.region"() ({
      %run_scoped3A = tpu.sem_alloc : memref<!tpu.dma_semaphore, #tpu.memory_space<semaphore_mem>>
      %dma_start3A = arith.constant 0 : i32
      %dma_start3A_15 = arith.constant 0 : i32
      %dma_start3A_16 = tpu.memref_slice %arg2[%add3A, %dma_start3A, %dma_start3A_15] : memref<32x80x128xi32, #tpu.memory_space<hbm>> -> memref<1x80x128xi32, #tpu.memory_space<hbm>>
      %dma_start3A_17 = tpu.memref_squeeze %dma_start3A_16 : memref<1x80x128xi32, #tpu.memory_space<hbm>> -> memref<80x128xi32, #tpu.memory_space<hbm>>
      %dma_start3A_18 = arith.constant 0 : i32
      %dma_start3A_19 = arith.constant 0 : i32
      %dma_start3A_20 = tpu.memref_slice %arg2[%add3A, %dma_start3A_18, %dma_start3A_19] : memref<32x80x128xi32, #tpu.memory_space<hbm>> -> memref<1x80x128xi32, #tpu.memory_space<hbm>>
      %dma_start3A_21 = tpu.memref_squeeze %dma_start3A_20 : memref<1x80x128xi32, #tpu.memory_space<hbm>> -> memref<80x128xi32, #tpu.memory_space<hbm>>
      tpu.enqueue_dma source(%dma_start3A_21 : memref<80x128xi32, #tpu.memory_space<hbm>>) target(%arg7 : memref<80x128xi32, #tpu.memory_space<vmem>>) target_semaphore(%run_scoped3A : memref<!tpu.dma_semaphore, #tpu.memory_space<semaphore_mem>>)
      %dma_wait3A = arith.constant 0 : i32
      %dma_wait3A_22 = arith.constant 0 : i32
      %dma_wait3A_23 = tpu.memref_slice %arg2[%add3A, %dma_wait3A, %dma_wait3A_22] : memref<32x80x128xi32, #tpu.memory_space<hbm>> -> memref<1x80x128xi32, #tpu.memory_space<hbm>>
      %dma_wait3A_24 = tpu.memref_squeeze %dma_wait3A_23 : memref<1x80x128xi32, #tpu.memory_space<hbm>> -> memref<80x128xi32, #tpu.memory_space<hbm>>
      %dma_wait3A_25 = arith.constant 0 : i32
      %dma_wait3A_26 = arith.constant 0 : i32
      %dma_wait3A_27 = tpu.memref_slice %arg2[%add3A, %dma_wait3A_25, %dma_wait3A_26] : memref<32x80x128xi32, #tpu.memory_space<hbm>> -> memref<1x80x128xi32, #tpu.memory_space<hbm>>
      %dma_wait3A_28 = tpu.memref_squeeze %dma_wait3A_27 : memref<1x80x128xi32, #tpu.memory_space<hbm>> -> memref<80x128xi32, #tpu.memory_space<hbm>>
      tpu.wait_dma2 semaphore(%run_scoped3A : memref<!tpu.dma_semaphore, #tpu.memory_space<semaphore_mem>>) src(%dma_wait3A_28 : memref<80x128xi32, #tpu.memory_space<hbm>>) dst(%arg7 : memref<80x128xi32, #tpu.memory_space<vmem>>)
      tpu.yield
    }) : () -> ()
    "tpu.region"() ({
      %run_scoped3A = tpu.sem_alloc : memref<!tpu.dma_semaphore, #tpu.memory_space<semaphore_mem>>
      tpu.enqueue_dma source(%arg3 : memref<128x16xf32, #tpu.memory_space<hbm>>) target(%arg8 : memref<128x16xf32, #tpu.memory_space<vmem>>) target_semaphore(%run_scoped3A : memref<!tpu.dma_semaphore, #tpu.memory_space<semaphore_mem>>)
      tpu.wait_dma2 semaphore(%run_scoped3A : memref<!tpu.dma_semaphore, #tpu.memory_space<semaphore_mem>>) src(%arg3 : memref<128x16xf32, #tpu.memory_space<hbm>>) dst(%arg8 : memref<128x16xf32, #tpu.memory_space<vmem>>)
      tpu.yield
    }) : () -> ()
    %barrier3A = arith.constant 0 : index
    tpu.barrier barrier_id(%barrier3A)
    %scan3A = arith.constant 0 : i32
    %scan3A_3 = arith.constant 0 : i32
    %scan3A_4 = arith.constant 80 : i32
    %scan3A_5 = arith.addi %scan3A_3, %scan3A_4 : i32
    %scan3A_6 = arith.constant 1 : i32
    scf.for %scan3A_15 = %scan3A_3 to %scan3A_5 step %scan3A_6  : i32 {
      "tpu.region"() ({
        %run_scoped3A = tpu.sem_alloc : memref<!tpu.dma_semaphore, #tpu.memory_space<semaphore_mem>>
        %dma_start3A = arith.constant 0 : i32
        %dma_start3A_16 = tpu.memref_slice %arg7[%scan3A_15, %dma_start3A] : memref<80x128xi32, #tpu.memory_space<vmem>> -> memref<1x128xi32, #tpu.memory_space<vmem>>
        %dma_start3A_17 = tpu.memref_squeeze %dma_start3A_16 : memref<1x128xi32, #tpu.memory_space<vmem>> -> memref<128xi32, #tpu.memory_space<vmem>>
        %dma_start3A_18 = arith.constant 0 : i32
        %dma_start3A_19 = arith.constant 0 : i32
        %dma_start3A_20 = tpu.memref_slice %arg9[%dma_start3A_18, %dma_start3A_19] : memref<10240x16xf32, #tpu.memory_space<vmem_shared>> -> memref<10240x16xf32, #tpu.memory_space<vmem_shared>>
        tpu.enqueue_indirect_dma source(%arg8 : memref<128x16xf32, #tpu.memory_space<vmem>>) target(%dma_start3A_20 : memref<10240x16xf32, #tpu.memory_space<vmem_shared>>) offsets(%dma_start3A_17 : memref<128xi32, #tpu.memory_space<vmem>>) semaphore(%run_scoped3A : memref<!tpu.dma_semaphore, #tpu.memory_space<semaphore_mem>>) {add = true}
        %dma_wait3A = arith.constant 0 : i32
        %dma_wait3A_21 = tpu.memref_slice %arg7[%scan3A_15, %dma_wait3A] : memref<80x128xi32, #tpu.memory_space<vmem>> -> memref<1x128xi32, #tpu.memory_space<vmem>>
        %dma_wait3A_22 = tpu.memref_squeeze %dma_wait3A_21 : memref<1x128xi32, #tpu.memory_space<vmem>> -> memref<128xi32, #tpu.memory_space<vmem>>
        %dma_wait3A_23 = arith.constant 0 : i32
        %dma_wait3A_24 = arith.constant 0 : i32
        %dma_wait3A_25 = tpu.memref_slice %arg9[%dma_wait3A_23, %dma_wait3A_24] : memref<10240x16xf32, #tpu.memory_space<vmem_shared>> -> memref<10240x16xf32, #tpu.memory_space<vmem_shared>>
        tpu.wait_indirect_dma semaphore(%run_scoped3A : memref<!tpu.dma_semaphore, #tpu.memory_space<semaphore_mem>>) src(%arg8 : memref<128x16xf32, #tpu.memory_space<vmem>>) dst(%dma_wait3A_25 : memref<10240x16xf32, #tpu.memory_space<vmem_shared>>)
        tpu.yield
      }) : () -> ()
    }
    %scan3A_7 = arith.constant 80 : i32
    %barrier3A_8 = arith.constant 0 : index
    tpu.barrier barrier_id(%barrier3A_8)
    %eq3A = arith.constant 0 : i32
    %eq3A_9 = arith.cmpi eq, %arg0, %eq3A : i32
    %convert_element_type3A = arith.extui %eq3A_9 : i1 to i32
    %cond3A = arith.constant 0 : i32
    %cond3A_10 = arith.cmpi ne, %convert_element_type3A, %cond3A : i32
    scf.if %cond3A_10 {
      "tpu.region"() ({
        %run_scoped3A = tpu.sem_alloc : memref<!tpu.dma_semaphore, #tpu.memory_space<semaphore_mem>>
        %dma_start3A = arith.constant 0 : i32
        %dma_start3A_15 = tpu.memref_slice %arg5[%mul3A_2, %dma_start3A] : memref<10240x16xf32, #tpu.memory_space<hbm>> -> memref<640x16xf32, #tpu.memory_space<hbm>>
        %dma_start3A_16 = arith.constant 0 : i32
        %dma_start3A_17 = tpu.memref_slice %arg9[%mul3A_2, %dma_start3A_16] : memref<10240x16xf32, #tpu.memory_space<vmem_shared>> -> memref<640x16xf32, #tpu.memory_space<vmem_shared>>
        tpu.enqueue_dma source(%dma_start3A_17 : memref<640x16xf32, #tpu.memory_space<vmem_shared>>) target(%dma_start3A_15 : memref<640x16xf32, #tpu.memory_space<hbm>>) target_semaphore(%run_scoped3A : memref<!tpu.dma_semaphore, #tpu.memory_space<semaphore_mem>>)
        %dma_wait3A = arith.constant 0 : i32
        %dma_wait3A_18 = tpu.memref_slice %arg5[%mul3A_2, %dma_wait3A] : memref<10240x16xf32, #tpu.memory_space<hbm>> -> memref<640x16xf32, #tpu.memory_space<hbm>>
        %dma_wait3A_19 = arith.constant 0 : i32
        %dma_wait3A_20 = tpu.memref_slice %arg9[%mul3A_2, %dma_wait3A_19] : memref<10240x16xf32, #tpu.memory_space<vmem_shared>> -> memref<640x16xf32, #tpu.memory_space<vmem_shared>>
        tpu.wait_dma2 semaphore(%run_scoped3A : memref<!tpu.dma_semaphore, #tpu.memory_space<semaphore_mem>>) src(%dma_wait3A_20 : memref<640x16xf32, #tpu.memory_space<vmem_shared>>) dst(%dma_wait3A_18 : memref<640x16xf32, #tpu.memory_space<hbm>>)
        tpu.yield
      }) : () -> ()
    } else {
    }
    %ne3A = arith.constant 0 : i32
    %ne3A_11 = arith.cmpi ne, %arg0, %ne3A : i32
    %convert_element_type3A_12 = arith.extui %ne3A_11 : i1 to i32
    %cond3A_13 = arith.constant 0 : i32
    %cond3A_14 = arith.cmpi ne, %convert_element_type3A_12, %cond3A_13 : i32
    scf.if %cond3A_14 {
      "tpu.region"() ({
        %run_scoped3A = tpu.sem_alloc : memref<!tpu.dma_semaphore, #tpu.memory_space<semaphore_mem>>
        %dma_start3A = arith.constant 0 : i32
        %dma_start3A_15 = tpu.memref_slice %arg6[%mul3A_2, %dma_start3A] : memref<10240x16xf32, #tpu.memory_space<hbm>> -> memref<640x16xf32, #tpu.memory_space<hbm>>
        %dma_start3A_16 = arith.constant 0 : i32
        %dma_start3A_17 = tpu.memref_slice %arg9[%mul3A_2, %dma_start3A_16] : memref<10240x16xf32, #tpu.memory_space<vmem_shared>> -> memref<640x16xf32, #tpu.memory_space<vmem_shared>>
        tpu.enqueue_dma source(%dma_start3A_17 : memref<640x16xf32, #tpu.memory_space<vmem_shared>>) target(%dma_start3A_15 : memref<640x16xf32, #tpu.memory_space<hbm>>) target_semaphore(%run_scoped3A : memref<!tpu.dma_semaphore, #tpu.memory_space<semaphore_mem>>)
        %dma_wait3A = arith.constant 0 : i32
        %dma_wait3A_18 = tpu.memref_slice %arg6[%mul3A_2, %dma_wait3A] : memref<10240x16xf32, #tpu.memory_space<hbm>> -> memref<640x16xf32, #tpu.memory_space<hbm>>
        %dma_wait3A_19 = arith.constant 0 : i32
        %dma_wait3A_20 = tpu.memref_slice %arg9[%mul3A_2, %dma_wait3A_19] : memref<10240x16xf32, #tpu.memory_space<vmem_shared>> -> memref<640x16xf32, #tpu.memory_space<vmem_shared>>
        tpu.wait_dma2 semaphore(%run_scoped3A : memref<!tpu.dma_semaphore, #tpu.memory_space<semaphore_mem>>) src(%dma_wait3A_20 : memref<640x16xf32, #tpu.memory_space<vmem_shared>>) dst(%dma_wait3A_18 : memref<640x16xf32, #tpu.memory_space<hbm>>)
        tpu.yield
      }) : () -> ()
    } else {
    }
    return
  }
}

#map = affine_map<(d0, d1) -> (0, 0)>
#map1 = affine_map<(d0, d1) -> (0, 0, 0)>
module attributes {stable_mosaic.version = 14 : i64} {
  func.func @_sc_agg_body(%arg0: i32, %arg1: i32, %arg2: memref<10240x16xf32, #tpu.memory_space<hbm>>, %arg3: memref<32x80x128xi32, #tpu.memory_space<hbm>>, %arg4: memref<32x80x128xi32, #tpu.memory_space<hbm>>, %arg5: memref<10240x16xf32, #tpu.memory_space<hbm>>, %arg6: memref<10240x16xf32, #tpu.memory_space<hbm>>, %arg7: memref<10240x16xf32, #tpu.memory_space<hbm>>, %arg8: memref<80x128xi32, #tpu.memory_space<vmem>>, %arg9: memref<80x128xi32, #tpu.memory_space<vmem>>, %arg10: memref<8x128x16xf32, #tpu.memory_space<vmem>>, %arg11: memref<10240x16xf32, #tpu.memory_space<vmem_shared>>, %arg12: memref<!tpu.dma_semaphore, #tpu.memory_space<semaphore_mem>>, %arg13: memref<!tpu.dma_semaphore, #tpu.memory_space<semaphore_mem>>, %arg14: memref<!tpu.dma_semaphore, #tpu.memory_space<semaphore_mem>>, %arg15: memref<!tpu.dma_semaphore, #tpu.memory_space<semaphore_mem>>, %arg16: memref<!tpu.dma_semaphore, #tpu.memory_space<semaphore_mem>>, %arg17: memref<!tpu.dma_semaphore, #tpu.memory_space<semaphore_mem>>, %arg18: memref<!tpu.dma_semaphore, #tpu.memory_space<semaphore_mem>>, %arg19: memref<!tpu.dma_semaphore, #tpu.memory_space<semaphore_mem>>, %arg20: memref<!tpu.dma_semaphore, #tpu.memory_space<semaphore_mem>>, %arg21: memref<!tpu.dma_semaphore, #tpu.memory_space<semaphore_mem>>, %arg22: memref<!tpu.dma_semaphore, #tpu.memory_space<semaphore_mem>>, %arg23: memref<!tpu.dma_semaphore, #tpu.memory_space<semaphore_mem>>, %arg24: memref<!tpu.dma_semaphore, #tpu.memory_space<semaphore_mem>>, %arg25: memref<!tpu.dma_semaphore, #tpu.memory_space<semaphore_mem>>, %arg26: memref<!tpu.dma_semaphore, #tpu.memory_space<semaphore_mem>>, %arg27: memref<!tpu.dma_semaphore, #tpu.memory_space<semaphore_mem>>) attributes {dimension_semantics = [#tpu.dimension_semantics<core_parallel>, #tpu.dimension_semantics<subcore_parallel>], iteration_bounds = array<i64: 2, 16>, scalar_prefetch = 0 : i64, scratch_operands = 20 : i64, tpu.core_type = #tpu.core_type<sc_vector_subcore>, window_params = [{transform_indices = #map}, {transform_indices = #map1}, {transform_indices = #map1}, {transform_indices = #map}, {transform_indices = #map}, {transform_indices = #map}]} {
    %mul3A = arith.constant 16 : i32
    %mul3A_0 = arith.muli %arg0, %mul3A : i32
    %add3A = arith.addi %mul3A_0, %arg1 : i32
    %mul3A_1 = arith.constant 640 : i32
    %mul3A_2 = arith.muli %arg1, %mul3A_1 : i32
    "tpu.region"() ({
      %run_scoped3A = tpu.sem_alloc : memref<!tpu.dma_semaphore, #tpu.memory_space<semaphore_mem>>
      %dma_start3A_110 = arith.constant 0 : i32
      %dma_start3A_111 = tpu.memref_slice %arg11[%mul3A_2, %dma_start3A_110] : memref<10240x16xf32, #tpu.memory_space<vmem_shared>> -> memref<640x16xf32, #tpu.memory_space<vmem_shared>>
      %dma_start3A_112 = arith.constant 0 : i32
      %dma_start3A_113 = tpu.memref_slice %arg5[%mul3A_2, %dma_start3A_112] : memref<10240x16xf32, #tpu.memory_space<hbm>> -> memref<640x16xf32, #tpu.memory_space<hbm>>
      tpu.enqueue_dma source(%dma_start3A_113 : memref<640x16xf32, #tpu.memory_space<hbm>>) target(%dma_start3A_111 : memref<640x16xf32, #tpu.memory_space<vmem_shared>>) target_semaphore(%run_scoped3A : memref<!tpu.dma_semaphore, #tpu.memory_space<semaphore_mem>>)
      %dma_wait3A = arith.constant 0 : i32
      %dma_wait3A_114 = tpu.memref_slice %arg11[%mul3A_2, %dma_wait3A] : memref<10240x16xf32, #tpu.memory_space<vmem_shared>> -> memref<640x16xf32, #tpu.memory_space<vmem_shared>>
      %dma_wait3A_115 = arith.constant 0 : i32
      %dma_wait3A_116 = tpu.memref_slice %arg5[%mul3A_2, %dma_wait3A_115] : memref<10240x16xf32, #tpu.memory_space<hbm>> -> memref<640x16xf32, #tpu.memory_space<hbm>>
      tpu.wait_dma2 semaphore(%run_scoped3A : memref<!tpu.dma_semaphore, #tpu.memory_space<semaphore_mem>>) src(%dma_wait3A_116 : memref<640x16xf32, #tpu.memory_space<hbm>>) dst(%dma_wait3A_114 : memref<640x16xf32, #tpu.memory_space<vmem_shared>>)
      tpu.yield
    }) : () -> ()
    "tpu.region"() ({
      %run_scoped3A = tpu.sem_alloc : memref<!tpu.dma_semaphore, #tpu.memory_space<semaphore_mem>>
      %dma_start3A_110 = arith.constant 0 : i32
      %dma_start3A_111 = arith.constant 0 : i32
      %dma_start3A_112 = tpu.memref_slice %arg3[%add3A, %dma_start3A_110, %dma_start3A_111] : memref<32x80x128xi32, #tpu.memory_space<hbm>> -> memref<1x80x128xi32, #tpu.memory_space<hbm>>
      %dma_start3A_113 = tpu.memref_squeeze %dma_start3A_112 : memref<1x80x128xi32, #tpu.memory_space<hbm>> -> memref<80x128xi32, #tpu.memory_space<hbm>>
      %dma_start3A_114 = arith.constant 0 : i32
      %dma_start3A_115 = arith.constant 0 : i32
      %dma_start3A_116 = tpu.memref_slice %arg3[%add3A, %dma_start3A_114, %dma_start3A_115] : memref<32x80x128xi32, #tpu.memory_space<hbm>> -> memref<1x80x128xi32, #tpu.memory_space<hbm>>
      %dma_start3A_117 = tpu.memref_squeeze %dma_start3A_116 : memref<1x80x128xi32, #tpu.memory_space<hbm>> -> memref<80x128xi32, #tpu.memory_space<hbm>>
      tpu.enqueue_dma source(%dma_start3A_117 : memref<80x128xi32, #tpu.memory_space<hbm>>) target(%arg8 : memref<80x128xi32, #tpu.memory_space<vmem>>) target_semaphore(%run_scoped3A : memref<!tpu.dma_semaphore, #tpu.memory_space<semaphore_mem>>)
      %dma_wait3A = arith.constant 0 : i32
      %dma_wait3A_118 = arith.constant 0 : i32
      %dma_wait3A_119 = tpu.memref_slice %arg3[%add3A, %dma_wait3A, %dma_wait3A_118] : memref<32x80x128xi32, #tpu.memory_space<hbm>> -> memref<1x80x128xi32, #tpu.memory_space<hbm>>
      %dma_wait3A_120 = tpu.memref_squeeze %dma_wait3A_119 : memref<1x80x128xi32, #tpu.memory_space<hbm>> -> memref<80x128xi32, #tpu.memory_space<hbm>>
      %dma_wait3A_121 = arith.constant 0 : i32
      %dma_wait3A_122 = arith.constant 0 : i32
      %dma_wait3A_123 = tpu.memref_slice %arg3[%add3A, %dma_wait3A_121, %dma_wait3A_122] : memref<32x80x128xi32, #tpu.memory_space<hbm>> -> memref<1x80x128xi32, #tpu.memory_space<hbm>>
      %dma_wait3A_124 = tpu.memref_squeeze %dma_wait3A_123 : memref<1x80x128xi32, #tpu.memory_space<hbm>> -> memref<80x128xi32, #tpu.memory_space<hbm>>
      tpu.wait_dma2 semaphore(%run_scoped3A : memref<!tpu.dma_semaphore, #tpu.memory_space<semaphore_mem>>) src(%dma_wait3A_124 : memref<80x128xi32, #tpu.memory_space<hbm>>) dst(%arg8 : memref<80x128xi32, #tpu.memory_space<vmem>>)
      tpu.yield
    }) : () -> ()
    "tpu.region"() ({
      %run_scoped3A = tpu.sem_alloc : memref<!tpu.dma_semaphore, #tpu.memory_space<semaphore_mem>>
      %dma_start3A_110 = arith.constant 0 : i32
      %dma_start3A_111 = arith.constant 0 : i32
      %dma_start3A_112 = tpu.memref_slice %arg4[%add3A, %dma_start3A_110, %dma_start3A_111] : memref<32x80x128xi32, #tpu.memory_space<hbm>> -> memref<1x80x128xi32, #tpu.memory_space<hbm>>
      %dma_start3A_113 = tpu.memref_squeeze %dma_start3A_112 : memref<1x80x128xi32, #tpu.memory_space<hbm>> -> memref<80x128xi32, #tpu.memory_space<hbm>>
      %dma_start3A_114 = arith.constant 0 : i32
      %dma_start3A_115 = arith.constant 0 : i32
      %dma_start3A_116 = tpu.memref_slice %arg4[%add3A, %dma_start3A_114, %dma_start3A_115] : memref<32x80x128xi32, #tpu.memory_space<hbm>> -> memref<1x80x128xi32, #tpu.memory_space<hbm>>
      %dma_start3A_117 = tpu.memref_squeeze %dma_start3A_116 : memref<1x80x128xi32, #tpu.memory_space<hbm>> -> memref<80x128xi32, #tpu.memory_space<hbm>>
      tpu.enqueue_dma source(%dma_start3A_117 : memref<80x128xi32, #tpu.memory_space<hbm>>) target(%arg9 : memref<80x128xi32, #tpu.memory_space<vmem>>) target_semaphore(%run_scoped3A : memref<!tpu.dma_semaphore, #tpu.memory_space<semaphore_mem>>)
      %dma_wait3A = arith.constant 0 : i32
      %dma_wait3A_118 = arith.constant 0 : i32
      %dma_wait3A_119 = tpu.memref_slice %arg4[%add3A, %dma_wait3A, %dma_wait3A_118] : memref<32x80x128xi32, #tpu.memory_space<hbm>> -> memref<1x80x128xi32, #tpu.memory_space<hbm>>
      %dma_wait3A_120 = tpu.memref_squeeze %dma_wait3A_119 : memref<1x80x128xi32, #tpu.memory_space<hbm>> -> memref<80x128xi32, #tpu.memory_space<hbm>>
      %dma_wait3A_121 = arith.constant 0 : i32
      %dma_wait3A_122 = arith.constant 0 : i32
      %dma_wait3A_123 = tpu.memref_slice %arg4[%add3A, %dma_wait3A_121, %dma_wait3A_122] : memref<32x80x128xi32, #tpu.memory_space<hbm>> -> memref<1x80x128xi32, #tpu.memory_space<hbm>>
      %dma_wait3A_124 = tpu.memref_squeeze %dma_wait3A_123 : memref<1x80x128xi32, #tpu.memory_space<hbm>> -> memref<80x128xi32, #tpu.memory_space<hbm>>
      tpu.wait_dma2 semaphore(%run_scoped3A : memref<!tpu.dma_semaphore, #tpu.memory_space<semaphore_mem>>) src(%dma_wait3A_124 : memref<80x128xi32, #tpu.memory_space<hbm>>) dst(%arg9 : memref<80x128xi32, #tpu.memory_space<vmem>>)
      tpu.yield
    }) : () -> ()
    %barrier3A = arith.constant 0 : index
    tpu.barrier barrier_id(%barrier3A)
    %dma_start3A = arith.constant 0 : i32
    %dma_start3A_3 = arith.constant 0 : i32
    %dma_start3A_4 = arith.constant 0 : i32
    %dma_start3A_5 = arith.constant 0 : i32
    %dma_start3A_6 = tpu.memref_slice %arg10[%dma_start3A_3, %dma_start3A_4, %dma_start3A_5] : memref<8x128x16xf32, #tpu.memory_space<vmem>> -> memref<1x128x16xf32, #tpu.memory_space<vmem>>
    %dma_start3A_7 = tpu.memref_squeeze %dma_start3A_6 : memref<1x128x16xf32, #tpu.memory_space<vmem>> -> memref<128x16xf32, #tpu.memory_space<vmem>>
    %dma_start3A_8 = arith.constant 0 : i32
    %dma_start3A_9 = tpu.memref_slice %arg8[%dma_start3A, %dma_start3A_8] : memref<80x128xi32, #tpu.memory_space<vmem>> -> memref<1x128xi32, #tpu.memory_space<vmem>>
    %dma_start3A_10 = tpu.memref_squeeze %dma_start3A_9 : memref<1x128xi32, #tpu.memory_space<vmem>> -> memref<128xi32, #tpu.memory_space<vmem>>
    %dma_start3A_11 = arith.constant 0 : i32
    %dma_start3A_12 = arith.constant 0 : i32
    %dma_start3A_13 = tpu.memref_slice %arg2[%dma_start3A_11, %dma_start3A_12] : memref<10240x16xf32, #tpu.memory_space<hbm>> -> memref<10240x16xf32, #tpu.memory_space<hbm>>
    tpu.enqueue_indirect_dma source(%dma_start3A_13 : memref<10240x16xf32, #tpu.memory_space<hbm>>) target(%dma_start3A_7 : memref<128x16xf32, #tpu.memory_space<vmem>>) offsets(%dma_start3A_10 : memref<128xi32, #tpu.memory_space<vmem>>) semaphore(%arg12 : memref<!tpu.dma_semaphore, #tpu.memory_space<semaphore_mem>>)
    %dma_start3A_14 = arith.constant 1 : i32
    %dma_start3A_15 = arith.constant 1 : i32
    %dma_start3A_16 = arith.constant 0 : i32
    %dma_start3A_17 = arith.constant 0 : i32
    %dma_start3A_18 = tpu.memref_slice %arg10[%dma_start3A_15, %dma_start3A_16, %dma_start3A_17] : memref<8x128x16xf32, #tpu.memory_space<vmem>> -> memref<1x128x16xf32, #tpu.memory_space<vmem>>
    %dma_start3A_19 = tpu.memref_squeeze %dma_start3A_18 : memref<1x128x16xf32, #tpu.memory_space<vmem>> -> memref<128x16xf32, #tpu.memory_space<vmem>>
    %dma_start3A_20 = arith.constant 0 : i32
    %dma_start3A_21 = tpu.memref_slice %arg8[%dma_start3A_14, %dma_start3A_20] : memref<80x128xi32, #tpu.memory_space<vmem>> -> memref<1x128xi32, #tpu.memory_space<vmem>>
    %dma_start3A_22 = tpu.memref_squeeze %dma_start3A_21 : memref<1x128xi32, #tpu.memory_space<vmem>> -> memref<128xi32, #tpu.memory_space<vmem>>
    %dma_start3A_23 = arith.constant 0 : i32
    %dma_start3A_24 = arith.constant 0 : i32
    %dma_start3A_25 = tpu.memref_slice %arg2[%dma_start3A_23, %dma_start3A_24] : memref<10240x16xf32, #tpu.memory_space<hbm>> -> memref<10240x16xf32, #tpu.memory_space<hbm>>
    tpu.enqueue_indirect_dma source(%dma_start3A_25 : memref<10240x16xf32, #tpu.memory_space<hbm>>) target(%dma_start3A_19 : memref<128x16xf32, #tpu.memory_space<vmem>>) offsets(%dma_start3A_22 : memref<128xi32, #tpu.memory_space<vmem>>) semaphore(%arg13 : memref<!tpu.dma_semaphore, #tpu.memory_space<semaphore_mem>>)
    %dma_start3A_26 = arith.constant 2 : i32
    %dma_start3A_27 = arith.constant 2 : i32
    %dma_start3A_28 = arith.constant 0 : i32
    %dma_start3A_29 = arith.constant 0 : i32
    %dma_start3A_30 = tpu.memref_slice %arg10[%dma_start3A_27, %dma_start3A_28, %dma_start3A_29] : memref<8x128x16xf32, #tpu.memory_space<vmem>> -> memref<1x128x16xf32, #tpu.memory_space<vmem>>
    %dma_start3A_31 = tpu.memref_squeeze %dma_start3A_30 : memref<1x128x16xf32, #tpu.memory_space<vmem>> -> memref<128x16xf32, #tpu.memory_space<vmem>>
    %dma_start3A_32 = arith.constant 0 : i32
    %dma_start3A_33 = tpu.memref_slice %arg8[%dma_start3A_26, %dma_start3A_32] : memref<80x128xi32, #tpu.memory_space<vmem>> -> memref<1x128xi32, #tpu.memory_space<vmem>>
    %dma_start3A_34 = tpu.memref_squeeze %dma_start3A_33 : memref<1x128xi32, #tpu.memory_space<vmem>> -> memref<128xi32, #tpu.memory_space<vmem>>
    %dma_start3A_35 = arith.constant 0 : i32
    %dma_start3A_36 = arith.constant 0 : i32
    %dma_start3A_37 = tpu.memref_slice %arg2[%dma_start3A_35, %dma_start3A_36] : memref<10240x16xf32, #tpu.memory_space<hbm>> -> memref<10240x16xf32, #tpu.memory_space<hbm>>
    tpu.enqueue_indirect_dma source(%dma_start3A_37 : memref<10240x16xf32, #tpu.memory_space<hbm>>) target(%dma_start3A_31 : memref<128x16xf32, #tpu.memory_space<vmem>>) offsets(%dma_start3A_34 : memref<128xi32, #tpu.memory_space<vmem>>) semaphore(%arg14 : memref<!tpu.dma_semaphore, #tpu.memory_space<semaphore_mem>>)
    %dma_start3A_38 = arith.constant 3 : i32
    %dma_start3A_39 = arith.constant 3 : i32
    %dma_start3A_40 = arith.constant 0 : i32
    %dma_start3A_41 = arith.constant 0 : i32
    %dma_start3A_42 = tpu.memref_slice %arg10[%dma_start3A_39, %dma_start3A_40, %dma_start3A_41] : memref<8x128x16xf32, #tpu.memory_space<vmem>> -> memref<1x128x16xf32, #tpu.memory_space<vmem>>
    %dma_start3A_43 = tpu.memref_squeeze %dma_start3A_42 : memref<1x128x16xf32, #tpu.memory_space<vmem>> -> memref<128x16xf32, #tpu.memory_space<vmem>>
    %dma_start3A_44 = arith.constant 0 : i32
    %dma_start3A_45 = tpu.memref_slice %arg8[%dma_start3A_38, %dma_start3A_44] : memref<80x128xi32, #tpu.memory_space<vmem>> -> memref<1x128xi32, #tpu.memory_space<vmem>>
    %dma_start3A_46 = tpu.memref_squeeze %dma_start3A_45 : memref<1x128xi32, #tpu.memory_space<vmem>> -> memref<128xi32, #tpu.memory_space<vmem>>
    %dma_start3A_47 = arith.constant 0 : i32
    %dma_start3A_48 = arith.constant 0 : i32
    %dma_start3A_49 = tpu.memref_slice %arg2[%dma_start3A_47, %dma_start3A_48] : memref<10240x16xf32, #tpu.memory_space<hbm>> -> memref<10240x16xf32, #tpu.memory_space<hbm>>
    tpu.enqueue_indirect_dma source(%dma_start3A_49 : memref<10240x16xf32, #tpu.memory_space<hbm>>) target(%dma_start3A_43 : memref<128x16xf32, #tpu.memory_space<vmem>>) offsets(%dma_start3A_46 : memref<128xi32, #tpu.memory_space<vmem>>) semaphore(%arg15 : memref<!tpu.dma_semaphore, #tpu.memory_space<semaphore_mem>>)
    %dma_start3A_50 = arith.constant 4 : i32
    %dma_start3A_51 = arith.constant 4 : i32
    %dma_start3A_52 = arith.constant 0 : i32
    %dma_start3A_53 = arith.constant 0 : i32
    %dma_start3A_54 = tpu.memref_slice %arg10[%dma_start3A_51, %dma_start3A_52, %dma_start3A_53] : memref<8x128x16xf32, #tpu.memory_space<vmem>> -> memref<1x128x16xf32, #tpu.memory_space<vmem>>
    %dma_start3A_55 = tpu.memref_squeeze %dma_start3A_54 : memref<1x128x16xf32, #tpu.memory_space<vmem>> -> memref<128x16xf32, #tpu.memory_space<vmem>>
    %dma_start3A_56 = arith.constant 0 : i32
    %dma_start3A_57 = tpu.memref_slice %arg8[%dma_start3A_50, %dma_start3A_56] : memref<80x128xi32, #tpu.memory_space<vmem>> -> memref<1x128xi32, #tpu.memory_space<vmem>>
    %dma_start3A_58 = tpu.memref_squeeze %dma_start3A_57 : memref<1x128xi32, #tpu.memory_space<vmem>> -> memref<128xi32, #tpu.memory_space<vmem>>
    %dma_start3A_59 = arith.constant 0 : i32
    %dma_start3A_60 = arith.constant 0 : i32
    %dma_start3A_61 = tpu.memref_slice %arg2[%dma_start3A_59, %dma_start3A_60] : memref<10240x16xf32, #tpu.memory_space<hbm>> -> memref<10240x16xf32, #tpu.memory_space<hbm>>
    tpu.enqueue_indirect_dma source(%dma_start3A_61 : memref<10240x16xf32, #tpu.memory_space<hbm>>) target(%dma_start3A_55 : memref<128x16xf32, #tpu.memory_space<vmem>>) offsets(%dma_start3A_58 : memref<128xi32, #tpu.memory_space<vmem>>) semaphore(%arg16 : memref<!tpu.dma_semaphore, #tpu.memory_space<semaphore_mem>>)
    %dma_start3A_62 = arith.constant 5 : i32
    %dma_start3A_63 = arith.constant 5 : i32
    %dma_start3A_64 = arith.constant 0 : i32
    %dma_start3A_65 = arith.constant 0 : i32
    %dma_start3A_66 = tpu.memref_slice %arg10[%dma_start3A_63, %dma_start3A_64, %dma_start3A_65] : memref<8x128x16xf32, #tpu.memory_space<vmem>> -> memref<1x128x16xf32, #tpu.memory_space<vmem>>
    %dma_start3A_67 = tpu.memref_squeeze %dma_start3A_66 : memref<1x128x16xf32, #tpu.memory_space<vmem>> -> memref<128x16xf32, #tpu.memory_space<vmem>>
    %dma_start3A_68 = arith.constant 0 : i32
    %dma_start3A_69 = tpu.memref_slice %arg8[%dma_start3A_62, %dma_start3A_68] : memref<80x128xi32, #tpu.memory_space<vmem>> -> memref<1x128xi32, #tpu.memory_space<vmem>>
    %dma_start3A_70 = tpu.memref_squeeze %dma_start3A_69 : memref<1x128xi32, #tpu.memory_space<vmem>> -> memref<128xi32, #tpu.memory_space<vmem>>
    %dma_start3A_71 = arith.constant 0 : i32
    %dma_start3A_72 = arith.constant 0 : i32
    %dma_start3A_73 = tpu.memref_slice %arg2[%dma_start3A_71, %dma_start3A_72] : memref<10240x16xf32, #tpu.memory_space<hbm>> -> memref<10240x16xf32, #tpu.memory_space<hbm>>
    tpu.enqueue_indirect_dma source(%dma_start3A_73 : memref<10240x16xf32, #tpu.memory_space<hbm>>) target(%dma_start3A_67 : memref<128x16xf32, #tpu.memory_space<vmem>>) offsets(%dma_start3A_70 : memref<128xi32, #tpu.memory_space<vmem>>) semaphore(%arg17 : memref<!tpu.dma_semaphore, #tpu.memory_space<semaphore_mem>>)
    %dma_start3A_74 = arith.constant 6 : i32
    %dma_start3A_75 = arith.constant 6 : i32
    %dma_start3A_76 = arith.constant 0 : i32
    %dma_start3A_77 = arith.constant 0 : i32
    %dma_start3A_78 = tpu.memref_slice %arg10[%dma_start3A_75, %dma_start3A_76, %dma_start3A_77] : memref<8x128x16xf32, #tpu.memory_space<vmem>> -> memref<1x128x16xf32, #tpu.memory_space<vmem>>
    %dma_start3A_79 = tpu.memref_squeeze %dma_start3A_78 : memref<1x128x16xf32, #tpu.memory_space<vmem>> -> memref<128x16xf32, #tpu.memory_space<vmem>>
    %dma_start3A_80 = arith.constant 0 : i32
    %dma_start3A_81 = tpu.memref_slice %arg8[%dma_start3A_74, %dma_start3A_80] : memref<80x128xi32, #tpu.memory_space<vmem>> -> memref<1x128xi32, #tpu.memory_space<vmem>>
    %dma_start3A_82 = tpu.memref_squeeze %dma_start3A_81 : memref<1x128xi32, #tpu.memory_space<vmem>> -> memref<128xi32, #tpu.memory_space<vmem>>
    %dma_start3A_83 = arith.constant 0 : i32
    %dma_start3A_84 = arith.constant 0 : i32
    %dma_start3A_85 = tpu.memref_slice %arg2[%dma_start3A_83, %dma_start3A_84] : memref<10240x16xf32, #tpu.memory_space<hbm>> -> memref<10240x16xf32, #tpu.memory_space<hbm>>
    tpu.enqueue_indirect_dma source(%dma_start3A_85 : memref<10240x16xf32, #tpu.memory_space<hbm>>) target(%dma_start3A_79 : memref<128x16xf32, #tpu.memory_space<vmem>>) offsets(%dma_start3A_82 : memref<128xi32, #tpu.memory_space<vmem>>) semaphore(%arg18 : memref<!tpu.dma_semaphore, #tpu.memory_space<semaphore_mem>>)
    %dma_start3A_86 = arith.constant 7 : i32
    %dma_start3A_87 = arith.constant 7 : i32
    %dma_start3A_88 = arith.constant 0 : i32
    %dma_start3A_89 = arith.constant 0 : i32
    %dma_start3A_90 = tpu.memref_slice %arg10[%dma_start3A_87, %dma_start3A_88, %dma_start3A_89] : memref<8x128x16xf32, #tpu.memory_space<vmem>> -> memref<1x128x16xf32, #tpu.memory_space<vmem>>
    %dma_start3A_91 = tpu.memref_squeeze %dma_start3A_90 : memref<1x128x16xf32, #tpu.memory_space<vmem>> -> memref<128x16xf32, #tpu.memory_space<vmem>>
    %dma_start3A_92 = arith.constant 0 : i32
    %dma_start3A_93 = tpu.memref_slice %arg8[%dma_start3A_86, %dma_start3A_92] : memref<80x128xi32, #tpu.memory_space<vmem>> -> memref<1x128xi32, #tpu.memory_space<vmem>>
    %dma_start3A_94 = tpu.memref_squeeze %dma_start3A_93 : memref<1x128xi32, #tpu.memory_space<vmem>> -> memref<128xi32, #tpu.memory_space<vmem>>
    %dma_start3A_95 = arith.constant 0 : i32
    %dma_start3A_96 = arith.constant 0 : i32
    %dma_start3A_97 = tpu.memref_slice %arg2[%dma_start3A_95, %dma_start3A_96] : memref<10240x16xf32, #tpu.memory_space<hbm>> -> memref<10240x16xf32, #tpu.memory_space<hbm>>
    tpu.enqueue_indirect_dma source(%dma_start3A_97 : memref<10240x16xf32, #tpu.memory_space<hbm>>) target(%dma_start3A_91 : memref<128x16xf32, #tpu.memory_space<vmem>>) offsets(%dma_start3A_94 : memref<128xi32, #tpu.memory_space<vmem>>) semaphore(%arg19 : memref<!tpu.dma_semaphore, #tpu.memory_space<semaphore_mem>>)
    %scan3A = arith.constant 0 : i32
    %scan3A_98 = arith.constant 0 : i32
    %scan3A_99 = arith.constant 10 : i32
    %scan3A_100 = arith.addi %scan3A_98, %scan3A_99 : i32
    %scan3A_101 = arith.constant 1 : i32
    scf.for %scan3A_110 = %scan3A_98 to %scan3A_100 step %scan3A_101  : i32 {
      %mul3A_111 = arith.constant 8 : i32
      %mul3A_112 = arith.muli %scan3A_110, %mul3A_111 : i32
      %add3A_113 = arith.constant 0 : i32
      %add3A_114 = arith.addi %mul3A_112, %add3A_113 : i32
      %dma_wait3A = arith.constant 0 : i32
      %dma_wait3A_115 = arith.constant 0 : i32
      %dma_wait3A_116 = arith.constant 0 : i32
      %dma_wait3A_117 = tpu.memref_slice %arg10[%dma_wait3A, %dma_wait3A_115, %dma_wait3A_116] : memref<8x128x16xf32, #tpu.memory_space<vmem>> -> memref<1x128x16xf32, #tpu.memory_space<vmem>>
      %dma_wait3A_118 = tpu.memref_squeeze %dma_wait3A_117 : memref<1x128x16xf32, #tpu.memory_space<vmem>> -> memref<128x16xf32, #tpu.memory_space<vmem>>
      %dma_wait3A_119 = arith.constant 0 : i32
      %dma_wait3A_120 = tpu.memref_slice %arg8[%add3A_114, %dma_wait3A_119] : memref<80x128xi32, #tpu.memory_space<vmem>> -> memref<1x128xi32, #tpu.memory_space<vmem>>
      %dma_wait3A_121 = tpu.memref_squeeze %dma_wait3A_120 : memref<1x128xi32, #tpu.memory_space<vmem>> -> memref<128xi32, #tpu.memory_space<vmem>>
      %dma_wait3A_122 = arith.constant 0 : i32
      %dma_wait3A_123 = arith.constant 0 : i32
      %dma_wait3A_124 = tpu.memref_slice %arg2[%dma_wait3A_122, %dma_wait3A_123] : memref<10240x16xf32, #tpu.memory_space<hbm>> -> memref<10240x16xf32, #tpu.memory_space<hbm>>
      tpu.wait_indirect_dma semaphore(%arg12 : memref<!tpu.dma_semaphore, #tpu.memory_space<semaphore_mem>>) src(%dma_wait3A_124 : memref<10240x16xf32, #tpu.memory_space<hbm>>) dst(%dma_wait3A_118 : memref<128x16xf32, #tpu.memory_space<vmem>>)
      %dma_start3A_125 = arith.constant 0 : i32
      %dma_start3A_126 = arith.constant 0 : i32
      %dma_start3A_127 = arith.constant 0 : i32
      %dma_start3A_128 = tpu.memref_slice %arg10[%dma_start3A_125, %dma_start3A_126, %dma_start3A_127] : memref<8x128x16xf32, #tpu.memory_space<vmem>> -> memref<1x128x16xf32, #tpu.memory_space<vmem>>
      %dma_start3A_129 = tpu.memref_squeeze %dma_start3A_128 : memref<1x128x16xf32, #tpu.memory_space<vmem>> -> memref<128x16xf32, #tpu.memory_space<vmem>>
      %dma_start3A_130 = arith.constant 0 : i32
      %dma_start3A_131 = tpu.memref_slice %arg9[%add3A_114, %dma_start3A_130] : memref<80x128xi32, #tpu.memory_space<vmem>> -> memref<1x128xi32, #tpu.memory_space<vmem>>
      %dma_start3A_132 = tpu.memref_squeeze %dma_start3A_131 : memref<1x128xi32, #tpu.memory_space<vmem>> -> memref<128xi32, #tpu.memory_space<vmem>>
      %dma_start3A_133 = arith.constant 0 : i32
      %dma_start3A_134 = arith.constant 0 : i32
      %dma_start3A_135 = tpu.memref_slice %arg11[%dma_start3A_133, %dma_start3A_134] : memref<10240x16xf32, #tpu.memory_space<vmem_shared>> -> memref<10240x16xf32, #tpu.memory_space<vmem_shared>>
      tpu.enqueue_indirect_dma source(%dma_start3A_129 : memref<128x16xf32, #tpu.memory_space<vmem>>) target(%dma_start3A_135 : memref<10240x16xf32, #tpu.memory_space<vmem_shared>>) offsets(%dma_start3A_132 : memref<128xi32, #tpu.memory_space<vmem>>) semaphore(%arg20 : memref<!tpu.dma_semaphore, #tpu.memory_space<semaphore_mem>>) {add = true}
      %mul3A_136 = arith.constant 8 : i32
      %mul3A_137 = arith.muli %scan3A_110, %mul3A_136 : i32
      %add3A_138 = arith.constant 1 : i32
      %add3A_139 = arith.addi %mul3A_137, %add3A_138 : i32
      %dma_wait3A_140 = arith.constant 1 : i32
      %dma_wait3A_141 = arith.constant 0 : i32
      %dma_wait3A_142 = arith.constant 0 : i32
      %dma_wait3A_143 = tpu.memref_slice %arg10[%dma_wait3A_140, %dma_wait3A_141, %dma_wait3A_142] : memref<8x128x16xf32, #tpu.memory_space<vmem>> -> memref<1x128x16xf32, #tpu.memory_space<vmem>>
      %dma_wait3A_144 = tpu.memref_squeeze %dma_wait3A_143 : memref<1x128x16xf32, #tpu.memory_space<vmem>> -> memref<128x16xf32, #tpu.memory_space<vmem>>
      %dma_wait3A_145 = arith.constant 0 : i32
      %dma_wait3A_146 = tpu.memref_slice %arg8[%add3A_139, %dma_wait3A_145] : memref<80x128xi32, #tpu.memory_space<vmem>> -> memref<1x128xi32, #tpu.memory_space<vmem>>
      %dma_wait3A_147 = tpu.memref_squeeze %dma_wait3A_146 : memref<1x128xi32, #tpu.memory_space<vmem>> -> memref<128xi32, #tpu.memory_space<vmem>>
      %dma_wait3A_148 = arith.constant 0 : i32
      %dma_wait3A_149 = arith.constant 0 : i32
      %dma_wait3A_150 = tpu.memref_slice %arg2[%dma_wait3A_148, %dma_wait3A_149] : memref<10240x16xf32, #tpu.memory_space<hbm>> -> memref<10240x16xf32, #tpu.memory_space<hbm>>
      tpu.wait_indirect_dma semaphore(%arg13 : memref<!tpu.dma_semaphore, #tpu.memory_space<semaphore_mem>>) src(%dma_wait3A_150 : memref<10240x16xf32, #tpu.memory_space<hbm>>) dst(%dma_wait3A_144 : memref<128x16xf32, #tpu.memory_space<vmem>>)
      %dma_start3A_151 = arith.constant 1 : i32
      %dma_start3A_152 = arith.constant 0 : i32
      %dma_start3A_153 = arith.constant 0 : i32
      %dma_start3A_154 = tpu.memref_slice %arg10[%dma_start3A_151, %dma_start3A_152, %dma_start3A_153] : memref<8x128x16xf32, #tpu.memory_space<vmem>> -> memref<1x128x16xf32, #tpu.memory_space<vmem>>
      %dma_start3A_155 = tpu.memref_squeeze %dma_start3A_154 : memref<1x128x16xf32, #tpu.memory_space<vmem>> -> memref<128x16xf32, #tpu.memory_space<vmem>>
      %dma_start3A_156 = arith.constant 0 : i32
      %dma_start3A_157 = tpu.memref_slice %arg9[%add3A_139, %dma_start3A_156] : memref<80x128xi32, #tpu.memory_space<vmem>> -> memref<1x128xi32, #tpu.memory_space<vmem>>
      %dma_start3A_158 = tpu.memref_squeeze %dma_start3A_157 : memref<1x128xi32, #tpu.memory_space<vmem>> -> memref<128xi32, #tpu.memory_space<vmem>>
      %dma_start3A_159 = arith.constant 0 : i32
      %dma_start3A_160 = arith.constant 0 : i32
      %dma_start3A_161 = tpu.memref_slice %arg11[%dma_start3A_159, %dma_start3A_160] : memref<10240x16xf32, #tpu.memory_space<vmem_shared>> -> memref<10240x16xf32, #tpu.memory_space<vmem_shared>>
      tpu.enqueue_indirect_dma source(%dma_start3A_155 : memref<128x16xf32, #tpu.memory_space<vmem>>) target(%dma_start3A_161 : memref<10240x16xf32, #tpu.memory_space<vmem_shared>>) offsets(%dma_start3A_158 : memref<128xi32, #tpu.memory_space<vmem>>) semaphore(%arg21 : memref<!tpu.dma_semaphore, #tpu.memory_space<semaphore_mem>>) {add = true}
      %mul3A_162 = arith.constant 8 : i32
      %mul3A_163 = arith.muli %scan3A_110, %mul3A_162 : i32
      %add3A_164 = arith.constant 2 : i32
      %add3A_165 = arith.addi %mul3A_163, %add3A_164 : i32
      %dma_wait3A_166 = arith.constant 2 : i32
      %dma_wait3A_167 = arith.constant 0 : i32
      %dma_wait3A_168 = arith.constant 0 : i32
      %dma_wait3A_169 = tpu.memref_slice %arg10[%dma_wait3A_166, %dma_wait3A_167, %dma_wait3A_168] : memref<8x128x16xf32, #tpu.memory_space<vmem>> -> memref<1x128x16xf32, #tpu.memory_space<vmem>>
      %dma_wait3A_170 = tpu.memref_squeeze %dma_wait3A_169 : memref<1x128x16xf32, #tpu.memory_space<vmem>> -> memref<128x16xf32, #tpu.memory_space<vmem>>
      %dma_wait3A_171 = arith.constant 0 : i32
      %dma_wait3A_172 = tpu.memref_slice %arg8[%add3A_165, %dma_wait3A_171] : memref<80x128xi32, #tpu.memory_space<vmem>> -> memref<1x128xi32, #tpu.memory_space<vmem>>
      %dma_wait3A_173 = tpu.memref_squeeze %dma_wait3A_172 : memref<1x128xi32, #tpu.memory_space<vmem>> -> memref<128xi32, #tpu.memory_space<vmem>>
      %dma_wait3A_174 = arith.constant 0 : i32
      %dma_wait3A_175 = arith.constant 0 : i32
      %dma_wait3A_176 = tpu.memref_slice %arg2[%dma_wait3A_174, %dma_wait3A_175] : memref<10240x16xf32, #tpu.memory_space<hbm>> -> memref<10240x16xf32, #tpu.memory_space<hbm>>
      tpu.wait_indirect_dma semaphore(%arg14 : memref<!tpu.dma_semaphore, #tpu.memory_space<semaphore_mem>>) src(%dma_wait3A_176 : memref<10240x16xf32, #tpu.memory_space<hbm>>) dst(%dma_wait3A_170 : memref<128x16xf32, #tpu.memory_space<vmem>>)
      %dma_start3A_177 = arith.constant 2 : i32
      %dma_start3A_178 = arith.constant 0 : i32
      %dma_start3A_179 = arith.constant 0 : i32
      %dma_start3A_180 = tpu.memref_slice %arg10[%dma_start3A_177, %dma_start3A_178, %dma_start3A_179] : memref<8x128x16xf32, #tpu.memory_space<vmem>> -> memref<1x128x16xf32, #tpu.memory_space<vmem>>
      %dma_start3A_181 = tpu.memref_squeeze %dma_start3A_180 : memref<1x128x16xf32, #tpu.memory_space<vmem>> -> memref<128x16xf32, #tpu.memory_space<vmem>>
      %dma_start3A_182 = arith.constant 0 : i32
      %dma_start3A_183 = tpu.memref_slice %arg9[%add3A_165, %dma_start3A_182] : memref<80x128xi32, #tpu.memory_space<vmem>> -> memref<1x128xi32, #tpu.memory_space<vmem>>
      %dma_start3A_184 = tpu.memref_squeeze %dma_start3A_183 : memref<1x128xi32, #tpu.memory_space<vmem>> -> memref<128xi32, #tpu.memory_space<vmem>>
      %dma_start3A_185 = arith.constant 0 : i32
      %dma_start3A_186 = arith.constant 0 : i32
      %dma_start3A_187 = tpu.memref_slice %arg11[%dma_start3A_185, %dma_start3A_186] : memref<10240x16xf32, #tpu.memory_space<vmem_shared>> -> memref<10240x16xf32, #tpu.memory_space<vmem_shared>>
      tpu.enqueue_indirect_dma source(%dma_start3A_181 : memref<128x16xf32, #tpu.memory_space<vmem>>) target(%dma_start3A_187 : memref<10240x16xf32, #tpu.memory_space<vmem_shared>>) offsets(%dma_start3A_184 : memref<128xi32, #tpu.memory_space<vmem>>) semaphore(%arg22 : memref<!tpu.dma_semaphore, #tpu.memory_space<semaphore_mem>>) {add = true}
      %mul3A_188 = arith.constant 8 : i32
      %mul3A_189 = arith.muli %scan3A_110, %mul3A_188 : i32
      %add3A_190 = arith.constant 3 : i32
      %add3A_191 = arith.addi %mul3A_189, %add3A_190 : i32
      %dma_wait3A_192 = arith.constant 3 : i32
      %dma_wait3A_193 = arith.constant 0 : i32
      %dma_wait3A_194 = arith.constant 0 : i32
      %dma_wait3A_195 = tpu.memref_slice %arg10[%dma_wait3A_192, %dma_wait3A_193, %dma_wait3A_194] : memref<8x128x16xf32, #tpu.memory_space<vmem>> -> memref<1x128x16xf32, #tpu.memory_space<vmem>>
      %dma_wait3A_196 = tpu.memref_squeeze %dma_wait3A_195 : memref<1x128x16xf32, #tpu.memory_space<vmem>> -> memref<128x16xf32, #tpu.memory_space<vmem>>
      %dma_wait3A_197 = arith.constant 0 : i32
      %dma_wait3A_198 = tpu.memref_slice %arg8[%add3A_191, %dma_wait3A_197] : memref<80x128xi32, #tpu.memory_space<vmem>> -> memref<1x128xi32, #tpu.memory_space<vmem>>
      %dma_wait3A_199 = tpu.memref_squeeze %dma_wait3A_198 : memref<1x128xi32, #tpu.memory_space<vmem>> -> memref<128xi32, #tpu.memory_space<vmem>>
      %dma_wait3A_200 = arith.constant 0 : i32
      %dma_wait3A_201 = arith.constant 0 : i32
      %dma_wait3A_202 = tpu.memref_slice %arg2[%dma_wait3A_200, %dma_wait3A_201] : memref<10240x16xf32, #tpu.memory_space<hbm>> -> memref<10240x16xf32, #tpu.memory_space<hbm>>
      tpu.wait_indirect_dma semaphore(%arg15 : memref<!tpu.dma_semaphore, #tpu.memory_space<semaphore_mem>>) src(%dma_wait3A_202 : memref<10240x16xf32, #tpu.memory_space<hbm>>) dst(%dma_wait3A_196 : memref<128x16xf32, #tpu.memory_space<vmem>>)
      %dma_start3A_203 = arith.constant 3 : i32
      %dma_start3A_204 = arith.constant 0 : i32
      %dma_start3A_205 = arith.constant 0 : i32
      %dma_start3A_206 = tpu.memref_slice %arg10[%dma_start3A_203, %dma_start3A_204, %dma_start3A_205] : memref<8x128x16xf32, #tpu.memory_space<vmem>> -> memref<1x128x16xf32, #tpu.memory_space<vmem>>
      %dma_start3A_207 = tpu.memref_squeeze %dma_start3A_206 : memref<1x128x16xf32, #tpu.memory_space<vmem>> -> memref<128x16xf32, #tpu.memory_space<vmem>>
      %dma_start3A_208 = arith.constant 0 : i32
      %dma_start3A_209 = tpu.memref_slice %arg9[%add3A_191, %dma_start3A_208] : memref<80x128xi32, #tpu.memory_space<vmem>> -> memref<1x128xi32, #tpu.memory_space<vmem>>
      %dma_start3A_210 = tpu.memref_squeeze %dma_start3A_209 : memref<1x128xi32, #tpu.memory_space<vmem>> -> memref<128xi32, #tpu.memory_space<vmem>>
      %dma_start3A_211 = arith.constant 0 : i32
      %dma_start3A_212 = arith.constant 0 : i32
      %dma_start3A_213 = tpu.memref_slice %arg11[%dma_start3A_211, %dma_start3A_212] : memref<10240x16xf32, #tpu.memory_space<vmem_shared>> -> memref<10240x16xf32, #tpu.memory_space<vmem_shared>>
      tpu.enqueue_indirect_dma source(%dma_start3A_207 : memref<128x16xf32, #tpu.memory_space<vmem>>) target(%dma_start3A_213 : memref<10240x16xf32, #tpu.memory_space<vmem_shared>>) offsets(%dma_start3A_210 : memref<128xi32, #tpu.memory_space<vmem>>) semaphore(%arg23 : memref<!tpu.dma_semaphore, #tpu.memory_space<semaphore_mem>>) {add = true}
      %mul3A_214 = arith.constant 8 : i32
      %mul3A_215 = arith.muli %scan3A_110, %mul3A_214 : i32
      %add3A_216 = arith.constant 4 : i32
      %add3A_217 = arith.addi %mul3A_215, %add3A_216 : i32
      %dma_wait3A_218 = arith.constant 4 : i32
      %dma_wait3A_219 = arith.constant 0 : i32
      %dma_wait3A_220 = arith.constant 0 : i32
      %dma_wait3A_221 = tpu.memref_slice %arg10[%dma_wait3A_218, %dma_wait3A_219, %dma_wait3A_220] : memref<8x128x16xf32, #tpu.memory_space<vmem>> -> memref<1x128x16xf32, #tpu.memory_space<vmem>>
      %dma_wait3A_222 = tpu.memref_squeeze %dma_wait3A_221 : memref<1x128x16xf32, #tpu.memory_space<vmem>> -> memref<128x16xf32, #tpu.memory_space<vmem>>
      %dma_wait3A_223 = arith.constant 0 : i32
      %dma_wait3A_224 = tpu.memref_slice %arg8[%add3A_217, %dma_wait3A_223] : memref<80x128xi32, #tpu.memory_space<vmem>> -> memref<1x128xi32, #tpu.memory_space<vmem>>
      %dma_wait3A_225 = tpu.memref_squeeze %dma_wait3A_224 : memref<1x128xi32, #tpu.memory_space<vmem>> -> memref<128xi32, #tpu.memory_space<vmem>>
      %dma_wait3A_226 = arith.constant 0 : i32
      %dma_wait3A_227 = arith.constant 0 : i32
      %dma_wait3A_228 = tpu.memref_slice %arg2[%dma_wait3A_226, %dma_wait3A_227] : memref<10240x16xf32, #tpu.memory_space<hbm>> -> memref<10240x16xf32, #tpu.memory_space<hbm>>
      tpu.wait_indirect_dma semaphore(%arg16 : memref<!tpu.dma_semaphore, #tpu.memory_space<semaphore_mem>>) src(%dma_wait3A_228 : memref<10240x16xf32, #tpu.memory_space<hbm>>) dst(%dma_wait3A_222 : memref<128x16xf32, #tpu.memory_space<vmem>>)
      %dma_start3A_229 = arith.constant 4 : i32
      %dma_start3A_230 = arith.constant 0 : i32
      %dma_start3A_231 = arith.constant 0 : i32
      %dma_start3A_232 = tpu.memref_slice %arg10[%dma_start3A_229, %dma_start3A_230, %dma_start3A_231] : memref<8x128x16xf32, #tpu.memory_space<vmem>> -> memref<1x128x16xf32, #tpu.memory_space<vmem>>
      %dma_start3A_233 = tpu.memref_squeeze %dma_start3A_232 : memref<1x128x16xf32, #tpu.memory_space<vmem>> -> memref<128x16xf32, #tpu.memory_space<vmem>>
      %dma_start3A_234 = arith.constant 0 : i32
      %dma_start3A_235 = tpu.memref_slice %arg9[%add3A_217, %dma_start3A_234] : memref<80x128xi32, #tpu.memory_space<vmem>> -> memref<1x128xi32, #tpu.memory_space<vmem>>
      %dma_start3A_236 = tpu.memref_squeeze %dma_start3A_235 : memref<1x128xi32, #tpu.memory_space<vmem>> -> memref<128xi32, #tpu.memory_space<vmem>>
      %dma_start3A_237 = arith.constant 0 : i32
      %dma_start3A_238 = arith.constant 0 : i32
      %dma_start3A_239 = tpu.memref_slice %arg11[%dma_start3A_237, %dma_start3A_238] : memref<10240x16xf32, #tpu.memory_space<vmem_shared>> -> memref<10240x16xf32, #tpu.memory_space<vmem_shared>>
      tpu.enqueue_indirect_dma source(%dma_start3A_233 : memref<128x16xf32, #tpu.memory_space<vmem>>) target(%dma_start3A_239 : memref<10240x16xf32, #tpu.memory_space<vmem_shared>>) offsets(%dma_start3A_236 : memref<128xi32, #tpu.memory_space<vmem>>) semaphore(%arg24 : memref<!tpu.dma_semaphore, #tpu.memory_space<semaphore_mem>>) {add = true}
      %mul3A_240 = arith.constant 8 : i32
      %mul3A_241 = arith.muli %scan3A_110, %mul3A_240 : i32
      %add3A_242 = arith.constant 5 : i32
      %add3A_243 = arith.addi %mul3A_241, %add3A_242 : i32
      %dma_wait3A_244 = arith.constant 5 : i32
      %dma_wait3A_245 = arith.constant 0 : i32
      %dma_wait3A_246 = arith.constant 0 : i32
      %dma_wait3A_247 = tpu.memref_slice %arg10[%dma_wait3A_244, %dma_wait3A_245, %dma_wait3A_246] : memref<8x128x16xf32, #tpu.memory_space<vmem>> -> memref<1x128x16xf32, #tpu.memory_space<vmem>>
      %dma_wait3A_248 = tpu.memref_squeeze %dma_wait3A_247 : memref<1x128x16xf32, #tpu.memory_space<vmem>> -> memref<128x16xf32, #tpu.memory_space<vmem>>
      %dma_wait3A_249 = arith.constant 0 : i32
      %dma_wait3A_250 = tpu.memref_slice %arg8[%add3A_243, %dma_wait3A_249] : memref<80x128xi32, #tpu.memory_space<vmem>> -> memref<1x128xi32, #tpu.memory_space<vmem>>
      %dma_wait3A_251 = tpu.memref_squeeze %dma_wait3A_250 : memref<1x128xi32, #tpu.memory_space<vmem>> -> memref<128xi32, #tpu.memory_space<vmem>>
      %dma_wait3A_252 = arith.constant 0 : i32
      %dma_wait3A_253 = arith.constant 0 : i32
      %dma_wait3A_254 = tpu.memref_slice %arg2[%dma_wait3A_252, %dma_wait3A_253] : memref<10240x16xf32, #tpu.memory_space<hbm>> -> memref<10240x16xf32, #tpu.memory_space<hbm>>
      tpu.wait_indirect_dma semaphore(%arg17 : memref<!tpu.dma_semaphore, #tpu.memory_space<semaphore_mem>>) src(%dma_wait3A_254 : memref<10240x16xf32, #tpu.memory_space<hbm>>) dst(%dma_wait3A_248 : memref<128x16xf32, #tpu.memory_space<vmem>>)
      %dma_start3A_255 = arith.constant 5 : i32
      %dma_start3A_256 = arith.constant 0 : i32
      %dma_start3A_257 = arith.constant 0 : i32
      %dma_start3A_258 = tpu.memref_slice %arg10[%dma_start3A_255, %dma_start3A_256, %dma_start3A_257] : memref<8x128x16xf32, #tpu.memory_space<vmem>> -> memref<1x128x16xf32, #tpu.memory_space<vmem>>
      %dma_start3A_259 = tpu.memref_squeeze %dma_start3A_258 : memref<1x128x16xf32, #tpu.memory_space<vmem>> -> memref<128x16xf32, #tpu.memory_space<vmem>>
      %dma_start3A_260 = arith.constant 0 : i32
      %dma_start3A_261 = tpu.memref_slice %arg9[%add3A_243, %dma_start3A_260] : memref<80x128xi32, #tpu.memory_space<vmem>> -> memref<1x128xi32, #tpu.memory_space<vmem>>
      %dma_start3A_262 = tpu.memref_squeeze %dma_start3A_261 : memref<1x128xi32, #tpu.memory_space<vmem>> -> memref<128xi32, #tpu.memory_space<vmem>>
      %dma_start3A_263 = arith.constant 0 : i32
      %dma_start3A_264 = arith.constant 0 : i32
      %dma_start3A_265 = tpu.memref_slice %arg11[%dma_start3A_263, %dma_start3A_264] : memref<10240x16xf32, #tpu.memory_space<vmem_shared>> -> memref<10240x16xf32, #tpu.memory_space<vmem_shared>>
      tpu.enqueue_indirect_dma source(%dma_start3A_259 : memref<128x16xf32, #tpu.memory_space<vmem>>) target(%dma_start3A_265 : memref<10240x16xf32, #tpu.memory_space<vmem_shared>>) offsets(%dma_start3A_262 : memref<128xi32, #tpu.memory_space<vmem>>) semaphore(%arg25 : memref<!tpu.dma_semaphore, #tpu.memory_space<semaphore_mem>>) {add = true}
      %mul3A_266 = arith.constant 8 : i32
      %mul3A_267 = arith.muli %scan3A_110, %mul3A_266 : i32
      %add3A_268 = arith.constant 6 : i32
      %add3A_269 = arith.addi %mul3A_267, %add3A_268 : i32
      %dma_wait3A_270 = arith.constant 6 : i32
      %dma_wait3A_271 = arith.constant 0 : i32
      %dma_wait3A_272 = arith.constant 0 : i32
      %dma_wait3A_273 = tpu.memref_slice %arg10[%dma_wait3A_270, %dma_wait3A_271, %dma_wait3A_272] : memref<8x128x16xf32, #tpu.memory_space<vmem>> -> memref<1x128x16xf32, #tpu.memory_space<vmem>>
      %dma_wait3A_274 = tpu.memref_squeeze %dma_wait3A_273 : memref<1x128x16xf32, #tpu.memory_space<vmem>> -> memref<128x16xf32, #tpu.memory_space<vmem>>
      %dma_wait3A_275 = arith.constant 0 : i32
      %dma_wait3A_276 = tpu.memref_slice %arg8[%add3A_269, %dma_wait3A_275] : memref<80x128xi32, #tpu.memory_space<vmem>> -> memref<1x128xi32, #tpu.memory_space<vmem>>
      %dma_wait3A_277 = tpu.memref_squeeze %dma_wait3A_276 : memref<1x128xi32, #tpu.memory_space<vmem>> -> memref<128xi32, #tpu.memory_space<vmem>>
      %dma_wait3A_278 = arith.constant 0 : i32
      %dma_wait3A_279 = arith.constant 0 : i32
      %dma_wait3A_280 = tpu.memref_slice %arg2[%dma_wait3A_278, %dma_wait3A_279] : memref<10240x16xf32, #tpu.memory_space<hbm>> -> memref<10240x16xf32, #tpu.memory_space<hbm>>
      tpu.wait_indirect_dma semaphore(%arg18 : memref<!tpu.dma_semaphore, #tpu.memory_space<semaphore_mem>>) src(%dma_wait3A_280 : memref<10240x16xf32, #tpu.memory_space<hbm>>) dst(%dma_wait3A_274 : memref<128x16xf32, #tpu.memory_space<vmem>>)
      %dma_start3A_281 = arith.constant 6 : i32
      %dma_start3A_282 = arith.constant 0 : i32
      %dma_start3A_283 = arith.constant 0 : i32
      %dma_start3A_284 = tpu.memref_slice %arg10[%dma_start3A_281, %dma_start3A_282, %dma_start3A_283] : memref<8x128x16xf32, #tpu.memory_space<vmem>> -> memref<1x128x16xf32, #tpu.memory_space<vmem>>
      %dma_start3A_285 = tpu.memref_squeeze %dma_start3A_284 : memref<1x128x16xf32, #tpu.memory_space<vmem>> -> memref<128x16xf32, #tpu.memory_space<vmem>>
      %dma_start3A_286 = arith.constant 0 : i32
      %dma_start3A_287 = tpu.memref_slice %arg9[%add3A_269, %dma_start3A_286] : memref<80x128xi32, #tpu.memory_space<vmem>> -> memref<1x128xi32, #tpu.memory_space<vmem>>
      %dma_start3A_288 = tpu.memref_squeeze %dma_start3A_287 : memref<1x128xi32, #tpu.memory_space<vmem>> -> memref<128xi32, #tpu.memory_space<vmem>>
      %dma_start3A_289 = arith.constant 0 : i32
      %dma_start3A_290 = arith.constant 0 : i32
      %dma_start3A_291 = tpu.memref_slice %arg11[%dma_start3A_289, %dma_start3A_290] : memref<10240x16xf32, #tpu.memory_space<vmem_shared>> -> memref<10240x16xf32, #tpu.memory_space<vmem_shared>>
      tpu.enqueue_indirect_dma source(%dma_start3A_285 : memref<128x16xf32, #tpu.memory_space<vmem>>) target(%dma_start3A_291 : memref<10240x16xf32, #tpu.memory_space<vmem_shared>>) offsets(%dma_start3A_288 : memref<128xi32, #tpu.memory_space<vmem>>) semaphore(%arg26 : memref<!tpu.dma_semaphore, #tpu.memory_space<semaphore_mem>>) {add = true}
      %mul3A_292 = arith.constant 8 : i32
      %mul3A_293 = arith.muli %scan3A_110, %mul3A_292 : i32
      %add3A_294 = arith.constant 7 : i32
      %add3A_295 = arith.addi %mul3A_293, %add3A_294 : i32
      %dma_wait3A_296 = arith.constant 7 : i32
      %dma_wait3A_297 = arith.constant 0 : i32
      %dma_wait3A_298 = arith.constant 0 : i32
      %dma_wait3A_299 = tpu.memref_slice %arg10[%dma_wait3A_296, %dma_wait3A_297, %dma_wait3A_298] : memref<8x128x16xf32, #tpu.memory_space<vmem>> -> memref<1x128x16xf32, #tpu.memory_space<vmem>>
      %dma_wait3A_300 = tpu.memref_squeeze %dma_wait3A_299 : memref<1x128x16xf32, #tpu.memory_space<vmem>> -> memref<128x16xf32, #tpu.memory_space<vmem>>
      %dma_wait3A_301 = arith.constant 0 : i32
      %dma_wait3A_302 = tpu.memref_slice %arg8[%add3A_295, %dma_wait3A_301] : memref<80x128xi32, #tpu.memory_space<vmem>> -> memref<1x128xi32, #tpu.memory_space<vmem>>
      %dma_wait3A_303 = tpu.memref_squeeze %dma_wait3A_302 : memref<1x128xi32, #tpu.memory_space<vmem>> -> memref<128xi32, #tpu.memory_space<vmem>>
      %dma_wait3A_304 = arith.constant 0 : i32
      %dma_wait3A_305 = arith.constant 0 : i32
      %dma_wait3A_306 = tpu.memref_slice %arg2[%dma_wait3A_304, %dma_wait3A_305] : memref<10240x16xf32, #tpu.memory_space<hbm>> -> memref<10240x16xf32, #tpu.memory_space<hbm>>
      tpu.wait_indirect_dma semaphore(%arg19 : memref<!tpu.dma_semaphore, #tpu.memory_space<semaphore_mem>>) src(%dma_wait3A_306 : memref<10240x16xf32, #tpu.memory_space<hbm>>) dst(%dma_wait3A_300 : memref<128x16xf32, #tpu.memory_space<vmem>>)
      %dma_start3A_307 = arith.constant 7 : i32
      %dma_start3A_308 = arith.constant 0 : i32
      %dma_start3A_309 = arith.constant 0 : i32
      %dma_start3A_310 = tpu.memref_slice %arg10[%dma_start3A_307, %dma_start3A_308, %dma_start3A_309] : memref<8x128x16xf32, #tpu.memory_space<vmem>> -> memref<1x128x16xf32, #tpu.memory_space<vmem>>
      %dma_start3A_311 = tpu.memref_squeeze %dma_start3A_310 : memref<1x128x16xf32, #tpu.memory_space<vmem>> -> memref<128x16xf32, #tpu.memory_space<vmem>>
      %dma_start3A_312 = arith.constant 0 : i32
      %dma_start3A_313 = tpu.memref_slice %arg9[%add3A_295, %dma_start3A_312] : memref<80x128xi32, #tpu.memory_space<vmem>> -> memref<1x128xi32, #tpu.memory_space<vmem>>
      %dma_start3A_314 = tpu.memref_squeeze %dma_start3A_313 : memref<1x128xi32, #tpu.memory_space<vmem>> -> memref<128xi32, #tpu.memory_space<vmem>>
      %dma_start3A_315 = arith.constant 0 : i32
      %dma_start3A_316 = arith.constant 0 : i32
      %dma_start3A_317 = tpu.memref_slice %arg11[%dma_start3A_315, %dma_start3A_316] : memref<10240x16xf32, #tpu.memory_space<vmem_shared>> -> memref<10240x16xf32, #tpu.memory_space<vmem_shared>>
      tpu.enqueue_indirect_dma source(%dma_start3A_311 : memref<128x16xf32, #tpu.memory_space<vmem>>) target(%dma_start3A_317 : memref<10240x16xf32, #tpu.memory_space<vmem_shared>>) offsets(%dma_start3A_314 : memref<128xi32, #tpu.memory_space<vmem>>) semaphore(%arg27 : memref<!tpu.dma_semaphore, #tpu.memory_space<semaphore_mem>>) {add = true}
      %mul3A_318 = arith.constant 8 : i32
      %mul3A_319 = arith.muli %scan3A_110, %mul3A_318 : i32
      %add3A_320 = arith.constant 0 : i32
      %add3A_321 = arith.addi %mul3A_319, %add3A_320 : i32
      %dma_wait3A_322 = arith.constant 0 : i32
      %dma_wait3A_323 = arith.constant 0 : i32
      %dma_wait3A_324 = arith.constant 0 : i32
      %dma_wait3A_325 = tpu.memref_slice %arg10[%dma_wait3A_322, %dma_wait3A_323, %dma_wait3A_324] : memref<8x128x16xf32, #tpu.memory_space<vmem>> -> memref<1x128x16xf32, #tpu.memory_space<vmem>>
      %dma_wait3A_326 = tpu.memref_squeeze %dma_wait3A_325 : memref<1x128x16xf32, #tpu.memory_space<vmem>> -> memref<128x16xf32, #tpu.memory_space<vmem>>
      %dma_wait3A_327 = arith.constant 0 : i32
      %dma_wait3A_328 = tpu.memref_slice %arg9[%add3A_321, %dma_wait3A_327] : memref<80x128xi32, #tpu.memory_space<vmem>> -> memref<1x128xi32, #tpu.memory_space<vmem>>
      %dma_wait3A_329 = tpu.memref_squeeze %dma_wait3A_328 : memref<1x128xi32, #tpu.memory_space<vmem>> -> memref<128xi32, #tpu.memory_space<vmem>>
      %dma_wait3A_330 = arith.constant 0 : i32
      %dma_wait3A_331 = arith.constant 0 : i32
      %dma_wait3A_332 = tpu.memref_slice %arg11[%dma_wait3A_330, %dma_wait3A_331] : memref<10240x16xf32, #tpu.memory_space<vmem_shared>> -> memref<10240x16xf32, #tpu.memory_space<vmem_shared>>
      tpu.wait_indirect_dma semaphore(%arg20 : memref<!tpu.dma_semaphore, #tpu.memory_space<semaphore_mem>>) src(%dma_wait3A_326 : memref<128x16xf32, #tpu.memory_space<vmem>>) dst(%dma_wait3A_332 : memref<10240x16xf32, #tpu.memory_space<vmem_shared>>)
      %add3A_333 = arith.constant 8 : i32
      %add3A_334 = arith.addi %add3A_321, %add3A_333 : i32
      %lt3A = arith.constant 80 : i32
      %lt3A_335 = arith.cmpi slt, %add3A_334, %lt3A : i32
      %convert_element_type3A_336 = arith.extui %lt3A_335 : i1 to i32
      %cond3A_337 = arith.constant 0 : i32
      %cond3A_338 = arith.cmpi ne, %convert_element_type3A_336, %cond3A_337 : i32
      scf.if %cond3A_338 {
        %add3A_493 = arith.constant 8 : i32
        %add3A_494 = arith.addi %add3A_321, %add3A_493 : i32
        %dma_start3A_495 = arith.constant 0 : i32
        %dma_start3A_496 = arith.constant 0 : i32
        %dma_start3A_497 = arith.constant 0 : i32
        %dma_start3A_498 = tpu.memref_slice %arg10[%dma_start3A_495, %dma_start3A_496, %dma_start3A_497] : memref<8x128x16xf32, #tpu.memory_space<vmem>> -> memref<1x128x16xf32, #tpu.memory_space<vmem>>
        %dma_start3A_499 = tpu.memref_squeeze %dma_start3A_498 : memref<1x128x16xf32, #tpu.memory_space<vmem>> -> memref<128x16xf32, #tpu.memory_space<vmem>>
        %dma_start3A_500 = arith.constant 0 : i32
        %dma_start3A_501 = tpu.memref_slice %arg8[%add3A_494, %dma_start3A_500] : memref<80x128xi32, #tpu.memory_space<vmem>> -> memref<1x128xi32, #tpu.memory_space<vmem>>
        %dma_start3A_502 = tpu.memref_squeeze %dma_start3A_501 : memref<1x128xi32, #tpu.memory_space<vmem>> -> memref<128xi32, #tpu.memory_space<vmem>>
        %dma_start3A_503 = arith.constant 0 : i32
        %dma_start3A_504 = arith.constant 0 : i32
        %dma_start3A_505 = tpu.memref_slice %arg2[%dma_start3A_503, %dma_start3A_504] : memref<10240x16xf32, #tpu.memory_space<hbm>> -> memref<10240x16xf32, #tpu.memory_space<hbm>>
        tpu.enqueue_indirect_dma source(%dma_start3A_505 : memref<10240x16xf32, #tpu.memory_space<hbm>>) target(%dma_start3A_499 : memref<128x16xf32, #tpu.memory_space<vmem>>) offsets(%dma_start3A_502 : memref<128xi32, #tpu.memory_space<vmem>>) semaphore(%arg12 : memref<!tpu.dma_semaphore, #tpu.memory_space<semaphore_mem>>)
      } else {
      }
      %mul3A_339 = arith.constant 8 : i32
      %mul3A_340 = arith.muli %scan3A_110, %mul3A_339 : i32
      %add3A_341 = arith.constant 1 : i32
      %add3A_342 = arith.addi %mul3A_340, %add3A_341 : i32
      %dma_wait3A_343 = arith.constant 1 : i32
      %dma_wait3A_344 = arith.constant 0 : i32
      %dma_wait3A_345 = arith.constant 0 : i32
      %dma_wait3A_346 = tpu.memref_slice %arg10[%dma_wait3A_343, %dma_wait3A_344, %dma_wait3A_345] : memref<8x128x16xf32, #tpu.memory_space<vmem>> -> memref<1x128x16xf32, #tpu.memory_space<vmem>>
      %dma_wait3A_347 = tpu.memref_squeeze %dma_wait3A_346 : memref<1x128x16xf32, #tpu.memory_space<vmem>> -> memref<128x16xf32, #tpu.memory_space<vmem>>
      %dma_wait3A_348 = arith.constant 0 : i32
      %dma_wait3A_349 = tpu.memref_slice %arg9[%add3A_342, %dma_wait3A_348] : memref<80x128xi32, #tpu.memory_space<vmem>> -> memref<1x128xi32, #tpu.memory_space<vmem>>
      %dma_wait3A_350 = tpu.memref_squeeze %dma_wait3A_349 : memref<1x128xi32, #tpu.memory_space<vmem>> -> memref<128xi32, #tpu.memory_space<vmem>>
      %dma_wait3A_351 = arith.constant 0 : i32
      %dma_wait3A_352 = arith.constant 0 : i32
      %dma_wait3A_353 = tpu.memref_slice %arg11[%dma_wait3A_351, %dma_wait3A_352] : memref<10240x16xf32, #tpu.memory_space<vmem_shared>> -> memref<10240x16xf32, #tpu.memory_space<vmem_shared>>
      tpu.wait_indirect_dma semaphore(%arg21 : memref<!tpu.dma_semaphore, #tpu.memory_space<semaphore_mem>>) src(%dma_wait3A_347 : memref<128x16xf32, #tpu.memory_space<vmem>>) dst(%dma_wait3A_353 : memref<10240x16xf32, #tpu.memory_space<vmem_shared>>)
      %add3A_354 = arith.constant 8 : i32
      %add3A_355 = arith.addi %add3A_342, %add3A_354 : i32
      %lt3A_356 = arith.constant 80 : i32
      %lt3A_357 = arith.cmpi slt, %add3A_355, %lt3A_356 : i32
      %convert_element_type3A_358 = arith.extui %lt3A_357 : i1 to i32
      %cond3A_359 = arith.constant 0 : i32
      %cond3A_360 = arith.cmpi ne, %convert_element_type3A_358, %cond3A_359 : i32
      scf.if %cond3A_360 {
        %add3A_493 = arith.constant 8 : i32
        %add3A_494 = arith.addi %add3A_342, %add3A_493 : i32
        %dma_start3A_495 = arith.constant 1 : i32
        %dma_start3A_496 = arith.constant 0 : i32
        %dma_start3A_497 = arith.constant 0 : i32
        %dma_start3A_498 = tpu.memref_slice %arg10[%dma_start3A_495, %dma_start3A_496, %dma_start3A_497] : memref<8x128x16xf32, #tpu.memory_space<vmem>> -> memref<1x128x16xf32, #tpu.memory_space<vmem>>
        %dma_start3A_499 = tpu.memref_squeeze %dma_start3A_498 : memref<1x128x16xf32, #tpu.memory_space<vmem>> -> memref<128x16xf32, #tpu.memory_space<vmem>>
        %dma_start3A_500 = arith.constant 0 : i32
        %dma_start3A_501 = tpu.memref_slice %arg8[%add3A_494, %dma_start3A_500] : memref<80x128xi32, #tpu.memory_space<vmem>> -> memref<1x128xi32, #tpu.memory_space<vmem>>
        %dma_start3A_502 = tpu.memref_squeeze %dma_start3A_501 : memref<1x128xi32, #tpu.memory_space<vmem>> -> memref<128xi32, #tpu.memory_space<vmem>>
        %dma_start3A_503 = arith.constant 0 : i32
        %dma_start3A_504 = arith.constant 0 : i32
        %dma_start3A_505 = tpu.memref_slice %arg2[%dma_start3A_503, %dma_start3A_504] : memref<10240x16xf32, #tpu.memory_space<hbm>> -> memref<10240x16xf32, #tpu.memory_space<hbm>>
        tpu.enqueue_indirect_dma source(%dma_start3A_505 : memref<10240x16xf32, #tpu.memory_space<hbm>>) target(%dma_start3A_499 : memref<128x16xf32, #tpu.memory_space<vmem>>) offsets(%dma_start3A_502 : memref<128xi32, #tpu.memory_space<vmem>>) semaphore(%arg13 : memref<!tpu.dma_semaphore, #tpu.memory_space<semaphore_mem>>)
      } else {
      }
      %mul3A_361 = arith.constant 8 : i32
      %mul3A_362 = arith.muli %scan3A_110, %mul3A_361 : i32
      %add3A_363 = arith.constant 2 : i32
      %add3A_364 = arith.addi %mul3A_362, %add3A_363 : i32
      %dma_wait3A_365 = arith.constant 2 : i32
      %dma_wait3A_366 = arith.constant 0 : i32
      %dma_wait3A_367 = arith.constant 0 : i32
      %dma_wait3A_368 = tpu.memref_slice %arg10[%dma_wait3A_365, %dma_wait3A_366, %dma_wait3A_367] : memref<8x128x16xf32, #tpu.memory_space<vmem>> -> memref<1x128x16xf32, #tpu.memory_space<vmem>>
      %dma_wait3A_369 = tpu.memref_squeeze %dma_wait3A_368 : memref<1x128x16xf32, #tpu.memory_space<vmem>> -> memref<128x16xf32, #tpu.memory_space<vmem>>
      %dma_wait3A_370 = arith.constant 0 : i32
      %dma_wait3A_371 = tpu.memref_slice %arg9[%add3A_364, %dma_wait3A_370] : memref<80x128xi32, #tpu.memory_space<vmem>> -> memref<1x128xi32, #tpu.memory_space<vmem>>
      %dma_wait3A_372 = tpu.memref_squeeze %dma_wait3A_371 : memref<1x128xi32, #tpu.memory_space<vmem>> -> memref<128xi32, #tpu.memory_space<vmem>>
      %dma_wait3A_373 = arith.constant 0 : i32
      %dma_wait3A_374 = arith.constant 0 : i32
      %dma_wait3A_375 = tpu.memref_slice %arg11[%dma_wait3A_373, %dma_wait3A_374] : memref<10240x16xf32, #tpu.memory_space<vmem_shared>> -> memref<10240x16xf32, #tpu.memory_space<vmem_shared>>
      tpu.wait_indirect_dma semaphore(%arg22 : memref<!tpu.dma_semaphore, #tpu.memory_space<semaphore_mem>>) src(%dma_wait3A_369 : memref<128x16xf32, #tpu.memory_space<vmem>>) dst(%dma_wait3A_375 : memref<10240x16xf32, #tpu.memory_space<vmem_shared>>)
      %add3A_376 = arith.constant 8 : i32
      %add3A_377 = arith.addi %add3A_364, %add3A_376 : i32
      %lt3A_378 = arith.constant 80 : i32
      %lt3A_379 = arith.cmpi slt, %add3A_377, %lt3A_378 : i32
      %convert_element_type3A_380 = arith.extui %lt3A_379 : i1 to i32
      %cond3A_381 = arith.constant 0 : i32
      %cond3A_382 = arith.cmpi ne, %convert_element_type3A_380, %cond3A_381 : i32
      scf.if %cond3A_382 {
        %add3A_493 = arith.constant 8 : i32
        %add3A_494 = arith.addi %add3A_364, %add3A_493 : i32
        %dma_start3A_495 = arith.constant 2 : i32
        %dma_start3A_496 = arith.constant 0 : i32
        %dma_start3A_497 = arith.constant 0 : i32
        %dma_start3A_498 = tpu.memref_slice %arg10[%dma_start3A_495, %dma_start3A_496, %dma_start3A_497] : memref<8x128x16xf32, #tpu.memory_space<vmem>> -> memref<1x128x16xf32, #tpu.memory_space<vmem>>
        %dma_start3A_499 = tpu.memref_squeeze %dma_start3A_498 : memref<1x128x16xf32, #tpu.memory_space<vmem>> -> memref<128x16xf32, #tpu.memory_space<vmem>>
        %dma_start3A_500 = arith.constant 0 : i32
        %dma_start3A_501 = tpu.memref_slice %arg8[%add3A_494, %dma_start3A_500] : memref<80x128xi32, #tpu.memory_space<vmem>> -> memref<1x128xi32, #tpu.memory_space<vmem>>
        %dma_start3A_502 = tpu.memref_squeeze %dma_start3A_501 : memref<1x128xi32, #tpu.memory_space<vmem>> -> memref<128xi32, #tpu.memory_space<vmem>>
        %dma_start3A_503 = arith.constant 0 : i32
        %dma_start3A_504 = arith.constant 0 : i32
        %dma_start3A_505 = tpu.memref_slice %arg2[%dma_start3A_503, %dma_start3A_504] : memref<10240x16xf32, #tpu.memory_space<hbm>> -> memref<10240x16xf32, #tpu.memory_space<hbm>>
        tpu.enqueue_indirect_dma source(%dma_start3A_505 : memref<10240x16xf32, #tpu.memory_space<hbm>>) target(%dma_start3A_499 : memref<128x16xf32, #tpu.memory_space<vmem>>) offsets(%dma_start3A_502 : memref<128xi32, #tpu.memory_space<vmem>>) semaphore(%arg14 : memref<!tpu.dma_semaphore, #tpu.memory_space<semaphore_mem>>)
      } else {
      }
      %mul3A_383 = arith.constant 8 : i32
      %mul3A_384 = arith.muli %scan3A_110, %mul3A_383 : i32
      %add3A_385 = arith.constant 3 : i32
      %add3A_386 = arith.addi %mul3A_384, %add3A_385 : i32
      %dma_wait3A_387 = arith.constant 3 : i32
      %dma_wait3A_388 = arith.constant 0 : i32
      %dma_wait3A_389 = arith.constant 0 : i32
      %dma_wait3A_390 = tpu.memref_slice %arg10[%dma_wait3A_387, %dma_wait3A_388, %dma_wait3A_389] : memref<8x128x16xf32, #tpu.memory_space<vmem>> -> memref<1x128x16xf32, #tpu.memory_space<vmem>>
      %dma_wait3A_391 = tpu.memref_squeeze %dma_wait3A_390 : memref<1x128x16xf32, #tpu.memory_space<vmem>> -> memref<128x16xf32, #tpu.memory_space<vmem>>
      %dma_wait3A_392 = arith.constant 0 : i32
      %dma_wait3A_393 = tpu.memref_slice %arg9[%add3A_386, %dma_wait3A_392] : memref<80x128xi32, #tpu.memory_space<vmem>> -> memref<1x128xi32, #tpu.memory_space<vmem>>
      %dma_wait3A_394 = tpu.memref_squeeze %dma_wait3A_393 : memref<1x128xi32, #tpu.memory_space<vmem>> -> memref<128xi32, #tpu.memory_space<vmem>>
      %dma_wait3A_395 = arith.constant 0 : i32
      %dma_wait3A_396 = arith.constant 0 : i32
      %dma_wait3A_397 = tpu.memref_slice %arg11[%dma_wait3A_395, %dma_wait3A_396] : memref<10240x16xf32, #tpu.memory_space<vmem_shared>> -> memref<10240x16xf32, #tpu.memory_space<vmem_shared>>
      tpu.wait_indirect_dma semaphore(%arg23 : memref<!tpu.dma_semaphore, #tpu.memory_space<semaphore_mem>>) src(%dma_wait3A_391 : memref<128x16xf32, #tpu.memory_space<vmem>>) dst(%dma_wait3A_397 : memref<10240x16xf32, #tpu.memory_space<vmem_shared>>)
      %add3A_398 = arith.constant 8 : i32
      %add3A_399 = arith.addi %add3A_386, %add3A_398 : i32
      %lt3A_400 = arith.constant 80 : i32
      %lt3A_401 = arith.cmpi slt, %add3A_399, %lt3A_400 : i32
      %convert_element_type3A_402 = arith.extui %lt3A_401 : i1 to i32
      %cond3A_403 = arith.constant 0 : i32
      %cond3A_404 = arith.cmpi ne, %convert_element_type3A_402, %cond3A_403 : i32
      scf.if %cond3A_404 {
        %add3A_493 = arith.constant 8 : i32
        %add3A_494 = arith.addi %add3A_386, %add3A_493 : i32
        %dma_start3A_495 = arith.constant 3 : i32
        %dma_start3A_496 = arith.constant 0 : i32
        %dma_start3A_497 = arith.constant 0 : i32
        %dma_start3A_498 = tpu.memref_slice %arg10[%dma_start3A_495, %dma_start3A_496, %dma_start3A_497] : memref<8x128x16xf32, #tpu.memory_space<vmem>> -> memref<1x128x16xf32, #tpu.memory_space<vmem>>
        %dma_start3A_499 = tpu.memref_squeeze %dma_start3A_498 : memref<1x128x16xf32, #tpu.memory_space<vmem>> -> memref<128x16xf32, #tpu.memory_space<vmem>>
        %dma_start3A_500 = arith.constant 0 : i32
        %dma_start3A_501 = tpu.memref_slice %arg8[%add3A_494, %dma_start3A_500] : memref<80x128xi32, #tpu.memory_space<vmem>> -> memref<1x128xi32, #tpu.memory_space<vmem>>
        %dma_start3A_502 = tpu.memref_squeeze %dma_start3A_501 : memref<1x128xi32, #tpu.memory_space<vmem>> -> memref<128xi32, #tpu.memory_space<vmem>>
        %dma_start3A_503 = arith.constant 0 : i32
        %dma_start3A_504 = arith.constant 0 : i32
        %dma_start3A_505 = tpu.memref_slice %arg2[%dma_start3A_503, %dma_start3A_504] : memref<10240x16xf32, #tpu.memory_space<hbm>> -> memref<10240x16xf32, #tpu.memory_space<hbm>>
        tpu.enqueue_indirect_dma source(%dma_start3A_505 : memref<10240x16xf32, #tpu.memory_space<hbm>>) target(%dma_start3A_499 : memref<128x16xf32, #tpu.memory_space<vmem>>) offsets(%dma_start3A_502 : memref<128xi32, #tpu.memory_space<vmem>>) semaphore(%arg15 : memref<!tpu.dma_semaphore, #tpu.memory_space<semaphore_mem>>)
      } else {
      }
      %mul3A_405 = arith.constant 8 : i32
      %mul3A_406 = arith.muli %scan3A_110, %mul3A_405 : i32
      %add3A_407 = arith.constant 4 : i32
      %add3A_408 = arith.addi %mul3A_406, %add3A_407 : i32
      %dma_wait3A_409 = arith.constant 4 : i32
      %dma_wait3A_410 = arith.constant 0 : i32
      %dma_wait3A_411 = arith.constant 0 : i32
      %dma_wait3A_412 = tpu.memref_slice %arg10[%dma_wait3A_409, %dma_wait3A_410, %dma_wait3A_411] : memref<8x128x16xf32, #tpu.memory_space<vmem>> -> memref<1x128x16xf32, #tpu.memory_space<vmem>>
      %dma_wait3A_413 = tpu.memref_squeeze %dma_wait3A_412 : memref<1x128x16xf32, #tpu.memory_space<vmem>> -> memref<128x16xf32, #tpu.memory_space<vmem>>
      %dma_wait3A_414 = arith.constant 0 : i32
      %dma_wait3A_415 = tpu.memref_slice %arg9[%add3A_408, %dma_wait3A_414] : memref<80x128xi32, #tpu.memory_space<vmem>> -> memref<1x128xi32, #tpu.memory_space<vmem>>
      %dma_wait3A_416 = tpu.memref_squeeze %dma_wait3A_415 : memref<1x128xi32, #tpu.memory_space<vmem>> -> memref<128xi32, #tpu.memory_space<vmem>>
      %dma_wait3A_417 = arith.constant 0 : i32
      %dma_wait3A_418 = arith.constant 0 : i32
      %dma_wait3A_419 = tpu.memref_slice %arg11[%dma_wait3A_417, %dma_wait3A_418] : memref<10240x16xf32, #tpu.memory_space<vmem_shared>> -> memref<10240x16xf32, #tpu.memory_space<vmem_shared>>
      tpu.wait_indirect_dma semaphore(%arg24 : memref<!tpu.dma_semaphore, #tpu.memory_space<semaphore_mem>>) src(%dma_wait3A_413 : memref<128x16xf32, #tpu.memory_space<vmem>>) dst(%dma_wait3A_419 : memref<10240x16xf32, #tpu.memory_space<vmem_shared>>)
      %add3A_420 = arith.constant 8 : i32
      %add3A_421 = arith.addi %add3A_408, %add3A_420 : i32
      %lt3A_422 = arith.constant 80 : i32
      %lt3A_423 = arith.cmpi slt, %add3A_421, %lt3A_422 : i32
      %convert_element_type3A_424 = arith.extui %lt3A_423 : i1 to i32
      %cond3A_425 = arith.constant 0 : i32
      %cond3A_426 = arith.cmpi ne, %convert_element_type3A_424, %cond3A_425 : i32
      scf.if %cond3A_426 {
        %add3A_493 = arith.constant 8 : i32
        %add3A_494 = arith.addi %add3A_408, %add3A_493 : i32
        %dma_start3A_495 = arith.constant 4 : i32
        %dma_start3A_496 = arith.constant 0 : i32
        %dma_start3A_497 = arith.constant 0 : i32
        %dma_start3A_498 = tpu.memref_slice %arg10[%dma_start3A_495, %dma_start3A_496, %dma_start3A_497] : memref<8x128x16xf32, #tpu.memory_space<vmem>> -> memref<1x128x16xf32, #tpu.memory_space<vmem>>
        %dma_start3A_499 = tpu.memref_squeeze %dma_start3A_498 : memref<1x128x16xf32, #tpu.memory_space<vmem>> -> memref<128x16xf32, #tpu.memory_space<vmem>>
        %dma_start3A_500 = arith.constant 0 : i32
        %dma_start3A_501 = tpu.memref_slice %arg8[%add3A_494, %dma_start3A_500] : memref<80x128xi32, #tpu.memory_space<vmem>> -> memref<1x128xi32, #tpu.memory_space<vmem>>
        %dma_start3A_502 = tpu.memref_squeeze %dma_start3A_501 : memref<1x128xi32, #tpu.memory_space<vmem>> -> memref<128xi32, #tpu.memory_space<vmem>>
        %dma_start3A_503 = arith.constant 0 : i32
        %dma_start3A_504 = arith.constant 0 : i32
        %dma_start3A_505 = tpu.memref_slice %arg2[%dma_start3A_503, %dma_start3A_504] : memref<10240x16xf32, #tpu.memory_space<hbm>> -> memref<10240x16xf32, #tpu.memory_space<hbm>>
        tpu.enqueue_indirect_dma source(%dma_start3A_505 : memref<10240x16xf32, #tpu.memory_space<hbm>>) target(%dma_start3A_499 : memref<128x16xf32, #tpu.memory_space<vmem>>) offsets(%dma_start3A_502 : memref<128xi32, #tpu.memory_space<vmem>>) semaphore(%arg16 : memref<!tpu.dma_semaphore, #tpu.memory_space<semaphore_mem>>)
      } else {
      }
      %mul3A_427 = arith.constant 8 : i32
      %mul3A_428 = arith.muli %scan3A_110, %mul3A_427 : i32
      %add3A_429 = arith.constant 5 : i32
      %add3A_430 = arith.addi %mul3A_428, %add3A_429 : i32
      %dma_wait3A_431 = arith.constant 5 : i32
      %dma_wait3A_432 = arith.constant 0 : i32
      %dma_wait3A_433 = arith.constant 0 : i32
      %dma_wait3A_434 = tpu.memref_slice %arg10[%dma_wait3A_431, %dma_wait3A_432, %dma_wait3A_433] : memref<8x128x16xf32, #tpu.memory_space<vmem>> -> memref<1x128x16xf32, #tpu.memory_space<vmem>>
      %dma_wait3A_435 = tpu.memref_squeeze %dma_wait3A_434 : memref<1x128x16xf32, #tpu.memory_space<vmem>> -> memref<128x16xf32, #tpu.memory_space<vmem>>
      %dma_wait3A_436 = arith.constant 0 : i32
      %dma_wait3A_437 = tpu.memref_slice %arg9[%add3A_430, %dma_wait3A_436] : memref<80x128xi32, #tpu.memory_space<vmem>> -> memref<1x128xi32, #tpu.memory_space<vmem>>
      %dma_wait3A_438 = tpu.memref_squeeze %dma_wait3A_437 : memref<1x128xi32, #tpu.memory_space<vmem>> -> memref<128xi32, #tpu.memory_space<vmem>>
      %dma_wait3A_439 = arith.constant 0 : i32
      %dma_wait3A_440 = arith.constant 0 : i32
      %dma_wait3A_441 = tpu.memref_slice %arg11[%dma_wait3A_439, %dma_wait3A_440] : memref<10240x16xf32, #tpu.memory_space<vmem_shared>> -> memref<10240x16xf32, #tpu.memory_space<vmem_shared>>
      tpu.wait_indirect_dma semaphore(%arg25 : memref<!tpu.dma_semaphore, #tpu.memory_space<semaphore_mem>>) src(%dma_wait3A_435 : memref<128x16xf32, #tpu.memory_space<vmem>>) dst(%dma_wait3A_441 : memref<10240x16xf32, #tpu.memory_space<vmem_shared>>)
      %add3A_442 = arith.constant 8 : i32
      %add3A_443 = arith.addi %add3A_430, %add3A_442 : i32
      %lt3A_444 = arith.constant 80 : i32
      %lt3A_445 = arith.cmpi slt, %add3A_443, %lt3A_444 : i32
      %convert_element_type3A_446 = arith.extui %lt3A_445 : i1 to i32
      %cond3A_447 = arith.constant 0 : i32
      %cond3A_448 = arith.cmpi ne, %convert_element_type3A_446, %cond3A_447 : i32
      scf.if %cond3A_448 {
        %add3A_493 = arith.constant 8 : i32
        %add3A_494 = arith.addi %add3A_430, %add3A_493 : i32
        %dma_start3A_495 = arith.constant 5 : i32
        %dma_start3A_496 = arith.constant 0 : i32
        %dma_start3A_497 = arith.constant 0 : i32
        %dma_start3A_498 = tpu.memref_slice %arg10[%dma_start3A_495, %dma_start3A_496, %dma_start3A_497] : memref<8x128x16xf32, #tpu.memory_space<vmem>> -> memref<1x128x16xf32, #tpu.memory_space<vmem>>
        %dma_start3A_499 = tpu.memref_squeeze %dma_start3A_498 : memref<1x128x16xf32, #tpu.memory_space<vmem>> -> memref<128x16xf32, #tpu.memory_space<vmem>>
        %dma_start3A_500 = arith.constant 0 : i32
        %dma_start3A_501 = tpu.memref_slice %arg8[%add3A_494, %dma_start3A_500] : memref<80x128xi32, #tpu.memory_space<vmem>> -> memref<1x128xi32, #tpu.memory_space<vmem>>
        %dma_start3A_502 = tpu.memref_squeeze %dma_start3A_501 : memref<1x128xi32, #tpu.memory_space<vmem>> -> memref<128xi32, #tpu.memory_space<vmem>>
        %dma_start3A_503 = arith.constant 0 : i32
        %dma_start3A_504 = arith.constant 0 : i32
        %dma_start3A_505 = tpu.memref_slice %arg2[%dma_start3A_503, %dma_start3A_504] : memref<10240x16xf32, #tpu.memory_space<hbm>> -> memref<10240x16xf32, #tpu.memory_space<hbm>>
        tpu.enqueue_indirect_dma source(%dma_start3A_505 : memref<10240x16xf32, #tpu.memory_space<hbm>>) target(%dma_start3A_499 : memref<128x16xf32, #tpu.memory_space<vmem>>) offsets(%dma_start3A_502 : memref<128xi32, #tpu.memory_space<vmem>>) semaphore(%arg17 : memref<!tpu.dma_semaphore, #tpu.memory_space<semaphore_mem>>)
      } else {
      }
      %mul3A_449 = arith.constant 8 : i32
      %mul3A_450 = arith.muli %scan3A_110, %mul3A_449 : i32
      %add3A_451 = arith.constant 6 : i32
      %add3A_452 = arith.addi %mul3A_450, %add3A_451 : i32
      %dma_wait3A_453 = arith.constant 6 : i32
      %dma_wait3A_454 = arith.constant 0 : i32
      %dma_wait3A_455 = arith.constant 0 : i32
      %dma_wait3A_456 = tpu.memref_slice %arg10[%dma_wait3A_453, %dma_wait3A_454, %dma_wait3A_455] : memref<8x128x16xf32, #tpu.memory_space<vmem>> -> memref<1x128x16xf32, #tpu.memory_space<vmem>>
      %dma_wait3A_457 = tpu.memref_squeeze %dma_wait3A_456 : memref<1x128x16xf32, #tpu.memory_space<vmem>> -> memref<128x16xf32, #tpu.memory_space<vmem>>
      %dma_wait3A_458 = arith.constant 0 : i32
      %dma_wait3A_459 = tpu.memref_slice %arg9[%add3A_452, %dma_wait3A_458] : memref<80x128xi32, #tpu.memory_space<vmem>> -> memref<1x128xi32, #tpu.memory_space<vmem>>
      %dma_wait3A_460 = tpu.memref_squeeze %dma_wait3A_459 : memref<1x128xi32, #tpu.memory_space<vmem>> -> memref<128xi32, #tpu.memory_space<vmem>>
      %dma_wait3A_461 = arith.constant 0 : i32
      %dma_wait3A_462 = arith.constant 0 : i32
      %dma_wait3A_463 = tpu.memref_slice %arg11[%dma_wait3A_461, %dma_wait3A_462] : memref<10240x16xf32, #tpu.memory_space<vmem_shared>> -> memref<10240x16xf32, #tpu.memory_space<vmem_shared>>
      tpu.wait_indirect_dma semaphore(%arg26 : memref<!tpu.dma_semaphore, #tpu.memory_space<semaphore_mem>>) src(%dma_wait3A_457 : memref<128x16xf32, #tpu.memory_space<vmem>>) dst(%dma_wait3A_463 : memref<10240x16xf32, #tpu.memory_space<vmem_shared>>)
      %add3A_464 = arith.constant 8 : i32
      %add3A_465 = arith.addi %add3A_452, %add3A_464 : i32
      %lt3A_466 = arith.constant 80 : i32
      %lt3A_467 = arith.cmpi slt, %add3A_465, %lt3A_466 : i32
      %convert_element_type3A_468 = arith.extui %lt3A_467 : i1 to i32
      %cond3A_469 = arith.constant 0 : i32
      %cond3A_470 = arith.cmpi ne, %convert_element_type3A_468, %cond3A_469 : i32
      scf.if %cond3A_470 {
        %add3A_493 = arith.constant 8 : i32
        %add3A_494 = arith.addi %add3A_452, %add3A_493 : i32
        %dma_start3A_495 = arith.constant 6 : i32
        %dma_start3A_496 = arith.constant 0 : i32
        %dma_start3A_497 = arith.constant 0 : i32
        %dma_start3A_498 = tpu.memref_slice %arg10[%dma_start3A_495, %dma_start3A_496, %dma_start3A_497] : memref<8x128x16xf32, #tpu.memory_space<vmem>> -> memref<1x128x16xf32, #tpu.memory_space<vmem>>
        %dma_start3A_499 = tpu.memref_squeeze %dma_start3A_498 : memref<1x128x16xf32, #tpu.memory_space<vmem>> -> memref<128x16xf32, #tpu.memory_space<vmem>>
        %dma_start3A_500 = arith.constant 0 : i32
        %dma_start3A_501 = tpu.memref_slice %arg8[%add3A_494, %dma_start3A_500] : memref<80x128xi32, #tpu.memory_space<vmem>> -> memref<1x128xi32, #tpu.memory_space<vmem>>
        %dma_start3A_502 = tpu.memref_squeeze %dma_start3A_501 : memref<1x128xi32, #tpu.memory_space<vmem>> -> memref<128xi32, #tpu.memory_space<vmem>>
        %dma_start3A_503 = arith.constant 0 : i32
        %dma_start3A_504 = arith.constant 0 : i32
        %dma_start3A_505 = tpu.memref_slice %arg2[%dma_start3A_503, %dma_start3A_504] : memref<10240x16xf32, #tpu.memory_space<hbm>> -> memref<10240x16xf32, #tpu.memory_space<hbm>>
        tpu.enqueue_indirect_dma source(%dma_start3A_505 : memref<10240x16xf32, #tpu.memory_space<hbm>>) target(%dma_start3A_499 : memref<128x16xf32, #tpu.memory_space<vmem>>) offsets(%dma_start3A_502 : memref<128xi32, #tpu.memory_space<vmem>>) semaphore(%arg18 : memref<!tpu.dma_semaphore, #tpu.memory_space<semaphore_mem>>)
      } else {
      }
      %mul3A_471 = arith.constant 8 : i32
      %mul3A_472 = arith.muli %scan3A_110, %mul3A_471 : i32
      %add3A_473 = arith.constant 7 : i32
      %add3A_474 = arith.addi %mul3A_472, %add3A_473 : i32
      %dma_wait3A_475 = arith.constant 7 : i32
      %dma_wait3A_476 = arith.constant 0 : i32
      %dma_wait3A_477 = arith.constant 0 : i32
      %dma_wait3A_478 = tpu.memref_slice %arg10[%dma_wait3A_475, %dma_wait3A_476, %dma_wait3A_477] : memref<8x128x16xf32, #tpu.memory_space<vmem>> -> memref<1x128x16xf32, #tpu.memory_space<vmem>>
      %dma_wait3A_479 = tpu.memref_squeeze %dma_wait3A_478 : memref<1x128x16xf32, #tpu.memory_space<vmem>> -> memref<128x16xf32, #tpu.memory_space<vmem>>
      %dma_wait3A_480 = arith.constant 0 : i32
      %dma_wait3A_481 = tpu.memref_slice %arg9[%add3A_474, %dma_wait3A_480] : memref<80x128xi32, #tpu.memory_space<vmem>> -> memref<1x128xi32, #tpu.memory_space<vmem>>
      %dma_wait3A_482 = tpu.memref_squeeze %dma_wait3A_481 : memref<1x128xi32, #tpu.memory_space<vmem>> -> memref<128xi32, #tpu.memory_space<vmem>>
      %dma_wait3A_483 = arith.constant 0 : i32
      %dma_wait3A_484 = arith.constant 0 : i32
      %dma_wait3A_485 = tpu.memref_slice %arg11[%dma_wait3A_483, %dma_wait3A_484] : memref<10240x16xf32, #tpu.memory_space<vmem_shared>> -> memref<10240x16xf32, #tpu.memory_space<vmem_shared>>
      tpu.wait_indirect_dma semaphore(%arg27 : memref<!tpu.dma_semaphore, #tpu.memory_space<semaphore_mem>>) src(%dma_wait3A_479 : memref<128x16xf32, #tpu.memory_space<vmem>>) dst(%dma_wait3A_485 : memref<10240x16xf32, #tpu.memory_space<vmem_shared>>)
      %add3A_486 = arith.constant 8 : i32
      %add3A_487 = arith.addi %add3A_474, %add3A_486 : i32
      %lt3A_488 = arith.constant 80 : i32
      %lt3A_489 = arith.cmpi slt, %add3A_487, %lt3A_488 : i32
      %convert_element_type3A_490 = arith.extui %lt3A_489 : i1 to i32
      %cond3A_491 = arith.constant 0 : i32
      %cond3A_492 = arith.cmpi ne, %convert_element_type3A_490, %cond3A_491 : i32
      scf.if %cond3A_492 {
        %add3A_493 = arith.constant 8 : i32
        %add3A_494 = arith.addi %add3A_474, %add3A_493 : i32
        %dma_start3A_495 = arith.constant 7 : i32
        %dma_start3A_496 = arith.constant 0 : i32
        %dma_start3A_497 = arith.constant 0 : i32
        %dma_start3A_498 = tpu.memref_slice %arg10[%dma_start3A_495, %dma_start3A_496, %dma_start3A_497] : memref<8x128x16xf32, #tpu.memory_space<vmem>> -> memref<1x128x16xf32, #tpu.memory_space<vmem>>
        %dma_start3A_499 = tpu.memref_squeeze %dma_start3A_498 : memref<1x128x16xf32, #tpu.memory_space<vmem>> -> memref<128x16xf32, #tpu.memory_space<vmem>>
        %dma_start3A_500 = arith.constant 0 : i32
        %dma_start3A_501 = tpu.memref_slice %arg8[%add3A_494, %dma_start3A_500] : memref<80x128xi32, #tpu.memory_space<vmem>> -> memref<1x128xi32, #tpu.memory_space<vmem>>
        %dma_start3A_502 = tpu.memref_squeeze %dma_start3A_501 : memref<1x128xi32, #tpu.memory_space<vmem>> -> memref<128xi32, #tpu.memory_space<vmem>>
        %dma_start3A_503 = arith.constant 0 : i32
        %dma_start3A_504 = arith.constant 0 : i32
        %dma_start3A_505 = tpu.memref_slice %arg2[%dma_start3A_503, %dma_start3A_504] : memref<10240x16xf32, #tpu.memory_space<hbm>> -> memref<10240x16xf32, #tpu.memory_space<hbm>>
        tpu.enqueue_indirect_dma source(%dma_start3A_505 : memref<10240x16xf32, #tpu.memory_space<hbm>>) target(%dma_start3A_499 : memref<128x16xf32, #tpu.memory_space<vmem>>) offsets(%dma_start3A_502 : memref<128xi32, #tpu.memory_space<vmem>>) semaphore(%arg19 : memref<!tpu.dma_semaphore, #tpu.memory_space<semaphore_mem>>)
      } else {
      }
    }
    %scan3A_102 = arith.constant 10 : i32
    %barrier3A_103 = arith.constant 0 : index
    tpu.barrier barrier_id(%barrier3A_103)
    %eq3A = arith.constant 0 : i32
    %eq3A_104 = arith.cmpi eq, %arg0, %eq3A : i32
    %convert_element_type3A = arith.extui %eq3A_104 : i1 to i32
    %cond3A = arith.constant 0 : i32
    %cond3A_105 = arith.cmpi ne, %convert_element_type3A, %cond3A : i32
    scf.if %cond3A_105 {
      "tpu.region"() ({
        %run_scoped3A = tpu.sem_alloc : memref<!tpu.dma_semaphore, #tpu.memory_space<semaphore_mem>>
        %dma_start3A_110 = arith.constant 0 : i32
        %dma_start3A_111 = tpu.memref_slice %arg6[%mul3A_2, %dma_start3A_110] : memref<10240x16xf32, #tpu.memory_space<hbm>> -> memref<640x16xf32, #tpu.memory_space<hbm>>
        %dma_start3A_112 = arith.constant 0 : i32
        %dma_start3A_113 = tpu.memref_slice %arg11[%mul3A_2, %dma_start3A_112] : memref<10240x16xf32, #tpu.memory_space<vmem_shared>> -> memref<640x16xf32, #tpu.memory_space<vmem_shared>>
        tpu.enqueue_dma source(%dma_start3A_113 : memref<640x16xf32, #tpu.memory_space<vmem_shared>>) target(%dma_start3A_111 : memref<640x16xf32, #tpu.memory_space<hbm>>) target_semaphore(%run_scoped3A : memref<!tpu.dma_semaphore, #tpu.memory_space<semaphore_mem>>)
        %dma_wait3A = arith.constant 0 : i32
        %dma_wait3A_114 = tpu.memref_slice %arg6[%mul3A_2, %dma_wait3A] : memref<10240x16xf32, #tpu.memory_space<hbm>> -> memref<640x16xf32, #tpu.memory_space<hbm>>
        %dma_wait3A_115 = arith.constant 0 : i32
        %dma_wait3A_116 = tpu.memref_slice %arg11[%mul3A_2, %dma_wait3A_115] : memref<10240x16xf32, #tpu.memory_space<vmem_shared>> -> memref<640x16xf32, #tpu.memory_space<vmem_shared>>
        tpu.wait_dma2 semaphore(%run_scoped3A : memref<!tpu.dma_semaphore, #tpu.memory_space<semaphore_mem>>) src(%dma_wait3A_116 : memref<640x16xf32, #tpu.memory_space<vmem_shared>>) dst(%dma_wait3A_114 : memref<640x16xf32, #tpu.memory_space<hbm>>)
        tpu.yield
      }) : () -> ()
    } else {
    }
    %ne3A = arith.constant 0 : i32
    %ne3A_106 = arith.cmpi ne, %arg0, %ne3A : i32
    %convert_element_type3A_107 = arith.extui %ne3A_106 : i1 to i32
    %cond3A_108 = arith.constant 0 : i32
    %cond3A_109 = arith.cmpi ne, %convert_element_type3A_107, %cond3A_108 : i32
    scf.if %cond3A_109 {
      "tpu.region"() ({
        %run_scoped3A = tpu.sem_alloc : memref<!tpu.dma_semaphore, #tpu.memory_space<semaphore_mem>>
        %dma_start3A_110 = arith.constant 0 : i32
        %dma_start3A_111 = tpu.memref_slice %arg7[%mul3A_2, %dma_start3A_110] : memref<10240x16xf32, #tpu.memory_space<hbm>> -> memref<640x16xf32, #tpu.memory_space<hbm>>
        %dma_start3A_112 = arith.constant 0 : i32
        %dma_start3A_113 = tpu.memref_slice %arg11[%mul3A_2, %dma_start3A_112] : memref<10240x16xf32, #tpu.memory_space<vmem_shared>> -> memref<640x16xf32, #tpu.memory_space<vmem_shared>>
        tpu.enqueue_dma source(%dma_start3A_113 : memref<640x16xf32, #tpu.memory_space<vmem_shared>>) target(%dma_start3A_111 : memref<640x16xf32, #tpu.memory_space<hbm>>) target_semaphore(%run_scoped3A : memref<!tpu.dma_semaphore, #tpu.memory_space<semaphore_mem>>)
        %dma_wait3A = arith.constant 0 : i32
        %dma_wait3A_114 = tpu.memref_slice %arg7[%mul3A_2, %dma_wait3A] : memref<10240x16xf32, #tpu.memory_space<hbm>> -> memref<640x16xf32, #tpu.memory_space<hbm>>
        %dma_wait3A_115 = arith.constant 0 : i32
        %dma_wait3A_116 = tpu.memref_slice %arg11[%mul3A_2, %dma_wait3A_115] : memref<10240x16xf32, #tpu.memory_space<vmem_shared>> -> memref<640x16xf32, #tpu.memory_space<vmem_shared>>
        tpu.wait_dma2 semaphore(%run_scoped3A : memref<!tpu.dma_semaphore, #tpu.memory_space<semaphore_mem>>) src(%dma_wait3A_116 : memref<640x16xf32, #tpu.memory_space<vmem_shared>>) dst(%dma_wait3A_114 : memref<640x16xf32, #tpu.memory_space<hbm>>)
        tpu.yield
      }) : () -> ()
    } else {
    }
    return
  }
}

#map = affine_map<(d0, d1) -> (0, 0)>
#map1 = affine_map<(d0, d1) -> (0, 0, 0)>
module attributes {stable_mosaic.version = 14 : i64} {
  func.func @_sc_agg_body(%arg0: i32, %arg1: i32, %arg2: memref<10240x16xf32, #tpu.memory_space<hbm>>, %arg3: memref<32x80x128xi32, #tpu.memory_space<hbm>>, %arg4: memref<32x80x128xi32, #tpu.memory_space<hbm>>, %arg5: memref<10240x16xf32, #tpu.memory_space<hbm>>, %arg6: memref<10240x16xf32, #tpu.memory_space<hbm>>, %arg7: memref<10240x16xf32, #tpu.memory_space<hbm>>, %arg8: memref<80x128xi32, #tpu.memory_space<vmem>>, %arg9: memref<80x128xi32, #tpu.memory_space<vmem>>, %arg10: memref<8x128x16xf32, #tpu.memory_space<vmem>>, %arg11: memref<10240x16xf32, #tpu.memory_space<vmem_shared>>, %arg12: memref<!tpu.dma_semaphore, #tpu.memory_space<semaphore_mem>>, %arg13: memref<!tpu.dma_semaphore, #tpu.memory_space<semaphore_mem>>, %arg14: memref<!tpu.dma_semaphore, #tpu.memory_space<semaphore_mem>>, %arg15: memref<!tpu.dma_semaphore, #tpu.memory_space<semaphore_mem>>, %arg16: memref<!tpu.dma_semaphore, #tpu.memory_space<semaphore_mem>>, %arg17: memref<!tpu.dma_semaphore, #tpu.memory_space<semaphore_mem>>, %arg18: memref<!tpu.dma_semaphore, #tpu.memory_space<semaphore_mem>>, %arg19: memref<!tpu.dma_semaphore, #tpu.memory_space<semaphore_mem>>, %arg20: memref<!tpu.dma_semaphore, #tpu.memory_space<semaphore_mem>>, %arg21: memref<!tpu.dma_semaphore, #tpu.memory_space<semaphore_mem>>, %arg22: memref<!tpu.dma_semaphore, #tpu.memory_space<semaphore_mem>>, %arg23: memref<!tpu.dma_semaphore, #tpu.memory_space<semaphore_mem>>, %arg24: memref<!tpu.dma_semaphore, #tpu.memory_space<semaphore_mem>>, %arg25: memref<!tpu.dma_semaphore, #tpu.memory_space<semaphore_mem>>, %arg26: memref<!tpu.dma_semaphore, #tpu.memory_space<semaphore_mem>>, %arg27: memref<!tpu.dma_semaphore, #tpu.memory_space<semaphore_mem>>) attributes {dimension_semantics = [#tpu.dimension_semantics<core_parallel>, #tpu.dimension_semantics<subcore_parallel>], iteration_bounds = array<i64: 2, 16>, scalar_prefetch = 0 : i64, scratch_operands = 20 : i64, tpu.core_type = #tpu.core_type<sc_vector_subcore>, window_params = [{transform_indices = #map}, {transform_indices = #map1}, {transform_indices = #map1}, {transform_indices = #map}, {transform_indices = #map}, {transform_indices = #map}]} {
    %mul3A = arith.constant 16 : i32
    %mul3A_0 = arith.muli %arg0, %mul3A : i32
    %add3A = arith.addi %mul3A_0, %arg1 : i32
    %mul3A_1 = arith.constant 640 : i32
    %mul3A_2 = arith.muli %arg1, %mul3A_1 : i32
    "tpu.region"() ({
      %run_scoped3A = tpu.sem_alloc : memref<!tpu.dma_semaphore, #tpu.memory_space<semaphore_mem>>
      %dma_start3A_110 = arith.constant 0 : i32
      %dma_start3A_111 = tpu.memref_slice %arg11[%mul3A_2, %dma_start3A_110] : memref<10240x16xf32, #tpu.memory_space<vmem_shared>> -> memref<640x16xf32, #tpu.memory_space<vmem_shared>>
      %dma_start3A_112 = arith.constant 0 : i32
      %dma_start3A_113 = tpu.memref_slice %arg5[%mul3A_2, %dma_start3A_112] : memref<10240x16xf32, #tpu.memory_space<hbm>> -> memref<640x16xf32, #tpu.memory_space<hbm>>
      tpu.enqueue_dma source(%dma_start3A_113 : memref<640x16xf32, #tpu.memory_space<hbm>>) target(%dma_start3A_111 : memref<640x16xf32, #tpu.memory_space<vmem_shared>>) target_semaphore(%run_scoped3A : memref<!tpu.dma_semaphore, #tpu.memory_space<semaphore_mem>>)
      %dma_wait3A = arith.constant 0 : i32
      %dma_wait3A_114 = tpu.memref_slice %arg11[%mul3A_2, %dma_wait3A] : memref<10240x16xf32, #tpu.memory_space<vmem_shared>> -> memref<640x16xf32, #tpu.memory_space<vmem_shared>>
      %dma_wait3A_115 = arith.constant 0 : i32
      %dma_wait3A_116 = tpu.memref_slice %arg5[%mul3A_2, %dma_wait3A_115] : memref<10240x16xf32, #tpu.memory_space<hbm>> -> memref<640x16xf32, #tpu.memory_space<hbm>>
      tpu.wait_dma2 semaphore(%run_scoped3A : memref<!tpu.dma_semaphore, #tpu.memory_space<semaphore_mem>>) src(%dma_wait3A_116 : memref<640x16xf32, #tpu.memory_space<hbm>>) dst(%dma_wait3A_114 : memref<640x16xf32, #tpu.memory_space<vmem_shared>>)
      tpu.yield
    }) : () -> ()
    "tpu.region"() ({
      %run_scoped3A = tpu.sem_alloc : memref<!tpu.dma_semaphore, #tpu.memory_space<semaphore_mem>>
      %dma_start3A_110 = arith.constant 0 : i32
      %dma_start3A_111 = arith.constant 0 : i32
      %dma_start3A_112 = tpu.memref_slice %arg3[%add3A, %dma_start3A_110, %dma_start3A_111] : memref<32x80x128xi32, #tpu.memory_space<hbm>> -> memref<1x80x128xi32, #tpu.memory_space<hbm>>
      %dma_start3A_113 = tpu.memref_squeeze %dma_start3A_112 : memref<1x80x128xi32, #tpu.memory_space<hbm>> -> memref<80x128xi32, #tpu.memory_space<hbm>>
      %dma_start3A_114 = arith.constant 0 : i32
      %dma_start3A_115 = arith.constant 0 : i32
      %dma_start3A_116 = tpu.memref_slice %arg3[%add3A, %dma_start3A_114, %dma_start3A_115] : memref<32x80x128xi32, #tpu.memory_space<hbm>> -> memref<1x80x128xi32, #tpu.memory_space<hbm>>
      %dma_start3A_117 = tpu.memref_squeeze %dma_start3A_116 : memref<1x80x128xi32, #tpu.memory_space<hbm>> -> memref<80x128xi32, #tpu.memory_space<hbm>>
      tpu.enqueue_dma source(%dma_start3A_117 : memref<80x128xi32, #tpu.memory_space<hbm>>) target(%arg8 : memref<80x128xi32, #tpu.memory_space<vmem>>) target_semaphore(%run_scoped3A : memref<!tpu.dma_semaphore, #tpu.memory_space<semaphore_mem>>)
      %dma_wait3A = arith.constant 0 : i32
      %dma_wait3A_118 = arith.constant 0 : i32
      %dma_wait3A_119 = tpu.memref_slice %arg3[%add3A, %dma_wait3A, %dma_wait3A_118] : memref<32x80x128xi32, #tpu.memory_space<hbm>> -> memref<1x80x128xi32, #tpu.memory_space<hbm>>
      %dma_wait3A_120 = tpu.memref_squeeze %dma_wait3A_119 : memref<1x80x128xi32, #tpu.memory_space<hbm>> -> memref<80x128xi32, #tpu.memory_space<hbm>>
      %dma_wait3A_121 = arith.constant 0 : i32
      %dma_wait3A_122 = arith.constant 0 : i32
      %dma_wait3A_123 = tpu.memref_slice %arg3[%add3A, %dma_wait3A_121, %dma_wait3A_122] : memref<32x80x128xi32, #tpu.memory_space<hbm>> -> memref<1x80x128xi32, #tpu.memory_space<hbm>>
      %dma_wait3A_124 = tpu.memref_squeeze %dma_wait3A_123 : memref<1x80x128xi32, #tpu.memory_space<hbm>> -> memref<80x128xi32, #tpu.memory_space<hbm>>
      tpu.wait_dma2 semaphore(%run_scoped3A : memref<!tpu.dma_semaphore, #tpu.memory_space<semaphore_mem>>) src(%dma_wait3A_124 : memref<80x128xi32, #tpu.memory_space<hbm>>) dst(%arg8 : memref<80x128xi32, #tpu.memory_space<vmem>>)
      tpu.yield
    }) : () -> ()
    "tpu.region"() ({
      %run_scoped3A = tpu.sem_alloc : memref<!tpu.dma_semaphore, #tpu.memory_space<semaphore_mem>>
      %dma_start3A_110 = arith.constant 0 : i32
      %dma_start3A_111 = arith.constant 0 : i32
      %dma_start3A_112 = tpu.memref_slice %arg4[%add3A, %dma_start3A_110, %dma_start3A_111] : memref<32x80x128xi32, #tpu.memory_space<hbm>> -> memref<1x80x128xi32, #tpu.memory_space<hbm>>
      %dma_start3A_113 = tpu.memref_squeeze %dma_start3A_112 : memref<1x80x128xi32, #tpu.memory_space<hbm>> -> memref<80x128xi32, #tpu.memory_space<hbm>>
      %dma_start3A_114 = arith.constant 0 : i32
      %dma_start3A_115 = arith.constant 0 : i32
      %dma_start3A_116 = tpu.memref_slice %arg4[%add3A, %dma_start3A_114, %dma_start3A_115] : memref<32x80x128xi32, #tpu.memory_space<hbm>> -> memref<1x80x128xi32, #tpu.memory_space<hbm>>
      %dma_start3A_117 = tpu.memref_squeeze %dma_start3A_116 : memref<1x80x128xi32, #tpu.memory_space<hbm>> -> memref<80x128xi32, #tpu.memory_space<hbm>>
      tpu.enqueue_dma source(%dma_start3A_117 : memref<80x128xi32, #tpu.memory_space<hbm>>) target(%arg9 : memref<80x128xi32, #tpu.memory_space<vmem>>) target_semaphore(%run_scoped3A : memref<!tpu.dma_semaphore, #tpu.memory_space<semaphore_mem>>)
      %dma_wait3A = arith.constant 0 : i32
      %dma_wait3A_118 = arith.constant 0 : i32
      %dma_wait3A_119 = tpu.memref_slice %arg4[%add3A, %dma_wait3A, %dma_wait3A_118] : memref<32x80x128xi32, #tpu.memory_space<hbm>> -> memref<1x80x128xi32, #tpu.memory_space<hbm>>
      %dma_wait3A_120 = tpu.memref_squeeze %dma_wait3A_119 : memref<1x80x128xi32, #tpu.memory_space<hbm>> -> memref<80x128xi32, #tpu.memory_space<hbm>>
      %dma_wait3A_121 = arith.constant 0 : i32
      %dma_wait3A_122 = arith.constant 0 : i32
      %dma_wait3A_123 = tpu.memref_slice %arg4[%add3A, %dma_wait3A_121, %dma_wait3A_122] : memref<32x80x128xi32, #tpu.memory_space<hbm>> -> memref<1x80x128xi32, #tpu.memory_space<hbm>>
      %dma_wait3A_124 = tpu.memref_squeeze %dma_wait3A_123 : memref<1x80x128xi32, #tpu.memory_space<hbm>> -> memref<80x128xi32, #tpu.memory_space<hbm>>
      tpu.wait_dma2 semaphore(%run_scoped3A : memref<!tpu.dma_semaphore, #tpu.memory_space<semaphore_mem>>) src(%dma_wait3A_124 : memref<80x128xi32, #tpu.memory_space<hbm>>) dst(%arg9 : memref<80x128xi32, #tpu.memory_space<vmem>>)
      tpu.yield
    }) : () -> ()
    %barrier3A = arith.constant 0 : index
    tpu.barrier barrier_id(%barrier3A)
    %dma_start3A = arith.constant 0 : i32
    %dma_start3A_3 = arith.constant 0 : i32
    %dma_start3A_4 = arith.constant 0 : i32
    %dma_start3A_5 = arith.constant 0 : i32
    %dma_start3A_6 = tpu.memref_slice %arg10[%dma_start3A_3, %dma_start3A_4, %dma_start3A_5] : memref<8x128x16xf32, #tpu.memory_space<vmem>> -> memref<1x128x16xf32, #tpu.memory_space<vmem>>
    %dma_start3A_7 = tpu.memref_squeeze %dma_start3A_6 : memref<1x128x16xf32, #tpu.memory_space<vmem>> -> memref<128x16xf32, #tpu.memory_space<vmem>>
    %dma_start3A_8 = arith.constant 0 : i32
    %dma_start3A_9 = tpu.memref_slice %arg8[%dma_start3A, %dma_start3A_8] : memref<80x128xi32, #tpu.memory_space<vmem>> -> memref<1x128xi32, #tpu.memory_space<vmem>>
    %dma_start3A_10 = tpu.memref_squeeze %dma_start3A_9 : memref<1x128xi32, #tpu.memory_space<vmem>> -> memref<128xi32, #tpu.memory_space<vmem>>
    %dma_start3A_11 = arith.constant 0 : i32
    %dma_start3A_12 = arith.constant 0 : i32
    %dma_start3A_13 = tpu.memref_slice %arg2[%dma_start3A_11, %dma_start3A_12] : memref<10240x16xf32, #tpu.memory_space<hbm>> -> memref<10240x16xf32, #tpu.memory_space<hbm>>
    tpu.enqueue_indirect_dma source(%dma_start3A_13 : memref<10240x16xf32, #tpu.memory_space<hbm>>) target(%dma_start3A_7 : memref<128x16xf32, #tpu.memory_space<vmem>>) offsets(%dma_start3A_10 : memref<128xi32, #tpu.memory_space<vmem>>) semaphore(%arg12 : memref<!tpu.dma_semaphore, #tpu.memory_space<semaphore_mem>>)
    %dma_start3A_14 = arith.constant 1 : i32
    %dma_start3A_15 = arith.constant 1 : i32
    %dma_start3A_16 = arith.constant 0 : i32
    %dma_start3A_17 = arith.constant 0 : i32
    %dma_start3A_18 = tpu.memref_slice %arg10[%dma_start3A_15, %dma_start3A_16, %dma_start3A_17] : memref<8x128x16xf32, #tpu.memory_space<vmem>> -> memref<1x128x16xf32, #tpu.memory_space<vmem>>
    %dma_start3A_19 = tpu.memref_squeeze %dma_start3A_18 : memref<1x128x16xf32, #tpu.memory_space<vmem>> -> memref<128x16xf32, #tpu.memory_space<vmem>>
    %dma_start3A_20 = arith.constant 0 : i32
    %dma_start3A_21 = tpu.memref_slice %arg8[%dma_start3A_14, %dma_start3A_20] : memref<80x128xi32, #tpu.memory_space<vmem>> -> memref<1x128xi32, #tpu.memory_space<vmem>>
    %dma_start3A_22 = tpu.memref_squeeze %dma_start3A_21 : memref<1x128xi32, #tpu.memory_space<vmem>> -> memref<128xi32, #tpu.memory_space<vmem>>
    %dma_start3A_23 = arith.constant 0 : i32
    %dma_start3A_24 = arith.constant 0 : i32
    %dma_start3A_25 = tpu.memref_slice %arg2[%dma_start3A_23, %dma_start3A_24] : memref<10240x16xf32, #tpu.memory_space<hbm>> -> memref<10240x16xf32, #tpu.memory_space<hbm>>
    tpu.enqueue_indirect_dma source(%dma_start3A_25 : memref<10240x16xf32, #tpu.memory_space<hbm>>) target(%dma_start3A_19 : memref<128x16xf32, #tpu.memory_space<vmem>>) offsets(%dma_start3A_22 : memref<128xi32, #tpu.memory_space<vmem>>) semaphore(%arg13 : memref<!tpu.dma_semaphore, #tpu.memory_space<semaphore_mem>>)
    %dma_start3A_26 = arith.constant 2 : i32
    %dma_start3A_27 = arith.constant 2 : i32
    %dma_start3A_28 = arith.constant 0 : i32
    %dma_start3A_29 = arith.constant 0 : i32
    %dma_start3A_30 = tpu.memref_slice %arg10[%dma_start3A_27, %dma_start3A_28, %dma_start3A_29] : memref<8x128x16xf32, #tpu.memory_space<vmem>> -> memref<1x128x16xf32, #tpu.memory_space<vmem>>
    %dma_start3A_31 = tpu.memref_squeeze %dma_start3A_30 : memref<1x128x16xf32, #tpu.memory_space<vmem>> -> memref<128x16xf32, #tpu.memory_space<vmem>>
    %dma_start3A_32 = arith.constant 0 : i32
    %dma_start3A_33 = tpu.memref_slice %arg8[%dma_start3A_26, %dma_start3A_32] : memref<80x128xi32, #tpu.memory_space<vmem>> -> memref<1x128xi32, #tpu.memory_space<vmem>>
    %dma_start3A_34 = tpu.memref_squeeze %dma_start3A_33 : memref<1x128xi32, #tpu.memory_space<vmem>> -> memref<128xi32, #tpu.memory_space<vmem>>
    %dma_start3A_35 = arith.constant 0 : i32
    %dma_start3A_36 = arith.constant 0 : i32
    %dma_start3A_37 = tpu.memref_slice %arg2[%dma_start3A_35, %dma_start3A_36] : memref<10240x16xf32, #tpu.memory_space<hbm>> -> memref<10240x16xf32, #tpu.memory_space<hbm>>
    tpu.enqueue_indirect_dma source(%dma_start3A_37 : memref<10240x16xf32, #tpu.memory_space<hbm>>) target(%dma_start3A_31 : memref<128x16xf32, #tpu.memory_space<vmem>>) offsets(%dma_start3A_34 : memref<128xi32, #tpu.memory_space<vmem>>) semaphore(%arg14 : memref<!tpu.dma_semaphore, #tpu.memory_space<semaphore_mem>>)
    %dma_start3A_38 = arith.constant 3 : i32
    %dma_start3A_39 = arith.constant 3 : i32
    %dma_start3A_40 = arith.constant 0 : i32
    %dma_start3A_41 = arith.constant 0 : i32
    %dma_start3A_42 = tpu.memref_slice %arg10[%dma_start3A_39, %dma_start3A_40, %dma_start3A_41] : memref<8x128x16xf32, #tpu.memory_space<vmem>> -> memref<1x128x16xf32, #tpu.memory_space<vmem>>
    %dma_start3A_43 = tpu.memref_squeeze %dma_start3A_42 : memref<1x128x16xf32, #tpu.memory_space<vmem>> -> memref<128x16xf32, #tpu.memory_space<vmem>>
    %dma_start3A_44 = arith.constant 0 : i32
    %dma_start3A_45 = tpu.memref_slice %arg8[%dma_start3A_38, %dma_start3A_44] : memref<80x128xi32, #tpu.memory_space<vmem>> -> memref<1x128xi32, #tpu.memory_space<vmem>>
    %dma_start3A_46 = tpu.memref_squeeze %dma_start3A_45 : memref<1x128xi32, #tpu.memory_space<vmem>> -> memref<128xi32, #tpu.memory_space<vmem>>
    %dma_start3A_47 = arith.constant 0 : i32
    %dma_start3A_48 = arith.constant 0 : i32
    %dma_start3A_49 = tpu.memref_slice %arg2[%dma_start3A_47, %dma_start3A_48] : memref<10240x16xf32, #tpu.memory_space<hbm>> -> memref<10240x16xf32, #tpu.memory_space<hbm>>
    tpu.enqueue_indirect_dma source(%dma_start3A_49 : memref<10240x16xf32, #tpu.memory_space<hbm>>) target(%dma_start3A_43 : memref<128x16xf32, #tpu.memory_space<vmem>>) offsets(%dma_start3A_46 : memref<128xi32, #tpu.memory_space<vmem>>) semaphore(%arg15 : memref<!tpu.dma_semaphore, #tpu.memory_space<semaphore_mem>>)
    %dma_start3A_50 = arith.constant 4 : i32
    %dma_start3A_51 = arith.constant 4 : i32
    %dma_start3A_52 = arith.constant 0 : i32
    %dma_start3A_53 = arith.constant 0 : i32
    %dma_start3A_54 = tpu.memref_slice %arg10[%dma_start3A_51, %dma_start3A_52, %dma_start3A_53] : memref<8x128x16xf32, #tpu.memory_space<vmem>> -> memref<1x128x16xf32, #tpu.memory_space<vmem>>
    %dma_start3A_55 = tpu.memref_squeeze %dma_start3A_54 : memref<1x128x16xf32, #tpu.memory_space<vmem>> -> memref<128x16xf32, #tpu.memory_space<vmem>>
    %dma_start3A_56 = arith.constant 0 : i32
    %dma_start3A_57 = tpu.memref_slice %arg8[%dma_start3A_50, %dma_start3A_56] : memref<80x128xi32, #tpu.memory_space<vmem>> -> memref<1x128xi32, #tpu.memory_space<vmem>>
    %dma_start3A_58 = tpu.memref_squeeze %dma_start3A_57 : memref<1x128xi32, #tpu.memory_space<vmem>> -> memref<128xi32, #tpu.memory_space<vmem>>
    %dma_start3A_59 = arith.constant 0 : i32
    %dma_start3A_60 = arith.constant 0 : i32
    %dma_start3A_61 = tpu.memref_slice %arg2[%dma_start3A_59, %dma_start3A_60] : memref<10240x16xf32, #tpu.memory_space<hbm>> -> memref<10240x16xf32, #tpu.memory_space<hbm>>
    tpu.enqueue_indirect_dma source(%dma_start3A_61 : memref<10240x16xf32, #tpu.memory_space<hbm>>) target(%dma_start3A_55 : memref<128x16xf32, #tpu.memory_space<vmem>>) offsets(%dma_start3A_58 : memref<128xi32, #tpu.memory_space<vmem>>) semaphore(%arg16 : memref<!tpu.dma_semaphore, #tpu.memory_space<semaphore_mem>>)
    %dma_start3A_62 = arith.constant 5 : i32
    %dma_start3A_63 = arith.constant 5 : i32
    %dma_start3A_64 = arith.constant 0 : i32
    %dma_start3A_65 = arith.constant 0 : i32
    %dma_start3A_66 = tpu.memref_slice %arg10[%dma_start3A_63, %dma_start3A_64, %dma_start3A_65] : memref<8x128x16xf32, #tpu.memory_space<vmem>> -> memref<1x128x16xf32, #tpu.memory_space<vmem>>
    %dma_start3A_67 = tpu.memref_squeeze %dma_start3A_66 : memref<1x128x16xf32, #tpu.memory_space<vmem>> -> memref<128x16xf32, #tpu.memory_space<vmem>>
    %dma_start3A_68 = arith.constant 0 : i32
    %dma_start3A_69 = tpu.memref_slice %arg8[%dma_start3A_62, %dma_start3A_68] : memref<80x128xi32, #tpu.memory_space<vmem>> -> memref<1x128xi32, #tpu.memory_space<vmem>>
    %dma_start3A_70 = tpu.memref_squeeze %dma_start3A_69 : memref<1x128xi32, #tpu.memory_space<vmem>> -> memref<128xi32, #tpu.memory_space<vmem>>
    %dma_start3A_71 = arith.constant 0 : i32
    %dma_start3A_72 = arith.constant 0 : i32
    %dma_start3A_73 = tpu.memref_slice %arg2[%dma_start3A_71, %dma_start3A_72] : memref<10240x16xf32, #tpu.memory_space<hbm>> -> memref<10240x16xf32, #tpu.memory_space<hbm>>
    tpu.enqueue_indirect_dma source(%dma_start3A_73 : memref<10240x16xf32, #tpu.memory_space<hbm>>) target(%dma_start3A_67 : memref<128x16xf32, #tpu.memory_space<vmem>>) offsets(%dma_start3A_70 : memref<128xi32, #tpu.memory_space<vmem>>) semaphore(%arg17 : memref<!tpu.dma_semaphore, #tpu.memory_space<semaphore_mem>>)
    %dma_start3A_74 = arith.constant 6 : i32
    %dma_start3A_75 = arith.constant 6 : i32
    %dma_start3A_76 = arith.constant 0 : i32
    %dma_start3A_77 = arith.constant 0 : i32
    %dma_start3A_78 = tpu.memref_slice %arg10[%dma_start3A_75, %dma_start3A_76, %dma_start3A_77] : memref<8x128x16xf32, #tpu.memory_space<vmem>> -> memref<1x128x16xf32, #tpu.memory_space<vmem>>
    %dma_start3A_79 = tpu.memref_squeeze %dma_start3A_78 : memref<1x128x16xf32, #tpu.memory_space<vmem>> -> memref<128x16xf32, #tpu.memory_space<vmem>>
    %dma_start3A_80 = arith.constant 0 : i32
    %dma_start3A_81 = tpu.memref_slice %arg8[%dma_start3A_74, %dma_start3A_80] : memref<80x128xi32, #tpu.memory_space<vmem>> -> memref<1x128xi32, #tpu.memory_space<vmem>>
    %dma_start3A_82 = tpu.memref_squeeze %dma_start3A_81 : memref<1x128xi32, #tpu.memory_space<vmem>> -> memref<128xi32, #tpu.memory_space<vmem>>
    %dma_start3A_83 = arith.constant 0 : i32
    %dma_start3A_84 = arith.constant 0 : i32
    %dma_start3A_85 = tpu.memref_slice %arg2[%dma_start3A_83, %dma_start3A_84] : memref<10240x16xf32, #tpu.memory_space<hbm>> -> memref<10240x16xf32, #tpu.memory_space<hbm>>
    tpu.enqueue_indirect_dma source(%dma_start3A_85 : memref<10240x16xf32, #tpu.memory_space<hbm>>) target(%dma_start3A_79 : memref<128x16xf32, #tpu.memory_space<vmem>>) offsets(%dma_start3A_82 : memref<128xi32, #tpu.memory_space<vmem>>) semaphore(%arg18 : memref<!tpu.dma_semaphore, #tpu.memory_space<semaphore_mem>>)
    %dma_start3A_86 = arith.constant 7 : i32
    %dma_start3A_87 = arith.constant 7 : i32
    %dma_start3A_88 = arith.constant 0 : i32
    %dma_start3A_89 = arith.constant 0 : i32
    %dma_start3A_90 = tpu.memref_slice %arg10[%dma_start3A_87, %dma_start3A_88, %dma_start3A_89] : memref<8x128x16xf32, #tpu.memory_space<vmem>> -> memref<1x128x16xf32, #tpu.memory_space<vmem>>
    %dma_start3A_91 = tpu.memref_squeeze %dma_start3A_90 : memref<1x128x16xf32, #tpu.memory_space<vmem>> -> memref<128x16xf32, #tpu.memory_space<vmem>>
    %dma_start3A_92 = arith.constant 0 : i32
    %dma_start3A_93 = tpu.memref_slice %arg8[%dma_start3A_86, %dma_start3A_92] : memref<80x128xi32, #tpu.memory_space<vmem>> -> memref<1x128xi32, #tpu.memory_space<vmem>>
    %dma_start3A_94 = tpu.memref_squeeze %dma_start3A_93 : memref<1x128xi32, #tpu.memory_space<vmem>> -> memref<128xi32, #tpu.memory_space<vmem>>
    %dma_start3A_95 = arith.constant 0 : i32
    %dma_start3A_96 = arith.constant 0 : i32
    %dma_start3A_97 = tpu.memref_slice %arg2[%dma_start3A_95, %dma_start3A_96] : memref<10240x16xf32, #tpu.memory_space<hbm>> -> memref<10240x16xf32, #tpu.memory_space<hbm>>
    tpu.enqueue_indirect_dma source(%dma_start3A_97 : memref<10240x16xf32, #tpu.memory_space<hbm>>) target(%dma_start3A_91 : memref<128x16xf32, #tpu.memory_space<vmem>>) offsets(%dma_start3A_94 : memref<128xi32, #tpu.memory_space<vmem>>) semaphore(%arg19 : memref<!tpu.dma_semaphore, #tpu.memory_space<semaphore_mem>>)
    %scan3A = arith.constant 0 : i32
    %scan3A_98 = arith.constant 0 : i32
    %scan3A_99 = arith.constant 10 : i32
    %scan3A_100 = arith.addi %scan3A_98, %scan3A_99 : i32
    %scan3A_101 = arith.constant 1 : i32
    scf.for %scan3A_110 = %scan3A_98 to %scan3A_100 step %scan3A_101  : i32 {
      %mul3A_111 = arith.constant 8 : i32
      %mul3A_112 = arith.muli %scan3A_110, %mul3A_111 : i32
      %add3A_113 = arith.constant 0 : i32
      %add3A_114 = arith.addi %mul3A_112, %add3A_113 : i32
      %dma_wait3A = arith.constant 0 : i32
      %dma_wait3A_115 = arith.constant 0 : i32
      %dma_wait3A_116 = arith.constant 0 : i32
      %dma_wait3A_117 = tpu.memref_slice %arg10[%dma_wait3A, %dma_wait3A_115, %dma_wait3A_116] : memref<8x128x16xf32, #tpu.memory_space<vmem>> -> memref<1x128x16xf32, #tpu.memory_space<vmem>>
      %dma_wait3A_118 = tpu.memref_squeeze %dma_wait3A_117 : memref<1x128x16xf32, #tpu.memory_space<vmem>> -> memref<128x16xf32, #tpu.memory_space<vmem>>
      %dma_wait3A_119 = arith.constant 0 : i32
      %dma_wait3A_120 = tpu.memref_slice %arg8[%add3A_114, %dma_wait3A_119] : memref<80x128xi32, #tpu.memory_space<vmem>> -> memref<1x128xi32, #tpu.memory_space<vmem>>
      %dma_wait3A_121 = tpu.memref_squeeze %dma_wait3A_120 : memref<1x128xi32, #tpu.memory_space<vmem>> -> memref<128xi32, #tpu.memory_space<vmem>>
      %dma_wait3A_122 = arith.constant 0 : i32
      %dma_wait3A_123 = arith.constant 0 : i32
      %dma_wait3A_124 = tpu.memref_slice %arg2[%dma_wait3A_122, %dma_wait3A_123] : memref<10240x16xf32, #tpu.memory_space<hbm>> -> memref<10240x16xf32, #tpu.memory_space<hbm>>
      tpu.wait_indirect_dma semaphore(%arg12 : memref<!tpu.dma_semaphore, #tpu.memory_space<semaphore_mem>>) src(%dma_wait3A_124 : memref<10240x16xf32, #tpu.memory_space<hbm>>) dst(%dma_wait3A_118 : memref<128x16xf32, #tpu.memory_space<vmem>>)
      %dma_start3A_125 = arith.constant 0 : i32
      %dma_start3A_126 = arith.constant 0 : i32
      %dma_start3A_127 = arith.constant 0 : i32
      %dma_start3A_128 = tpu.memref_slice %arg10[%dma_start3A_125, %dma_start3A_126, %dma_start3A_127] : memref<8x128x16xf32, #tpu.memory_space<vmem>> -> memref<1x128x16xf32, #tpu.memory_space<vmem>>
      %dma_start3A_129 = tpu.memref_squeeze %dma_start3A_128 : memref<1x128x16xf32, #tpu.memory_space<vmem>> -> memref<128x16xf32, #tpu.memory_space<vmem>>
      %dma_start3A_130 = arith.constant 0 : i32
      %dma_start3A_131 = tpu.memref_slice %arg9[%add3A_114, %dma_start3A_130] : memref<80x128xi32, #tpu.memory_space<vmem>> -> memref<1x128xi32, #tpu.memory_space<vmem>>
      %dma_start3A_132 = tpu.memref_squeeze %dma_start3A_131 : memref<1x128xi32, #tpu.memory_space<vmem>> -> memref<128xi32, #tpu.memory_space<vmem>>
      %dma_start3A_133 = arith.constant 0 : i32
      %dma_start3A_134 = arith.constant 0 : i32
      %dma_start3A_135 = tpu.memref_slice %arg11[%dma_start3A_133, %dma_start3A_134] : memref<10240x16xf32, #tpu.memory_space<vmem_shared>> -> memref<10240x16xf32, #tpu.memory_space<vmem_shared>>
      tpu.enqueue_indirect_dma source(%dma_start3A_129 : memref<128x16xf32, #tpu.memory_space<vmem>>) target(%dma_start3A_135 : memref<10240x16xf32, #tpu.memory_space<vmem_shared>>) offsets(%dma_start3A_132 : memref<128xi32, #tpu.memory_space<vmem>>) semaphore(%arg20 : memref<!tpu.dma_semaphore, #tpu.memory_space<semaphore_mem>>) {add = true}
      %mul3A_136 = arith.constant 8 : i32
      %mul3A_137 = arith.muli %scan3A_110, %mul3A_136 : i32
      %add3A_138 = arith.constant 1 : i32
      %add3A_139 = arith.addi %mul3A_137, %add3A_138 : i32
      %dma_wait3A_140 = arith.constant 1 : i32
      %dma_wait3A_141 = arith.constant 0 : i32
      %dma_wait3A_142 = arith.constant 0 : i32
      %dma_wait3A_143 = tpu.memref_slice %arg10[%dma_wait3A_140, %dma_wait3A_141, %dma_wait3A_142] : memref<8x128x16xf32, #tpu.memory_space<vmem>> -> memref<1x128x16xf32, #tpu.memory_space<vmem>>
      %dma_wait3A_144 = tpu.memref_squeeze %dma_wait3A_143 : memref<1x128x16xf32, #tpu.memory_space<vmem>> -> memref<128x16xf32, #tpu.memory_space<vmem>>
      %dma_wait3A_145 = arith.constant 0 : i32
      %dma_wait3A_146 = tpu.memref_slice %arg8[%add3A_139, %dma_wait3A_145] : memref<80x128xi32, #tpu.memory_space<vmem>> -> memref<1x128xi32, #tpu.memory_space<vmem>>
      %dma_wait3A_147 = tpu.memref_squeeze %dma_wait3A_146 : memref<1x128xi32, #tpu.memory_space<vmem>> -> memref<128xi32, #tpu.memory_space<vmem>>
      %dma_wait3A_148 = arith.constant 0 : i32
      %dma_wait3A_149 = arith.constant 0 : i32
      %dma_wait3A_150 = tpu.memref_slice %arg2[%dma_wait3A_148, %dma_wait3A_149] : memref<10240x16xf32, #tpu.memory_space<hbm>> -> memref<10240x16xf32, #tpu.memory_space<hbm>>
      tpu.wait_indirect_dma semaphore(%arg13 : memref<!tpu.dma_semaphore, #tpu.memory_space<semaphore_mem>>) src(%dma_wait3A_150 : memref<10240x16xf32, #tpu.memory_space<hbm>>) dst(%dma_wait3A_144 : memref<128x16xf32, #tpu.memory_space<vmem>>)
      %dma_start3A_151 = arith.constant 1 : i32
      %dma_start3A_152 = arith.constant 0 : i32
      %dma_start3A_153 = arith.constant 0 : i32
      %dma_start3A_154 = tpu.memref_slice %arg10[%dma_start3A_151, %dma_start3A_152, %dma_start3A_153] : memref<8x128x16xf32, #tpu.memory_space<vmem>> -> memref<1x128x16xf32, #tpu.memory_space<vmem>>
      %dma_start3A_155 = tpu.memref_squeeze %dma_start3A_154 : memref<1x128x16xf32, #tpu.memory_space<vmem>> -> memref<128x16xf32, #tpu.memory_space<vmem>>
      %dma_start3A_156 = arith.constant 0 : i32
      %dma_start3A_157 = tpu.memref_slice %arg9[%add3A_139, %dma_start3A_156] : memref<80x128xi32, #tpu.memory_space<vmem>> -> memref<1x128xi32, #tpu.memory_space<vmem>>
      %dma_start3A_158 = tpu.memref_squeeze %dma_start3A_157 : memref<1x128xi32, #tpu.memory_space<vmem>> -> memref<128xi32, #tpu.memory_space<vmem>>
      %dma_start3A_159 = arith.constant 0 : i32
      %dma_start3A_160 = arith.constant 0 : i32
      %dma_start3A_161 = tpu.memref_slice %arg11[%dma_start3A_159, %dma_start3A_160] : memref<10240x16xf32, #tpu.memory_space<vmem_shared>> -> memref<10240x16xf32, #tpu.memory_space<vmem_shared>>
      tpu.enqueue_indirect_dma source(%dma_start3A_155 : memref<128x16xf32, #tpu.memory_space<vmem>>) target(%dma_start3A_161 : memref<10240x16xf32, #tpu.memory_space<vmem_shared>>) offsets(%dma_start3A_158 : memref<128xi32, #tpu.memory_space<vmem>>) semaphore(%arg21 : memref<!tpu.dma_semaphore, #tpu.memory_space<semaphore_mem>>) {add = true}
      %mul3A_162 = arith.constant 8 : i32
      %mul3A_163 = arith.muli %scan3A_110, %mul3A_162 : i32
      %add3A_164 = arith.constant 2 : i32
      %add3A_165 = arith.addi %mul3A_163, %add3A_164 : i32
      %dma_wait3A_166 = arith.constant 2 : i32
      %dma_wait3A_167 = arith.constant 0 : i32
      %dma_wait3A_168 = arith.constant 0 : i32
      %dma_wait3A_169 = tpu.memref_slice %arg10[%dma_wait3A_166, %dma_wait3A_167, %dma_wait3A_168] : memref<8x128x16xf32, #tpu.memory_space<vmem>> -> memref<1x128x16xf32, #tpu.memory_space<vmem>>
      %dma_wait3A_170 = tpu.memref_squeeze %dma_wait3A_169 : memref<1x128x16xf32, #tpu.memory_space<vmem>> -> memref<128x16xf32, #tpu.memory_space<vmem>>
      %dma_wait3A_171 = arith.constant 0 : i32
      %dma_wait3A_172 = tpu.memref_slice %arg8[%add3A_165, %dma_wait3A_171] : memref<80x128xi32, #tpu.memory_space<vmem>> -> memref<1x128xi32, #tpu.memory_space<vmem>>
      %dma_wait3A_173 = tpu.memref_squeeze %dma_wait3A_172 : memref<1x128xi32, #tpu.memory_space<vmem>> -> memref<128xi32, #tpu.memory_space<vmem>>
      %dma_wait3A_174 = arith.constant 0 : i32
      %dma_wait3A_175 = arith.constant 0 : i32
      %dma_wait3A_176 = tpu.memref_slice %arg2[%dma_wait3A_174, %dma_wait3A_175] : memref<10240x16xf32, #tpu.memory_space<hbm>> -> memref<10240x16xf32, #tpu.memory_space<hbm>>
      tpu.wait_indirect_dma semaphore(%arg14 : memref<!tpu.dma_semaphore, #tpu.memory_space<semaphore_mem>>) src(%dma_wait3A_176 : memref<10240x16xf32, #tpu.memory_space<hbm>>) dst(%dma_wait3A_170 : memref<128x16xf32, #tpu.memory_space<vmem>>)
      %dma_start3A_177 = arith.constant 2 : i32
      %dma_start3A_178 = arith.constant 0 : i32
      %dma_start3A_179 = arith.constant 0 : i32
      %dma_start3A_180 = tpu.memref_slice %arg10[%dma_start3A_177, %dma_start3A_178, %dma_start3A_179] : memref<8x128x16xf32, #tpu.memory_space<vmem>> -> memref<1x128x16xf32, #tpu.memory_space<vmem>>
      %dma_start3A_181 = tpu.memref_squeeze %dma_start3A_180 : memref<1x128x16xf32, #tpu.memory_space<vmem>> -> memref<128x16xf32, #tpu.memory_space<vmem>>
      %dma_start3A_182 = arith.constant 0 : i32
      %dma_start3A_183 = tpu.memref_slice %arg9[%add3A_165, %dma_start3A_182] : memref<80x128xi32, #tpu.memory_space<vmem>> -> memref<1x128xi32, #tpu.memory_space<vmem>>
      %dma_start3A_184 = tpu.memref_squeeze %dma_start3A_183 : memref<1x128xi32, #tpu.memory_space<vmem>> -> memref<128xi32, #tpu.memory_space<vmem>>
      %dma_start3A_185 = arith.constant 0 : i32
      %dma_start3A_186 = arith.constant 0 : i32
      %dma_start3A_187 = tpu.memref_slice %arg11[%dma_start3A_185, %dma_start3A_186] : memref<10240x16xf32, #tpu.memory_space<vmem_shared>> -> memref<10240x16xf32, #tpu.memory_space<vmem_shared>>
      tpu.enqueue_indirect_dma source(%dma_start3A_181 : memref<128x16xf32, #tpu.memory_space<vmem>>) target(%dma_start3A_187 : memref<10240x16xf32, #tpu.memory_space<vmem_shared>>) offsets(%dma_start3A_184 : memref<128xi32, #tpu.memory_space<vmem>>) semaphore(%arg22 : memref<!tpu.dma_semaphore, #tpu.memory_space<semaphore_mem>>) {add = true}
      %mul3A_188 = arith.constant 8 : i32
      %mul3A_189 = arith.muli %scan3A_110, %mul3A_188 : i32
      %add3A_190 = arith.constant 3 : i32
      %add3A_191 = arith.addi %mul3A_189, %add3A_190 : i32
      %dma_wait3A_192 = arith.constant 3 : i32
      %dma_wait3A_193 = arith.constant 0 : i32
      %dma_wait3A_194 = arith.constant 0 : i32
      %dma_wait3A_195 = tpu.memref_slice %arg10[%dma_wait3A_192, %dma_wait3A_193, %dma_wait3A_194] : memref<8x128x16xf32, #tpu.memory_space<vmem>> -> memref<1x128x16xf32, #tpu.memory_space<vmem>>
      %dma_wait3A_196 = tpu.memref_squeeze %dma_wait3A_195 : memref<1x128x16xf32, #tpu.memory_space<vmem>> -> memref<128x16xf32, #tpu.memory_space<vmem>>
      %dma_wait3A_197 = arith.constant 0 : i32
      %dma_wait3A_198 = tpu.memref_slice %arg8[%add3A_191, %dma_wait3A_197] : memref<80x128xi32, #tpu.memory_space<vmem>> -> memref<1x128xi32, #tpu.memory_space<vmem>>
      %dma_wait3A_199 = tpu.memref_squeeze %dma_wait3A_198 : memref<1x128xi32, #tpu.memory_space<vmem>> -> memref<128xi32, #tpu.memory_space<vmem>>
      %dma_wait3A_200 = arith.constant 0 : i32
      %dma_wait3A_201 = arith.constant 0 : i32
      %dma_wait3A_202 = tpu.memref_slice %arg2[%dma_wait3A_200, %dma_wait3A_201] : memref<10240x16xf32, #tpu.memory_space<hbm>> -> memref<10240x16xf32, #tpu.memory_space<hbm>>
      tpu.wait_indirect_dma semaphore(%arg15 : memref<!tpu.dma_semaphore, #tpu.memory_space<semaphore_mem>>) src(%dma_wait3A_202 : memref<10240x16xf32, #tpu.memory_space<hbm>>) dst(%dma_wait3A_196 : memref<128x16xf32, #tpu.memory_space<vmem>>)
      %dma_start3A_203 = arith.constant 3 : i32
      %dma_start3A_204 = arith.constant 0 : i32
      %dma_start3A_205 = arith.constant 0 : i32
      %dma_start3A_206 = tpu.memref_slice %arg10[%dma_start3A_203, %dma_start3A_204, %dma_start3A_205] : memref<8x128x16xf32, #tpu.memory_space<vmem>> -> memref<1x128x16xf32, #tpu.memory_space<vmem>>
      %dma_start3A_207 = tpu.memref_squeeze %dma_start3A_206 : memref<1x128x16xf32, #tpu.memory_space<vmem>> -> memref<128x16xf32, #tpu.memory_space<vmem>>
      %dma_start3A_208 = arith.constant 0 : i32
      %dma_start3A_209 = tpu.memref_slice %arg9[%add3A_191, %dma_start3A_208] : memref<80x128xi32, #tpu.memory_space<vmem>> -> memref<1x128xi32, #tpu.memory_space<vmem>>
      %dma_start3A_210 = tpu.memref_squeeze %dma_start3A_209 : memref<1x128xi32, #tpu.memory_space<vmem>> -> memref<128xi32, #tpu.memory_space<vmem>>
      %dma_start3A_211 = arith.constant 0 : i32
      %dma_start3A_212 = arith.constant 0 : i32
      %dma_start3A_213 = tpu.memref_slice %arg11[%dma_start3A_211, %dma_start3A_212] : memref<10240x16xf32, #tpu.memory_space<vmem_shared>> -> memref<10240x16xf32, #tpu.memory_space<vmem_shared>>
      tpu.enqueue_indirect_dma source(%dma_start3A_207 : memref<128x16xf32, #tpu.memory_space<vmem>>) target(%dma_start3A_213 : memref<10240x16xf32, #tpu.memory_space<vmem_shared>>) offsets(%dma_start3A_210 : memref<128xi32, #tpu.memory_space<vmem>>) semaphore(%arg23 : memref<!tpu.dma_semaphore, #tpu.memory_space<semaphore_mem>>) {add = true}
      %mul3A_214 = arith.constant 8 : i32
      %mul3A_215 = arith.muli %scan3A_110, %mul3A_214 : i32
      %add3A_216 = arith.constant 4 : i32
      %add3A_217 = arith.addi %mul3A_215, %add3A_216 : i32
      %dma_wait3A_218 = arith.constant 4 : i32
      %dma_wait3A_219 = arith.constant 0 : i32
      %dma_wait3A_220 = arith.constant 0 : i32
      %dma_wait3A_221 = tpu.memref_slice %arg10[%dma_wait3A_218, %dma_wait3A_219, %dma_wait3A_220] : memref<8x128x16xf32, #tpu.memory_space<vmem>> -> memref<1x128x16xf32, #tpu.memory_space<vmem>>
      %dma_wait3A_222 = tpu.memref_squeeze %dma_wait3A_221 : memref<1x128x16xf32, #tpu.memory_space<vmem>> -> memref<128x16xf32, #tpu.memory_space<vmem>>
      %dma_wait3A_223 = arith.constant 0 : i32
      %dma_wait3A_224 = tpu.memref_slice %arg8[%add3A_217, %dma_wait3A_223] : memref<80x128xi32, #tpu.memory_space<vmem>> -> memref<1x128xi32, #tpu.memory_space<vmem>>
      %dma_wait3A_225 = tpu.memref_squeeze %dma_wait3A_224 : memref<1x128xi32, #tpu.memory_space<vmem>> -> memref<128xi32, #tpu.memory_space<vmem>>
      %dma_wait3A_226 = arith.constant 0 : i32
      %dma_wait3A_227 = arith.constant 0 : i32
      %dma_wait3A_228 = tpu.memref_slice %arg2[%dma_wait3A_226, %dma_wait3A_227] : memref<10240x16xf32, #tpu.memory_space<hbm>> -> memref<10240x16xf32, #tpu.memory_space<hbm>>
      tpu.wait_indirect_dma semaphore(%arg16 : memref<!tpu.dma_semaphore, #tpu.memory_space<semaphore_mem>>) src(%dma_wait3A_228 : memref<10240x16xf32, #tpu.memory_space<hbm>>) dst(%dma_wait3A_222 : memref<128x16xf32, #tpu.memory_space<vmem>>)
      %dma_start3A_229 = arith.constant 4 : i32
      %dma_start3A_230 = arith.constant 0 : i32
      %dma_start3A_231 = arith.constant 0 : i32
      %dma_start3A_232 = tpu.memref_slice %arg10[%dma_start3A_229, %dma_start3A_230, %dma_start3A_231] : memref<8x128x16xf32, #tpu.memory_space<vmem>> -> memref<1x128x16xf32, #tpu.memory_space<vmem>>
      %dma_start3A_233 = tpu.memref_squeeze %dma_start3A_232 : memref<1x128x16xf32, #tpu.memory_space<vmem>> -> memref<128x16xf32, #tpu.memory_space<vmem>>
      %dma_start3A_234 = arith.constant 0 : i32
      %dma_start3A_235 = tpu.memref_slice %arg9[%add3A_217, %dma_start3A_234] : memref<80x128xi32, #tpu.memory_space<vmem>> -> memref<1x128xi32, #tpu.memory_space<vmem>>
      %dma_start3A_236 = tpu.memref_squeeze %dma_start3A_235 : memref<1x128xi32, #tpu.memory_space<vmem>> -> memref<128xi32, #tpu.memory_space<vmem>>
      %dma_start3A_237 = arith.constant 0 : i32
      %dma_start3A_238 = arith.constant 0 : i32
      %dma_start3A_239 = tpu.memref_slice %arg11[%dma_start3A_237, %dma_start3A_238] : memref<10240x16xf32, #tpu.memory_space<vmem_shared>> -> memref<10240x16xf32, #tpu.memory_space<vmem_shared>>
      tpu.enqueue_indirect_dma source(%dma_start3A_233 : memref<128x16xf32, #tpu.memory_space<vmem>>) target(%dma_start3A_239 : memref<10240x16xf32, #tpu.memory_space<vmem_shared>>) offsets(%dma_start3A_236 : memref<128xi32, #tpu.memory_space<vmem>>) semaphore(%arg24 : memref<!tpu.dma_semaphore, #tpu.memory_space<semaphore_mem>>) {add = true}
      %mul3A_240 = arith.constant 8 : i32
      %mul3A_241 = arith.muli %scan3A_110, %mul3A_240 : i32
      %add3A_242 = arith.constant 5 : i32
      %add3A_243 = arith.addi %mul3A_241, %add3A_242 : i32
      %dma_wait3A_244 = arith.constant 5 : i32
      %dma_wait3A_245 = arith.constant 0 : i32
      %dma_wait3A_246 = arith.constant 0 : i32
      %dma_wait3A_247 = tpu.memref_slice %arg10[%dma_wait3A_244, %dma_wait3A_245, %dma_wait3A_246] : memref<8x128x16xf32, #tpu.memory_space<vmem>> -> memref<1x128x16xf32, #tpu.memory_space<vmem>>
      %dma_wait3A_248 = tpu.memref_squeeze %dma_wait3A_247 : memref<1x128x16xf32, #tpu.memory_space<vmem>> -> memref<128x16xf32, #tpu.memory_space<vmem>>
      %dma_wait3A_249 = arith.constant 0 : i32
      %dma_wait3A_250 = tpu.memref_slice %arg8[%add3A_243, %dma_wait3A_249] : memref<80x128xi32, #tpu.memory_space<vmem>> -> memref<1x128xi32, #tpu.memory_space<vmem>>
      %dma_wait3A_251 = tpu.memref_squeeze %dma_wait3A_250 : memref<1x128xi32, #tpu.memory_space<vmem>> -> memref<128xi32, #tpu.memory_space<vmem>>
      %dma_wait3A_252 = arith.constant 0 : i32
      %dma_wait3A_253 = arith.constant 0 : i32
      %dma_wait3A_254 = tpu.memref_slice %arg2[%dma_wait3A_252, %dma_wait3A_253] : memref<10240x16xf32, #tpu.memory_space<hbm>> -> memref<10240x16xf32, #tpu.memory_space<hbm>>
      tpu.wait_indirect_dma semaphore(%arg17 : memref<!tpu.dma_semaphore, #tpu.memory_space<semaphore_mem>>) src(%dma_wait3A_254 : memref<10240x16xf32, #tpu.memory_space<hbm>>) dst(%dma_wait3A_248 : memref<128x16xf32, #tpu.memory_space<vmem>>)
      %dma_start3A_255 = arith.constant 5 : i32
      %dma_start3A_256 = arith.constant 0 : i32
      %dma_start3A_257 = arith.constant 0 : i32
      %dma_start3A_258 = tpu.memref_slice %arg10[%dma_start3A_255, %dma_start3A_256, %dma_start3A_257] : memref<8x128x16xf32, #tpu.memory_space<vmem>> -> memref<1x128x16xf32, #tpu.memory_space<vmem>>
      %dma_start3A_259 = tpu.memref_squeeze %dma_start3A_258 : memref<1x128x16xf32, #tpu.memory_space<vmem>> -> memref<128x16xf32, #tpu.memory_space<vmem>>
      %dma_start3A_260 = arith.constant 0 : i32
      %dma_start3A_261 = tpu.memref_slice %arg9[%add3A_243, %dma_start3A_260] : memref<80x128xi32, #tpu.memory_space<vmem>> -> memref<1x128xi32, #tpu.memory_space<vmem>>
      %dma_start3A_262 = tpu.memref_squeeze %dma_start3A_261 : memref<1x128xi32, #tpu.memory_space<vmem>> -> memref<128xi32, #tpu.memory_space<vmem>>
      %dma_start3A_263 = arith.constant 0 : i32
      %dma_start3A_264 = arith.constant 0 : i32
      %dma_start3A_265 = tpu.memref_slice %arg11[%dma_start3A_263, %dma_start3A_264] : memref<10240x16xf32, #tpu.memory_space<vmem_shared>> -> memref<10240x16xf32, #tpu.memory_space<vmem_shared>>
      tpu.enqueue_indirect_dma source(%dma_start3A_259 : memref<128x16xf32, #tpu.memory_space<vmem>>) target(%dma_start3A_265 : memref<10240x16xf32, #tpu.memory_space<vmem_shared>>) offsets(%dma_start3A_262 : memref<128xi32, #tpu.memory_space<vmem>>) semaphore(%arg25 : memref<!tpu.dma_semaphore, #tpu.memory_space<semaphore_mem>>) {add = true}
      %mul3A_266 = arith.constant 8 : i32
      %mul3A_267 = arith.muli %scan3A_110, %mul3A_266 : i32
      %add3A_268 = arith.constant 6 : i32
      %add3A_269 = arith.addi %mul3A_267, %add3A_268 : i32
      %dma_wait3A_270 = arith.constant 6 : i32
      %dma_wait3A_271 = arith.constant 0 : i32
      %dma_wait3A_272 = arith.constant 0 : i32
      %dma_wait3A_273 = tpu.memref_slice %arg10[%dma_wait3A_270, %dma_wait3A_271, %dma_wait3A_272] : memref<8x128x16xf32, #tpu.memory_space<vmem>> -> memref<1x128x16xf32, #tpu.memory_space<vmem>>
      %dma_wait3A_274 = tpu.memref_squeeze %dma_wait3A_273 : memref<1x128x16xf32, #tpu.memory_space<vmem>> -> memref<128x16xf32, #tpu.memory_space<vmem>>
      %dma_wait3A_275 = arith.constant 0 : i32
      %dma_wait3A_276 = tpu.memref_slice %arg8[%add3A_269, %dma_wait3A_275] : memref<80x128xi32, #tpu.memory_space<vmem>> -> memref<1x128xi32, #tpu.memory_space<vmem>>
      %dma_wait3A_277 = tpu.memref_squeeze %dma_wait3A_276 : memref<1x128xi32, #tpu.memory_space<vmem>> -> memref<128xi32, #tpu.memory_space<vmem>>
      %dma_wait3A_278 = arith.constant 0 : i32
      %dma_wait3A_279 = arith.constant 0 : i32
      %dma_wait3A_280 = tpu.memref_slice %arg2[%dma_wait3A_278, %dma_wait3A_279] : memref<10240x16xf32, #tpu.memory_space<hbm>> -> memref<10240x16xf32, #tpu.memory_space<hbm>>
      tpu.wait_indirect_dma semaphore(%arg18 : memref<!tpu.dma_semaphore, #tpu.memory_space<semaphore_mem>>) src(%dma_wait3A_280 : memref<10240x16xf32, #tpu.memory_space<hbm>>) dst(%dma_wait3A_274 : memref<128x16xf32, #tpu.memory_space<vmem>>)
      %dma_start3A_281 = arith.constant 6 : i32
      %dma_start3A_282 = arith.constant 0 : i32
      %dma_start3A_283 = arith.constant 0 : i32
      %dma_start3A_284 = tpu.memref_slice %arg10[%dma_start3A_281, %dma_start3A_282, %dma_start3A_283] : memref<8x128x16xf32, #tpu.memory_space<vmem>> -> memref<1x128x16xf32, #tpu.memory_space<vmem>>
      %dma_start3A_285 = tpu.memref_squeeze %dma_start3A_284 : memref<1x128x16xf32, #tpu.memory_space<vmem>> -> memref<128x16xf32, #tpu.memory_space<vmem>>
      %dma_start3A_286 = arith.constant 0 : i32
      %dma_start3A_287 = tpu.memref_slice %arg9[%add3A_269, %dma_start3A_286] : memref<80x128xi32, #tpu.memory_space<vmem>> -> memref<1x128xi32, #tpu.memory_space<vmem>>
      %dma_start3A_288 = tpu.memref_squeeze %dma_start3A_287 : memref<1x128xi32, #tpu.memory_space<vmem>> -> memref<128xi32, #tpu.memory_space<vmem>>
      %dma_start3A_289 = arith.constant 0 : i32
      %dma_start3A_290 = arith.constant 0 : i32
      %dma_start3A_291 = tpu.memref_slice %arg11[%dma_start3A_289, %dma_start3A_290] : memref<10240x16xf32, #tpu.memory_space<vmem_shared>> -> memref<10240x16xf32, #tpu.memory_space<vmem_shared>>
      tpu.enqueue_indirect_dma source(%dma_start3A_285 : memref<128x16xf32, #tpu.memory_space<vmem>>) target(%dma_start3A_291 : memref<10240x16xf32, #tpu.memory_space<vmem_shared>>) offsets(%dma_start3A_288 : memref<128xi32, #tpu.memory_space<vmem>>) semaphore(%arg26 : memref<!tpu.dma_semaphore, #tpu.memory_space<semaphore_mem>>) {add = true}
      %mul3A_292 = arith.constant 8 : i32
      %mul3A_293 = arith.muli %scan3A_110, %mul3A_292 : i32
      %add3A_294 = arith.constant 7 : i32
      %add3A_295 = arith.addi %mul3A_293, %add3A_294 : i32
      %dma_wait3A_296 = arith.constant 7 : i32
      %dma_wait3A_297 = arith.constant 0 : i32
      %dma_wait3A_298 = arith.constant 0 : i32
      %dma_wait3A_299 = tpu.memref_slice %arg10[%dma_wait3A_296, %dma_wait3A_297, %dma_wait3A_298] : memref<8x128x16xf32, #tpu.memory_space<vmem>> -> memref<1x128x16xf32, #tpu.memory_space<vmem>>
      %dma_wait3A_300 = tpu.memref_squeeze %dma_wait3A_299 : memref<1x128x16xf32, #tpu.memory_space<vmem>> -> memref<128x16xf32, #tpu.memory_space<vmem>>
      %dma_wait3A_301 = arith.constant 0 : i32
      %dma_wait3A_302 = tpu.memref_slice %arg8[%add3A_295, %dma_wait3A_301] : memref<80x128xi32, #tpu.memory_space<vmem>> -> memref<1x128xi32, #tpu.memory_space<vmem>>
      %dma_wait3A_303 = tpu.memref_squeeze %dma_wait3A_302 : memref<1x128xi32, #tpu.memory_space<vmem>> -> memref<128xi32, #tpu.memory_space<vmem>>
      %dma_wait3A_304 = arith.constant 0 : i32
      %dma_wait3A_305 = arith.constant 0 : i32
      %dma_wait3A_306 = tpu.memref_slice %arg2[%dma_wait3A_304, %dma_wait3A_305] : memref<10240x16xf32, #tpu.memory_space<hbm>> -> memref<10240x16xf32, #tpu.memory_space<hbm>>
      tpu.wait_indirect_dma semaphore(%arg19 : memref<!tpu.dma_semaphore, #tpu.memory_space<semaphore_mem>>) src(%dma_wait3A_306 : memref<10240x16xf32, #tpu.memory_space<hbm>>) dst(%dma_wait3A_300 : memref<128x16xf32, #tpu.memory_space<vmem>>)
      %dma_start3A_307 = arith.constant 7 : i32
      %dma_start3A_308 = arith.constant 0 : i32
      %dma_start3A_309 = arith.constant 0 : i32
      %dma_start3A_310 = tpu.memref_slice %arg10[%dma_start3A_307, %dma_start3A_308, %dma_start3A_309] : memref<8x128x16xf32, #tpu.memory_space<vmem>> -> memref<1x128x16xf32, #tpu.memory_space<vmem>>
      %dma_start3A_311 = tpu.memref_squeeze %dma_start3A_310 : memref<1x128x16xf32, #tpu.memory_space<vmem>> -> memref<128x16xf32, #tpu.memory_space<vmem>>
      %dma_start3A_312 = arith.constant 0 : i32
      %dma_start3A_313 = tpu.memref_slice %arg9[%add3A_295, %dma_start3A_312] : memref<80x128xi32, #tpu.memory_space<vmem>> -> memref<1x128xi32, #tpu.memory_space<vmem>>
      %dma_start3A_314 = tpu.memref_squeeze %dma_start3A_313 : memref<1x128xi32, #tpu.memory_space<vmem>> -> memref<128xi32, #tpu.memory_space<vmem>>
      %dma_start3A_315 = arith.constant 0 : i32
      %dma_start3A_316 = arith.constant 0 : i32
      %dma_start3A_317 = tpu.memref_slice %arg11[%dma_start3A_315, %dma_start3A_316] : memref<10240x16xf32, #tpu.memory_space<vmem_shared>> -> memref<10240x16xf32, #tpu.memory_space<vmem_shared>>
      tpu.enqueue_indirect_dma source(%dma_start3A_311 : memref<128x16xf32, #tpu.memory_space<vmem>>) target(%dma_start3A_317 : memref<10240x16xf32, #tpu.memory_space<vmem_shared>>) offsets(%dma_start3A_314 : memref<128xi32, #tpu.memory_space<vmem>>) semaphore(%arg27 : memref<!tpu.dma_semaphore, #tpu.memory_space<semaphore_mem>>) {add = true}
      %mul3A_318 = arith.constant 8 : i32
      %mul3A_319 = arith.muli %scan3A_110, %mul3A_318 : i32
      %add3A_320 = arith.constant 0 : i32
      %add3A_321 = arith.addi %mul3A_319, %add3A_320 : i32
      %dma_wait3A_322 = arith.constant 0 : i32
      %dma_wait3A_323 = arith.constant 0 : i32
      %dma_wait3A_324 = arith.constant 0 : i32
      %dma_wait3A_325 = tpu.memref_slice %arg10[%dma_wait3A_322, %dma_wait3A_323, %dma_wait3A_324] : memref<8x128x16xf32, #tpu.memory_space<vmem>> -> memref<1x128x16xf32, #tpu.memory_space<vmem>>
      %dma_wait3A_326 = tpu.memref_squeeze %dma_wait3A_325 : memref<1x128x16xf32, #tpu.memory_space<vmem>> -> memref<128x16xf32, #tpu.memory_space<vmem>>
      %dma_wait3A_327 = arith.constant 0 : i32
      %dma_wait3A_328 = tpu.memref_slice %arg9[%add3A_321, %dma_wait3A_327] : memref<80x128xi32, #tpu.memory_space<vmem>> -> memref<1x128xi32, #tpu.memory_space<vmem>>
      %dma_wait3A_329 = tpu.memref_squeeze %dma_wait3A_328 : memref<1x128xi32, #tpu.memory_space<vmem>> -> memref<128xi32, #tpu.memory_space<vmem>>
      %dma_wait3A_330 = arith.constant 0 : i32
      %dma_wait3A_331 = arith.constant 0 : i32
      %dma_wait3A_332 = tpu.memref_slice %arg11[%dma_wait3A_330, %dma_wait3A_331] : memref<10240x16xf32, #tpu.memory_space<vmem_shared>> -> memref<10240x16xf32, #tpu.memory_space<vmem_shared>>
      tpu.wait_indirect_dma semaphore(%arg20 : memref<!tpu.dma_semaphore, #tpu.memory_space<semaphore_mem>>) src(%dma_wait3A_326 : memref<128x16xf32, #tpu.memory_space<vmem>>) dst(%dma_wait3A_332 : memref<10240x16xf32, #tpu.memory_space<vmem_shared>>)
      %add3A_333 = arith.constant 8 : i32
      %add3A_334 = arith.addi %add3A_321, %add3A_333 : i32
      %lt3A = arith.constant 80 : i32
      %lt3A_335 = arith.cmpi slt, %add3A_334, %lt3A : i32
      %convert_element_type3A_336 = arith.extui %lt3A_335 : i1 to i32
      %cond3A_337 = arith.constant 0 : i32
      %cond3A_338 = arith.cmpi ne, %convert_element_type3A_336, %cond3A_337 : i32
      scf.if %cond3A_338 {
        %add3A_493 = arith.constant 8 : i32
        %add3A_494 = arith.addi %add3A_321, %add3A_493 : i32
        %dma_start3A_495 = arith.constant 0 : i32
        %dma_start3A_496 = arith.constant 0 : i32
        %dma_start3A_497 = arith.constant 0 : i32
        %dma_start3A_498 = tpu.memref_slice %arg10[%dma_start3A_495, %dma_start3A_496, %dma_start3A_497] : memref<8x128x16xf32, #tpu.memory_space<vmem>> -> memref<1x128x16xf32, #tpu.memory_space<vmem>>
        %dma_start3A_499 = tpu.memref_squeeze %dma_start3A_498 : memref<1x128x16xf32, #tpu.memory_space<vmem>> -> memref<128x16xf32, #tpu.memory_space<vmem>>
        %dma_start3A_500 = arith.constant 0 : i32
        %dma_start3A_501 = tpu.memref_slice %arg8[%add3A_494, %dma_start3A_500] : memref<80x128xi32, #tpu.memory_space<vmem>> -> memref<1x128xi32, #tpu.memory_space<vmem>>
        %dma_start3A_502 = tpu.memref_squeeze %dma_start3A_501 : memref<1x128xi32, #tpu.memory_space<vmem>> -> memref<128xi32, #tpu.memory_space<vmem>>
        %dma_start3A_503 = arith.constant 0 : i32
        %dma_start3A_504 = arith.constant 0 : i32
        %dma_start3A_505 = tpu.memref_slice %arg2[%dma_start3A_503, %dma_start3A_504] : memref<10240x16xf32, #tpu.memory_space<hbm>> -> memref<10240x16xf32, #tpu.memory_space<hbm>>
        tpu.enqueue_indirect_dma source(%dma_start3A_505 : memref<10240x16xf32, #tpu.memory_space<hbm>>) target(%dma_start3A_499 : memref<128x16xf32, #tpu.memory_space<vmem>>) offsets(%dma_start3A_502 : memref<128xi32, #tpu.memory_space<vmem>>) semaphore(%arg12 : memref<!tpu.dma_semaphore, #tpu.memory_space<semaphore_mem>>)
      } else {
      }
      %mul3A_339 = arith.constant 8 : i32
      %mul3A_340 = arith.muli %scan3A_110, %mul3A_339 : i32
      %add3A_341 = arith.constant 1 : i32
      %add3A_342 = arith.addi %mul3A_340, %add3A_341 : i32
      %dma_wait3A_343 = arith.constant 1 : i32
      %dma_wait3A_344 = arith.constant 0 : i32
      %dma_wait3A_345 = arith.constant 0 : i32
      %dma_wait3A_346 = tpu.memref_slice %arg10[%dma_wait3A_343, %dma_wait3A_344, %dma_wait3A_345] : memref<8x128x16xf32, #tpu.memory_space<vmem>> -> memref<1x128x16xf32, #tpu.memory_space<vmem>>
      %dma_wait3A_347 = tpu.memref_squeeze %dma_wait3A_346 : memref<1x128x16xf32, #tpu.memory_space<vmem>> -> memref<128x16xf32, #tpu.memory_space<vmem>>
      %dma_wait3A_348 = arith.constant 0 : i32
      %dma_wait3A_349 = tpu.memref_slice %arg9[%add3A_342, %dma_wait3A_348] : memref<80x128xi32, #tpu.memory_space<vmem>> -> memref<1x128xi32, #tpu.memory_space<vmem>>
      %dma_wait3A_350 = tpu.memref_squeeze %dma_wait3A_349 : memref<1x128xi32, #tpu.memory_space<vmem>> -> memref<128xi32, #tpu.memory_space<vmem>>
      %dma_wait3A_351 = arith.constant 0 : i32
      %dma_wait3A_352 = arith.constant 0 : i32
      %dma_wait3A_353 = tpu.memref_slice %arg11[%dma_wait3A_351, %dma_wait3A_352] : memref<10240x16xf32, #tpu.memory_space<vmem_shared>> -> memref<10240x16xf32, #tpu.memory_space<vmem_shared>>
      tpu.wait_indirect_dma semaphore(%arg21 : memref<!tpu.dma_semaphore, #tpu.memory_space<semaphore_mem>>) src(%dma_wait3A_347 : memref<128x16xf32, #tpu.memory_space<vmem>>) dst(%dma_wait3A_353 : memref<10240x16xf32, #tpu.memory_space<vmem_shared>>)
      %add3A_354 = arith.constant 8 : i32
      %add3A_355 = arith.addi %add3A_342, %add3A_354 : i32
      %lt3A_356 = arith.constant 80 : i32
      %lt3A_357 = arith.cmpi slt, %add3A_355, %lt3A_356 : i32
      %convert_element_type3A_358 = arith.extui %lt3A_357 : i1 to i32
      %cond3A_359 = arith.constant 0 : i32
      %cond3A_360 = arith.cmpi ne, %convert_element_type3A_358, %cond3A_359 : i32
      scf.if %cond3A_360 {
        %add3A_493 = arith.constant 8 : i32
        %add3A_494 = arith.addi %add3A_342, %add3A_493 : i32
        %dma_start3A_495 = arith.constant 1 : i32
        %dma_start3A_496 = arith.constant 0 : i32
        %dma_start3A_497 = arith.constant 0 : i32
        %dma_start3A_498 = tpu.memref_slice %arg10[%dma_start3A_495, %dma_start3A_496, %dma_start3A_497] : memref<8x128x16xf32, #tpu.memory_space<vmem>> -> memref<1x128x16xf32, #tpu.memory_space<vmem>>
        %dma_start3A_499 = tpu.memref_squeeze %dma_start3A_498 : memref<1x128x16xf32, #tpu.memory_space<vmem>> -> memref<128x16xf32, #tpu.memory_space<vmem>>
        %dma_start3A_500 = arith.constant 0 : i32
        %dma_start3A_501 = tpu.memref_slice %arg8[%add3A_494, %dma_start3A_500] : memref<80x128xi32, #tpu.memory_space<vmem>> -> memref<1x128xi32, #tpu.memory_space<vmem>>
        %dma_start3A_502 = tpu.memref_squeeze %dma_start3A_501 : memref<1x128xi32, #tpu.memory_space<vmem>> -> memref<128xi32, #tpu.memory_space<vmem>>
        %dma_start3A_503 = arith.constant 0 : i32
        %dma_start3A_504 = arith.constant 0 : i32
        %dma_start3A_505 = tpu.memref_slice %arg2[%dma_start3A_503, %dma_start3A_504] : memref<10240x16xf32, #tpu.memory_space<hbm>> -> memref<10240x16xf32, #tpu.memory_space<hbm>>
        tpu.enqueue_indirect_dma source(%dma_start3A_505 : memref<10240x16xf32, #tpu.memory_space<hbm>>) target(%dma_start3A_499 : memref<128x16xf32, #tpu.memory_space<vmem>>) offsets(%dma_start3A_502 : memref<128xi32, #tpu.memory_space<vmem>>) semaphore(%arg13 : memref<!tpu.dma_semaphore, #tpu.memory_space<semaphore_mem>>)
      } else {
      }
      %mul3A_361 = arith.constant 8 : i32
      %mul3A_362 = arith.muli %scan3A_110, %mul3A_361 : i32
      %add3A_363 = arith.constant 2 : i32
      %add3A_364 = arith.addi %mul3A_362, %add3A_363 : i32
      %dma_wait3A_365 = arith.constant 2 : i32
      %dma_wait3A_366 = arith.constant 0 : i32
      %dma_wait3A_367 = arith.constant 0 : i32
      %dma_wait3A_368 = tpu.memref_slice %arg10[%dma_wait3A_365, %dma_wait3A_366, %dma_wait3A_367] : memref<8x128x16xf32, #tpu.memory_space<vmem>> -> memref<1x128x16xf32, #tpu.memory_space<vmem>>
      %dma_wait3A_369 = tpu.memref_squeeze %dma_wait3A_368 : memref<1x128x16xf32, #tpu.memory_space<vmem>> -> memref<128x16xf32, #tpu.memory_space<vmem>>
      %dma_wait3A_370 = arith.constant 0 : i32
      %dma_wait3A_371 = tpu.memref_slice %arg9[%add3A_364, %dma_wait3A_370] : memref<80x128xi32, #tpu.memory_space<vmem>> -> memref<1x128xi32, #tpu.memory_space<vmem>>
      %dma_wait3A_372 = tpu.memref_squeeze %dma_wait3A_371 : memref<1x128xi32, #tpu.memory_space<vmem>> -> memref<128xi32, #tpu.memory_space<vmem>>
      %dma_wait3A_373 = arith.constant 0 : i32
      %dma_wait3A_374 = arith.constant 0 : i32
      %dma_wait3A_375 = tpu.memref_slice %arg11[%dma_wait3A_373, %dma_wait3A_374] : memref<10240x16xf32, #tpu.memory_space<vmem_shared>> -> memref<10240x16xf32, #tpu.memory_space<vmem_shared>>
      tpu.wait_indirect_dma semaphore(%arg22 : memref<!tpu.dma_semaphore, #tpu.memory_space<semaphore_mem>>) src(%dma_wait3A_369 : memref<128x16xf32, #tpu.memory_space<vmem>>) dst(%dma_wait3A_375 : memref<10240x16xf32, #tpu.memory_space<vmem_shared>>)
      %add3A_376 = arith.constant 8 : i32
      %add3A_377 = arith.addi %add3A_364, %add3A_376 : i32
      %lt3A_378 = arith.constant 80 : i32
      %lt3A_379 = arith.cmpi slt, %add3A_377, %lt3A_378 : i32
      %convert_element_type3A_380 = arith.extui %lt3A_379 : i1 to i32
      %cond3A_381 = arith.constant 0 : i32
      %cond3A_382 = arith.cmpi ne, %convert_element_type3A_380, %cond3A_381 : i32
      scf.if %cond3A_382 {
        %add3A_493 = arith.constant 8 : i32
        %add3A_494 = arith.addi %add3A_364, %add3A_493 : i32
        %dma_start3A_495 = arith.constant 2 : i32
        %dma_start3A_496 = arith.constant 0 : i32
        %dma_start3A_497 = arith.constant 0 : i32
        %dma_start3A_498 = tpu.memref_slice %arg10[%dma_start3A_495, %dma_start3A_496, %dma_start3A_497] : memref<8x128x16xf32, #tpu.memory_space<vmem>> -> memref<1x128x16xf32, #tpu.memory_space<vmem>>
        %dma_start3A_499 = tpu.memref_squeeze %dma_start3A_498 : memref<1x128x16xf32, #tpu.memory_space<vmem>> -> memref<128x16xf32, #tpu.memory_space<vmem>>
        %dma_start3A_500 = arith.constant 0 : i32
        %dma_start3A_501 = tpu.memref_slice %arg8[%add3A_494, %dma_start3A_500] : memref<80x128xi32, #tpu.memory_space<vmem>> -> memref<1x128xi32, #tpu.memory_space<vmem>>
        %dma_start3A_502 = tpu.memref_squeeze %dma_start3A_501 : memref<1x128xi32, #tpu.memory_space<vmem>> -> memref<128xi32, #tpu.memory_space<vmem>>
        %dma_start3A_503 = arith.constant 0 : i32
        %dma_start3A_504 = arith.constant 0 : i32
        %dma_start3A_505 = tpu.memref_slice %arg2[%dma_start3A_503, %dma_start3A_504] : memref<10240x16xf32, #tpu.memory_space<hbm>> -> memref<10240x16xf32, #tpu.memory_space<hbm>>
        tpu.enqueue_indirect_dma source(%dma_start3A_505 : memref<10240x16xf32, #tpu.memory_space<hbm>>) target(%dma_start3A_499 : memref<128x16xf32, #tpu.memory_space<vmem>>) offsets(%dma_start3A_502 : memref<128xi32, #tpu.memory_space<vmem>>) semaphore(%arg14 : memref<!tpu.dma_semaphore, #tpu.memory_space<semaphore_mem>>)
      } else {
      }
      %mul3A_383 = arith.constant 8 : i32
      %mul3A_384 = arith.muli %scan3A_110, %mul3A_383 : i32
      %add3A_385 = arith.constant 3 : i32
      %add3A_386 = arith.addi %mul3A_384, %add3A_385 : i32
      %dma_wait3A_387 = arith.constant 3 : i32
      %dma_wait3A_388 = arith.constant 0 : i32
      %dma_wait3A_389 = arith.constant 0 : i32
      %dma_wait3A_390 = tpu.memref_slice %arg10[%dma_wait3A_387, %dma_wait3A_388, %dma_wait3A_389] : memref<8x128x16xf32, #tpu.memory_space<vmem>> -> memref<1x128x16xf32, #tpu.memory_space<vmem>>
      %dma_wait3A_391 = tpu.memref_squeeze %dma_wait3A_390 : memref<1x128x16xf32, #tpu.memory_space<vmem>> -> memref<128x16xf32, #tpu.memory_space<vmem>>
      %dma_wait3A_392 = arith.constant 0 : i32
      %dma_wait3A_393 = tpu.memref_slice %arg9[%add3A_386, %dma_wait3A_392] : memref<80x128xi32, #tpu.memory_space<vmem>> -> memref<1x128xi32, #tpu.memory_space<vmem>>
      %dma_wait3A_394 = tpu.memref_squeeze %dma_wait3A_393 : memref<1x128xi32, #tpu.memory_space<vmem>> -> memref<128xi32, #tpu.memory_space<vmem>>
      %dma_wait3A_395 = arith.constant 0 : i32
      %dma_wait3A_396 = arith.constant 0 : i32
      %dma_wait3A_397 = tpu.memref_slice %arg11[%dma_wait3A_395, %dma_wait3A_396] : memref<10240x16xf32, #tpu.memory_space<vmem_shared>> -> memref<10240x16xf32, #tpu.memory_space<vmem_shared>>
      tpu.wait_indirect_dma semaphore(%arg23 : memref<!tpu.dma_semaphore, #tpu.memory_space<semaphore_mem>>) src(%dma_wait3A_391 : memref<128x16xf32, #tpu.memory_space<vmem>>) dst(%dma_wait3A_397 : memref<10240x16xf32, #tpu.memory_space<vmem_shared>>)
      %add3A_398 = arith.constant 8 : i32
      %add3A_399 = arith.addi %add3A_386, %add3A_398 : i32
      %lt3A_400 = arith.constant 80 : i32
      %lt3A_401 = arith.cmpi slt, %add3A_399, %lt3A_400 : i32
      %convert_element_type3A_402 = arith.extui %lt3A_401 : i1 to i32
      %cond3A_403 = arith.constant 0 : i32
      %cond3A_404 = arith.cmpi ne, %convert_element_type3A_402, %cond3A_403 : i32
      scf.if %cond3A_404 {
        %add3A_493 = arith.constant 8 : i32
        %add3A_494 = arith.addi %add3A_386, %add3A_493 : i32
        %dma_start3A_495 = arith.constant 3 : i32
        %dma_start3A_496 = arith.constant 0 : i32
        %dma_start3A_497 = arith.constant 0 : i32
        %dma_start3A_498 = tpu.memref_slice %arg10[%dma_start3A_495, %dma_start3A_496, %dma_start3A_497] : memref<8x128x16xf32, #tpu.memory_space<vmem>> -> memref<1x128x16xf32, #tpu.memory_space<vmem>>
        %dma_start3A_499 = tpu.memref_squeeze %dma_start3A_498 : memref<1x128x16xf32, #tpu.memory_space<vmem>> -> memref<128x16xf32, #tpu.memory_space<vmem>>
        %dma_start3A_500 = arith.constant 0 : i32
        %dma_start3A_501 = tpu.memref_slice %arg8[%add3A_494, %dma_start3A_500] : memref<80x128xi32, #tpu.memory_space<vmem>> -> memref<1x128xi32, #tpu.memory_space<vmem>>
        %dma_start3A_502 = tpu.memref_squeeze %dma_start3A_501 : memref<1x128xi32, #tpu.memory_space<vmem>> -> memref<128xi32, #tpu.memory_space<vmem>>
        %dma_start3A_503 = arith.constant 0 : i32
        %dma_start3A_504 = arith.constant 0 : i32
        %dma_start3A_505 = tpu.memref_slice %arg2[%dma_start3A_503, %dma_start3A_504] : memref<10240x16xf32, #tpu.memory_space<hbm>> -> memref<10240x16xf32, #tpu.memory_space<hbm>>
        tpu.enqueue_indirect_dma source(%dma_start3A_505 : memref<10240x16xf32, #tpu.memory_space<hbm>>) target(%dma_start3A_499 : memref<128x16xf32, #tpu.memory_space<vmem>>) offsets(%dma_start3A_502 : memref<128xi32, #tpu.memory_space<vmem>>) semaphore(%arg15 : memref<!tpu.dma_semaphore, #tpu.memory_space<semaphore_mem>>)
      } else {
      }
      %mul3A_405 = arith.constant 8 : i32
      %mul3A_406 = arith.muli %scan3A_110, %mul3A_405 : i32
      %add3A_407 = arith.constant 4 : i32
      %add3A_408 = arith.addi %mul3A_406, %add3A_407 : i32
      %dma_wait3A_409 = arith.constant 4 : i32
      %dma_wait3A_410 = arith.constant 0 : i32
      %dma_wait3A_411 = arith.constant 0 : i32
      %dma_wait3A_412 = tpu.memref_slice %arg10[%dma_wait3A_409, %dma_wait3A_410, %dma_wait3A_411] : memref<8x128x16xf32, #tpu.memory_space<vmem>> -> memref<1x128x16xf32, #tpu.memory_space<vmem>>
      %dma_wait3A_413 = tpu.memref_squeeze %dma_wait3A_412 : memref<1x128x16xf32, #tpu.memory_space<vmem>> -> memref<128x16xf32, #tpu.memory_space<vmem>>
      %dma_wait3A_414 = arith.constant 0 : i32
      %dma_wait3A_415 = tpu.memref_slice %arg9[%add3A_408, %dma_wait3A_414] : memref<80x128xi32, #tpu.memory_space<vmem>> -> memref<1x128xi32, #tpu.memory_space<vmem>>
      %dma_wait3A_416 = tpu.memref_squeeze %dma_wait3A_415 : memref<1x128xi32, #tpu.memory_space<vmem>> -> memref<128xi32, #tpu.memory_space<vmem>>
      %dma_wait3A_417 = arith.constant 0 : i32
      %dma_wait3A_418 = arith.constant 0 : i32
      %dma_wait3A_419 = tpu.memref_slice %arg11[%dma_wait3A_417, %dma_wait3A_418] : memref<10240x16xf32, #tpu.memory_space<vmem_shared>> -> memref<10240x16xf32, #tpu.memory_space<vmem_shared>>
      tpu.wait_indirect_dma semaphore(%arg24 : memref<!tpu.dma_semaphore, #tpu.memory_space<semaphore_mem>>) src(%dma_wait3A_413 : memref<128x16xf32, #tpu.memory_space<vmem>>) dst(%dma_wait3A_419 : memref<10240x16xf32, #tpu.memory_space<vmem_shared>>)
      %add3A_420 = arith.constant 8 : i32
      %add3A_421 = arith.addi %add3A_408, %add3A_420 : i32
      %lt3A_422 = arith.constant 80 : i32
      %lt3A_423 = arith.cmpi slt, %add3A_421, %lt3A_422 : i32
      %convert_element_type3A_424 = arith.extui %lt3A_423 : i1 to i32
      %cond3A_425 = arith.constant 0 : i32
      %cond3A_426 = arith.cmpi ne, %convert_element_type3A_424, %cond3A_425 : i32
      scf.if %cond3A_426 {
        %add3A_493 = arith.constant 8 : i32
        %add3A_494 = arith.addi %add3A_408, %add3A_493 : i32
        %dma_start3A_495 = arith.constant 4 : i32
        %dma_start3A_496 = arith.constant 0 : i32
        %dma_start3A_497 = arith.constant 0 : i32
        %dma_start3A_498 = tpu.memref_slice %arg10[%dma_start3A_495, %dma_start3A_496, %dma_start3A_497] : memref<8x128x16xf32, #tpu.memory_space<vmem>> -> memref<1x128x16xf32, #tpu.memory_space<vmem>>
        %dma_start3A_499 = tpu.memref_squeeze %dma_start3A_498 : memref<1x128x16xf32, #tpu.memory_space<vmem>> -> memref<128x16xf32, #tpu.memory_space<vmem>>
        %dma_start3A_500 = arith.constant 0 : i32
        %dma_start3A_501 = tpu.memref_slice %arg8[%add3A_494, %dma_start3A_500] : memref<80x128xi32, #tpu.memory_space<vmem>> -> memref<1x128xi32, #tpu.memory_space<vmem>>
        %dma_start3A_502 = tpu.memref_squeeze %dma_start3A_501 : memref<1x128xi32, #tpu.memory_space<vmem>> -> memref<128xi32, #tpu.memory_space<vmem>>
        %dma_start3A_503 = arith.constant 0 : i32
        %dma_start3A_504 = arith.constant 0 : i32
        %dma_start3A_505 = tpu.memref_slice %arg2[%dma_start3A_503, %dma_start3A_504] : memref<10240x16xf32, #tpu.memory_space<hbm>> -> memref<10240x16xf32, #tpu.memory_space<hbm>>
        tpu.enqueue_indirect_dma source(%dma_start3A_505 : memref<10240x16xf32, #tpu.memory_space<hbm>>) target(%dma_start3A_499 : memref<128x16xf32, #tpu.memory_space<vmem>>) offsets(%dma_start3A_502 : memref<128xi32, #tpu.memory_space<vmem>>) semaphore(%arg16 : memref<!tpu.dma_semaphore, #tpu.memory_space<semaphore_mem>>)
      } else {
      }
      %mul3A_427 = arith.constant 8 : i32
      %mul3A_428 = arith.muli %scan3A_110, %mul3A_427 : i32
      %add3A_429 = arith.constant 5 : i32
      %add3A_430 = arith.addi %mul3A_428, %add3A_429 : i32
      %dma_wait3A_431 = arith.constant 5 : i32
      %dma_wait3A_432 = arith.constant 0 : i32
      %dma_wait3A_433 = arith.constant 0 : i32
      %dma_wait3A_434 = tpu.memref_slice %arg10[%dma_wait3A_431, %dma_wait3A_432, %dma_wait3A_433] : memref<8x128x16xf32, #tpu.memory_space<vmem>> -> memref<1x128x16xf32, #tpu.memory_space<vmem>>
      %dma_wait3A_435 = tpu.memref_squeeze %dma_wait3A_434 : memref<1x128x16xf32, #tpu.memory_space<vmem>> -> memref<128x16xf32, #tpu.memory_space<vmem>>
      %dma_wait3A_436 = arith.constant 0 : i32
      %dma_wait3A_437 = tpu.memref_slice %arg9[%add3A_430, %dma_wait3A_436] : memref<80x128xi32, #tpu.memory_space<vmem>> -> memref<1x128xi32, #tpu.memory_space<vmem>>
      %dma_wait3A_438 = tpu.memref_squeeze %dma_wait3A_437 : memref<1x128xi32, #tpu.memory_space<vmem>> -> memref<128xi32, #tpu.memory_space<vmem>>
      %dma_wait3A_439 = arith.constant 0 : i32
      %dma_wait3A_440 = arith.constant 0 : i32
      %dma_wait3A_441 = tpu.memref_slice %arg11[%dma_wait3A_439, %dma_wait3A_440] : memref<10240x16xf32, #tpu.memory_space<vmem_shared>> -> memref<10240x16xf32, #tpu.memory_space<vmem_shared>>
      tpu.wait_indirect_dma semaphore(%arg25 : memref<!tpu.dma_semaphore, #tpu.memory_space<semaphore_mem>>) src(%dma_wait3A_435 : memref<128x16xf32, #tpu.memory_space<vmem>>) dst(%dma_wait3A_441 : memref<10240x16xf32, #tpu.memory_space<vmem_shared>>)
      %add3A_442 = arith.constant 8 : i32
      %add3A_443 = arith.addi %add3A_430, %add3A_442 : i32
      %lt3A_444 = arith.constant 80 : i32
      %lt3A_445 = arith.cmpi slt, %add3A_443, %lt3A_444 : i32
      %convert_element_type3A_446 = arith.extui %lt3A_445 : i1 to i32
      %cond3A_447 = arith.constant 0 : i32
      %cond3A_448 = arith.cmpi ne, %convert_element_type3A_446, %cond3A_447 : i32
      scf.if %cond3A_448 {
        %add3A_493 = arith.constant 8 : i32
        %add3A_494 = arith.addi %add3A_430, %add3A_493 : i32
        %dma_start3A_495 = arith.constant 5 : i32
        %dma_start3A_496 = arith.constant 0 : i32
        %dma_start3A_497 = arith.constant 0 : i32
        %dma_start3A_498 = tpu.memref_slice %arg10[%dma_start3A_495, %dma_start3A_496, %dma_start3A_497] : memref<8x128x16xf32, #tpu.memory_space<vmem>> -> memref<1x128x16xf32, #tpu.memory_space<vmem>>
        %dma_start3A_499 = tpu.memref_squeeze %dma_start3A_498 : memref<1x128x16xf32, #tpu.memory_space<vmem>> -> memref<128x16xf32, #tpu.memory_space<vmem>>
        %dma_start3A_500 = arith.constant 0 : i32
        %dma_start3A_501 = tpu.memref_slice %arg8[%add3A_494, %dma_start3A_500] : memref<80x128xi32, #tpu.memory_space<vmem>> -> memref<1x128xi32, #tpu.memory_space<vmem>>
        %dma_start3A_502 = tpu.memref_squeeze %dma_start3A_501 : memref<1x128xi32, #tpu.memory_space<vmem>> -> memref<128xi32, #tpu.memory_space<vmem>>
        %dma_start3A_503 = arith.constant 0 : i32
        %dma_start3A_504 = arith.constant 0 : i32
        %dma_start3A_505 = tpu.memref_slice %arg2[%dma_start3A_503, %dma_start3A_504] : memref<10240x16xf32, #tpu.memory_space<hbm>> -> memref<10240x16xf32, #tpu.memory_space<hbm>>
        tpu.enqueue_indirect_dma source(%dma_start3A_505 : memref<10240x16xf32, #tpu.memory_space<hbm>>) target(%dma_start3A_499 : memref<128x16xf32, #tpu.memory_space<vmem>>) offsets(%dma_start3A_502 : memref<128xi32, #tpu.memory_space<vmem>>) semaphore(%arg17 : memref<!tpu.dma_semaphore, #tpu.memory_space<semaphore_mem>>)
      } else {
      }
      %mul3A_449 = arith.constant 8 : i32
      %mul3A_450 = arith.muli %scan3A_110, %mul3A_449 : i32
      %add3A_451 = arith.constant 6 : i32
      %add3A_452 = arith.addi %mul3A_450, %add3A_451 : i32
      %dma_wait3A_453 = arith.constant 6 : i32
      %dma_wait3A_454 = arith.constant 0 : i32
      %dma_wait3A_455 = arith.constant 0 : i32
      %dma_wait3A_456 = tpu.memref_slice %arg10[%dma_wait3A_453, %dma_wait3A_454, %dma_wait3A_455] : memref<8x128x16xf32, #tpu.memory_space<vmem>> -> memref<1x128x16xf32, #tpu.memory_space<vmem>>
      %dma_wait3A_457 = tpu.memref_squeeze %dma_wait3A_456 : memref<1x128x16xf32, #tpu.memory_space<vmem>> -> memref<128x16xf32, #tpu.memory_space<vmem>>
      %dma_wait3A_458 = arith.constant 0 : i32
      %dma_wait3A_459 = tpu.memref_slice %arg9[%add3A_452, %dma_wait3A_458] : memref<80x128xi32, #tpu.memory_space<vmem>> -> memref<1x128xi32, #tpu.memory_space<vmem>>
      %dma_wait3A_460 = tpu.memref_squeeze %dma_wait3A_459 : memref<1x128xi32, #tpu.memory_space<vmem>> -> memref<128xi32, #tpu.memory_space<vmem>>
      %dma_wait3A_461 = arith.constant 0 : i32
      %dma_wait3A_462 = arith.constant 0 : i32
      %dma_wait3A_463 = tpu.memref_slice %arg11[%dma_wait3A_461, %dma_wait3A_462] : memref<10240x16xf32, #tpu.memory_space<vmem_shared>> -> memref<10240x16xf32, #tpu.memory_space<vmem_shared>>
      tpu.wait_indirect_dma semaphore(%arg26 : memref<!tpu.dma_semaphore, #tpu.memory_space<semaphore_mem>>) src(%dma_wait3A_457 : memref<128x16xf32, #tpu.memory_space<vmem>>) dst(%dma_wait3A_463 : memref<10240x16xf32, #tpu.memory_space<vmem_shared>>)
      %add3A_464 = arith.constant 8 : i32
      %add3A_465 = arith.addi %add3A_452, %add3A_464 : i32
      %lt3A_466 = arith.constant 80 : i32
      %lt3A_467 = arith.cmpi slt, %add3A_465, %lt3A_466 : i32
      %convert_element_type3A_468 = arith.extui %lt3A_467 : i1 to i32
      %cond3A_469 = arith.constant 0 : i32
      %cond3A_470 = arith.cmpi ne, %convert_element_type3A_468, %cond3A_469 : i32
      scf.if %cond3A_470 {
        %add3A_493 = arith.constant 8 : i32
        %add3A_494 = arith.addi %add3A_452, %add3A_493 : i32
        %dma_start3A_495 = arith.constant 6 : i32
        %dma_start3A_496 = arith.constant 0 : i32
        %dma_start3A_497 = arith.constant 0 : i32
        %dma_start3A_498 = tpu.memref_slice %arg10[%dma_start3A_495, %dma_start3A_496, %dma_start3A_497] : memref<8x128x16xf32, #tpu.memory_space<vmem>> -> memref<1x128x16xf32, #tpu.memory_space<vmem>>
        %dma_start3A_499 = tpu.memref_squeeze %dma_start3A_498 : memref<1x128x16xf32, #tpu.memory_space<vmem>> -> memref<128x16xf32, #tpu.memory_space<vmem>>
        %dma_start3A_500 = arith.constant 0 : i32
        %dma_start3A_501 = tpu.memref_slice %arg8[%add3A_494, %dma_start3A_500] : memref<80x128xi32, #tpu.memory_space<vmem>> -> memref<1x128xi32, #tpu.memory_space<vmem>>
        %dma_start3A_502 = tpu.memref_squeeze %dma_start3A_501 : memref<1x128xi32, #tpu.memory_space<vmem>> -> memref<128xi32, #tpu.memory_space<vmem>>
        %dma_start3A_503 = arith.constant 0 : i32
        %dma_start3A_504 = arith.constant 0 : i32
        %dma_start3A_505 = tpu.memref_slice %arg2[%dma_start3A_503, %dma_start3A_504] : memref<10240x16xf32, #tpu.memory_space<hbm>> -> memref<10240x16xf32, #tpu.memory_space<hbm>>
        tpu.enqueue_indirect_dma source(%dma_start3A_505 : memref<10240x16xf32, #tpu.memory_space<hbm>>) target(%dma_start3A_499 : memref<128x16xf32, #tpu.memory_space<vmem>>) offsets(%dma_start3A_502 : memref<128xi32, #tpu.memory_space<vmem>>) semaphore(%arg18 : memref<!tpu.dma_semaphore, #tpu.memory_space<semaphore_mem>>)
      } else {
      }
      %mul3A_471 = arith.constant 8 : i32
      %mul3A_472 = arith.muli %scan3A_110, %mul3A_471 : i32
      %add3A_473 = arith.constant 7 : i32
      %add3A_474 = arith.addi %mul3A_472, %add3A_473 : i32
      %dma_wait3A_475 = arith.constant 7 : i32
      %dma_wait3A_476 = arith.constant 0 : i32
      %dma_wait3A_477 = arith.constant 0 : i32
      %dma_wait3A_478 = tpu.memref_slice %arg10[%dma_wait3A_475, %dma_wait3A_476, %dma_wait3A_477] : memref<8x128x16xf32, #tpu.memory_space<vmem>> -> memref<1x128x16xf32, #tpu.memory_space<vmem>>
      %dma_wait3A_479 = tpu.memref_squeeze %dma_wait3A_478 : memref<1x128x16xf32, #tpu.memory_space<vmem>> -> memref<128x16xf32, #tpu.memory_space<vmem>>
      %dma_wait3A_480 = arith.constant 0 : i32
      %dma_wait3A_481 = tpu.memref_slice %arg9[%add3A_474, %dma_wait3A_480] : memref<80x128xi32, #tpu.memory_space<vmem>> -> memref<1x128xi32, #tpu.memory_space<vmem>>
      %dma_wait3A_482 = tpu.memref_squeeze %dma_wait3A_481 : memref<1x128xi32, #tpu.memory_space<vmem>> -> memref<128xi32, #tpu.memory_space<vmem>>
      %dma_wait3A_483 = arith.constant 0 : i32
      %dma_wait3A_484 = arith.constant 0 : i32
      %dma_wait3A_485 = tpu.memref_slice %arg11[%dma_wait3A_483, %dma_wait3A_484] : memref<10240x16xf32, #tpu.memory_space<vmem_shared>> -> memref<10240x16xf32, #tpu.memory_space<vmem_shared>>
      tpu.wait_indirect_dma semaphore(%arg27 : memref<!tpu.dma_semaphore, #tpu.memory_space<semaphore_mem>>) src(%dma_wait3A_479 : memref<128x16xf32, #tpu.memory_space<vmem>>) dst(%dma_wait3A_485 : memref<10240x16xf32, #tpu.memory_space<vmem_shared>>)
      %add3A_486 = arith.constant 8 : i32
      %add3A_487 = arith.addi %add3A_474, %add3A_486 : i32
      %lt3A_488 = arith.constant 80 : i32
      %lt3A_489 = arith.cmpi slt, %add3A_487, %lt3A_488 : i32
      %convert_element_type3A_490 = arith.extui %lt3A_489 : i1 to i32
      %cond3A_491 = arith.constant 0 : i32
      %cond3A_492 = arith.cmpi ne, %convert_element_type3A_490, %cond3A_491 : i32
      scf.if %cond3A_492 {
        %add3A_493 = arith.constant 8 : i32
        %add3A_494 = arith.addi %add3A_474, %add3A_493 : i32
        %dma_start3A_495 = arith.constant 7 : i32
        %dma_start3A_496 = arith.constant 0 : i32
        %dma_start3A_497 = arith.constant 0 : i32
        %dma_start3A_498 = tpu.memref_slice %arg10[%dma_start3A_495, %dma_start3A_496, %dma_start3A_497] : memref<8x128x16xf32, #tpu.memory_space<vmem>> -> memref<1x128x16xf32, #tpu.memory_space<vmem>>
        %dma_start3A_499 = tpu.memref_squeeze %dma_start3A_498 : memref<1x128x16xf32, #tpu.memory_space<vmem>> -> memref<128x16xf32, #tpu.memory_space<vmem>>
        %dma_start3A_500 = arith.constant 0 : i32
        %dma_start3A_501 = tpu.memref_slice %arg8[%add3A_494, %dma_start3A_500] : memref<80x128xi32, #tpu.memory_space<vmem>> -> memref<1x128xi32, #tpu.memory_space<vmem>>
        %dma_start3A_502 = tpu.memref_squeeze %dma_start3A_501 : memref<1x128xi32, #tpu.memory_space<vmem>> -> memref<128xi32, #tpu.memory_space<vmem>>
        %dma_start3A_503 = arith.constant 0 : i32
        %dma_start3A_504 = arith.constant 0 : i32
        %dma_start3A_505 = tpu.memref_slice %arg2[%dma_start3A_503, %dma_start3A_504] : memref<10240x16xf32, #tpu.memory_space<hbm>> -> memref<10240x16xf32, #tpu.memory_space<hbm>>
        tpu.enqueue_indirect_dma source(%dma_start3A_505 : memref<10240x16xf32, #tpu.memory_space<hbm>>) target(%dma_start3A_499 : memref<128x16xf32, #tpu.memory_space<vmem>>) offsets(%dma_start3A_502 : memref<128xi32, #tpu.memory_space<vmem>>) semaphore(%arg19 : memref<!tpu.dma_semaphore, #tpu.memory_space<semaphore_mem>>)
      } else {
      }
    }
    %scan3A_102 = arith.constant 10 : i32
    %barrier3A_103 = arith.constant 0 : index
    tpu.barrier barrier_id(%barrier3A_103)
    %eq3A = arith.constant 0 : i32
    %eq3A_104 = arith.cmpi eq, %arg0, %eq3A : i32
    %convert_element_type3A = arith.extui %eq3A_104 : i1 to i32
    %cond3A = arith.constant 0 : i32
    %cond3A_105 = arith.cmpi ne, %convert_element_type3A, %cond3A : i32
    scf.if %cond3A_105 {
      "tpu.region"() ({
        %run_scoped3A = tpu.sem_alloc : memref<!tpu.dma_semaphore, #tpu.memory_space<semaphore_mem>>
        %dma_start3A_110 = arith.constant 0 : i32
        %dma_start3A_111 = tpu.memref_slice %arg6[%mul3A_2, %dma_start3A_110] : memref<10240x16xf32, #tpu.memory_space<hbm>> -> memref<640x16xf32, #tpu.memory_space<hbm>>
        %dma_start3A_112 = arith.constant 0 : i32
        %dma_start3A_113 = tpu.memref_slice %arg11[%mul3A_2, %dma_start3A_112] : memref<10240x16xf32, #tpu.memory_space<vmem_shared>> -> memref<640x16xf32, #tpu.memory_space<vmem_shared>>
        tpu.enqueue_dma source(%dma_start3A_113 : memref<640x16xf32, #tpu.memory_space<vmem_shared>>) target(%dma_start3A_111 : memref<640x16xf32, #tpu.memory_space<hbm>>) target_semaphore(%run_scoped3A : memref<!tpu.dma_semaphore, #tpu.memory_space<semaphore_mem>>)
        %dma_wait3A = arith.constant 0 : i32
        %dma_wait3A_114 = tpu.memref_slice %arg6[%mul3A_2, %dma_wait3A] : memref<10240x16xf32, #tpu.memory_space<hbm>> -> memref<640x16xf32, #tpu.memory_space<hbm>>
        %dma_wait3A_115 = arith.constant 0 : i32
        %dma_wait3A_116 = tpu.memref_slice %arg11[%mul3A_2, %dma_wait3A_115] : memref<10240x16xf32, #tpu.memory_space<vmem_shared>> -> memref<640x16xf32, #tpu.memory_space<vmem_shared>>
        tpu.wait_dma2 semaphore(%run_scoped3A : memref<!tpu.dma_semaphore, #tpu.memory_space<semaphore_mem>>) src(%dma_wait3A_116 : memref<640x16xf32, #tpu.memory_space<vmem_shared>>) dst(%dma_wait3A_114 : memref<640x16xf32, #tpu.memory_space<hbm>>)
        tpu.yield
      }) : () -> ()
    } else {
    }
    %ne3A = arith.constant 0 : i32
    %ne3A_106 = arith.cmpi ne, %arg0, %ne3A : i32
    %convert_element_type3A_107 = arith.extui %ne3A_106 : i1 to i32
    %cond3A_108 = arith.constant 0 : i32
    %cond3A_109 = arith.cmpi ne, %convert_element_type3A_107, %cond3A_108 : i32
    scf.if %cond3A_109 {
      "tpu.region"() ({
        %run_scoped3A = tpu.sem_alloc : memref<!tpu.dma_semaphore, #tpu.memory_space<semaphore_mem>>
        %dma_start3A_110 = arith.constant 0 : i32
        %dma_start3A_111 = tpu.memref_slice %arg7[%mul3A_2, %dma_start3A_110] : memref<10240x16xf32, #tpu.memory_space<hbm>> -> memref<640x16xf32, #tpu.memory_space<hbm>>
        %dma_start3A_112 = arith.constant 0 : i32
        %dma_start3A_113 = tpu.memref_slice %arg11[%mul3A_2, %dma_start3A_112] : memref<10240x16xf32, #tpu.memory_space<vmem_shared>> -> memref<640x16xf32, #tpu.memory_space<vmem_shared>>
        tpu.enqueue_dma source(%dma_start3A_113 : memref<640x16xf32, #tpu.memory_space<vmem_shared>>) target(%dma_start3A_111 : memref<640x16xf32, #tpu.memory_space<hbm>>) target_semaphore(%run_scoped3A : memref<!tpu.dma_semaphore, #tpu.memory_space<semaphore_mem>>)
        %dma_wait3A = arith.constant 0 : i32
        %dma_wait3A_114 = tpu.memref_slice %arg7[%mul3A_2, %dma_wait3A] : memref<10240x16xf32, #tpu.memory_space<hbm>> -> memref<640x16xf32, #tpu.memory_space<hbm>>
        %dma_wait3A_115 = arith.constant 0 : i32
        %dma_wait3A_116 = tpu.memref_slice %arg11[%mul3A_2, %dma_wait3A_115] : memref<10240x16xf32, #tpu.memory_space<vmem_shared>> -> memref<640x16xf32, #tpu.memory_space<vmem_shared>>
        tpu.wait_dma2 semaphore(%run_scoped3A : memref<!tpu.dma_semaphore, #tpu.memory_space<semaphore_mem>>) src(%dma_wait3A_116 : memref<640x16xf32, #tpu.memory_space<vmem_shared>>) dst(%dma_wait3A_114 : memref<640x16xf32, #tpu.memory_space<hbm>>)
        tpu.yield
      }) : () -> ()
    } else {
    }
    return
  }
}

module attributes {stable_mosaic.version = 14 : i64} {
  func.func @_tc_mm_body(%arg0: i32, %arg1: memref<10240x128xf32, #tpu.memory_space<vmem>>, %arg2: memref<128x16xf32, #tpu.memory_space<vmem>>, %arg3: memref<1280x128xf32, #tpu.memory_space<vmem>>) attributes {dimension_semantics = [#tpu.dimension_semantics<arbitrary>], iteration_bounds = array<i64: 1>, scalar_prefetch = 0 : i64, scratch_operands = 0 : i64, tpu.core_type = #tpu.core_type<tc>, window_params = [{pipeline_mode = #tpu.pipeline_mode<synchronous>, transform_indices = @transform_0, window_bounds = array<i64: 10240, 128>}, {pipeline_mode = #tpu.pipeline_mode<synchronous>, transform_indices = @transform_1, window_bounds = array<i64: 128, 16>}, {pipeline_mode = #tpu.pipeline_mode<synchronous>, transform_indices = @transform_2, window_bounds = array<i64: 1280, 128>}]} {
    %get3A = arith.constant 0 : index
    %get3A_0 = arith.constant 0 : index
    %get3A_1 = vector.load %arg1[%get3A, %get3A_0] : memref<10240x128xf32, #tpu.memory_space<vmem>>, vector<10240x128xf32>
    %get3A_2 = arith.constant 0 : index
    %get3A_3 = arith.constant 0 : index
    %get3A_4 = vector.load %arg2[%get3A_2, %get3A_3] : memref<128x16xf32, #tpu.memory_space<vmem>>, vector<128x16xf32>
    %dot_general3A = arith.constant dense<0.000000e+00> : vector<10240x16xf32>
    %dot_general3A_5 = tpu.matmul %get3A_1, %get3A_4, %dot_general3A {dimension_numbers = #tpu.dot_dimension_numbers<[1], [0], [0], [1], [0, 0, 1, 1], [], []>, transpose_lhs_hint = false} : vector<10240x128xf32>, vector<128x16xf32>, vector<10240x16xf32> -> vector<10240x16xf32>
    %slice3A = vector.extract_strided_slice %dot_general3A_5 {offsets = [0, 0], sizes = [1280, 16], strides = [1, 1]} : vector<10240x16xf32> to vector<1280x16xf32>
    %slice3A_6 = vector.extract_strided_slice %dot_general3A_5 {offsets = [1280, 0], sizes = [1280, 16], strides = [1, 1]} : vector<10240x16xf32> to vector<1280x16xf32>
    %slice3A_7 = vector.extract_strided_slice %dot_general3A_5 {offsets = [2560, 0], sizes = [1280, 16], strides = [1, 1]} : vector<10240x16xf32> to vector<1280x16xf32>
    %slice3A_8 = vector.extract_strided_slice %dot_general3A_5 {offsets = [3840, 0], sizes = [1280, 16], strides = [1, 1]} : vector<10240x16xf32> to vector<1280x16xf32>
    %slice3A_9 = vector.extract_strided_slice %dot_general3A_5 {offsets = [5120, 0], sizes = [1280, 16], strides = [1, 1]} : vector<10240x16xf32> to vector<1280x16xf32>
    %slice3A_10 = vector.extract_strided_slice %dot_general3A_5 {offsets = [6400, 0], sizes = [1280, 16], strides = [1, 1]} : vector<10240x16xf32> to vector<1280x16xf32>
    %slice3A_11 = vector.extract_strided_slice %dot_general3A_5 {offsets = [7680, 0], sizes = [1280, 16], strides = [1, 1]} : vector<10240x16xf32> to vector<1280x16xf32>
    %slice3A_12 = vector.extract_strided_slice %dot_general3A_5 {offsets = [8960, 0], sizes = [1280, 16], strides = [1, 1]} : vector<10240x16xf32> to vector<1280x16xf32>
    %concatenate3A = tpu.concatenate %slice3A, %slice3A_6, %slice3A_7, %slice3A_8, %slice3A_9, %slice3A_10, %slice3A_11, %slice3A_12 in 1 : vector<1280x16xf32>, vector<1280x16xf32>, vector<1280x16xf32>, vector<1280x16xf32>, vector<1280x16xf32>, vector<1280x16xf32>, vector<1280x16xf32>, vector<1280x16xf32> -> vector<1280x128xf32>
    %swap3A = arith.constant 0 : index
    %swap3A_13 = arith.constant 0 : index
    %swap3A_14 = vector.load %arg3[%swap3A, %swap3A_13] : memref<1280x128xf32, #tpu.memory_space<vmem>>, vector<1280x128xf32>
    tpu.vector_store %arg3[%swap3A, %swap3A_13], %concatenate3A {strides = array<i32>} : memref<1280x128xf32, #tpu.memory_space<vmem>>, vector<1280x128xf32>,
    return
  }
  func.func @transform_0(%arg0: i32) -> (i32, i32) {
    %c0_i32 = arith.constant 0 : i32
    %c0_i32_0 = arith.constant 0 : i32
    %c0_i32_1 = arith.constant 0 : i32
    return %c0_i32, %c0_i32_0 : i32, i32
  }
  func.func @transform_1(%arg0: i32) -> (i32, i32) {
    %c0_i32 = arith.constant 0 : i32
    %c0_i32_0 = arith.constant 0 : i32
    %c0_i32_1 = arith.constant 0 : i32
    return %c0_i32, %c0_i32_0 : i32, i32
  }
  func.func @transform_2(%arg0: i32) -> (i32, i32) {
    %c0_i32 = arith.constant 0 : i32
    %c0_i32_0 = arith.constant 0 : i32
    %c0_i32_1 = arith.constant 0 : i32
    return %c0_i32, %c0_i32_0 : i32, i32
  }
}

module attributes {stable_mosaic.version = 14 : i64} {
  func.func @_tc_prep_body(%arg0: i32, %arg1: memref<5000x128xi32, #tpu.memory_space<vmem>>, %arg2: memref<2560x128xi32, #tpu.memory_space<vmem>>, %arg3: memref<2560x128xi32, #tpu.memory_space<vmem>>) attributes {dimension_semantics = [#tpu.dimension_semantics<arbitrary>], iteration_bounds = array<i64: 1>, scalar_prefetch = 0 : i64, scratch_operands = 0 : i64, tpu.core_type = #tpu.core_type<tc>, window_params = [{pipeline_mode = #tpu.pipeline_mode<synchronous>, transform_indices = @transform_0, window_bounds = array<i64: 5000, 128>}, {pipeline_mode = #tpu.pipeline_mode<synchronous>, transform_indices = @transform_1, window_bounds = array<i64: 2560, 128>}, {pipeline_mode = #tpu.pipeline_mode<synchronous>, transform_indices = @transform_2, window_bounds = array<i64: 2560, 128>}]} {
    %get3A = arith.constant 0 : index
    %get3A_0 = arith.constant 0 : index
    %get3A_1 = vector.load %arg1[%get3A, %get3A_0] : memref<5000x128xi32, #tpu.memory_space<vmem>>, vector<2500x128xi32>
    %get3A_2 = arith.constant 2500 : index
    %get3A_3 = arith.constant 0 : index
    %get3A_4 = vector.load %arg1[%get3A_2, %get3A_3] : memref<5000x128xi32, #tpu.memory_space<vmem>>, vector<2500x128xi32>
    %iota3A = tpu.iota {dimensions = array<i32: 0>} : vector<60x128xi32>
    %mul3A = arith.constant 128 : i32
    %mul3A_5 = vector.broadcast %mul3A : i32 to vector<60x128xi32>
    %mul3A_6 = arith.muli %iota3A, %mul3A_5 : vector<60x128xi32>
    %iota3A_7 = tpu.iota {dimensions = array<i32: 1>} : vector<60x128xi32>
    %add3A = arith.addi %mul3A_6, %iota3A_7 : vector<60x128xi32>
    %jit3A = arith.constant 10000 : i32
    %eq3A = arith.constant 0 : i32
    %eq3A_8 = arith.cmpi eq, %jit3A, %eq3A : i32
    %jit3A_9 = arith.constant 1 : i32
    %select_n3A = arith.select %eq3A_8, %jit3A_9, %jit3A : i32
    %rem3A = vector.broadcast %select_n3A : i32 to vector<60x128xi32>
    %rem3A_10 = arith.remsi %add3A, %rem3A : vector<60x128xi32>
    %ne3A = arith.constant 0 : i32
    %ne3A_11 = vector.broadcast %ne3A : i32 to vector<60x128xi32>
    %ne3A_12 = arith.cmpi ne, %rem3A_10, %ne3A_11 : vector<60x128xi32>
    %lt3A = arith.constant 0 : i32
    %lt3A_13 = vector.broadcast %lt3A : i32 to vector<60x128xi32>
    %lt3A_14 = arith.cmpi slt, %rem3A_10, %lt3A_13 : vector<60x128xi32>
    %lt3A_15 = arith.constant 0 : i32
    %lt3A_16 = arith.cmpi slt, %select_n3A, %lt3A_15 : i32
    %ne3A_17 = vector.broadcast %lt3A_16 : i1 to vector<60x128xi1>
    %ne3A_18 = vector.broadcast %ne3A_17 : vector<60x128xi1> to vector<60x128xi1>
    %ne3A_19 = arith.xori %lt3A_14, %ne3A_18 : vector<60x128xi1>
    %and3A = arith.andi %ne3A_19, %ne3A_12 : vector<60x128xi1>
    %add3A_20 = vector.broadcast %select_n3A : i32 to vector<60x128xi32>
    %add3A_21 = arith.addi %rem3A_10, %add3A_20 : vector<60x128xi32>
    %select_n3A_22 = arith.select %and3A, %add3A_21, %rem3A_10 : vector<60x128xi1>, vector<60x128xi32>
    %concatenate3A = tpu.concatenate %get3A_1, %select_n3A_22 in 0 : vector<2500x128xi32>, vector<60x128xi32> -> vector<2560x128xi32>
    %jit3A_23 = arith.constant 240 : i32
    %eq3A_24 = arith.constant 0 : i32
    %eq3A_25 = arith.cmpi eq, %jit3A_23, %eq3A_24 : i32
    %jit3A_26 = arith.constant 1 : i32
    %select_n3A_27 = arith.select %eq3A_25, %jit3A_26, %jit3A_23 : i32
    %rem3A_28 = vector.broadcast %select_n3A_27 : i32 to vector<60x128xi32>
    %rem3A_29 = arith.remsi %add3A, %rem3A_28 : vector<60x128xi32>
    %ne3A_30 = arith.constant 0 : i32
    %ne3A_31 = vector.broadcast %ne3A_30 : i32 to vector<60x128xi32>
    %ne3A_32 = arith.cmpi ne, %rem3A_29, %ne3A_31 : vector<60x128xi32>
    %lt3A_33 = arith.constant 0 : i32
    %lt3A_34 = vector.broadcast %lt3A_33 : i32 to vector<60x128xi32>
    %lt3A_35 = arith.cmpi slt, %rem3A_29, %lt3A_34 : vector<60x128xi32>
    %lt3A_36 = arith.constant 0 : i32
    %lt3A_37 = arith.cmpi slt, %select_n3A_27, %lt3A_36 : i32
    %ne3A_38 = vector.broadcast %lt3A_37 : i1 to vector<60x128xi1>
    %ne3A_39 = vector.broadcast %ne3A_38 : vector<60x128xi1> to vector<60x128xi1>
    %ne3A_40 = arith.xori %lt3A_35, %ne3A_39 : vector<60x128xi1>
    %and3A_41 = arith.andi %ne3A_40, %ne3A_32 : vector<60x128xi1>
    %add3A_42 = vector.broadcast %select_n3A_27 : i32 to vector<60x128xi32>
    %add3A_43 = arith.addi %rem3A_29, %add3A_42 : vector<60x128xi32>
    %select_n3A_44 = arith.select %and3A_41, %add3A_43, %rem3A_29 : vector<60x128xi1>, vector<60x128xi32>
    %add3A_45 = arith.constant 10000 : i32
    %add3A_46 = vector.broadcast %add3A_45 : i32 to vector<60x128xi32>
    %add3A_47 = arith.addi %add3A_46, %select_n3A_44 : vector<60x128xi32>
    %concatenate3A_48 = tpu.concatenate %get3A_4, %add3A_47 in 0 : vector<2500x128xi32>, vector<60x128xi32> -> vector<2560x128xi32>
    %jit3A_49 = arith.constant 1280 : i32
    %eq3A_50 = arith.constant 0 : i32
    %eq3A_51 = arith.cmpi eq, %jit3A_49, %eq3A_50 : i32
    %jit3A_52 = arith.constant 1 : i32
    %select_n3A_53 = arith.select %eq3A_51, %jit3A_52, %jit3A_49 : i32
    %rem3A_54 = vector.broadcast %select_n3A_53 : i32 to vector<2560x128xi32>
    %rem3A_55 = arith.remsi %concatenate3A, %rem3A_54 : vector<2560x128xi32>
    %ne3A_56 = arith.constant 0 : i32
    %ne3A_57 = vector.broadcast %ne3A_56 : i32 to vector<2560x128xi32>
    %ne3A_58 = arith.cmpi ne, %rem3A_55, %ne3A_57 : vector<2560x128xi32>
    %lt3A_59 = arith.constant 0 : i32
    %lt3A_60 = vector.broadcast %lt3A_59 : i32 to vector<2560x128xi32>
    %lt3A_61 = arith.cmpi slt, %rem3A_55, %lt3A_60 : vector<2560x128xi32>
    %lt3A_62 = arith.constant 0 : i32
    %lt3A_63 = arith.cmpi slt, %select_n3A_53, %lt3A_62 : i32
    %ne3A_64 = vector.broadcast %lt3A_63 : i1 to vector<2560x128xi1>
    %ne3A_65 = vector.broadcast %ne3A_64 : vector<2560x128xi1> to vector<2560x128xi1>
    %ne3A_66 = arith.xori %lt3A_61, %ne3A_65 : vector<2560x128xi1>
    %and3A_67 = arith.andi %ne3A_66, %ne3A_58 : vector<2560x128xi1>
    %add3A_68 = vector.broadcast %select_n3A_53 : i32 to vector<2560x128xi32>
    %add3A_69 = arith.addi %rem3A_55, %add3A_68 : vector<2560x128xi32>
    %select_n3A_70 = arith.select %and3A_67, %add3A_69, %rem3A_55 : vector<2560x128xi1>, vector<2560x128xi32>
    %mul3A_71 = arith.constant 8 : i32
    %mul3A_72 = vector.broadcast %mul3A_71 : i32 to vector<2560x128xi32>
    %mul3A_73 = arith.muli %select_n3A_70, %mul3A_72 : vector<2560x128xi32>
    %jit3A_74 = arith.constant 1280 : i32
    %div3A = vector.broadcast %jit3A_74 : i32 to vector<2560x128xi32>
    %div3A_75 = arith.divsi %concatenate3A, %div3A : vector<2560x128xi32>
    %sign3A = arith.constant 0 : i32
    %sign3A_76 = vector.broadcast %sign3A : i32 to vector<2560x128xi32>
    %sign3A_77 = arith.cmpi sgt, %concatenate3A, %sign3A_76 : vector<2560x128xi32>
    %sign3A_78 = arith.extui %sign3A_77 : vector<2560x128xi1> to vector<2560x128xi32>
    %sign3A_79 = arith.constant 0 : i32
    %sign3A_80 = vector.broadcast %sign3A_79 : i32 to vector<2560x128xi32>
    %sign3A_81 = arith.cmpi slt, %concatenate3A, %sign3A_80 : vector<2560x128xi32>
    %sign3A_82 = arith.extui %sign3A_81 : vector<2560x128xi1> to vector<2560x128xi32>
    %sign3A_83 = arith.subi %sign3A_78, %sign3A_82 : vector<2560x128xi32>
    %sign3A_84 = arith.constant 0 : i32
    %sign3A_85 = arith.cmpi sgt, %jit3A_74, %sign3A_84 : i32
    %sign3A_86 = arith.extui %sign3A_85 : i1 to i32
    %sign3A_87 = arith.constant 0 : i32
    %sign3A_88 = arith.cmpi slt, %jit3A_74, %sign3A_87 : i32
    %sign3A_89 = arith.extui %sign3A_88 : i1 to i32
    %sign3A_90 = arith.subi %sign3A_86, %sign3A_89 : i32
    %ne3A_91 = vector.broadcast %sign3A_90 : i32 to vector<2560x128xi32>
    %ne3A_92 = arith.cmpi ne, %sign3A_83, %ne3A_91 : vector<2560x128xi32>
    %rem3A_93 = vector.broadcast %jit3A_74 : i32 to vector<2560x128xi32>
    %rem3A_94 = arith.remsi %concatenate3A, %rem3A_93 : vector<2560x128xi32>
    %ne3A_95 = arith.constant 0 : i32
    %ne3A_96 = vector.broadcast %ne3A_95 : i32 to vector<2560x128xi32>
    %ne3A_97 = arith.cmpi ne, %rem3A_94, %ne3A_96 : vector<2560x128xi32>
    %and3A_98 = arith.andi %ne3A_92, %ne3A_97 : vector<2560x128xi1>
    %sub3A = arith.constant 1 : i32
    %sub3A_99 = vector.broadcast %sub3A : i32 to vector<2560x128xi32>
    %sub3A_100 = arith.subi %div3A_75, %sub3A_99 : vector<2560x128xi32>
    %select_n3A_101 = arith.select %and3A_98, %sub3A_100, %div3A_75 : vector<2560x128xi1>, vector<2560x128xi32>
    %add3A_102 = arith.addi %mul3A_73, %select_n3A_101 : vector<2560x128xi32>
    %swap3A = arith.constant 0 : index
    %swap3A_103 = arith.constant 0 : index
    %swap3A_104 = vector.load %arg2[%swap3A, %swap3A_103] : memref<2560x128xi32, #tpu.memory_space<vmem>>, vector<2560x128xi32>
    tpu.vector_store %arg2[%swap3A, %swap3A_103], %add3A_102 {strides = array<i32>} : memref<2560x128xi32, #tpu.memory_space<vmem>>, vector<2560x128xi32>,
    %jit3A_105 = arith.constant 1280 : i32
    %eq3A_106 = arith.constant 0 : i32
    %eq3A_107 = arith.cmpi eq, %jit3A_105, %eq3A_106 : i32
    %jit3A_108 = arith.constant 1 : i32
    %select_n3A_109 = arith.select %eq3A_107, %jit3A_108, %jit3A_105 : i32
    %rem3A_110 = vector.broadcast %select_n3A_109 : i32 to vector<2560x128xi32>
    %rem3A_111 = arith.remsi %concatenate3A_48, %rem3A_110 : vector<2560x128xi32>
    %ne3A_112 = arith.constant 0 : i32
    %ne3A_113 = vector.broadcast %ne3A_112 : i32 to vector<2560x128xi32>
    %ne3A_114 = arith.cmpi ne, %rem3A_111, %ne3A_113 : vector<2560x128xi32>
    %lt3A_115 = arith.constant 0 : i32
    %lt3A_116 = vector.broadcast %lt3A_115 : i32 to vector<2560x128xi32>
    %lt3A_117 = arith.cmpi slt, %rem3A_111, %lt3A_116 : vector<2560x128xi32>
    %lt3A_118 = arith.constant 0 : i32
    %lt3A_119 = arith.cmpi slt, %select_n3A_109, %lt3A_118 : i32
    %ne3A_120 = vector.broadcast %lt3A_119 : i1 to vector<2560x128xi1>
    %ne3A_121 = vector.broadcast %ne3A_120 : vector<2560x128xi1> to vector<2560x128xi1>
    %ne3A_122 = arith.xori %lt3A_117, %ne3A_121 : vector<2560x128xi1>
    %and3A_123 = arith.andi %ne3A_122, %ne3A_114 : vector<2560x128xi1>
    %add3A_124 = vector.broadcast %select_n3A_109 : i32 to vector<2560x128xi32>
    %add3A_125 = arith.addi %rem3A_111, %add3A_124 : vector<2560x128xi32>
    %select_n3A_126 = arith.select %and3A_123, %add3A_125, %rem3A_111 : vector<2560x128xi1>, vector<2560x128xi32>
    %mul3A_127 = arith.constant 8 : i32
    %mul3A_128 = vector.broadcast %mul3A_127 : i32 to vector<2560x128xi32>
    %mul3A_129 = arith.muli %select_n3A_126, %mul3A_128 : vector<2560x128xi32>
    %jit3A_130 = arith.constant 1280 : i32
    %div3A_131 = vector.broadcast %jit3A_130 : i32 to vector<2560x128xi32>
    %div3A_132 = arith.divsi %concatenate3A_48, %div3A_131 : vector<2560x128xi32>
    %sign3A_133 = arith.constant 0 : i32
    %sign3A_134 = vector.broadcast %sign3A_133 : i32 to vector<2560x128xi32>
    %sign3A_135 = arith.cmpi sgt, %concatenate3A_48, %sign3A_134 : vector<2560x128xi32>
    %sign3A_136 = arith.extui %sign3A_135 : vector<2560x128xi1> to vector<2560x128xi32>
    %sign3A_137 = arith.constant 0 : i32
    %sign3A_138 = vector.broadcast %sign3A_137 : i32 to vector<2560x128xi32>
    %sign3A_139 = arith.cmpi slt, %concatenate3A_48, %sign3A_138 : vector<2560x128xi32>
    %sign3A_140 = arith.extui %sign3A_139 : vector<2560x128xi1> to vector<2560x128xi32>
    %sign3A_141 = arith.subi %sign3A_136, %sign3A_140 : vector<2560x128xi32>
    %sign3A_142 = arith.constant 0 : i32
    %sign3A_143 = arith.cmpi sgt, %jit3A_130, %sign3A_142 : i32
    %sign3A_144 = arith.extui %sign3A_143 : i1 to i32
    %sign3A_145 = arith.constant 0 : i32
    %sign3A_146 = arith.cmpi slt, %jit3A_130, %sign3A_145 : i32
    %sign3A_147 = arith.extui %sign3A_146 : i1 to i32
    %sign3A_148 = arith.subi %sign3A_144, %sign3A_147 : i32
    %ne3A_149 = vector.broadcast %sign3A_148 : i32 to vector<2560x128xi32>
    %ne3A_150 = arith.cmpi ne, %sign3A_141, %ne3A_149 : vector<2560x128xi32>
    %rem3A_151 = vector.broadcast %jit3A_130 : i32 to vector<2560x128xi32>
    %rem3A_152 = arith.remsi %concatenate3A_48, %rem3A_151 : vector<2560x128xi32>
    %ne3A_153 = arith.constant 0 : i32
    %ne3A_154 = vector.broadcast %ne3A_153 : i32 to vector<2560x128xi32>
    %ne3A_155 = arith.cmpi ne, %rem3A_152, %ne3A_154 : vector<2560x128xi32>
    %and3A_156 = arith.andi %ne3A_150, %ne3A_155 : vector<2560x128xi1>
    %sub3A_157 = arith.constant 1 : i32
    %sub3A_158 = vector.broadcast %sub3A_157 : i32 to vector<2560x128xi32>
    %sub3A_159 = arith.subi %div3A_132, %sub3A_158 : vector<2560x128xi32>
    %select_n3A_160 = arith.select %and3A_156, %sub3A_159, %div3A_132 : vector<2560x128xi1>, vector<2560x128xi32>
    %add3A_161 = arith.addi %mul3A_129, %select_n3A_160 : vector<2560x128xi32>
    %swap3A_162 = arith.constant 0 : index
    %swap3A_163 = arith.constant 0 : index
    %swap3A_164 = vector.load %arg3[%swap3A_162, %swap3A_163] : memref<2560x128xi32, #tpu.memory_space<vmem>>, vector<2560x128xi32>
    tpu.vector_store %arg3[%swap3A_162, %swap3A_163], %add3A_161 {strides = array<i32>} : memref<2560x128xi32, #tpu.memory_space<vmem>>, vector<2560x128xi32>,
    return
  }
  func.func @transform_0(%arg0: i32) -> (i32, i32) {
    %c0_i32 = arith.constant 0 : i32
    %c0_i32_0 = arith.constant 0 : i32
    %c0_i32_1 = arith.constant 0 : i32
    return %c0_i32, %c0_i32_0 : i32, i32
  }
  func.func @transform_1(%arg0: i32) -> (i32, i32) {
    %c0_i32 = arith.constant 0 : i32
    %c0_i32_0 = arith.constant 0 : i32
    %c0_i32_1 = arith.constant 0 : i32
    return %c0_i32, %c0_i32_0 : i32, i32
  }
  func.func @transform_2(%arg0: i32) -> (i32, i32) {
    %c0_i32 = arith.constant 0 : i32
    %c0_i32_0 = arith.constant 0 : i32
    %c0_i32_1 = arith.constant 0 : i32
    return %c0_i32, %c0_i32_0 : i32, i32
  }
}

module attributes {stable_mosaic.version = 14 : i64} {
  func.func @_tc_scale_body(%arg0: i32, %arg1: memref<160x128xf32, #tpu.memory_space<vmem>>, %arg2: memref<160x128xf32, #tpu.memory_space<vmem>>, %arg3: memref<160x128xf32, #tpu.memory_space<vmem>>, %arg4: memref<160x128xf32, #tpu.memory_space<vmem>>, %arg5: memref<160x128xf32, #tpu.memory_space<vmem>>) attributes {dimension_semantics = [#tpu.dimension_semantics<arbitrary>], iteration_bounds = array<i64: 8>, scalar_prefetch = 0 : i64, scratch_operands = 0 : i64, tpu.core_type = #tpu.core_type<tc>, window_params = [{transform_indices = @transform_0, window_bounds = array<i64: 160, 128>}, {transform_indices = @transform_1, window_bounds = array<i64: 160, 128>}, {transform_indices = @transform_2, window_bounds = array<i64: 160, 128>}, {transform_indices = @transform_3, window_bounds = array<i64: 160, 128>}, {transform_indices = @transform_4, window_bounds = array<i64: 160, 128>}]} {
    %get3A = arith.constant 0 : index
    %get3A_0 = arith.constant 0 : index
    %get3A_1 = vector.load %arg2[%get3A, %get3A_0] : memref<160x128xf32, #tpu.memory_space<vmem>>, vector<160x128xf32>
    %get3A_2 = arith.constant 0 : index
    %get3A_3 = arith.constant 0 : index
    %get3A_4 = vector.load %arg3[%get3A_2, %get3A_3] : memref<160x128xf32, #tpu.memory_space<vmem>>, vector<160x128xf32>
    %add3A = arith.addf %get3A_1, %get3A_4 : vector<160x128xf32>
    %add3A_5 = arith.constant 1.000000e+00 : f32
    %add3A_6 = vector.broadcast %add3A_5 : f32 to vector<160x128xf32>
    %add3A_7 = arith.addf %add3A, %add3A_6 : vector<160x128xf32>
    %rsqrt3A = math.rsqrt %add3A_7 : vector<160x128xf32>
    %swap3A = arith.constant 0 : index
    %swap3A_8 = arith.constant 0 : index
    %swap3A_9 = vector.load %arg5[%swap3A, %swap3A_8] : memref<160x128xf32, #tpu.memory_space<vmem>>, vector<160x128xf32>
    tpu.vector_store %arg5[%swap3A, %swap3A_8], %rsqrt3A {strides = array<i32>} : memref<160x128xf32, #tpu.memory_space<vmem>>, vector<160x128xf32>,
    %get3A_10 = arith.constant 0 : index
    %get3A_11 = arith.constant 0 : index
    %get3A_12 = vector.load %arg1[%get3A_10, %get3A_11] : memref<160x128xf32, #tpu.memory_space<vmem>>, vector<160x128xf32>
    %mul3A = arith.mulf %get3A_12, %rsqrt3A : vector<160x128xf32>
    %swap3A_13 = arith.constant 0 : index
    %swap3A_14 = arith.constant 0 : index
    %swap3A_15 = vector.load %arg4[%swap3A_13, %swap3A_14] : memref<160x128xf32, #tpu.memory_space<vmem>>, vector<160x128xf32>
    tpu.vector_store %arg4[%swap3A_13, %swap3A_14], %mul3A {strides = array<i32>} : memref<160x128xf32, #tpu.memory_space<vmem>>, vector<160x128xf32>,
    return
  }
  func.func @transform_0(%arg0: i32) -> (i32, i32) {
    %c0_i32 = arith.constant 0 : i32
    %c0_i32_0 = arith.constant 0 : i32
    return %arg0, %c0_i32 : i32, i32
  }
  func.func @transform_1(%arg0: i32) -> (i32, i32) {
    %c0_i32 = arith.constant 0 : i32
    %c0_i32_0 = arith.constant 0 : i32
    return %arg0, %c0_i32 : i32, i32
  }
  func.func @transform_2(%arg0: i32) -> (i32, i32) {
    %c0_i32 = arith.constant 0 : i32
    %c0_i32_0 = arith.constant 0 : i32
    return %arg0, %c0_i32 : i32, i32
  }
  func.func @transform_3(%arg0: i32) -> (i32, i32) {
    %c0_i32 = arith.constant 0 : i32
    %c0_i32_0 = arith.constant 0 : i32
    return %arg0, %c0_i32 : i32, i32
  }
  func.func @transform_4(%arg0: i32) -> (i32, i32) {
    %c0_i32 = arith.constant 0 : i32
    %c0_i32_0 = arith.constant 0 : i32
    return %arg0, %c0_i32 : i32, i32
  }
}

module attributes {stable_mosaic.version = 14 : i64} {
  func.func @_tc_mid1_body(%arg0: i32, %arg1: memref<160x128xf32, #tpu.memory_space<vmem>>, %arg2: memref<160x128xf32, #tpu.memory_space<vmem>>, %arg3: memref<160x128xf32, #tpu.memory_space<vmem>>, %arg4: memref<160x128xf32, #tpu.memory_space<vmem>>, %arg5: memref<8x128xf32, #tpu.memory_space<vmem>>, %arg6: memref<160x128xf32, #tpu.memory_space<vmem>>) attributes {dimension_semantics = [#tpu.dimension_semantics<arbitrary>], iteration_bounds = array<i64: 8>, scalar_prefetch = 0 : i64, scratch_operands = 0 : i64, tpu.core_type = #tpu.core_type<tc>, window_params = [{transform_indices = @transform_0, window_bounds = array<i64: 160, 128>}, {transform_indices = @transform_1, window_bounds = array<i64: 160, 128>}, {transform_indices = @transform_2, window_bounds = array<i64: 160, 128>}, {transform_indices = @transform_3, window_bounds = array<i64: 160, 128>}, {pipeline_mode = #tpu.pipeline_mode<synchronous>, transform_indices = @transform_4, window_bounds = array<i64: 8, 128>}, {transform_indices = @transform_5, window_bounds = array<i64: 160, 128>}]} {
    %get3A = arith.constant 0 : index
    %get3A_0 = arith.constant 0 : index
    %get3A_1 = vector.load %arg4[%get3A, %get3A_0] : memref<160x128xf32, #tpu.memory_space<vmem>>, vector<160x128xf32>
    %get3A_2 = arith.constant 0 : index
    %get3A_3 = arith.constant 0 : index
    %get3A_4 = vector.load %arg1[%get3A_2, %get3A_3] : memref<160x128xf32, #tpu.memory_space<vmem>>, vector<160x128xf32>
    %get3A_5 = arith.constant 0 : index
    %get3A_6 = arith.constant 0 : index
    %get3A_7 = vector.load %arg2[%get3A_5, %get3A_6] : memref<160x128xf32, #tpu.memory_space<vmem>>, vector<160x128xf32>
    %add3A = arith.addf %get3A_4, %get3A_7 : vector<160x128xf32>
    %get3A_8 = arith.constant 0 : index
    %get3A_9 = arith.constant 0 : index
    %get3A_10 = vector.load %arg3[%get3A_8, %get3A_9] : memref<160x128xf32, #tpu.memory_space<vmem>>, vector<160x128xf32>
    %add3A_11 = arith.addf %add3A, %get3A_10 : vector<160x128xf32>
    %mul3A = arith.mulf %add3A_11, %get3A_1 : vector<160x128xf32>
    %get3A_12 = arith.constant 0 : index
    %get3A_13 = arith.constant 0 : index
    %get3A_14 = vector.load %arg5[%get3A_12, %get3A_13] : memref<8x128xf32, #tpu.memory_space<vmem>>, vector<1x128xf32>
    %add3A_15 = vector.broadcast %get3A_14 : vector<1x128xf32> to vector<160x128xf32>
    %add3A_16 = arith.addf %mul3A, %add3A_15 : vector<160x128xf32>
    %max3A = arith.constant 0.000000e+00 : f32
    %max3A_17 = vector.broadcast %max3A : f32 to vector<160x128xf32>
    %max3A_18 = arith.maximumf %add3A_16, %max3A_17 : vector<160x128xf32>
    %mul3A_19 = arith.mulf %max3A_18, %get3A_1 : vector<160x128xf32>
    %swap3A = arith.constant 0 : index
    %swap3A_20 = arith.constant 0 : index
    %swap3A_21 = vector.load %arg6[%swap3A, %swap3A_20] : memref<160x128xf32, #tpu.memory_space<vmem>>, vector<160x128xf32>
    tpu.vector_store %arg6[%swap3A, %swap3A_20], %mul3A_19 {strides = array<i32>} : memref<160x128xf32, #tpu.memory_space<vmem>>, vector<160x128xf32>,
    return
  }
  func.func @transform_0(%arg0: i32) -> (i32, i32) {
    %c0_i32 = arith.constant 0 : i32
    %c0_i32_0 = arith.constant 0 : i32
    return %arg0, %c0_i32 : i32, i32
  }
  func.func @transform_1(%arg0: i32) -> (i32, i32) {
    %c0_i32 = arith.constant 0 : i32
    %c0_i32_0 = arith.constant 0 : i32
    return %arg0, %c0_i32 : i32, i32
  }
  func.func @transform_2(%arg0: i32) -> (i32, i32) {
    %c0_i32 = arith.constant 0 : i32
    %c0_i32_0 = arith.constant 0 : i32
    return %arg0, %c0_i32 : i32, i32
  }
  func.func @transform_3(%arg0: i32) -> (i32, i32) {
    %c0_i32 = arith.constant 0 : i32
    %c0_i32_0 = arith.constant 0 : i32
    return %arg0, %c0_i32 : i32, i32
  }
  func.func @transform_4(%arg0: i32) -> (i32, i32) {
    %c0_i32 = arith.constant 0 : i32
    %c0_i32_0 = arith.constant 0 : i32
    %c0_i32_1 = arith.constant 0 : i32
    return %c0_i32, %c0_i32_0 : i32, i32
  }
  func.func @transform_5(%arg0: i32) -> (i32, i32) {
    %c0_i32 = arith.constant 0 : i32
    %c0_i32_0 = arith.constant 0 : i32
    return %arg0, %c0_i32 : i32, i32
  }
}

module attributes {stable_mosaic.version = 14 : i64} {
  func.func @_tc_mid2_body(%arg0: i32, %arg1: memref<160x128xf32, #tpu.memory_space<vmem>>, %arg2: memref<160x128xf32, #tpu.memory_space<vmem>>, %arg3: memref<160x128xf32, #tpu.memory_space<vmem>>, %arg4: memref<160x128xf32, #tpu.memory_space<vmem>>, %arg5: memref<8x128xf32, #tpu.memory_space<vmem>>, %arg6: memref<128x128xf32, #tpu.memory_space<vmem>>, %arg7: memref<160x128xf32, #tpu.memory_space<vmem>>) attributes {dimension_semantics = [#tpu.dimension_semantics<arbitrary>], iteration_bounds = array<i64: 8>, scalar_prefetch = 0 : i64, scratch_operands = 0 : i64, tpu.core_type = #tpu.core_type<tc>, window_params = [{transform_indices = @transform_0, window_bounds = array<i64: 160, 128>}, {transform_indices = @transform_1, window_bounds = array<i64: 160, 128>}, {transform_indices = @transform_2, window_bounds = array<i64: 160, 128>}, {transform_indices = @transform_3, window_bounds = array<i64: 160, 128>}, {pipeline_mode = #tpu.pipeline_mode<synchronous>, transform_indices = @transform_4, window_bounds = array<i64: 8, 128>}, {pipeline_mode = #tpu.pipeline_mode<synchronous>, transform_indices = @transform_5, window_bounds = array<i64: 128, 128>}, {transform_indices = @transform_6, window_bounds = array<i64: 160, 128>}]} {
    %get3A = arith.constant 0 : index
    %get3A_0 = arith.constant 0 : index
    %get3A_1 = vector.load %arg4[%get3A, %get3A_0] : memref<160x128xf32, #tpu.memory_space<vmem>>, vector<160x128xf32>
    %get3A_2 = arith.constant 0 : index
    %get3A_3 = arith.constant 0 : index
    %get3A_4 = vector.load %arg1[%get3A_2, %get3A_3] : memref<160x128xf32, #tpu.memory_space<vmem>>, vector<160x128xf32>
    %get3A_5 = arith.constant 0 : index
    %get3A_6 = arith.constant 0 : index
    %get3A_7 = vector.load %arg2[%get3A_5, %get3A_6] : memref<160x128xf32, #tpu.memory_space<vmem>>, vector<160x128xf32>
    %add3A = arith.addf %get3A_4, %get3A_7 : vector<160x128xf32>
    %get3A_8 = arith.constant 0 : index
    %get3A_9 = arith.constant 0 : index
    %get3A_10 = vector.load %arg3[%get3A_8, %get3A_9] : memref<160x128xf32, #tpu.memory_space<vmem>>, vector<160x128xf32>
    %add3A_11 = arith.addf %add3A, %get3A_10 : vector<160x128xf32>
    %mul3A = arith.mulf %add3A_11, %get3A_1 : vector<160x128xf32>
    %get3A_12 = arith.constant 0 : index
    %get3A_13 = arith.constant 0 : index
    %get3A_14 = vector.load %arg6[%get3A_12, %get3A_13] : memref<128x128xf32, #tpu.memory_space<vmem>>, vector<128x128xf32>
    %dot_general3A = arith.constant dense<0.000000e+00> : vector<160x128xf32>
    %dot_general3A_15 = tpu.matmul %mul3A, %get3A_14, %dot_general3A {dimension_numbers = #tpu.dot_dimension_numbers<[1], [0], [0], [1], [0, 0, 1, 1], [], []>, transpose_lhs_hint = false} : vector<160x128xf32>, vector<128x128xf32>, vector<160x128xf32> -> vector<160x128xf32>
    %get3A_16 = arith.constant 0 : index
    %get3A_17 = arith.constant 0 : index
    %get3A_18 = vector.load %arg5[%get3A_16, %get3A_17] : memref<8x128xf32, #tpu.memory_space<vmem>>, vector<1x128xf32>
    %add3A_19 = vector.broadcast %get3A_18 : vector<1x128xf32> to vector<160x128xf32>
    %add3A_20 = arith.addf %dot_general3A_15, %add3A_19 : vector<160x128xf32>
    %max3A = arith.constant 0.000000e+00 : f32
    %max3A_21 = vector.broadcast %max3A : f32 to vector<160x128xf32>
    %max3A_22 = arith.maximumf %add3A_20, %max3A_21 : vector<160x128xf32>
    %mul3A_23 = arith.mulf %max3A_22, %get3A_1 : vector<160x128xf32>
    %swap3A = arith.constant 0 : index
    %swap3A_24 = arith.constant 0 : index
    %swap3A_25 = vector.load %arg7[%swap3A, %swap3A_24] : memref<160x128xf32, #tpu.memory_space<vmem>>, vector<160x128xf32>
    tpu.vector_store %arg7[%swap3A, %swap3A_24], %mul3A_23 {strides = array<i32>} : memref<160x128xf32, #tpu.memory_space<vmem>>, vector<160x128xf32>,
    return
  }
  func.func @transform_0(%arg0: i32) -> (i32, i32) {
    %c0_i32 = arith.constant 0 : i32
    %c0_i32_0 = arith.constant 0 : i32
    return %arg0, %c0_i32 : i32, i32
  }
  func.func @transform_1(%arg0: i32) -> (i32, i32) {
    %c0_i32 = arith.constant 0 : i32
    %c0_i32_0 = arith.constant 0 : i32
    return %arg0, %c0_i32 : i32, i32
  }
  func.func @transform_2(%arg0: i32) -> (i32, i32) {
    %c0_i32 = arith.constant 0 : i32
    %c0_i32_0 = arith.constant 0 : i32
    return %arg0, %c0_i32 : i32, i32
  }
  func.func @transform_3(%arg0: i32) -> (i32, i32) {
    %c0_i32 = arith.constant 0 : i32
    %c0_i32_0 = arith.constant 0 : i32
    return %arg0, %c0_i32 : i32, i32
  }
  func.func @transform_4(%arg0: i32) -> (i32, i32) {
    %c0_i32 = arith.constant 0 : i32
    %c0_i32_0 = arith.constant 0 : i32
    %c0_i32_1 = arith.constant 0 : i32
    return %c0_i32, %c0_i32_0 : i32, i32
  }
  func.func @transform_5(%arg0: i32) -> (i32, i32) {
    %c0_i32 = arith.constant 0 : i32
    %c0_i32_0 = arith.constant 0 : i32
    %c0_i32_1 = arith.constant 0 : i32
    return %c0_i32, %c0_i32_0 : i32, i32
  }
  func.func @transform_6(%arg0: i32) -> (i32, i32) {
    %c0_i32 = arith.constant 0 : i32
    %c0_i32_0 = arith.constant 0 : i32
    return %arg0, %c0_i32 : i32, i32
  }
}

module attributes {stable_mosaic.version = 14 : i64} {
  func.func @_tc_fin_body(%arg0: i32, %arg1: memref<1280x128xf32, #tpu.memory_space<vmem>>, %arg2: memref<1280x128xf32, #tpu.memory_space<vmem>>, %arg3: memref<1280x128xf32, #tpu.memory_space<vmem>>, %arg4: memref<1280x128xf32, #tpu.memory_space<vmem>>, %arg5: memref<16x2xf32, #tpu.memory_space<vmem>>, %arg6: memref<8x2xf32, #tpu.memory_space<vmem>>, %arg7: memref<10240x2xf32, #tpu.memory_space<vmem>>) attributes {dimension_semantics = [#tpu.dimension_semantics<arbitrary>], iteration_bounds = array<i64: 1>, scalar_prefetch = 0 : i64, scratch_operands = 0 : i64, tpu.core_type = #tpu.core_type<tc>, window_params = [{pipeline_mode = #tpu.pipeline_mode<synchronous>, transform_indices = @transform_0, window_bounds = array<i64: 1280, 128>}, {pipeline_mode = #tpu.pipeline_mode<synchronous>, transform_indices = @transform_1, window_bounds = array<i64: 1280, 128>}, {pipeline_mode = #tpu.pipeline_mode<synchronous>, transform_indices = @transform_2, window_bounds = array<i64: 1280, 128>}, {pipeline_mode = #tpu.pipeline_mode<synchronous>, transform_indices = @transform_3, window_bounds = array<i64: 1280, 128>}, {pipeline_mode = #tpu.pipeline_mode<synchronous>, transform_indices = @transform_4, window_bounds = array<i64: 16, 2>}, {pipeline_mode = #tpu.pipeline_mode<synchronous>, transform_indices = @transform_5, window_bounds = array<i64: 8, 2>}, {pipeline_mode = #tpu.pipeline_mode<synchronous>, transform_indices = @transform_6, window_bounds = array<i64: 10240, 2>}]} {
    %get3A = arith.constant 0 : index
    %get3A_0 = arith.constant 0 : index
    %get3A_1 = vector.load %arg1[%get3A, %get3A_0] : memref<1280x128xf32, #tpu.memory_space<vmem>>, vector<1280x128xf32>
    %get3A_2 = arith.constant 0 : index
    %get3A_3 = arith.constant 0 : index
    %get3A_4 = vector.load %arg2[%get3A_2, %get3A_3] : memref<1280x128xf32, #tpu.memory_space<vmem>>, vector<1280x128xf32>
    %add3A = arith.addf %get3A_1, %get3A_4 : vector<1280x128xf32>
    %get3A_5 = arith.constant 0 : index
    %get3A_6 = arith.constant 0 : index
    %get3A_7 = vector.load %arg3[%get3A_5, %get3A_6] : memref<1280x128xf32, #tpu.memory_space<vmem>>, vector<1280x128xf32>
    %add3A_8 = arith.addf %add3A, %get3A_7 : vector<1280x128xf32>
    %get3A_9 = arith.constant 0 : index
    %get3A_10 = arith.constant 0 : index
    %get3A_11 = vector.load %arg4[%get3A_9, %get3A_10] : memref<1280x128xf32, #tpu.memory_space<vmem>>, vector<1280x128xf32>
    %mul3A = arith.mulf %add3A_8, %get3A_11 : vector<1280x128xf32>
    %slice3A = vector.extract_strided_slice %mul3A {offsets = [0, 0], sizes = [1280, 16], strides = [1, 1]} : vector<1280x128xf32> to vector<1280x16xf32>
    %slice3A_12 = vector.extract_strided_slice %mul3A {offsets = [0, 16], sizes = [1280, 16], strides = [1, 1]} : vector<1280x128xf32> to vector<1280x16xf32>
    %slice3A_13 = vector.extract_strided_slice %mul3A {offsets = [0, 32], sizes = [1280, 16], strides = [1, 1]} : vector<1280x128xf32> to vector<1280x16xf32>
    %slice3A_14 = vector.extract_strided_slice %mul3A {offsets = [0, 48], sizes = [1280, 16], strides = [1, 1]} : vector<1280x128xf32> to vector<1280x16xf32>
    %slice3A_15 = vector.extract_strided_slice %mul3A {offsets = [0, 64], sizes = [1280, 16], strides = [1, 1]} : vector<1280x128xf32> to vector<1280x16xf32>
    %slice3A_16 = vector.extract_strided_slice %mul3A {offsets = [0, 80], sizes = [1280, 16], strides = [1, 1]} : vector<1280x128xf32> to vector<1280x16xf32>
    %slice3A_17 = vector.extract_strided_slice %mul3A {offsets = [0, 96], sizes = [1280, 16], strides = [1, 1]} : vector<1280x128xf32> to vector<1280x16xf32>
    %slice3A_18 = vector.extract_strided_slice %mul3A {offsets = [0, 112], sizes = [1280, 16], strides = [1, 1]} : vector<1280x128xf32> to vector<1280x16xf32>
    %concatenate3A = tpu.concatenate %slice3A, %slice3A_12, %slice3A_13, %slice3A_14, %slice3A_15, %slice3A_16, %slice3A_17, %slice3A_18 in 0 : vector<1280x16xf32>, vector<1280x16xf32>, vector<1280x16xf32>, vector<1280x16xf32>, vector<1280x16xf32>, vector<1280x16xf32>, vector<1280x16xf32>, vector<1280x16xf32> -> vector<10240x16xf32>
    %get3A_19 = arith.constant 0 : index
    %get3A_20 = arith.constant 0 : index
    %get3A_21 = vector.load %arg5[%get3A_19, %get3A_20] : memref<16x2xf32, #tpu.memory_space<vmem>>, vector<16x2xf32>
    %dot_general3A = arith.constant dense<0.000000e+00> : vector<10240x2xf32>
    %dot_general3A_22 = tpu.matmul %concatenate3A, %get3A_21, %dot_general3A {dimension_numbers = #tpu.dot_dimension_numbers<[1], [0], [0], [1], [0, 0, 1, 1], [], []>, transpose_lhs_hint = false} : vector<10240x16xf32>, vector<16x2xf32>, vector<10240x2xf32> -> vector<10240x2xf32>
    %get3A_23 = arith.constant 0 : index
    %get3A_24 = arith.constant 0 : index
    %get3A_25 = vector.load %arg6[%get3A_23, %get3A_24] : memref<8x2xf32, #tpu.memory_space<vmem>>, vector<1x2xf32>
    %add3A_26 = vector.broadcast %get3A_25 : vector<1x2xf32> to vector<10240x2xf32>
    %add3A_27 = arith.addf %dot_general3A_22, %add3A_26 : vector<10240x2xf32>
    %reduce_max3A = arith.constant dense<0xFF800000> : vector<10240xf32>
    %reduce_max3A_28 = vector.multi_reduction <maximumf>, %add3A_27, %reduce_max3A [1] : vector<10240x2xf32> to vector<10240xf32>
    %broadcast_in_dim3A = vector.shape_cast %reduce_max3A_28 : vector<10240xf32> to vector<10240x1xf32>
    %sub3A = vector.broadcast %broadcast_in_dim3A : vector<10240x1xf32> to vector<10240x2xf32>
    %sub3A_29 = arith.subf %add3A_27, %sub3A : vector<10240x2xf32>
    %exp3A = math.exp %sub3A_29 : vector<10240x2xf32>
    %reduce_sum3A = arith.constant dense<0.000000e+00> : vector<10240xf32>
    %reduce_sum3A_30 = vector.multi_reduction <add>, %exp3A, %reduce_sum3A [1] : vector<10240x2xf32> to vector<10240xf32>
    %broadcast_in_dim3A_31 = vector.shape_cast %reduce_sum3A_30 : vector<10240xf32> to vector<10240x1xf32>
    %log3A = math.log %broadcast_in_dim3A_31 : vector<10240x1xf32>
    %sub3A_32 = vector.broadcast %log3A : vector<10240x1xf32> to vector<10240x2xf32>
    %sub3A_33 = arith.subf %sub3A_29, %sub3A_32 : vector<10240x2xf32>
    %swap3A = arith.constant 0 : index
    %swap3A_34 = arith.constant 0 : index
    %swap3A_35 = vector.load %arg7[%swap3A, %swap3A_34] : memref<10240x2xf32, #tpu.memory_space<vmem>>, vector<10240x2xf32>
    tpu.vector_store %arg7[%swap3A, %swap3A_34], %sub3A_33 {strides = array<i32>} : memref<10240x2xf32, #tpu.memory_space<vmem>>, vector<10240x2xf32>,
    return
  }
  func.func @transform_0(%arg0: i32) -> (i32, i32) {
    %c0_i32 = arith.constant 0 : i32
    %c0_i32_0 = arith.constant 0 : i32
    %c0_i32_1 = arith.constant 0 : i32
    return %c0_i32, %c0_i32_0 : i32, i32
  }
  func.func @transform_1(%arg0: i32) -> (i32, i32) {
    %c0_i32 = arith.constant 0 : i32
    %c0_i32_0 = arith.constant 0 : i32
    %c0_i32_1 = arith.constant 0 : i32
    return %c0_i32, %c0_i32_0 : i32, i32
  }
  func.func @transform_2(%arg0: i32) -> (i32, i32) {
    %c0_i32 = arith.constant 0 : i32
    %c0_i32_0 = arith.constant 0 : i32
    %c0_i32_1 = arith.constant 0 : i32
    return %c0_i32, %c0_i32_0 : i32, i32
  }
  func.func @transform_3(%arg0: i32) -> (i32, i32) {
    %c0_i32 = arith.constant 0 : i32
    %c0_i32_0 = arith.constant 0 : i32
    %c0_i32_1 = arith.constant 0 : i32
    return %c0_i32, %c0_i32_0 : i32, i32
  }
  func.func @transform_4(%arg0: i32) -> (i32, i32) {
    %c0_i32 = arith.constant 0 : i32
    %c0_i32_0 = arith.constant 0 : i32
    %c0_i32_1 = arith.constant 0 : i32
    return %c0_i32, %c0_i32_0 : i32, i32
  }
  func.func @transform_5(%arg0: i32) -> (i32, i32) {
    %c0_i32 = arith.constant 0 : i32
    %c0_i32_0 = arith.constant 0 : i32
    %c0_i32_1 = arith.constant 0 : i32
    return %c0_i32, %c0_i32_0 : i32, i32
  }
  func.func @transform_6(%arg0: i32) -> (i32, i32) {
    %c0_i32 = arith.constant 0 : i32
    %c0_i32_0 = arith.constant 0 : i32
    %c0_i32_1 = arith.constant 0 : i32
    return %c0_i32, %c0_i32_0 : i32, i32
  }
}

</mosaic_0001>

<sc_bundles>
// kernel: kernel.12.cloned.1.call-start
scs
__scs_entry_jumppad:
0x0: {  	(pc) =	sbr.rel $0x88, $3  }
0x1: {  	(tag) =	ssettag $0x0;
	lr =	simm.s32 $0x1  }
0x2: {  	[smem:$0x3F99] =	sst lr;
	_ =	strace $0xD0000000  }
0x3: {  	_ = 	snop  }
0x4: {  	_ = 	snop  }
0x5: {  	_ = 	snop  }
0x6: {  	_ = 	snop  }
0x7: {  	_ = 	snop  }
__scs_overlays_trampoline_lowered:
0x8: {  	[smem:$0x3FA8] =	sst s0  }
0x9: {  	[smem:$0x3FA9] =	sst s1  }
0xa: {  	[smem:$0x3FAA] =	sst s2  }
0xb: {  	[smem:$0x3FAB] =	sst s3  }
0xc: {  	[smem:$0x3FAC] =	sst s4  }
0xd: {  	[smem:$0x3FAD] =	sst s5  }
0xe: {  	[smem:$0x3FAE] =	sst s6  }
0xf: {  	[smem:$0x3FAF] =	sst s7  }
0x10: {  	[smem:$0x3FB0] =	sst s8  }
0x11: {  	[smem:$0x3FB1] =	sst s9;
	s0 =	simm.s32 @!p0 $0x0  }
0x12: {  	s1 =	sld [smem:$0x3F97];
	s0 =	simm.s32 @p0 $0x1  }
0x13: {  	[smem:$0x3FB2] =	sst s0;
	s0 =	simm.s32 @!p1 $0x0  }
0x14: {  	s2 =	sld [smem:$0x3F96];
	s0 =	simm.s32 @p1 $0x1  }
0x15: {  	[smem:$0x3FB3] =	sst s0;
	s0 =	simm.s32 @!p2 $0x0  }
0x16: {  	s3 =	sld [smem:$0x3FDB];
	s0 =	simm.s32 @p2 $0x1  }
0x17: {  	s4 =	simm.s32 $0x1BF5;
	[smem:$0x3FB5] =	sst s0  }
0x18: {  	s0 =	sld [smem:$0x3F98];
	_ =	swait.ge [sflag:s4], $0x0  }
0x19: {  	s7 =	sld [smem:$0x3F99]  }
0x1a: {  	s8 =	sadd.s32 $0xFFFFE003, lr  }
0x1b: {  	s9 =	sadd.s32 $0xFFFFFEF7, lr;
	s5 =	simm.s32 $0xFFFFFFFF;
	p2 =	slt.u32 s8, $0xFFFFF086  }
0x1c: {  	p1 =	slt.u32 s9, $0xF7A;
	s5 =	simm.s32 @!p2 $0x0  }
0x1d: {  	s5 =	simm.s32 @p1 $0x1;
	p0 =	seq.s32 s7, s2  }
0x1e: {  	s7 =	smul.u32 @!p0 $0xF7A, s2;
	p2 =	seq.s32 @!p0 s5, $0x0  }
0x1f: {  	s9 =	smul.u32 $0xF7A, s1;
	s8 =	simm.s32 @!p0 $0x1BF5;
	p2 =	por !p2, p0  }
0x20: {  	[sflag:s8] =	ssyncset.s32 @!p0 $0xFFFFF086;
	s6 =	sadd.s32 @!p0 s3, s7;
	s7 =	simm.s32 @!p0 $0x108  }
0x21: {  	s3 =	sadd.s32 s3, s9;
	s6 =	sadd.s32 @!p0 $0x88, s6;
	s7 =	simm.s32 @p2 $0x1082  }
0x22: {  	[simem:s7], [sflag:s8] =	dma.local @!p0 [hbm:s6], $0xF7A  }
0x23: {  	s9 =	sor.u32 $0xD0000000, s2;
	s6 =	simm.s32 $0x108;
	_ =	swait.ge @!p0 [sflag:s8], $0x0  }
0x24: {  	s3 =	sadd.s32 $0x88, s3;
	s6 =	simm.s32 @!p1 $0x1082;
	[sflag:s4] =	ssyncset.s32 $0xFFFFF086  }
0x25: {  	[simem:s6], [sflag:s4] =	dma.local [hbm:s3], $0xF7A  }
0x26: {  	[smem:$0x3F99] =	sst s1;
	(tag) =	ssettag s2;
	_ =	strace s9  }
0x27: {  	s1 =	sld [smem:$0x3FA9]  }
0x28: {  	s2 =	sld [smem:$0x3FAA]  }
0x29: {  	s4 =	sld [smem:$0x3FAC]  }
0x2a: {  	p0 =	seq.s32 s5, $0x0;
	s5 =	sld [smem:$0x3FAD]  }
0x2b: {  	s6 =	sld [smem:$0x3FAE]  }
0x2c: {  	s7 =	sld [smem:$0x3FAF]  }
0x2d: {  	s3 =	simm.s32 $0x108;
	s8 =	sld [smem:$0x3FB0]  }
0x2e: {  	s3 =	simm.s32 @!p0 $0x1082;
	s9 =	sld [smem:$0x3FB1]  }
0x2f: {  	lr =	sadd.s32 s0, s3;
	s0 =	sld [smem:$0x3FA8]  }
0x30: {  	s3 =	sld [smem:$0x3FAB]  }
0x31: {  	[smem:$0x3FB4] =	sst s10  }
0x32: {  	s10 =	sld [smem:$0x3FB2];
	_ =	sdelay $0x3  }
0x33: {  	p0 =	seq.s32 s10, $0x1;
	s10 =	sld [smem:$0x3FB4];
	_ =	sdelay $0x3  }
0x34: {  	[smem:$0x3FB4] =	sst s10  }
0x35: {  	s10 =	sld [smem:$0x3FB3];
	_ =	sdelay $0x3  }
0x36: {  	p1 =	seq.s32 s10, $0x1;
	s10 =	sld [smem:$0x3FB4];
	_ =	sdelay $0x3  }
0x37: {  	[smem:$0x3FB4] =	sst s10  }
0x38: {  	s10 =	sld [smem:$0x3FB5]  }
0x39: {  	_ = 	snop;
	(pc) =	sbr.ind lr, $3  }
0x3a: {  	_ = 	snop  }
0x3b: {  	_ = 	snop  }
0x3c: {  	p2 =	seq.s32 s10, $0x1;
	s10 =	sld [smem:$0x3FB4]  }
0x3d: {  	_ =	shalt  }
0x3e: {  	_ =	shalt  }
0x3f: {  	_ =	shalt  }
0x40: {  	_ =	shalt  }
0x41: {  	_ =	shalt  }
0x42: {  	_ =	shalt  }
0x43: {  	_ =	shalt  }
0x44: {  	_ =	shalt  }
0x45: {  	_ =	shalt  }
0x46: {  	_ =	shalt  }
0x47: {  	_ =	shalt  }
0x48: {  	_ =	shalt  }
0x49: {  	_ =	shalt  }
0x4a: {  	_ =	shalt  }
0x4b: {  	_ =	shalt  }
0x4c: {  	_ =	shalt  }
0x4d: {  	_ =	shalt  }
0x4e: {  	_ =	shalt  }
0x4f: {  	_ =	shalt  }
0x50: {  	_ =	shalt  }
0x51: {  	_ =	shalt  }
0x52: {  	_ =	shalt  }
0x53: {  	_ =	shalt  }
0x54: {  	_ =	shalt  }
0x55: {  	_ =	shalt  }
0x56: {  	_ =	shalt  }
0x57: {  	_ =	shalt  }
0x58: {  	_ =	shalt  }
0x59: {  	_ =	shalt  }
0x5a: {  	_ =	shalt  }
0x5b: {  	_ =	shalt  }
0x5c: {  	_ =	shalt  }
0x5d: {  	_ =	shalt  }
0x5e: {  	_ =	shalt  }
0x5f: {  	_ =	shalt  }
0x60: {  	_ =	shalt  }
0x61: {  	_ =	shalt  }
0x62: {  	_ =	shalt  }
0x63: {  	_ =	shalt  }
0x64: {  	_ =	shalt  }
0x65: {  	_ =	shalt  }
0x66: {  	_ =	shalt  }
0x67: {  	_ =	shalt  }
0x68: {  	_ =	shalt  }
0x69: {  	_ =	shalt  }
0x6a: {  	_ =	shalt  }
0x6b: {  	_ =	shalt  }
0x6c: {  	_ =	shalt  }
0x6d: {  	_ =	shalt  }
0x6e: {  	_ =	shalt  }
0x6f: {  	_ =	shalt  }
0x70: {  	_ =	shalt  }
0x71: {  	_ =	shalt  }
0x72: {  	_ =	shalt  }
0x73: {  	_ =	shalt  }
0x74: {  	_ =	shalt  }
0x75: {  	_ =	shalt  }
0x76: {  	_ =	shalt  }
0x77: {  	_ =	shalt  }
0x78: {  	_ =	shalt  }
0x79: {  	_ =	shalt  }
0x7a: {  	_ =	shalt  }
0x7b: {  	_ =	shalt  }
0x7c: {  	_ =	shalt  }
0x7d: {  	_ =	shalt  }
0x7e: {  	_ =	shalt  }
0x7f: {  	_ =	shalt  }
0x80: {  	_ =	shalt  }
0x81: {  	_ =	shalt  }
0x82: {  	_ =	shalt  }
0x83: {  	_ =	shalt  }
0x84: {  	_ =	shalt  }
0x85: {  	_ =	shalt  }
0x86: {  	_ =	shalt  }
0x87: {  	_ =	shalt  }
.Lfunc_end0:
.L_simem_size_0:
called_computation_lowered:
.L_overlay_start_0:
0x88: {  	s2 =	sld [smem:$0x3FD9]  }
0x89: {  	s3 =	sld [smem:$0x3FFE];
	_ =	sdelay $0x1  }
0x8a: {  	s1 =	srdreg.scid  }
0x8b: {  	s0 =	sand.u32 $0x1, s1  }
0x8c: {  	s17 =	sshll.u32 s0, $0xA;
	s2 =	sadd.s32 s3, s2  }
0x8d: {  	s2 =	sadd.s32 s2, s17  }
0x8e: {  	[smem:$0x3FC0] =	sst s2  }
0x8f: {  	_ = 	snop  }
0x90: {  	s2 =	sld [smem:$0x3FD0];
	(tm) =	ssettm $0x1  }
0x91: {  	s18 =	sld [smem:$0x3FFB];
	_ =	sdelay $0x3  }
0x92: {  	_ =	strace s18  }
0x93: {  	s3 =	sld [smem:$0x3FFC];
	_ =	sdelay $0x3  }
0x94: {  	_ =	strace s3  }
0x95: {  	s3 =	sld [smem:$0x3FFD];
	_ =	sdelay $0x3  }
0x96: {  	_ =	strace s3  }
0x97: {  	_ =	strace $0x8FFFFFFF  }
0x98: {  	s19 =	sld [smem:$0x3FDB];
	_ =	sdelay $0x1  }
0x99: {  	s4 =	simm.s32 $_scs_section_size  }
0x9a: {  	s5 =	simm.s32 $_size__tile_overlayer_lowered;
	s6 =	simm.s32 $_tile_overlayer_lowered  }
0x9b: {  	s22 =	simm.s32 $0x1BFF;
	s21 =	sshll.u32 s6, $0x1;
	s3 =	sadd.s32 s4, s19  }
0x9c: {  	s7 =	simm.s32 $0x0;
	s20 =	sshll.u32 s5, $0x1;
	s5 =	sadd.s32 s21, s3  }
0x9d: {  	[timem:s7], [sflag:s22] =	dma.local [hbm:s5], s20  }
0x9e: {  	_ =	swait.ge [sflag:s22], s20  }
0x9f: {  	s4 =	ssub.s32 $0x0, s20;
	[sflag:s22] =	ssyncset.done $0x0  }
0xa0: {  	[sflag:s22] =	ssyncadd.s32 s4;
	_ =	sdelay $0x1  }
0xa1: {  	s23 =	simm.s32 $0x1B8B  }
0xa2: {  	_ =	swait.ge [sflag:s23], $0x1  }
0xa3: {  	[sflag:s23] =	ssyncset.done $0x0  }
0xa4: {  	s25 =	simm.s32 $0x1B8E;
	s24 =	sld [smem:$0x3FFE];
	[sflag:s23] =	ssyncadd.s32 $0xFFFFFFFF  }
0xa5: {  	s26 =	simm.s32 $execute0_lowered;
	[smem:$0x3FD2] =	sst s25  }
0xa6: {  	s5 =	sshll.u32 s26, $0x1;
	_ =	strace $0x80000046;
	[dreg:$0x1] =	wrdreg $0xFFFFFFFF  }
0xa7: {  	s28 =	simm.s32 $_size_execute0_lowered;
	s3 =	sadd.s32 s3, s5;
	[dreg:$0x0] =	wrdreg $0x0  }
0xa8: {  	s5 =	sshll.u32 s28, $0x1;
	[dreg:$0x2] =	wrdreg s3  }
0xa9: {  	[dreg:$0x3] =	wrdreg s5  }
0xaa: {  	[dreg:$0x4] =	wrdreg $0xC0  }
0xab: {  	_ =	task [dreg:s7], $0x5FFFF  }
0xac: {  	[dreg:$0x1] =	wrdreg $0xFFFFFFFF  }
0xad: {  	[dreg:$0x0] =	wrdreg $0x60  }
0xae: {  	[dreg:$0x2] =	wrdreg s24  }
0xaf: {  	[dreg:$0x3] =	wrdreg s2  }
0xb0: {  	[dreg:$0x4] =	wrdreg $0x30000  }
0xb1: {  	[dreg:$0x5] =	wrdreg $0x9  }
0xb2: {  	_ =	task.clear_ibuf [dreg:s7], $0x6FFFF;
	_ =	strace $0x90000046  }
0xb3: {  	s29 =	simm.s32 $0x9;
	_ =	strace $0x80000048  }
0xb4: {  	_ =	swait.ge [sflag:s29], $0x1  }
0xb5: {  	[sflag:s29] =	ssyncadd.s32 $0xFFFFFFFF  }
0xb6: {  	_ =	strace $0x90000048  }
0xb7: {  	_ =	sfence  }
0xb8: {  	s30 =	sld [smem:$0x0];
	_ =	sdelay $0x2  }
0xb9: {  	s31 =	sshll.u32 s1, $0xD;
	s1 =	sshrl.u32 s1, $0x2  }
0xba: {  	s3 =	sand.u32 $0x4000, s31;
	s1 =	sadd.s32 s1, s30  }
0xbb: {  	s0 =	sor.u32 s3, s0;
	s1 =	sshll.u32 s1, $0x11  }
0xbc: {  	s0 =	sor.u32 s1, s0  }
0xbd: {  	s0 =	sadd.s32 $0x8F2B, s0  }
0xbe: {  	[sflag:s0] =	ssyncadd.remote.s32 $0x1  }
0xbf: {  	_ =	sfence.sel $0xFFFF  }
0xc0: {  	[dreg:$0x0] =	wrdreg $0xFFFFFFFF;
	(pc) =	sbr.abs _section_cstart, $3  }
0xc1: {  	[dreg:$0x1] =	wrdreg $0xFFFFFFFF  }
0xc2: {  	_ =	task.clear_ibuf [dreg:s7], $0x2FFFF;
	_ =	strace $0x9FFFFFFF  }
0xc3: {  	(tm) =	ssettm $0x7FFFFFFF  }
tec
execute0_lowered:
.L_overlay_start_1:
0x0: {  	(tag) =	ssettag $0x1  }
0x1: {  	s5 =	rddreg [dreg:$0x0]  }
0x2: {  	s1 =	rddreg [dreg:$0x1];
	s0 =	srdreg.scid  }
0x3: {  	s3 =	rddreg [dreg:$0x2];
	s2 =	stileid.u32  }
0x4: {  	s4 =	simm.s32 $0x0;
	s13 =	simm.s32 $0x1E800;
	s14 =	simm.s32 $0x0  }
0x5: {  	s7 =	sand.u32 $0x1, s0;
	s0 =	rddreg [dreg:$0x3];
	s8 =	smul.u32 $0x2800, s2  }
0x6: {  	[smem:$0x7FF] =	sst s4;
	s31 =	sshll.u32 s2, $0x6;
	s6 =	sshll.u32 s7, $0x4  }
0x7: {  	s9 =	ssub.s32 $0x2, s7;
	_ =	strace $0x80000047;
	p0 =	seq.s32 s7, $0x0  }
0x8: {  	s6 =	sor.u32 s2, s6;
	s10 =	sshrl.u32 s8, $0x3;
	s11 =	sshrl.u32 s9, $0x1  }
0x9: {  	s30 =	sadd.s32 s8, s3;
	s13 =	simm.s32 @!p0 $0x23800;
	s6 =	smul.u32 $0x500, s6  }
0xa: {  	s10 =	sadd.s32 s10, s5;
	s9 =	ssub.s32 s9, s11;
	s11 =	simm.s32 $0x1  }
0xb: {  	s8 =	smax.u32 s9, $0x1;
	s9 =	sadd.s32 s13, s10;
	s13 =	simm.s32 $0x80  }
0xc: {  	s12 =	sadd.s32 s6, s5;
	s5 =	sadd.s32 $0x19800, s10;
	s6 =	sor.u32 $0x1C01, s31  }
0xd: {  	s10 =	sshrl.u32 s30, $0x3;
	s7 =	sadd.s32 $0x5800, s12;
	s12 =	simm.s32 $0x2800  }
.LBB2_1:
0xe: {  	[spmem:s10], [sflag:s6] =	dma.local [hbm:s5], $0x500  }
0xf: {  	_ =	swait.ge [sflag:s11], $0x500  }
0x10: {  	[sflag:s11] =	ssyncset.done $0x0  }
0x11: {  	[sflag:s11] =	ssyncadd.s32 $0xFFFFFB00  }
0x12: {  	[tilespmem:s4], [sflag:$0x1] =	stream.linear.gather [hbm4b:s7+s4], $0x2800, $0x38;
	[tilespmem:$0x5800] =	vst v63  }
0x13: {  	_ =	swait.ge [sflag:s11], $0x2800  }
0x14: {  	[sflag:s11] =	ssyncset.done $0x0  }
0x15: {  	[sflag:s11] =	ssyncadd.s32 $0xFFFFD800  }
0x16: {  	[tilespmem:s12], [sflag:$0x1] =	stream.linear.gather [hbm4b:s1+s4], $0x800, $0x38;
	[tilespmem:$0x5800] =	vst v63  }
0x17: {  	_ =	swait.ge [sflag:s11], $0x800  }
0x18: {  	[sflag:s11] =	ssyncset.done $0x0  }
0x19: {  	[sflag:s11] =	ssyncadd.s32 $0xFFFFF800  }
0x1a: {  	s15 =	simm.s32 $0x0;
	[bflag:$0x0] =	sbarrier.arrive $0xFFFF  }
0x1b: {  	[spmem:s3] =	stream.indirect.scatter.add.f32 [tilespmem:s12], [sflag:$0x1], $0x10, s15, s13, $0xb8;
	[tilespmem:$0x5800] =	vst v63  }
0x1c: {  	_ =	swait.ge [sflag:s11], $0x800  }
0x1d: {  	s15 =	simm.s32 $0x200;
	[sflag:s11] =	ssyncset.done $0x0  }
.LBB2_2:
0x1e: {  	s16 =	sshra.s32 s15, $0x2;
	[sflag:s11] =	ssyncadd.s32 $0xFFFFF800;
	p0 =	sne.s32 s15, $0x9E00  }
0x1f: {  	[spmem:s3] =	stream.indirect.scatter.add.f32 [tilespmem:s12], [sflag:$0x1], $0x10, s16, s13, $0xb8;
	[tilespmem:$0x5800] =	vst v63  }
.Ltmp0:
0x20: {  	_ = 	snop;
	(pc) =	sbr.rel @p0 .LBB2_2-.Ltmp0, $4  }
0x21: {  	_ = 	snop  }
0x22: {  	s15 =	sadd.s32 $0x200, s15  }
0x23: {  	_ =	swait.ge [sflag:s11], $0x800  }
0x24: {  	[sflag:s11] =	ssyncset.done $0x0  }
0x25: {  	s14 =	sadd.s32 $0x1, s14  }
0x26: {  	[sflag:s11] =	ssyncadd.s32 $0xFFFFF800;
	p0 =	sne.s32 s14, s8  }
.Ltmp1:
0x27: {  	[bflag:$0x0] =	sbarrier.arrive $0xFFFF;
	(pc) =	sbr.rel @p0 .LBB2_1-.Ltmp1, $4  }
0x28: {  	[hbm:s9], [sflag:s6] =	dma.local [spmem:s10], $0x500  }
0x29: {  	_ =	swait.ge [sflag:s11], $0x500  }
0x2a: {  	[sflag:s11] =	ssyncset.done $0x0  }
0x2b: {  	[sflag:s11] =	ssyncadd.s32 $0xFFFFFB00  }
0x2c: {  	_ =	sfence.sel $0x180000  }
0x2d: {  	[bflag:$0x0] =	sbarrier.arrive $0xFFFF  }
0x2e: {  	p0 =	sne.s32 s2, $0x0;
	_ =	strace $0x90000047  }
0x2f: {  	s0 =	sadd.s32 @!p0 $0x100000, s0;
	[bflag:$0x2] =	sbarrier.arrive $0xFFFF  }
0x30: {  	[sflag:s0] =	ssyncadd.tile.s32 @!p0 $0x1;
	_ =	shalt  }
.Lfunc_end2:
_tile_overlayer_lowered:
.L_overlay_start_2:
0x31: {  	(tag) =	ssettag $0x2  }
0x32: {  	s0 =	rddreg [dreg:$0x0];
	s2 =	stileid.u32  }
0x33: {  	s1 =	rddreg [dreg:$0x1];
	p0 =	sne.s32 s2, $0x0  }
0x34: {  	s3 =	rddreg [dreg:$0x2];
	[bflag:$0x3] =	sbarrier.arrive $0xFFFF;
	s2 =	simm.s32 @!p0 $0x1C01  }
0x35: {  	[timem:s3], [sflag:s2] =	dma.local @!p0 [hbm:s0], s1  }
0x36: {  	s0 =	simm.s32 @!p0 $0x1  }
0x37: {  	_ =	swait.ge @!p0 [sflag:s0], s1  }
0x38: {  	s1 =	ssub.s32 @!p0 $0x0, s1;
	[sflag:s0] =	ssyncset.done @!p0 $0x0  }
0x39: {  	[sflag:s0] =	ssyncadd.s32 @!p0 s1  }
0x3a: {  	[bflag:$0x3] =	sbarrier.arrive $0xFFFF  }
0x3b: {  	_ =	shalt  }

// kernel: kernel.15.cloned.1.call-start
scs
__scs_entry_jumppad:
0x0: {  	(pc) =	sbr.rel $0x88, $3  }
0x1: {  	(tag) =	ssettag $0x0;
	lr =	simm.s32 $0x1  }
0x2: {  	[smem:$0x3F99] =	sst lr;
	_ =	strace $0xD0000000  }
0x3: {  	_ = 	snop  }
0x4: {  	_ = 	snop  }
0x5: {  	_ = 	snop  }
0x6: {  	_ = 	snop  }
0x7: {  	_ = 	snop  }
__scs_overlays_trampoline_lowered:
0x8: {  	[smem:$0x3FA8] =	sst s0  }
0x9: {  	[smem:$0x3FA9] =	sst s1  }
0xa: {  	[smem:$0x3FAA] =	sst s2  }
0xb: {  	[smem:$0x3FAB] =	sst s3  }
0xc: {  	[smem:$0x3FAC] =	sst s4  }
0xd: {  	[smem:$0x3FAD] =	sst s5  }
0xe: {  	[smem:$0x3FAE] =	sst s6  }
0xf: {  	[smem:$0x3FAF] =	sst s7  }
0x10: {  	[smem:$0x3FB0] =	sst s8  }
0x11: {  	[smem:$0x3FB1] =	sst s9;
	s0 =	simm.s32 @!p0 $0x0  }
0x12: {  	s1 =	sld [smem:$0x3F97];
	s0 =	simm.s32 @p0 $0x1  }
0x13: {  	[smem:$0x3FB2] =	sst s0;
	s0 =	simm.s32 @!p1 $0x0  }
0x14: {  	s2 =	sld [smem:$0x3F96];
	s0 =	simm.s32 @p1 $0x1  }
0x15: {  	[smem:$0x3FB3] =	sst s0;
	s0 =	simm.s32 @!p2 $0x0  }
0x16: {  	s3 =	sld [smem:$0x3FDB];
	s0 =	simm.s32 @p2 $0x1  }
0x17: {  	s4 =	simm.s32 $0x1BF5;
	[smem:$0x3FB5] =	sst s0  }
0x18: {  	s0 =	sld [smem:$0x3F98];
	_ =	swait.ge [sflag:s4], $0x0  }
0x19: {  	s7 =	sld [smem:$0x3F99]  }
0x1a: {  	s8 =	sadd.s32 $0xFFFFE003, lr  }
0x1b: {  	s9 =	sadd.s32 $0xFFFFFEF7, lr;
	s5 =	simm.s32 $0xFFFFFFFF;
	p2 =	slt.u32 s8, $0xFFFFF086  }
0x1c: {  	p1 =	slt.u32 s9, $0xF7A;
	s5 =	simm.s32 @!p2 $0x0  }
0x1d: {  	s5 =	simm.s32 @p1 $0x1;
	p0 =	seq.s32 s7, s2  }
0x1e: {  	s7 =	smul.u32 @!p0 $0xF7A, s2;
	p2 =	seq.s32 @!p0 s5, $0x0  }
0x1f: {  	s9 =	smul.u32 $0xF7A, s1;
	s8 =	simm.s32 @!p0 $0x1BF5;
	p2 =	por !p2, p0  }
0x20: {  	[sflag:s8] =	ssyncset.s32 @!p0 $0xFFFFF086;
	s6 =	sadd.s32 @!p0 s3, s7;
	s7 =	simm.s32 @!p0 $0x108  }
0x21: {  	s3 =	sadd.s32 s3, s9;
	s6 =	sadd.s32 @!p0 $0x88, s6;
	s7 =	simm.s32 @p2 $0x1082  }
0x22: {  	[simem:s7], [sflag:s8] =	dma.local @!p0 [hbm:s6], $0xF7A  }
0x23: {  	s9 =	sor.u32 $0xD0000000, s2;
	s6 =	simm.s32 $0x108;
	_ =	swait.ge @!p0 [sflag:s8], $0x0  }
0x24: {  	s3 =	sadd.s32 $0x88, s3;
	s6 =	simm.s32 @!p1 $0x1082;
	[sflag:s4] =	ssyncset.s32 $0xFFFFF086  }
0x25: {  	[simem:s6], [sflag:s4] =	dma.local [hbm:s3], $0xF7A  }
0x26: {  	[smem:$0x3F99] =	sst s1;
	(tag) =	ssettag s2;
	_ =	strace s9  }
0x27: {  	s1 =	sld [smem:$0x3FA9]  }
0x28: {  	s2 =	sld [smem:$0x3FAA]  }
0x29: {  	s4 =	sld [smem:$0x3FAC]  }
0x2a: {  	p0 =	seq.s32 s5, $0x0;
	s5 =	sld [smem:$0x3FAD]  }
0x2b: {  	s6 =	sld [smem:$0x3FAE]  }
0x2c: {  	s7 =	sld [smem:$0x3FAF]  }
0x2d: {  	s3 =	simm.s32 $0x108;
	s8 =	sld [smem:$0x3FB0]  }
0x2e: {  	s3 =	simm.s32 @!p0 $0x1082;
	s9 =	sld [smem:$0x3FB1]  }
0x2f: {  	lr =	sadd.s32 s0, s3;
	s0 =	sld [smem:$0x3FA8]  }
0x30: {  	s3 =	sld [smem:$0x3FAB]  }
0x31: {  	[smem:$0x3FB4] =	sst s10  }
0x32: {  	s10 =	sld [smem:$0x3FB2];
	_ =	sdelay $0x3  }
0x33: {  	p0 =	seq.s32 s10, $0x1;
	s10 =	sld [smem:$0x3FB4];
	_ =	sdelay $0x3  }
0x34: {  	[smem:$0x3FB4] =	sst s10  }
0x35: {  	s10 =	sld [smem:$0x3FB3];
	_ =	sdelay $0x3  }
0x36: {  	p1 =	seq.s32 s10, $0x1;
	s10 =	sld [smem:$0x3FB4];
	_ =	sdelay $0x3  }
0x37: {  	[smem:$0x3FB4] =	sst s10  }
0x38: {  	s10 =	sld [smem:$0x3FB5]  }
0x39: {  	_ = 	snop;
	(pc) =	sbr.ind lr, $3  }
0x3a: {  	_ = 	snop  }
0x3b: {  	_ = 	snop  }
0x3c: {  	p2 =	seq.s32 s10, $0x1;
	s10 =	sld [smem:$0x3FB4]  }
0x3d: {  	_ =	shalt  }
0x3e: {  	_ =	shalt  }
0x3f: {  	_ =	shalt  }
0x40: {  	_ =	shalt  }
0x41: {  	_ =	shalt  }
0x42: {  	_ =	shalt  }
0x43: {  	_ =	shalt  }
0x44: {  	_ =	shalt  }
0x45: {  	_ =	shalt  }
0x46: {  	_ =	shalt  }
0x47: {  	_ =	shalt  }
0x48: {  	_ =	shalt  }
0x49: {  	_ =	shalt  }
0x4a: {  	_ =	shalt  }
0x4b: {  	_ =	shalt  }
0x4c: {  	_ =	shalt  }
0x4d: {  	_ =	shalt  }
0x4e: {  	_ =	shalt  }
0x4f: {  	_ =	shalt  }
0x50: {  	_ =	shalt  }
0x51: {  	_ =	shalt  }
0x52: {  	_ =	shalt  }
0x53: {  	_ =	shalt  }
0x54: {  	_ =	shalt  }
0x55: {  	_ =	shalt  }
0x56: {  	_ =	shalt  }
0x57: {  	_ =	shalt  }
0x58: {  	_ =	shalt  }
0x59: {  	_ =	shalt  }
0x5a: {  	_ =	shalt  }
0x5b: {  	_ =	shalt  }
0x5c: {  	_ =	shalt  }
0x5d: {  	_ =	shalt  }
0x5e: {  	_ =	shalt  }
0x5f: {  	_ =	shalt  }
0x60: {  	_ =	shalt  }
0x61: {  	_ =	shalt  }
0x62: {  	_ =	shalt  }
0x63: {  	_ =	shalt  }
0x64: {  	_ =	shalt  }
0x65: {  	_ =	shalt  }
0x66: {  	_ =	shalt  }
0x67: {  	_ =	shalt  }
0x68: {  	_ =	shalt  }
0x69: {  	_ =	shalt  }
0x6a: {  	_ =	shalt  }
0x6b: {  	_ =	shalt  }
0x6c: {  	_ =	shalt  }
0x6d: {  	_ =	shalt  }
0x6e: {  	_ =	shalt  }
0x6f: {  	_ =	shalt  }
0x70: {  	_ =	shalt  }
0x71: {  	_ =	shalt  }
0x72: {  	_ =	shalt  }
0x73: {  	_ =	shalt  }
0x74: {  	_ =	shalt  }
0x75: {  	_ =	shalt  }
0x76: {  	_ =	shalt  }
0x77: {  	_ =	shalt  }
0x78: {  	_ =	shalt  }
0x79: {  	_ =	shalt  }
0x7a: {  	_ =	shalt  }
0x7b: {  	_ =	shalt  }
0x7c: {  	_ =	shalt  }
0x7d: {  	_ =	shalt  }
0x7e: {  	_ =	shalt  }
0x7f: {  	_ =	shalt  }
0x80: {  	_ =	shalt  }
0x81: {  	_ =	shalt  }
0x82: {  	_ =	shalt  }
0x83: {  	_ =	shalt  }
0x84: {  	_ =	shalt  }
0x85: {  	_ =	shalt  }
0x86: {  	_ =	shalt  }
0x87: {  	_ =	shalt  }
.Lfunc_end0:
.L_simem_size_0:
called_computation.1_lowered:
.L_overlay_start_0:
0x88: {  	s2 =	sld [smem:$0x3FD9]  }
0x89: {  	s3 =	sld [smem:$0x3FFE];
	_ =	sdelay $0x1  }
0x8a: {  	s1 =	srdreg.scid  }
0x8b: {  	s0 =	sand.u32 $0x1, s1  }
0x8c: {  	s16 =	sshll.u32 s0, $0xA;
	s2 =	sadd.s32 s3, s2  }
0x8d: {  	s2 =	sadd.s32 s2, s16  }
0x8e: {  	[smem:$0x3FC0] =	sst s2  }
0x8f: {  	_ = 	snop  }
0x90: {  	(tm) =	ssettm $0x1  }
0x91: {  	s17 =	sld [smem:$0x3FFB];
	_ =	sdelay $0x3  }
0x92: {  	_ =	strace s17  }
0x93: {  	s2 =	sld [smem:$0x3FFC];
	_ =	sdelay $0x3  }
0x94: {  	_ =	strace s2  }
0x95: {  	s2 =	sld [smem:$0x3FFD];
	_ =	sdelay $0x3  }
0x96: {  	_ =	strace s2  }
0x97: {  	_ =	strace $0x8FFFFFFF  }
0x98: {  	s18 =	sld [smem:$0x3FDB];
	_ =	sdelay $0x1  }
0x99: {  	s19 =	simm.s32 $_scs_section_size  }
0x9a: {  	s4 =	simm.s32 $_size__tile_overlayer_lowered;
	s5 =	simm.s32 $_tile_overlayer_lowered  }
0x9b: {  	s22 =	simm.s32 $0x1BFF;
	s21 =	sshll.u32 s5, $0x1;
	s2 =	sadd.s32 s19, s18  }
0x9c: {  	s6 =	simm.s32 $0x0;
	s20 =	sshll.u32 s4, $0x1;
	s4 =	sadd.s32 s21, s2  }
0x9d: {  	[timem:s6], [sflag:s22] =	dma.local [hbm:s4], s20  }
0x9e: {  	_ =	swait.ge [sflag:s22], s20  }
0x9f: {  	s3 =	ssub.s32 $0x0, s20;
	[sflag:s22] =	ssyncset.done $0x0  }
0xa0: {  	[sflag:s22] =	ssyncadd.s32 s3;
	_ =	sdelay $0x1  }
0xa1: {  	s23 =	simm.s32 $0x1B8B  }
0xa2: {  	_ =	swait.ge [sflag:s23], $0x1  }
0xa3: {  	[sflag:s23] =	ssyncset.done $0x0  }
0xa4: {  	s25 =	simm.s32 $0x1B8E;
	s24 =	sld [smem:$0x3FFE];
	[sflag:s23] =	ssyncadd.s32 $0xFFFFFFFF  }
0xa5: {  	s26 =	simm.s32 $execute0_lowered;
	[smem:$0x3FD2] =	sst s25  }
0xa6: {  	s4 =	sshll.u32 s26, $0x1;
	_ =	strace $0x80000049;
	[dreg:$0x1] =	wrdreg $0xFFFFFFFF  }
0xa7: {  	s28 =	simm.s32 $_size_execute0_lowered;
	s2 =	sadd.s32 s2, s4;
	[dreg:$0x0] =	wrdreg $0x0  }
0xa8: {  	s4 =	sshll.u32 s28, $0x1;
	[dreg:$0x2] =	wrdreg s2  }
0xa9: {  	[dreg:$0x3] =	wrdreg s4  }
0xaa: {  	[dreg:$0x4] =	wrdreg $0xC0  }
0xab: {  	_ =	task [dreg:s6], $0x5FFFF  }
0xac: {  	[dreg:$0x1] =	wrdreg $0xFFFFFFFF  }
0xad: {  	[dreg:$0x0] =	wrdreg $0x60  }
0xae: {  	[dreg:$0x2] =	wrdreg s24  }
0xaf: {  	[dreg:$0x3] =	wrdreg $0x90000  }
0xb0: {  	[dreg:$0x4] =	wrdreg $0x9  }
0xb1: {  	_ =	task.clear_ibuf [dreg:s6], $0x5FFFF;
	_ =	strace $0x90000049  }
0xb2: {  	s29 =	simm.s32 $0x9;
	_ =	strace $0x8000004B  }
0xb3: {  	_ =	swait.ge [sflag:s29], $0x1  }
0xb4: {  	[sflag:s29] =	ssyncadd.s32 $0xFFFFFFFF  }
0xb5: {  	_ =	strace $0x9000004B  }
0xb6: {  	_ =	sfence  }
0xb7: {  	s30 =	sld [smem:$0x0];
	_ =	sdelay $0x2  }
0xb8: {  	s31 =	sshll.u32 s1, $0xD;
	s1 =	sshrl.u32 s1, $0x2  }
0xb9: {  	s3 =	sand.u32 $0x4000, s31;
	s1 =	sadd.s32 s1, s30  }
0xba: {  	s0 =	sor.u32 s3, s0;
	s1 =	sshll.u32 s1, $0x11  }
0xbb: {  	s0 =	sor.u32 s1, s0  }
0xbc: {  	s0 =	sadd.s32 $0x8F2B, s0  }
0xbd: {  	[sflag:s0] =	ssyncadd.remote.s32 $0x1  }
0xbe: {  	_ =	sfence.sel $0xFFFF  }
0xbf: {  	[dreg:$0x0] =	wrdreg $0xFFFFFFFF;
	(pc) =	sbr.abs _section_cstart, $3  }
0xc0: {  	[dreg:$0x1] =	wrdreg $0xFFFFFFFF  }
0xc1: {  	_ =	task.clear_ibuf [dreg:s6], $0x2FFFF;
	_ =	strace $0x9FFFFFFF  }
0xc2: {  	(tm) =	ssettm $0x7FFFFFFF  }
0xc3: {  	_ =	shalt  }
tec
execute0_lowered:
.L_overlay_start_1:
0x0: {  	(tag) =	ssettag $0x1  }
0x1: {  	s0 =	srdreg.scid  }
0x2: {  	s1 =	rddreg [dreg:$0x0];
	s9 =	stileid.u32  }
0x3: {  	s2 =	rddreg [dreg:$0x1];
	s4 =	simm.s32 $0x0;
	s14 =	simm.s32 $0x80  }
0x4: {  	s15 =	simm.s32 $0x5000;
	s16 =	simm.s32 $0x5800;
	s18 =	simm.s32 $0x6000  }
0x5: {  	s20 =	simm.s32 $0x6800;
	s22 =	simm.s32 $0x7000;
	s29 =	simm.s32 $0x8800  }
0x6: {  	s30 =	simm.s32 $0x1;
	s31 =	simm.s32 $0x2;
	s13 =	simm.s32 $0x5  }
0x7: {  	s17 =	simm.s32 $0x6;
	s19 =	simm.s32 $0x7;
	s21 =	simm.s32 $0x8  }
0x8: {  	s28 =	simm.s32 $0xB;
	s10 =	simm.s32 $0x10;
	s0 =	sand.u32 $0x1, s0  }
0x9: {  	[smem:$0x7FF] =	sst s4;
	s5 =	smul.u32 $0x2800, s9;
	s4 =	sadd.s32 $0x1E800, s1  }
0xa: {  	s23 =	sshll.u32 s9, $0x6;
	s3 =	sshll.u32 s0, $0x4;
	_ =	strace $0x8000004A  }
0xb: {  	s6 =	ssub.s32 $0x2, s0;
	s11 =	sor.u32 $0x1C11, s23;
	p0 =	seq.s32 s0, $0x0  }
0xc: {  	s0 =	simm.s32 $0x23800;
	s23 =	simm.s32 $0x9;
	s3 =	sor.u32 s9, s3  }
0xd: {  	s7 =	sshrl.u32 s5, $0x3;
	s8 =	sshrl.u32 s6, $0x1;
	s5 =	sadd.s32 s5, s2  }
0xe: {  	s0 =	simm.s32 @!p0 $0x28800;
	s9 =	simm.s32 $0xF;
	[dreg:$0x4] =	wrdreg s11  }
0xf: {  	s3 =	smul.u32 $0x500, s3;
	s6 =	ssub.s32 s6, s8;
	s12 =	sshrl.u32 s5, $0x3  }
0x10: {  	s26 =	smax.u32 s6, $0x1;
	s6 =	simm.s32 $0x0;
	[dreg:$0x9] =	wrdreg s12  }
0x11: {  	s3 =	sadd.s32 s3, s1;
	s1 =	sadd.s32 s7, s1;
	[dreg:$0x7] =	wrdreg s26  }
0x12: {  	s5 =	simm.s32 $0xC;
	[dreg:$0xa] =	wrdreg s6;
	s24 =	sadd.s32 $0x19800, s1  }
.Ltmp0:
0x13: {  	s25 =	sadd.s32 $0xF800, s3;
	[dreg:$0x3] =	wrdreg s24;
	(pc) =	sbr.rel .LBB2_1-.Ltmp0, $4  }
0x14: {  	s8 =	simm.s32 $0xE;
	s3 =	sadd.s32 $0x5800, s3;
	[dreg:$0x5] =	wrdreg s25  }
0x15: {  	s26 =	simm.s32 $0x8000;
	s0 =	sadd.s32 s0, s1;
	[dreg:$0x6] =	wrdreg s3  }
0x16: {  	s7 =	simm.s32 $0xD;
	s1 =	simm.s32 $0x3;
	[dreg:$0x8] =	wrdreg s0  }
0x17: {  	s24 =	simm.s32 $0x7800;
	s0 =	simm.s32 $0x4;
	s25 =	simm.s32 $0xA  }
.LBB2_4:
0x18: {  	_ =	swait.ge [sflag:s25], $0x800  }
0x19: {  	[sflag:s25] =	ssyncset.done $0x0  }
0x1a: {  	[sflag:s25] =	ssyncadd.s32 $0xFFFFF800  }
0x1b: {  	_ =	swait.ge [sflag:s28], $0x800  }
0x1c: {  	[sflag:s28] =	ssyncset.done $0x0  }
0x1d: {  	[sflag:s28] =	ssyncadd.s32 $0xFFFFF800  }
0x1e: {  	_ =	swait.ge [sflag:s5], $0x800  }
0x1f: {  	[sflag:s5] =	ssyncset.done $0x0  }
0x20: {  	[sflag:s5] =	ssyncadd.s32 $0xFFFFF800  }
0x21: {  	_ =	swait.ge [sflag:s7], $0x800  }
0x22: {  	[sflag:s7] =	ssyncset.done $0x0  }
0x23: {  	[sflag:s7] =	ssyncadd.s32 $0xFFFFF800  }
0x24: {  	_ =	swait.ge [sflag:s8], $0x800  }
0x25: {  	[sflag:s8] =	ssyncset.done $0x0  }
0x26: {  	[sflag:s8] =	ssyncadd.s32 $0xFFFFF800  }
0x27: {  	_ =	swait.ge [sflag:s9], $0x800  }
0x28: {  	[sflag:s9] =	ssyncset.done $0x0  }
0x29: {  	[sflag:s9] =	ssyncadd.s32 $0xFFFFF800  }
0x2a: {  	_ =	swait.ge [sflag:s10], $0x800  }
0x2b: {  	[sflag:s10] =	ssyncset.done $0x0  }
0x2c: {  	[sflag:s10] =	ssyncadd.s32 $0xFFFFF800  }
0x2d: {  	[bflag:$0x0] =	sbarrier.arrive $0xFFFF  }
0x2e: {  	s11 =	rddreg [dreg:$0x4]  }
0x2f: {  	s6 =	rddreg [dreg:$0x8]  }
0x30: {  	s12 =	rddreg [dreg:$0x9]  }
0x31: {  	[hbm:s6], [sflag:s11] =	dma.local [spmem:s12], $0x500  }
0x32: {  	s6 =	simm.s32 $0x11  }
0x33: {  	_ =	swait.ge [sflag:s6], $0x500  }
0x34: {  	s3 =	rddreg [dreg:$0xa]  }
0x35: {  	[sflag:s6] =	ssyncset.done $0x0;
	s6 =	rddreg [dreg:$0x7];
	s3 =	sadd.s32 $0x1, s3  }
0x36: {  	p0 =	sne.s32 s3, s6  }
.Ltmp1:
0x37: {  	_ = 	snop;
	(pc) =	sbr.rel @!p0 .LBB2_5-.Ltmp1, $3  }
0x38: {  	_ =	sdelay $0x1  }
0x39: {  	s6 =	simm.s32 $0x11  }
0x3a: {  	[dreg:$0xa] =	wrdreg s3;
	[sflag:s6] =	ssyncadd.s32 $0xFFFFFB00  }
.LBB2_1:
0x3b: {  	s3 =	simm.s32 $0x11;
	s6 =	rddreg [dreg:$0x3]  }
0x3c: {  	[spmem:s12], [sflag:s11] =	dma.local [hbm:s6], $0x500  }
0x3d: {  	_ =	swait.ge [sflag:s3], $0x500  }
0x3e: {  	[sflag:s3] =	ssyncset.done $0x0  }
0x3f: {  	s6 =	simm.s32 $0x0;
	s12 =	rddreg [dreg:$0x5];
	[sflag:s3] =	ssyncadd.s32 $0xFFFFFB00  }
0x40: {  	[tilespmem:s6], [sflag:$0x11] =	stream.linear.gather [hbm4b:s12+s6], $0x2800, $0x38;
	[tilespmem:$0xB800] =	vst v63  }
0x41: {  	_ =	swait.ge [sflag:s3], $0x2800  }
0x42: {  	[sflag:s3] =	ssyncset.done $0x0  }
0x43: {  	s12 =	simm.s32 $0x2800;
	s11 =	rddreg [dreg:$0x6];
	[sflag:s3] =	ssyncadd.s32 $0xFFFFD800  }
0x44: {  	[tilespmem:s12], [sflag:$0x11] =	stream.linear.gather [hbm4b:s11+s6], $0x2800, $0x38;
	[tilespmem:$0xB800] =	vst v63  }
0x45: {  	_ =	swait.ge [sflag:s3], $0x2800  }
0x46: {  	[sflag:s3] =	ssyncset.done $0x0  }
0x47: {  	[sflag:s3] =	ssyncadd.s32 $0xFFFFD800  }
0x48: {  	[bflag:$0x0] =	sbarrier.arrive $0xFFFF  }
0x49: {  	[tilespmem:s15], [sflag:$0x1] =	stream.indirect.gather [hbm4b:s4+s14], $0x10, s6, s14, $0xb8;
	[tilespmem:$0xB800] =	vst v63  }
0x4a: {  	_ = 	snop  }
0x4b: {  	[tilespmem:s16], [sflag:$0x2] =	stream.indirect.gather [hbm4b:s4+s14], $0x10, s14, s14, $0xb8;
	[tilespmem:$0xB800] =	vst v63  }
0x4c: {  	s6 =	simm.s32 $0x100  }
0x4d: {  	[tilespmem:s18], [sflag:$0x3] =	stream.indirect.gather [hbm4b:s4+s14], $0x10, s6, s14, $0xb8;
	[tilespmem:$0xB800] =	vst v63  }
0x4e: {  	s11 =	simm.s32 $0x180  }
0x4f: {  	[tilespmem:s20], [sflag:$0x4] =	stream.indirect.gather [hbm4b:s4+s14], $0x10, s11, s14, $0xb8;
	[tilespmem:$0xB800] =	vst v63  }
0x50: {  	s12 =	simm.s32 $0x200  }
0x51: {  	[tilespmem:s22], [sflag:$0x5] =	stream.indirect.gather [hbm4b:s4+s14], $0x10, s12, s14, $0xb8;
	[tilespmem:$0xB800] =	vst v63  }
0x52: {  	s6 =	simm.s32 $0x280  }
0x53: {  	[tilespmem:s24], [sflag:$0x6] =	stream.indirect.gather [hbm4b:s4+s14], $0x10, s6, s14, $0xb8;
	[tilespmem:$0xB800] =	vst v63  }
0x54: {  	s11 =	simm.s32 $0x300  }
0x55: {  	[tilespmem:s26], [sflag:$0x7] =	stream.indirect.gather [hbm4b:s4+s14], $0x10, s11, s14, $0xb8;
	[tilespmem:$0xB800] =	vst v63  }
0x56: {  	s12 =	simm.s32 $0x380;
	s6 =	simm.s32 $0x0  }
0x57: {  	[tilespmem:s29], [sflag:$0x8] =	stream.indirect.gather [hbm4b:s4+s14], $0x10, s12, s14, $0xb8;
	[tilespmem:$0xB800] =	vst v63  }
.LBB2_2:
0x58: {  	_ =	swait.ge [sflag:s30], $0x800  }
0x59: {  	s11 =	sshra.s32 s6, $0x2;
	[sflag:s30] =	ssyncset.done $0x0  }
0x5a: {  	s12 =	sadd.s32 $0x2800, s11;
	[sflag:s30] =	ssyncadd.s32 $0xFFFFF800  }
0x5b: {  	[spmem:s2] =	stream.indirect.scatter.add.f32 [tilespmem:s15], [sflag:$0x9], $0x10, s12, s14, $0xb8;
	[tilespmem:$0xB800] =	vst v63  }
0x5c: {  	_ =	swait.ge [sflag:s31], $0x800  }
0x5d: {  	[sflag:s31] =	ssyncset.done $0x0  }
0x5e: {  	s3 =	sadd.s32 $0x2880, s11;
	[sflag:s31] =	ssyncadd.s32 $0xFFFFF800  }
0x5f: {  	[spmem:s2] =	stream.indirect.scatter.add.f32 [tilespmem:s16], [sflag:$0xA], $0x10, s3, s14, $0xb8;
	[tilespmem:$0xB800] =	vst v63  }
0x60: {  	_ =	swait.ge [sflag:s1], $0x800  }
0x61: {  	[sflag:s1] =	ssyncset.done $0x0  }
0x62: {  	s3 =	sadd.s32 $0x2900, s11;
	[sflag:s1] =	ssyncadd.s32 $0xFFFFF800  }
0x63: {  	[spmem:s2] =	stream.indirect.scatter.add.f32 [tilespmem:s18], [sflag:$0xB], $0x10, s3, s14, $0xb8;
	[tilespmem:$0xB800] =	vst v63  }
0x64: {  	_ =	swait.ge [sflag:s0], $0x800  }
0x65: {  	[sflag:s0] =	ssyncset.done $0x0  }
0x66: {  	s3 =	sadd.s32 $0x2980, s11;
	[sflag:s0] =	ssyncadd.s32 $0xFFFFF800  }
0x67: {  	[spmem:s2] =	stream.indirect.scatter.add.f32 [tilespmem:s20], [sflag:$0xC], $0x10, s3, s14, $0xb8;
	[tilespmem:$0xB800] =	vst v63  }
0x68: {  	_ =	swait.ge [sflag:s13], $0x800  }
0x69: {  	[sflag:s13] =	ssyncset.done $0x0  }
0x6a: {  	s3 =	sadd.s32 $0x2A00, s11;
	[sflag:s13] =	ssyncadd.s32 $0xFFFFF800  }
0x6b: {  	[spmem:s2] =	stream.indirect.scatter.add.f32 [tilespmem:s22], [sflag:$0xD], $0x10, s3, s14, $0xb8;
	[tilespmem:$0xB800] =	vst v63  }
0x6c: {  	_ =	swait.ge [sflag:s17], $0x800  }
0x6d: {  	[sflag:s17] =	ssyncset.done $0x0  }
0x6e: {  	s3 =	sadd.s32 $0x2A80, s11;
	[sflag:s17] =	ssyncadd.s32 $0xFFFFF800  }
0x6f: {  	[spmem:s2] =	stream.indirect.scatter.add.f32 [tilespmem:s24], [sflag:$0xE], $0x10, s3, s14, $0xb8;
	[tilespmem:$0xB800] =	vst v63  }
0x70: {  	_ =	swait.ge [sflag:s19], $0x800  }
0x71: {  	[sflag:s19] =	ssyncset.done $0x0  }
0x72: {  	s3 =	sadd.s32 $0x2B00, s11;
	[sflag:s19] =	ssyncadd.s32 $0xFFFFF800  }
0x73: {  	[spmem:s2] =	stream.indirect.scatter.add.f32 [tilespmem:s26], [sflag:$0xF], $0x10, s3, s14, $0xb8;
	[tilespmem:$0xB800] =	vst v63  }
0x74: {  	_ =	swait.ge [sflag:s21], $0x800  }
0x75: {  	p0 =	seq.s32 s6, $0x9000;
	[sflag:s21] =	ssyncset.done $0x0  }
.Ltmp2:
0x76: {  	s3 =	sadd.s32 $0x2B80, s11;
	[sflag:s21] =	ssyncadd.s32 $0xFFFFF800;
	(pc) =	sbr.rel @p0 .LBB2_4-.Ltmp2, $4  }
0x77: {  	[spmem:s2] =	stream.indirect.scatter.add.f32 [tilespmem:s29], [sflag:$0x10], $0x10, s3, s14, $0xb8;
	[tilespmem:$0xB800] =	vst v63  }
0x78: {  	_ =	swait.ge [sflag:s23], $0x800  }
0x79: {  	[sflag:s23] =	ssyncset.done $0x0  }
0x7a: {  	[sflag:s23] =	ssyncadd.s32 $0xFFFFF800  }
0x7b: {  	s12 =	sadd.s32 $0x400, s11  }
0x7c: {  	[tilespmem:s15], [sflag:$0x1] =	stream.indirect.gather [hbm4b:s4+s14], $0x10, s12, s14, $0xb8;
	[tilespmem:$0xB800] =	vst v63  }
0x7d: {  	_ =	swait.ge [sflag:s25], $0x800  }
0x7e: {  	[sflag:s25] =	ssyncset.done $0x0  }
0x7f: {  	s3 =	sadd.s32 $0x480, s11;
	[sflag:s25] =	ssyncadd.s32 $0xFFFFF800  }
0x80: {  	[tilespmem:s16], [sflag:$0x2] =	stream.indirect.gather [hbm4b:s4+s14], $0x10, s3, s14, $0xb8;
	[tilespmem:$0xB800] =	vst v63  }
0x81: {  	_ =	swait.ge [sflag:s28], $0x800  }
0x82: {  	[sflag:s28] =	ssyncset.done $0x0  }
0x83: {  	s3 =	sadd.s32 $0x500, s11;
	[sflag:s28] =	ssyncadd.s32 $0xFFFFF800  }
0x84: {  	[tilespmem:s18], [sflag:$0x3] =	stream.indirect.gather [hbm4b:s4+s14], $0x10, s3, s14, $0xb8;
	[tilespmem:$0xB800] =	vst v63  }
0x85: {  	_ =	swait.ge [sflag:s5], $0x800  }
0x86: {  	[sflag:s5] =	ssyncset.done $0x0  }
0x87: {  	s3 =	sadd.s32 $0x580, s11;
	[sflag:s5] =	ssyncadd.s32 $0xFFFFF800  }
0x88: {  	[tilespmem:s20], [sflag:$0x4] =	stream.indirect.gather [hbm4b:s4+s14], $0x10, s3, s14, $0xb8;
	[tilespmem:$0xB800] =	vst v63  }
0x89: {  	_ =	swait.ge [sflag:s7], $0x800  }
0x8a: {  	[sflag:s7] =	ssyncset.done $0x0  }
0x8b: {  	s3 =	sadd.s32 $0x600, s11;
	[sflag:s7] =	ssyncadd.s32 $0xFFFFF800  }
0x8c: {  	[tilespmem:s22], [sflag:$0x5] =	stream.indirect.gather [hbm4b:s4+s14], $0x10, s3, s14, $0xb8;
	[tilespmem:$0xB800] =	vst v63  }
0x8d: {  	_ =	swait.ge [sflag:s8], $0x800  }
0x8e: {  	[sflag:s8] =	ssyncset.done $0x0  }
0x8f: {  	s3 =	sadd.s32 $0x680, s11;
	[sflag:s8] =	ssyncadd.s32 $0xFFFFF800  }
0x90: {  	[tilespmem:s24], [sflag:$0x6] =	stream.indirect.gather [hbm4b:s4+s14], $0x10, s3, s14, $0xb8;
	[tilespmem:$0xB800] =	vst v63  }
0x91: {  	_ =	swait.ge [sflag:s9], $0x800  }
0x92: {  	[sflag:s9] =	ssyncset.done $0x0  }
0x93: {  	s3 =	sadd.s32 $0x700, s11;
	[sflag:s9] =	ssyncadd.s32 $0xFFFFF800  }
0x94: {  	[tilespmem:s26], [sflag:$0x7] =	stream.indirect.gather [hbm4b:s4+s14], $0x10, s3, s14, $0xb8;
	[tilespmem:$0xB800] =	vst v63  }
.Ltmp3:
0x95: {  	_ = 	snop;
	(pc) =	sbr.rel .LBB2_2-.Ltmp3, $4  }
0x96: {  	_ =	swait.ge [sflag:s10], $0x800  }
0x97: {  	[sflag:s10] =	ssyncset.done $0x0  }
0x98: {  	s6 =	sadd.s32 $0x1000, s6;
	s12 =	sadd.s32 $0x780, s11;
	[sflag:s10] =	ssyncadd.s32 $0xFFFFF800  }
0x99: {  	[tilespmem:s29], [sflag:$0x8] =	stream.indirect.gather [hbm4b:s4+s14], $0x10, s12, s14, $0xb8;
	[tilespmem:$0xB800] =	vst v63  }
.LBB2_5:
0x9a: {  	_ =	sfence.sel $0x180000  }
0x9b: {  	[bflag:$0x0] =	sbarrier.arrive $0xFFFF  }
0x9c: {  	_ =	strace $0x9000004A  }
0x9d: {  	s0 =	stileid.u32;
	[bflag:$0x2] =	sbarrier.arrive $0xFFFF  }
0x9e: {  	p0 =	sne.s32 s0, $0x0;
	s0 =	rddreg [dreg:$0x2]  }
0x9f: {  	s0 =	sadd.s32 @!p0 $0x100000, s0  }
0xa0: {  	[sflag:s0] =	ssyncadd.tile.s32 @!p0 $0x1;
	_ =	shalt  }
.Lfunc_end2:
_tile_overlayer_lowered:
.L_overlay_start_2:
0xa1: {  	(tag) =	ssettag $0x2  }
0xa2: {  	s0 =	rddreg [dreg:$0x0];
	s2 =	stileid.u32  }
0xa3: {  	s1 =	rddreg [dreg:$0x1];
	p0 =	sne.s32 s2, $0x0  }
0xa4: {  	s3 =	rddreg [dreg:$0x2];
	[bflag:$0x3] =	sbarrier.arrive $0xFFFF;
	s2 =	simm.s32 @!p0 $0x1C11  }
0xa5: {  	[timem:s3], [sflag:s2] =	dma.local @!p0 [hbm:s0], s1  }
0xa6: {  	s0 =	simm.s32 @!p0 $0x11  }
0xa7: {  	_ =	swait.ge @!p0 [sflag:s0], s1  }
0xa8: {  	s1 =	ssub.s32 @!p0 $0x0, s1;
	[sflag:s0] =	ssyncset.done @!p0 $0x0  }
0xa9: {  	[sflag:s0] =	ssyncadd.s32 @!p0 s1  }
0xaa: {  	[bflag:$0x3] =	sbarrier.arrive $0xFFFF  }
0xab: {  	_ =	shalt  }

// kernel: kernel.18.cloned.1.call-start
scs
__scs_entry_jumppad:
0x0: {  	(pc) =	sbr.rel $0x88, $3  }
0x1: {  	(tag) =	ssettag $0x0;
	lr =	simm.s32 $0x1  }
0x2: {  	[smem:$0x3F99] =	sst lr;
	_ =	strace $0xD0000000  }
0x3: {  	_ = 	snop  }
0x4: {  	_ = 	snop  }
0x5: {  	_ = 	snop  }
0x6: {  	_ = 	snop  }
0x7: {  	_ = 	snop  }
__scs_overlays_trampoline_lowered:
0x8: {  	[smem:$0x3FA8] =	sst s0  }
0x9: {  	[smem:$0x3FA9] =	sst s1  }
0xa: {  	[smem:$0x3FAA] =	sst s2  }
0xb: {  	[smem:$0x3FAB] =	sst s3  }
0xc: {  	[smem:$0x3FAC] =	sst s4  }
0xd: {  	[smem:$0x3FAD] =	sst s5  }
0xe: {  	[smem:$0x3FAE] =	sst s6  }
0xf: {  	[smem:$0x3FAF] =	sst s7  }
0x10: {  	[smem:$0x3FB0] =	sst s8  }
0x11: {  	[smem:$0x3FB1] =	sst s9;
	s0 =	simm.s32 @!p0 $0x0  }
0x12: {  	s1 =	sld [smem:$0x3F97];
	s0 =	simm.s32 @p0 $0x1  }
0x13: {  	[smem:$0x3FB2] =	sst s0;
	s0 =	simm.s32 @!p1 $0x0  }
0x14: {  	s2 =	sld [smem:$0x3F96];
	s0 =	simm.s32 @p1 $0x1  }
0x15: {  	[smem:$0x3FB3] =	sst s0;
	s0 =	simm.s32 @!p2 $0x0  }
0x16: {  	s3 =	sld [smem:$0x3FDB];
	s0 =	simm.s32 @p2 $0x1  }
0x17: {  	s4 =	simm.s32 $0x1BF5;
	[smem:$0x3FB5] =	sst s0  }
0x18: {  	s0 =	sld [smem:$0x3F98];
	_ =	swait.ge [sflag:s4], $0x0  }
0x19: {  	s7 =	sld [smem:$0x3F99]  }
0x1a: {  	s8 =	sadd.s32 $0xFFFFE003, lr  }
0x1b: {  	s9 =	sadd.s32 $0xFFFFFEF7, lr;
	s5 =	simm.s32 $0xFFFFFFFF;
	p2 =	slt.u32 s8, $0xFFFFF086  }
0x1c: {  	p1 =	slt.u32 s9, $0xF7A;
	s5 =	simm.s32 @!p2 $0x0  }
0x1d: {  	s5 =	simm.s32 @p1 $0x1;
	p0 =	seq.s32 s7, s2  }
0x1e: {  	s7 =	smul.u32 @!p0 $0xF7A, s2;
	p2 =	seq.s32 @!p0 s5, $0x0  }
0x1f: {  	s9 =	smul.u32 $0xF7A, s1;
	s8 =	simm.s32 @!p0 $0x1BF5;
	p2 =	por !p2, p0  }
0x20: {  	[sflag:s8] =	ssyncset.s32 @!p0 $0xFFFFF086;
	s6 =	sadd.s32 @!p0 s3, s7;
	s7 =	simm.s32 @!p0 $0x108  }
0x21: {  	s3 =	sadd.s32 s3, s9;
	s6 =	sadd.s32 @!p0 $0x88, s6;
	s7 =	simm.s32 @p2 $0x1082  }
0x22: {  	[simem:s7], [sflag:s8] =	dma.local @!p0 [hbm:s6], $0xF7A  }
0x23: {  	s9 =	sor.u32 $0xD0000000, s2;
	s6 =	simm.s32 $0x108;
	_ =	swait.ge @!p0 [sflag:s8], $0x0  }
0x24: {  	s3 =	sadd.s32 $0x88, s3;
	s6 =	simm.s32 @!p1 $0x1082;
	[sflag:s4] =	ssyncset.s32 $0xFFFFF086  }
0x25: {  	[simem:s6], [sflag:s4] =	dma.local [hbm:s3], $0xF7A  }
0x26: {  	[smem:$0x3F99] =	sst s1;
	(tag) =	ssettag s2;
	_ =	strace s9  }
0x27: {  	s1 =	sld [smem:$0x3FA9]  }
0x28: {  	s2 =	sld [smem:$0x3FAA]  }
0x29: {  	s4 =	sld [smem:$0x3FAC]  }
0x2a: {  	p0 =	seq.s32 s5, $0x0;
	s5 =	sld [smem:$0x3FAD]  }
0x2b: {  	s6 =	sld [smem:$0x3FAE]  }
0x2c: {  	s7 =	sld [smem:$0x3FAF]  }
0x2d: {  	s3 =	simm.s32 $0x108;
	s8 =	sld [smem:$0x3FB0]  }
0x2e: {  	s3 =	simm.s32 @!p0 $0x1082;
	s9 =	sld [smem:$0x3FB1]  }
0x2f: {  	lr =	sadd.s32 s0, s3;
	s0 =	sld [smem:$0x3FA8]  }
0x30: {  	s3 =	sld [smem:$0x3FAB]  }
0x31: {  	[smem:$0x3FB4] =	sst s10  }
0x32: {  	s10 =	sld [smem:$0x3FB2];
	_ =	sdelay $0x3  }
0x33: {  	p0 =	seq.s32 s10, $0x1;
	s10 =	sld [smem:$0x3FB4];
	_ =	sdelay $0x3  }
0x34: {  	[smem:$0x3FB4] =	sst s10  }
0x35: {  	s10 =	sld [smem:$0x3FB3];
	_ =	sdelay $0x3  }
0x36: {  	p1 =	seq.s32 s10, $0x1;
	s10 =	sld [smem:$0x3FB4];
	_ =	sdelay $0x3  }
0x37: {  	[smem:$0x3FB4] =	sst s10  }
0x38: {  	s10 =	sld [smem:$0x3FB5]  }
0x39: {  	_ = 	snop;
	(pc) =	sbr.ind lr, $3  }
0x3a: {  	_ = 	snop  }
0x3b: {  	_ = 	snop  }
0x3c: {  	p2 =	seq.s32 s10, $0x1;
	s10 =	sld [smem:$0x3FB4]  }
0x3d: {  	_ =	shalt  }
0x3e: {  	_ =	shalt  }
0x3f: {  	_ =	shalt  }
0x40: {  	_ =	shalt  }
0x41: {  	_ =	shalt  }
0x42: {  	_ =	shalt  }
0x43: {  	_ =	shalt  }
0x44: {  	_ =	shalt  }
0x45: {  	_ =	shalt  }
0x46: {  	_ =	shalt  }
0x47: {  	_ =	shalt  }
0x48: {  	_ =	shalt  }
0x49: {  	_ =	shalt  }
0x4a: {  	_ =	shalt  }
0x4b: {  	_ =	shalt  }
0x4c: {  	_ =	shalt  }
0x4d: {  	_ =	shalt  }
0x4e: {  	_ =	shalt  }
0x4f: {  	_ =	shalt  }
0x50: {  	_ =	shalt  }
0x51: {  	_ =	shalt  }
0x52: {  	_ =	shalt  }
0x53: {  	_ =	shalt  }
0x54: {  	_ =	shalt  }
0x55: {  	_ =	shalt  }
0x56: {  	_ =	shalt  }
0x57: {  	_ =	shalt  }
0x58: {  	_ =	shalt  }
0x59: {  	_ =	shalt  }
0x5a: {  	_ =	shalt  }
0x5b: {  	_ =	shalt  }
0x5c: {  	_ =	shalt  }
0x5d: {  	_ =	shalt  }
0x5e: {  	_ =	shalt  }
0x5f: {  	_ =	shalt  }
0x60: {  	_ =	shalt  }
0x61: {  	_ =	shalt  }
0x62: {  	_ =	shalt  }
0x63: {  	_ =	shalt  }
0x64: {  	_ =	shalt  }
0x65: {  	_ =	shalt  }
0x66: {  	_ =	shalt  }
0x67: {  	_ =	shalt  }
0x68: {  	_ =	shalt  }
0x69: {  	_ =	shalt  }
0x6a: {  	_ =	shalt  }
0x6b: {  	_ =	shalt  }
0x6c: {  	_ =	shalt  }
0x6d: {  	_ =	shalt  }
0x6e: {  	_ =	shalt  }
0x6f: {  	_ =	shalt  }
0x70: {  	_ =	shalt  }
0x71: {  	_ =	shalt  }
0x72: {  	_ =	shalt  }
0x73: {  	_ =	shalt  }
0x74: {  	_ =	shalt  }
0x75: {  	_ =	shalt  }
0x76: {  	_ =	shalt  }
0x77: {  	_ =	shalt  }
0x78: {  	_ =	shalt  }
0x79: {  	_ =	shalt  }
0x7a: {  	_ =	shalt  }
0x7b: {  	_ =	shalt  }
0x7c: {  	_ =	shalt  }
0x7d: {  	_ =	shalt  }
0x7e: {  	_ =	shalt  }
0x7f: {  	_ =	shalt  }
0x80: {  	_ =	shalt  }
0x81: {  	_ =	shalt  }
0x82: {  	_ =	shalt  }
0x83: {  	_ =	shalt  }
0x84: {  	_ =	shalt  }
0x85: {  	_ =	shalt  }
0x86: {  	_ =	shalt  }
0x87: {  	_ =	shalt  }
.Lfunc_end0:
.L_simem_size_0:
called_computation.2_lowered:
.L_overlay_start_0:
0x88: {  	s2 =	sld [smem:$0x3FD9]  }
0x89: {  	s3 =	sld [smem:$0x3FFE];
	_ =	sdelay $0x1  }
0x8a: {  	s1 =	srdreg.scid  }
0x8b: {  	s0 =	sand.u32 $0x1, s1  }
0x8c: {  	s16 =	sshll.u32 s0, $0xA;
	s2 =	sadd.s32 s3, s2  }
0x8d: {  	s2 =	sadd.s32 s2, s16  }
0x8e: {  	[smem:$0x3FC0] =	sst s2  }
0x8f: {  	_ = 	snop  }
0x90: {  	(tm) =	ssettm $0x1  }
0x91: {  	s17 =	sld [smem:$0x3FFB];
	_ =	sdelay $0x3  }
0x92: {  	_ =	strace s17  }
0x93: {  	s2 =	sld [smem:$0x3FFC];
	_ =	sdelay $0x3  }
0x94: {  	_ =	strace s2  }
0x95: {  	s2 =	sld [smem:$0x3FFD];
	_ =	sdelay $0x3  }
0x96: {  	_ =	strace s2  }
0x97: {  	_ =	strace $0x8FFFFFFF  }
0x98: {  	s18 =	sld [smem:$0x3FDB];
	_ =	sdelay $0x1  }
0x99: {  	s19 =	simm.s32 $_scs_section_size  }
0x9a: {  	s4 =	simm.s32 $_size__tile_overlayer_lowered;
	s5 =	simm.s32 $_tile_overlayer_lowered  }
0x9b: {  	s22 =	simm.s32 $0x1BFF;
	s21 =	sshll.u32 s5, $0x1;
	s2 =	sadd.s32 s19, s18  }
0x9c: {  	s6 =	simm.s32 $0x0;
	s20 =	sshll.u32 s4, $0x1;
	s4 =	sadd.s32 s21, s2  }
0x9d: {  	[timem:s6], [sflag:s22] =	dma.local [hbm:s4], s20  }
0x9e: {  	_ =	swait.ge [sflag:s22], s20  }
0x9f: {  	s3 =	ssub.s32 $0x0, s20;
	[sflag:s22] =	ssyncset.done $0x0  }
0xa0: {  	[sflag:s22] =	ssyncadd.s32 s3;
	_ =	sdelay $0x1  }
0xa1: {  	s23 =	simm.s32 $0x1B8B  }
0xa2: {  	_ =	swait.ge [sflag:s23], $0x1  }
0xa3: {  	[sflag:s23] =	ssyncset.done $0x0  }
0xa4: {  	s25 =	simm.s32 $0x1B8E;
	s24 =	sld [smem:$0x3FFE];
	[sflag:s23] =	ssyncadd.s32 $0xFFFFFFFF  }
0xa5: {  	s26 =	simm.s32 $execute0_lowered;
	[smem:$0x3FD2] =	sst s25  }
0xa6: {  	s4 =	sshll.u32 s26, $0x1;
	_ =	strace $0x8000004C;
	[dreg:$0x1] =	wrdreg $0xFFFFFFFF  }
0xa7: {  	s28 =	simm.s32 $_size_execute0_lowered;
	s2 =	sadd.s32 s2, s4;
	[dreg:$0x0] =	wrdreg $0x0  }
0xa8: {  	s4 =	sshll.u32 s28, $0x1;
	[dreg:$0x2] =	wrdreg s2  }
0xa9: {  	[dreg:$0x3] =	wrdreg s4  }
0xaa: {  	[dreg:$0x4] =	wrdreg $0xC0  }
0xab: {  	_ =	task [dreg:s6], $0x5FFFF  }
0xac: {  	[dreg:$0x1] =	wrdreg $0xFFFFFFFF  }
0xad: {  	[dreg:$0x0] =	wrdreg $0x60  }
0xae: {  	[dreg:$0x2] =	wrdreg s24  }
0xaf: {  	[dreg:$0x3] =	wrdreg $0x90000  }
0xb0: {  	[dreg:$0x4] =	wrdreg $0x9  }
0xb1: {  	_ =	task.clear_ibuf [dreg:s6], $0x5FFFF;
	_ =	strace $0x9000004C  }
0xb2: {  	s29 =	simm.s32 $0x9;
	_ =	strace $0x8000004E  }
0xb3: {  	_ =	swait.ge [sflag:s29], $0x1  }
0xb4: {  	[sflag:s29] =	ssyncadd.s32 $0xFFFFFFFF  }
0xb5: {  	_ =	strace $0x9000004E  }
0xb6: {  	_ =	sfence  }
0xb7: {  	s30 =	sld [smem:$0x0];
	_ =	sdelay $0x2  }
0xb8: {  	s31 =	sshll.u32 s1, $0xD;
	s1 =	sshrl.u32 s1, $0x2  }
0xb9: {  	s3 =	sand.u32 $0x4000, s31;
	s1 =	sadd.s32 s1, s30  }
0xba: {  	s0 =	sor.u32 s3, s0;
	s1 =	sshll.u32 s1, $0x11  }
0xbb: {  	s0 =	sor.u32 s1, s0  }
0xbc: {  	s0 =	sadd.s32 $0x8F2B, s0  }
0xbd: {  	[sflag:s0] =	ssyncadd.remote.s32 $0x1  }
0xbe: {  	_ =	sfence.sel $0xFFFF  }
0xbf: {  	[dreg:$0x0] =	wrdreg $0xFFFFFFFF;
	(pc) =	sbr.abs _section_cstart, $3  }
0xc0: {  	[dreg:$0x1] =	wrdreg $0xFFFFFFFF  }
0xc1: {  	_ =	task.clear_ibuf [dreg:s6], $0x2FFFF;
	_ =	strace $0x9FFFFFFF  }
0xc2: {  	(tm) =	ssettm $0x7FFFFFFF  }
0xc3: {  	_ =	shalt  }
tec
execute0_lowered:
.L_overlay_start_1:
0x0: {  	(tag) =	ssettag $0x1  }
0x1: {  	s0 =	srdreg.scid  }
0x2: {  	s1 =	rddreg [dreg:$0x0];
	s9 =	stileid.u32  }
0x3: {  	s2 =	rddreg [dreg:$0x1];
	s4 =	simm.s32 $0x0;
	s14 =	simm.s32 $0x80  }
0x4: {  	s15 =	simm.s32 $0x5000;
	s16 =	simm.s32 $0x5800;
	s18 =	simm.s32 $0x6000  }
0x5: {  	s20 =	simm.s32 $0x6800;
	s22 =	simm.s32 $0x7000;
	s29 =	simm.s32 $0x8800  }
0x6: {  	s30 =	simm.s32 $0x1;
	s31 =	simm.s32 $0x2;
	s13 =	simm.s32 $0x5  }
0x7: {  	s17 =	simm.s32 $0x6;
	s19 =	simm.s32 $0x7;
	s21 =	simm.s32 $0x8  }
0x8: {  	s28 =	simm.s32 $0xB;
	s10 =	simm.s32 $0x10;
	s0 =	sand.u32 $0x1, s0  }
0x9: {  	[smem:$0x7FF] =	sst s4;
	s5 =	smul.u32 $0x2800, s9;
	s4 =	sadd.s32 $0x1E800, s1  }
0xa: {  	s23 =	sshll.u32 s9, $0x6;
	s3 =	sshll.u32 s0, $0x4;
	_ =	strace $0x8000004D  }
0xb: {  	s6 =	ssub.s32 $0x2, s0;
	s11 =	sor.u32 $0x1C11, s23;
	p0 =	seq.s32 s0, $0x0  }
0xc: {  	s0 =	simm.s32 $0x23800;
	s23 =	simm.s32 $0x9;
	s3 =	sor.u32 s9, s3  }
0xd: {  	s7 =	sshrl.u32 s5, $0x3;
	s8 =	sshrl.u32 s6, $0x1;
	s5 =	sadd.s32 s5, s2  }
0xe: {  	s0 =	simm.s32 @!p0 $0x28800;
	s9 =	simm.s32 $0xF;
	[dreg:$0x4] =	wrdreg s11  }
0xf: {  	s3 =	smul.u32 $0x500, s3;
	s6 =	ssub.s32 s6, s8;
	s12 =	sshrl.u32 s5, $0x3  }
0x10: {  	s26 =	smax.u32 s6, $0x1;
	s6 =	simm.s32 $0x0;
	[dreg:$0x9] =	wrdreg s12  }
0x11: {  	s3 =	sadd.s32 s3, s1;
	s1 =	sadd.s32 s7, s1;
	[dreg:$0x7] =	wrdreg s26  }
0x12: {  	s5 =	simm.s32 $0xC;
	[dreg:$0xa] =	wrdreg s6;
	s24 =	sadd.s32 $0x19800, s1  }
.Ltmp0:
0x13: {  	s25 =	sadd.s32 $0xF800, s3;
	[dreg:$0x3] =	wrdreg s24;
	(pc) =	sbr.rel .LBB2_1-.Ltmp0, $4  }
0x14: {  	s8 =	simm.s32 $0xE;
	s3 =	sadd.s32 $0x5800, s3;
	[dreg:$0x5] =	wrdreg s25  }
0x15: {  	s26 =	simm.s32 $0x8000;
	s0 =	sadd.s32 s0, s1;
	[dreg:$0x6] =	wrdreg s3  }
0x16: {  	s7 =	simm.s32 $0xD;
	s1 =	simm.s32 $0x3;
	[dreg:$0x8] =	wrdreg s0  }
0x17: {  	s24 =	simm.s32 $0x7800;
	s0 =	simm.s32 $0x4;
	s25 =	simm.s32 $0xA  }
.LBB2_4:
0x18: {  	_ =	swait.ge [sflag:s25], $0x800  }
0x19: {  	[sflag:s25] =	ssyncset.done $0x0  }
0x1a: {  	[sflag:s25] =	ssyncadd.s32 $0xFFFFF800  }
0x1b: {  	_ =	swait.ge [sflag:s28], $0x800  }
0x1c: {  	[sflag:s28] =	ssyncset.done $0x0  }
0x1d: {  	[sflag:s28] =	ssyncadd.s32 $0xFFFFF800  }
0x1e: {  	_ =	swait.ge [sflag:s5], $0x800  }
0x1f: {  	[sflag:s5] =	ssyncset.done $0x0  }
0x20: {  	[sflag:s5] =	ssyncadd.s32 $0xFFFFF800  }
0x21: {  	_ =	swait.ge [sflag:s7], $0x800  }
0x22: {  	[sflag:s7] =	ssyncset.done $0x0  }
0x23: {  	[sflag:s7] =	ssyncadd.s32 $0xFFFFF800  }
0x24: {  	_ =	swait.ge [sflag:s8], $0x800  }
0x25: {  	[sflag:s8] =	ssyncset.done $0x0  }
0x26: {  	[sflag:s8] =	ssyncadd.s32 $0xFFFFF800  }
0x27: {  	_ =	swait.ge [sflag:s9], $0x800  }
0x28: {  	[sflag:s9] =	ssyncset.done $0x0  }
0x29: {  	[sflag:s9] =	ssyncadd.s32 $0xFFFFF800  }
0x2a: {  	_ =	swait.ge [sflag:s10], $0x800  }
0x2b: {  	[sflag:s10] =	ssyncset.done $0x0  }
0x2c: {  	[sflag:s10] =	ssyncadd.s32 $0xFFFFF800  }
0x2d: {  	[bflag:$0x0] =	sbarrier.arrive $0xFFFF  }
0x2e: {  	s11 =	rddreg [dreg:$0x4]  }
0x2f: {  	s6 =	rddreg [dreg:$0x8]  }
0x30: {  	s12 =	rddreg [dreg:$0x9]  }
0x31: {  	[hbm:s6], [sflag:s11] =	dma.local [spmem:s12], $0x500  }
0x32: {  	s6 =	simm.s32 $0x11  }
0x33: {  	_ =	swait.ge [sflag:s6], $0x500  }
0x34: {  	s3 =	rddreg [dreg:$0xa]  }
0x35: {  	[sflag:s6] =	ssyncset.done $0x0;
	s6 =	rddreg [dreg:$0x7];
	s3 =	sadd.s32 $0x1, s3  }
0x36: {  	p0 =	sne.s32 s3, s6  }
.Ltmp1:
0x37: {  	_ = 	snop;
	(pc) =	sbr.rel @!p0 .LBB2_5-.Ltmp1, $3  }
0x38: {  	_ =	sdelay $0x1  }
0x39: {  	s6 =	simm.s32 $0x11  }
0x3a: {  	[dreg:$0xa] =	wrdreg s3;
	[sflag:s6] =	ssyncadd.s32 $0xFFFFFB00  }
.LBB2_1:
0x3b: {  	s3 =	simm.s32 $0x11;
	s6 =	rddreg [dreg:$0x3]  }
0x3c: {  	[spmem:s12], [sflag:s11] =	dma.local [hbm:s6], $0x500  }
0x3d: {  	_ =	swait.ge [sflag:s3], $0x500  }
0x3e: {  	[sflag:s3] =	ssyncset.done $0x0  }
0x3f: {  	s6 =	simm.s32 $0x0;
	s12 =	rddreg [dreg:$0x5];
	[sflag:s3] =	ssyncadd.s32 $0xFFFFFB00  }
0x40: {  	[tilespmem:s6], [sflag:$0x11] =	stream.linear.gather [hbm4b:s12+s6], $0x2800, $0x38;
	[tilespmem:$0xB800] =	vst v63  }
0x41: {  	_ =	swait.ge [sflag:s3], $0x2800  }
0x42: {  	[sflag:s3] =	ssyncset.done $0x0  }
0x43: {  	s12 =	simm.s32 $0x2800;
	s11 =	rddreg [dreg:$0x6];
	[sflag:s3] =	ssyncadd.s32 $0xFFFFD800  }
0x44: {  	[tilespmem:s12], [sflag:$0x11] =	stream.linear.gather [hbm4b:s11+s6], $0x2800, $0x38;
	[tilespmem:$0xB800] =	vst v63  }
0x45: {  	_ =	swait.ge [sflag:s3], $0x2800  }
0x46: {  	[sflag:s3] =	ssyncset.done $0x0  }
0x47: {  	[sflag:s3] =	ssyncadd.s32 $0xFFFFD800  }
0x48: {  	[bflag:$0x0] =	sbarrier.arrive $0xFFFF  }
0x49: {  	[tilespmem:s15], [sflag:$0x1] =	stream.indirect.gather [hbm4b:s4+s14], $0x10, s6, s14, $0xb8;
	[tilespmem:$0xB800] =	vst v63  }
0x4a: {  	_ = 	snop  }
0x4b: {  	[tilespmem:s16], [sflag:$0x2] =	stream.indirect.gather [hbm4b:s4+s14], $0x10, s14, s14, $0xb8;
	[tilespmem:$0xB800] =	vst v63  }
0x4c: {  	s6 =	simm.s32 $0x100  }
0x4d: {  	[tilespmem:s18], [sflag:$0x3] =	stream.indirect.gather [hbm4b:s4+s14], $0x10, s6, s14, $0xb8;
	[tilespmem:$0xB800] =	vst v63  }
0x4e: {  	s11 =	simm.s32 $0x180  }
0x4f: {  	[tilespmem:s20], [sflag:$0x4] =	stream.indirect.gather [hbm4b:s4+s14], $0x10, s11, s14, $0xb8;
	[tilespmem:$0xB800] =	vst v63  }
0x50: {  	s12 =	simm.s32 $0x200  }
0x51: {  	[tilespmem:s22], [sflag:$0x5] =	stream.indirect.gather [hbm4b:s4+s14], $0x10, s12, s14, $0xb8;
	[tilespmem:$0xB800] =	vst v63  }
0x52: {  	s6 =	simm.s32 $0x280  }
0x53: {  	[tilespmem:s24], [sflag:$0x6] =	stream.indirect.gather [hbm4b:s4+s14], $0x10, s6, s14, $0xb8;
	[tilespmem:$0xB800] =	vst v63  }
0x54: {  	s11 =	simm.s32 $0x300  }
0x55: {  	[tilespmem:s26], [sflag:$0x7] =	stream.indirect.gather [hbm4b:s4+s14], $0x10, s11, s14, $0xb8;
	[tilespmem:$0xB800] =	vst v63  }
0x56: {  	s12 =	simm.s32 $0x380;
	s6 =	simm.s32 $0x0  }
0x57: {  	[tilespmem:s29], [sflag:$0x8] =	stream.indirect.gather [hbm4b:s4+s14], $0x10, s12, s14, $0xb8;
	[tilespmem:$0xB800] =	vst v63  }
.LBB2_2:
0x58: {  	_ =	swait.ge [sflag:s30], $0x800  }
0x59: {  	s11 =	sshra.s32 s6, $0x2;
	[sflag:s30] =	ssyncset.done $0x0  }
0x5a: {  	s12 =	sadd.s32 $0x2800, s11;
	[sflag:s30] =	ssyncadd.s32 $0xFFFFF800  }
0x5b: {  	[spmem:s2] =	stream.indirect.scatter.add.f32 [tilespmem:s15], [sflag:$0x9], $0x10, s12, s14, $0xb8;
	[tilespmem:$0xB800] =	vst v63  }
0x5c: {  	_ =	swait.ge [sflag:s31], $0x800  }
0x5d: {  	[sflag:s31] =	ssyncset.done $0x0  }
0x5e: {  	s3 =	sadd.s32 $0x2880, s11;
	[sflag:s31] =	ssyncadd.s32 $0xFFFFF800  }
0x5f: {  	[spmem:s2] =	stream.indirect.scatter.add.f32 [tilespmem:s16], [sflag:$0xA], $0x10, s3, s14, $0xb8;
	[tilespmem:$0xB800] =	vst v63  }
0x60: {  	_ =	swait.ge [sflag:s1], $0x800  }
0x61: {  	[sflag:s1] =	ssyncset.done $0x0  }
0x62: {  	s3 =	sadd.s32 $0x2900, s11;
	[sflag:s1] =	ssyncadd.s32 $0xFFFFF800  }
0x63: {  	[spmem:s2] =	stream.indirect.scatter.add.f32 [tilespmem:s18], [sflag:$0xB], $0x10, s3, s14, $0xb8;
	[tilespmem:$0xB800] =	vst v63  }
0x64: {  	_ =	swait.ge [sflag:s0], $0x800  }
0x65: {  	[sflag:s0] =	ssyncset.done $0x0  }
0x66: {  	s3 =	sadd.s32 $0x2980, s11;
	[sflag:s0] =	ssyncadd.s32 $0xFFFFF800  }
0x67: {  	[spmem:s2] =	stream.indirect.scatter.add.f32 [tilespmem:s20], [sflag:$0xC], $0x10, s3, s14, $0xb8;
	[tilespmem:$0xB800] =	vst v63  }
0x68: {  	_ =	swait.ge [sflag:s13], $0x800  }
0x69: {  	[sflag:s13] =	ssyncset.done $0x0  }
0x6a: {  	s3 =	sadd.s32 $0x2A00, s11;
	[sflag:s13] =	ssyncadd.s32 $0xFFFFF800  }
0x6b: {  	[spmem:s2] =	stream.indirect.scatter.add.f32 [tilespmem:s22], [sflag:$0xD], $0x10, s3, s14, $0xb8;
	[tilespmem:$0xB800] =	vst v63  }
0x6c: {  	_ =	swait.ge [sflag:s17], $0x800  }
0x6d: {  	[sflag:s17] =	ssyncset.done $0x0  }
0x6e: {  	s3 =	sadd.s32 $0x2A80, s11;
	[sflag:s17] =	ssyncadd.s32 $0xFFFFF800  }
0x6f: {  	[spmem:s2] =	stream.indirect.scatter.add.f32 [tilespmem:s24], [sflag:$0xE], $0x10, s3, s14, $0xb8;
	[tilespmem:$0xB800] =	vst v63  }
0x70: {  	_ =	swait.ge [sflag:s19], $0x800  }
0x71: {  	[sflag:s19] =	ssyncset.done $0x0  }
0x72: {  	s3 =	sadd.s32 $0x2B00, s11;
	[sflag:s19] =	ssyncadd.s32 $0xFFFFF800  }
0x73: {  	[spmem:s2] =	stream.indirect.scatter.add.f32 [tilespmem:s26], [sflag:$0xF], $0x10, s3, s14, $0xb8;
	[tilespmem:$0xB800] =	vst v63  }
0x74: {  	_ =	swait.ge [sflag:s21], $0x800  }
0x75: {  	p0 =	seq.s32 s6, $0x9000;
	[sflag:s21] =	ssyncset.done $0x0  }
.Ltmp2:
0x76: {  	s3 =	sadd.s32 $0x2B80, s11;
	[sflag:s21] =	ssyncadd.s32 $0xFFFFF800;
	(pc) =	sbr.rel @p0 .LBB2_4-.Ltmp2, $4  }
0x77: {  	[spmem:s2] =	stream.indirect.scatter.add.f32 [tilespmem:s29], [sflag:$0x10], $0x10, s3, s14, $0xb8;
	[tilespmem:$0xB800] =	vst v63  }
0x78: {  	_ =	swait.ge [sflag:s23], $0x800  }
0x79: {  	[sflag:s23] =	ssyncset.done $0x0  }
0x7a: {  	[sflag:s23] =	ssyncadd.s32 $0xFFFFF800  }
0x7b: {  	s12 =	sadd.s32 $0x400, s11  }
0x7c: {  	[tilespmem:s15], [sflag:$0x1] =	stream.indirect.gather [hbm4b:s4+s14], $0x10, s12, s14, $0xb8;
	[tilespmem:$0xB800] =	vst v63  }
0x7d: {  	_ =	swait.ge [sflag:s25], $0x800  }
0x7e: {  	[sflag:s25] =	ssyncset.done $0x0  }
0x7f: {  	s3 =	sadd.s32 $0x480, s11;
	[sflag:s25] =	ssyncadd.s32 $0xFFFFF800  }
0x80: {  	[tilespmem:s16], [sflag:$0x2] =	stream.indirect.gather [hbm4b:s4+s14], $0x10, s3, s14, $0xb8;
	[tilespmem:$0xB800] =	vst v63  }
0x81: {  	_ =	swait.ge [sflag:s28], $0x800  }
0x82: {  	[sflag:s28] =	ssyncset.done $0x0  }
0x83: {  	s3 =	sadd.s32 $0x500, s11;
	[sflag:s28] =	ssyncadd.s32 $0xFFFFF800  }
0x84: {  	[tilespmem:s18], [sflag:$0x3] =	stream.indirect.gather [hbm4b:s4+s14], $0x10, s3, s14, $0xb8;
	[tilespmem:$0xB800] =	vst v63  }
0x85: {  	_ =	swait.ge [sflag:s5], $0x800  }
0x86: {  	[sflag:s5] =	ssyncset.done $0x0  }
0x87: {  	s3 =	sadd.s32 $0x580, s11;
	[sflag:s5] =	ssyncadd.s32 $0xFFFFF800  }
0x88: {  	[tilespmem:s20], [sflag:$0x4] =	stream.indirect.gather [hbm4b:s4+s14], $0x10, s3, s14, $0xb8;
	[tilespmem:$0xB800] =	vst v63  }
0x89: {  	_ =	swait.ge [sflag:s7], $0x800  }
0x8a: {  	[sflag:s7] =	ssyncset.done $0x0  }
0x8b: {  	s3 =	sadd.s32 $0x600, s11;
	[sflag:s7] =	ssyncadd.s32 $0xFFFFF800  }
0x8c: {  	[tilespmem:s22], [sflag:$0x5] =	stream.indirect.gather [hbm4b:s4+s14], $0x10, s3, s14, $0xb8;
	[tilespmem:$0xB800] =	vst v63  }
0x8d: {  	_ =	swait.ge [sflag:s8], $0x800  }
0x8e: {  	[sflag:s8] =	ssyncset.done $0x0  }
0x8f: {  	s3 =	sadd.s32 $0x680, s11;
	[sflag:s8] =	ssyncadd.s32 $0xFFFFF800  }
0x90: {  	[tilespmem:s24], [sflag:$0x6] =	stream.indirect.gather [hbm4b:s4+s14], $0x10, s3, s14, $0xb8;
	[tilespmem:$0xB800] =	vst v63  }
0x91: {  	_ =	swait.ge [sflag:s9], $0x800  }
0x92: {  	[sflag:s9] =	ssyncset.done $0x0  }
0x93: {  	s3 =	sadd.s32 $0x700, s11;
	[sflag:s9] =	ssyncadd.s32 $0xFFFFF800  }
0x94: {  	[tilespmem:s26], [sflag:$0x7] =	stream.indirect.gather [hbm4b:s4+s14], $0x10, s3, s14, $0xb8;
	[tilespmem:$0xB800] =	vst v63  }
.Ltmp3:
0x95: {  	_ = 	snop;
	(pc) =	sbr.rel .LBB2_2-.Ltmp3, $4  }
0x96: {  	_ =	swait.ge [sflag:s10], $0x800  }
0x97: {  	[sflag:s10] =	ssyncset.done $0x0  }
0x98: {  	s6 =	sadd.s32 $0x1000, s6;
	s12 =	sadd.s32 $0x780, s11;
	[sflag:s10] =	ssyncadd.s32 $0xFFFFF800  }
0x99: {  	[tilespmem:s29], [sflag:$0x8] =	stream.indirect.gather [hbm4b:s4+s14], $0x10, s12, s14, $0xb8;
	[tilespmem:$0xB800] =	vst v63  }
.LBB2_5:
0x9a: {  	_ =	sfence.sel $0x180000  }
0x9b: {  	[bflag:$0x0] =	sbarrier.arrive $0xFFFF  }
0x9c: {  	_ =	strace $0x9000004D  }
0x9d: {  	s0 =	stileid.u32;
	[bflag:$0x2] =	sbarrier.arrive $0xFFFF  }
0x9e: {  	p0 =	sne.s32 s0, $0x0;
	s0 =	rddreg [dreg:$0x2]  }
0x9f: {  	s0 =	sadd.s32 @!p0 $0x100000, s0  }
0xa0: {  	[sflag:s0] =	ssyncadd.tile.s32 @!p0 $0x1;
	_ =	shalt  }
.Lfunc_end2:
_tile_overlayer_lowered:
.L_overlay_start_2:
0xa1: {  	(tag) =	ssettag $0x2  }
0xa2: {  	s0 =	rddreg [dreg:$0x0];
	s2 =	stileid.u32  }
0xa3: {  	s1 =	rddreg [dreg:$0x1];
	p0 =	sne.s32 s2, $0x0  }
0xa4: {  	s3 =	rddreg [dreg:$0x2];
	[bflag:$0x3] =	sbarrier.arrive $0xFFFF;
	s2 =	simm.s32 @!p0 $0x1C11  }
0xa5: {  	[timem:s3], [sflag:s2] =	dma.local @!p0 [hbm:s0], s1  }
0xa6: {  	s0 =	simm.s32 @!p0 $0x11  }
0xa7: {  	_ =	swait.ge @!p0 [sflag:s0], s1  }
0xa8: {  	s1 =	ssub.s32 @!p0 $0x0, s1;
	[sflag:s0] =	ssyncset.done @!p0 $0x0  }
0xa9: {  	[sflag:s0] =	ssyncadd.s32 @!p0 s1  }
0xaa: {  	[bflag:$0x3] =	sbarrier.arrive $0xFFFF  }
0xab: {  	_ =	shalt  }

// kernel: kernel.21.cloned.1.call-start
scs
__scs_entry_jumppad:
0x0: {  	(pc) =	sbr.rel $0x88, $3  }
0x1: {  	(tag) =	ssettag $0x0;
	lr =	simm.s32 $0x1  }
0x2: {  	[smem:$0x3F99] =	sst lr;
	_ =	strace $0xD0000000  }
0x3: {  	_ = 	snop  }
0x4: {  	_ = 	snop  }
0x5: {  	_ = 	snop  }
0x6: {  	_ = 	snop  }
0x7: {  	_ = 	snop  }
__scs_overlays_trampoline_lowered:
0x8: {  	[smem:$0x3FA8] =	sst s0  }
0x9: {  	[smem:$0x3FA9] =	sst s1  }
0xa: {  	[smem:$0x3FAA] =	sst s2  }
0xb: {  	[smem:$0x3FAB] =	sst s3  }
0xc: {  	[smem:$0x3FAC] =	sst s4  }
0xd: {  	[smem:$0x3FAD] =	sst s5  }
0xe: {  	[smem:$0x3FAE] =	sst s6  }
0xf: {  	[smem:$0x3FAF] =	sst s7  }
0x10: {  	[smem:$0x3FB0] =	sst s8  }
0x11: {  	[smem:$0x3FB1] =	sst s9;
	s0 =	simm.s32 @!p0 $0x0  }
0x12: {  	s1 =	sld [smem:$0x3F97];
	s0 =	simm.s32 @p0 $0x1  }
0x13: {  	[smem:$0x3FB2] =	sst s0;
	s0 =	simm.s32 @!p1 $0x0  }
0x14: {  	s2 =	sld [smem:$0x3F96];
	s0 =	simm.s32 @p1 $0x1  }
0x15: {  	[smem:$0x3FB3] =	sst s0;
	s0 =	simm.s32 @!p2 $0x0  }
0x16: {  	s3 =	sld [smem:$0x3FDB];
	s0 =	simm.s32 @p2 $0x1  }
0x17: {  	s4 =	simm.s32 $0x1BF5;
	[smem:$0x3FB5] =	sst s0  }
0x18: {  	s0 =	sld [smem:$0x3F98];
	_ =	swait.ge [sflag:s4], $0x0  }
0x19: {  	s7 =	sld [smem:$0x3F99]  }
0x1a: {  	s8 =	sadd.s32 $0xFFFFE003, lr  }
0x1b: {  	s9 =	sadd.s32 $0xFFFFFEF7, lr;
	s5 =	simm.s32 $0xFFFFFFFF;
	p2 =	slt.u32 s8, $0xFFFFF086  }
0x1c: {  	p1 =	slt.u32 s9, $0xF7A;
	s5 =	simm.s32 @!p2 $0x0  }
0x1d: {  	s5 =	simm.s32 @p1 $0x1;
	p0 =	seq.s32 s7, s2  }
0x1e: {  	s7 =	smul.u32 @!p0 $0xF7A, s2;
	p2 =	seq.s32 @!p0 s5, $0x0  }
0x1f: {  	s9 =	smul.u32 $0xF7A, s1;
	s8 =	simm.s32 @!p0 $0x1BF5;
	p2 =	por !p2, p0  }
0x20: {  	[sflag:s8] =	ssyncset.s32 @!p0 $0xFFFFF086;
	s6 =	sadd.s32 @!p0 s3, s7;
	s7 =	simm.s32 @!p0 $0x108  }
0x21: {  	s3 =	sadd.s32 s3, s9;
	s6 =	sadd.s32 @!p0 $0x88, s6;
	s7 =	simm.s32 @p2 $0x1082  }
0x22: {  	[simem:s7], [sflag:s8] =	dma.local @!p0 [hbm:s6], $0xF7A  }
0x23: {  	s9 =	sor.u32 $0xD0000000, s2;
	s6 =	simm.s32 $0x108;
	_ =	swait.ge @!p0 [sflag:s8], $0x0  }
0x24: {  	s3 =	sadd.s32 $0x88, s3;
	s6 =	simm.s32 @!p1 $0x1082;
	[sflag:s4] =	ssyncset.s32 $0xFFFFF086  }
0x25: {  	[simem:s6], [sflag:s4] =	dma.local [hbm:s3], $0xF7A  }
0x26: {  	[smem:$0x3F99] =	sst s1;
	(tag) =	ssettag s2;
	_ =	strace s9  }
0x27: {  	s1 =	sld [smem:$0x3FA9]  }
0x28: {  	s2 =	sld [smem:$0x3FAA]  }
0x29: {  	s4 =	sld [smem:$0x3FAC]  }
0x2a: {  	p0 =	seq.s32 s5, $0x0;
	s5 =	sld [smem:$0x3FAD]  }
0x2b: {  	s6 =	sld [smem:$0x3FAE]  }
0x2c: {  	s7 =	sld [smem:$0x3FAF]  }
0x2d: {  	s3 =	simm.s32 $0x108;
	s8 =	sld [smem:$0x3FB0]  }
0x2e: {  	s3 =	simm.s32 @!p0 $0x1082;
	s9 =	sld [smem:$0x3FB1]  }
0x2f: {  	lr =	sadd.s32 s0, s3;
	s0 =	sld [smem:$0x3FA8]  }
0x30: {  	s3 =	sld [smem:$0x3FAB]  }
0x31: {  	[smem:$0x3FB4] =	sst s10  }
0x32: {  	s10 =	sld [smem:$0x3FB2];
	_ =	sdelay $0x3  }
0x33: {  	p0 =	seq.s32 s10, $0x1;
	s10 =	sld [smem:$0x3FB4];
	_ =	sdelay $0x3  }
0x34: {  	[smem:$0x3FB4] =	sst s10  }
0x35: {  	s10 =	sld [smem:$0x3FB3];
	_ =	sdelay $0x3  }
0x36: {  	p1 =	seq.s32 s10, $0x1;
	s10 =	sld [smem:$0x3FB4];
	_ =	sdelay $0x3  }
0x37: {  	[smem:$0x3FB4] =	sst s10  }
0x38: {  	s10 =	sld [smem:$0x3FB5]  }
0x39: {  	_ = 	snop;
	(pc) =	sbr.ind lr, $3  }
0x3a: {  	_ = 	snop  }
0x3b: {  	_ = 	snop  }
0x3c: {  	p2 =	seq.s32 s10, $0x1;
	s10 =	sld [smem:$0x3FB4]  }
0x3d: {  	_ =	shalt  }
0x3e: {  	_ =	shalt  }
0x3f: {  	_ =	shalt  }
0x40: {  	_ =	shalt  }
0x41: {  	_ =	shalt  }
0x42: {  	_ =	shalt  }
0x43: {  	_ =	shalt  }
0x44: {  	_ =	shalt  }
0x45: {  	_ =	shalt  }
0x46: {  	_ =	shalt  }
0x47: {  	_ =	shalt  }
0x48: {  	_ =	shalt  }
0x49: {  	_ =	shalt  }
0x4a: {  	_ =	shalt  }
0x4b: {  	_ =	shalt  }
0x4c: {  	_ =	shalt  }
0x4d: {  	_ =	shalt  }
0x4e: {  	_ =	shalt  }
0x4f: {  	_ =	shalt  }
0x50: {  	_ =	shalt  }
0x51: {  	_ =	shalt  }
0x52: {  	_ =	shalt  }
0x53: {  	_ =	shalt  }
0x54: {  	_ =	shalt  }
0x55: {  	_ =	shalt  }
0x56: {  	_ =	shalt  }
0x57: {  	_ =	shalt  }
0x58: {  	_ =	shalt  }
0x59: {  	_ =	shalt  }
0x5a: {  	_ =	shalt  }
0x5b: {  	_ =	shalt  }
0x5c: {  	_ =	shalt  }
0x5d: {  	_ =	shalt  }
0x5e: {  	_ =	shalt  }
0x5f: {  	_ =	shalt  }
0x60: {  	_ =	shalt  }
0x61: {  	_ =	shalt  }
0x62: {  	_ =	shalt  }
0x63: {  	_ =	shalt  }
0x64: {  	_ =	shalt  }
0x65: {  	_ =	shalt  }
0x66: {  	_ =	shalt  }
0x67: {  	_ =	shalt  }
0x68: {  	_ =	shalt  }
0x69: {  	_ =	shalt  }
0x6a: {  	_ =	shalt  }
0x6b: {  	_ =	shalt  }
0x6c: {  	_ =	shalt  }
0x6d: {  	_ =	shalt  }
0x6e: {  	_ =	shalt  }
0x6f: {  	_ =	shalt  }
0x70: {  	_ =	shalt  }
0x71: {  	_ =	shalt  }
0x72: {  	_ =	shalt  }
0x73: {  	_ =	shalt  }
0x74: {  	_ =	shalt  }
0x75: {  	_ =	shalt  }
0x76: {  	_ =	shalt  }
0x77: {  	_ =	shalt  }
0x78: {  	_ =	shalt  }
0x79: {  	_ =	shalt  }
0x7a: {  	_ =	shalt  }
0x7b: {  	_ =	shalt  }
0x7c: {  	_ =	shalt  }
0x7d: {  	_ =	shalt  }
0x7e: {  	_ =	shalt  }
0x7f: {  	_ =	shalt  }
0x80: {  	_ =	shalt  }
0x81: {  	_ =	shalt  }
0x82: {  	_ =	shalt  }
0x83: {  	_ =	shalt  }
0x84: {  	_ =	shalt  }
0x85: {  	_ =	shalt  }
0x86: {  	_ =	shalt  }
0x87: {  	_ =	shalt  }
.Lfunc_end0:
.L_simem_size_0:
called_computation.3_lowered:
.L_overlay_start_0:
0x88: {  	s2 =	sld [smem:$0x3FD9]  }
0x89: {  	s3 =	sld [smem:$0x3FFE];
	_ =	sdelay $0x1  }
0x8a: {  	s1 =	srdreg.scid  }
0x8b: {  	s0 =	sand.u32 $0x1, s1  }
0x8c: {  	s16 =	sshll.u32 s0, $0xA;
	s2 =	sadd.s32 s3, s2  }
0x8d: {  	s2 =	sadd.s32 s2, s16  }
0x8e: {  	[smem:$0x3FC0] =	sst s2  }
0x8f: {  	_ = 	snop  }
0x90: {  	(tm) =	ssettm $0x1  }
0x91: {  	s17 =	sld [smem:$0x3FFB];
	_ =	sdelay $0x3  }
0x92: {  	_ =	strace s17  }
0x93: {  	s2 =	sld [smem:$0x3FFC];
	_ =	sdelay $0x3  }
0x94: {  	_ =	strace s2  }
0x95: {  	s2 =	sld [smem:$0x3FFD];
	_ =	sdelay $0x3  }
0x96: {  	_ =	strace s2  }
0x97: {  	_ =	strace $0x8FFFFFFF  }
0x98: {  	s18 =	sld [smem:$0x3FDB];
	_ =	sdelay $0x1  }
0x99: {  	s19 =	simm.s32 $_scs_section_size  }
0x9a: {  	s4 =	simm.s32 $_size__tile_overlayer_lowered;
	s5 =	simm.s32 $_tile_overlayer_lowered  }
0x9b: {  	s22 =	simm.s32 $0x1BFF;
	s21 =	sshll.u32 s5, $0x1;
	s2 =	sadd.s32 s19, s18  }
0x9c: {  	s6 =	simm.s32 $0x0;
	s20 =	sshll.u32 s4, $0x1;
	s4 =	sadd.s32 s21, s2  }
0x9d: {  	[timem:s6], [sflag:s22] =	dma.local [hbm:s4], s20  }
0x9e: {  	_ =	swait.ge [sflag:s22], s20  }
0x9f: {  	s3 =	ssub.s32 $0x0, s20;
	[sflag:s22] =	ssyncset.done $0x0  }
0xa0: {  	[sflag:s22] =	ssyncadd.s32 s3;
	_ =	sdelay $0x1  }
0xa1: {  	s23 =	simm.s32 $0x1B8B  }
0xa2: {  	_ =	swait.ge [sflag:s23], $0x1  }
0xa3: {  	[sflag:s23] =	ssyncset.done $0x0  }
0xa4: {  	s25 =	simm.s32 $0x1B8E;
	s24 =	sld [smem:$0x3FFE];
	[sflag:s23] =	ssyncadd.s32 $0xFFFFFFFF  }
0xa5: {  	s26 =	simm.s32 $execute0_lowered;
	[smem:$0x3FD2] =	sst s25  }
0xa6: {  	s4 =	sshll.u32 s26, $0x1;
	_ =	strace $0x8000004F;
	[dreg:$0x1] =	wrdreg $0xFFFFFFFF  }
0xa7: {  	s28 =	simm.s32 $_size_execute0_lowered;
	s2 =	sadd.s32 s2, s4;
	[dreg:$0x0] =	wrdreg $0x0  }
0xa8: {  	s4 =	sshll.u32 s28, $0x1;
	[dreg:$0x2] =	wrdreg s2  }
0xa9: {  	[dreg:$0x3] =	wrdreg s4  }
0xaa: {  	[dreg:$0x4] =	wrdreg $0xC0  }
0xab: {  	_ =	task [dreg:s6], $0x5FFFF  }
0xac: {  	[dreg:$0x1] =	wrdreg $0xFFFFFFFF  }
0xad: {  	[dreg:$0x0] =	wrdreg $0x60  }
0xae: {  	[dreg:$0x2] =	wrdreg s24  }
0xaf: {  	[dreg:$0x3] =	wrdreg $0x90000  }
0xb0: {  	[dreg:$0x4] =	wrdreg $0x9  }
0xb1: {  	_ =	task.clear_ibuf [dreg:s6], $0x5FFFF;
	_ =	strace $0x9000004F  }
0xb2: {  	s29 =	simm.s32 $0x9;
	_ =	strace $0x80000051  }
0xb3: {  	_ =	swait.ge [sflag:s29], $0x1  }
0xb4: {  	[sflag:s29] =	ssyncadd.s32 $0xFFFFFFFF  }
0xb5: {  	_ =	strace $0x90000051  }
0xb6: {  	_ =	sfence  }
0xb7: {  	s30 =	sld [smem:$0x0];
	_ =	sdelay $0x2  }
0xb8: {  	s31 =	sshll.u32 s1, $0xD;
	s1 =	sshrl.u32 s1, $0x2  }
0xb9: {  	s3 =	sand.u32 $0x4000, s31;
	s1 =	sadd.s32 s1, s30  }
0xba: {  	s0 =	sor.u32 s3, s0;
	s1 =	sshll.u32 s1, $0x11  }
0xbb: {  	s0 =	sor.u32 s1, s0  }
0xbc: {  	s0 =	sadd.s32 $0x8F2B, s0  }
0xbd: {  	[sflag:s0] =	ssyncadd.remote.s32 $0x1  }
0xbe: {  	_ =	sfence.sel $0xFFFF  }
0xbf: {  	[dreg:$0x0] =	wrdreg $0xFFFFFFFF;
	(pc) =	sbr.abs _section_cstart, $3  }
0xc0: {  	[dreg:$0x1] =	wrdreg $0xFFFFFFFF  }
0xc1: {  	_ =	task.clear_ibuf [dreg:s6], $0x2FFFF;
	_ =	strace $0x9FFFFFFF  }
0xc2: {  	(tm) =	ssettm $0x7FFFFFFF  }
0xc3: {  	_ =	shalt  }
tec
execute0_lowered:
.L_overlay_start_1:
0x0: {  	(tag) =	ssettag $0x1  }
0x1: {  	s0 =	srdreg.scid  }
0x2: {  	s1 =	rddreg [dreg:$0x0];
	s9 =	stileid.u32  }
0x3: {  	s2 =	rddreg [dreg:$0x1];
	s4 =	simm.s32 $0x0;
	s14 =	simm.s32 $0x80  }
0x4: {  	s15 =	simm.s32 $0x5000;
	s16 =	simm.s32 $0x5800;
	s18 =	simm.s32 $0x6000  }
0x5: {  	s20 =	simm.s32 $0x6800;
	s22 =	simm.s32 $0x7000;
	s29 =	simm.s32 $0x8800  }
0x6: {  	s30 =	simm.s32 $0x1;
	s31 =	simm.s32 $0x2;
	s13 =	simm.s32 $0x5  }
0x7: {  	s17 =	simm.s32 $0x6;
	s19 =	simm.s32 $0x7;
	s21 =	simm.s32 $0x8  }
0x8: {  	s28 =	simm.s32 $0xB;
	s10 =	simm.s32 $0x10;
	s0 =	sand.u32 $0x1, s0  }
0x9: {  	[smem:$0x7FF] =	sst s4;
	s5 =	smul.u32 $0x2800, s9;
	s4 =	sadd.s32 $0x1E800, s1  }
0xa: {  	s23 =	sshll.u32 s9, $0x6;
	s3 =	sshll.u32 s0, $0x4;
	_ =	strace $0x80000050  }
0xb: {  	s6 =	ssub.s32 $0x2, s0;
	s11 =	sor.u32 $0x1C11, s23;
	p0 =	seq.s32 s0, $0x0  }
0xc: {  	s0 =	simm.s32 $0x23800;
	s23 =	simm.s32 $0x9;
	s3 =	sor.u32 s9, s3  }
0xd: {  	s7 =	sshrl.u32 s5, $0x3;
	s8 =	sshrl.u32 s6, $0x1;
	s5 =	sadd.s32 s5, s2  }
0xe: {  	s0 =	simm.s32 @!p0 $0x28800;
	s9 =	simm.s32 $0xF;
	[dreg:$0x4] =	wrdreg s11  }
0xf: {  	s3 =	smul.u32 $0x500, s3;
	s6 =	ssub.s32 s6, s8;
	s12 =	sshrl.u32 s5, $0x3  }
0x10: {  	s26 =	smax.u32 s6, $0x1;
	s6 =	simm.s32 $0x0;
	[dreg:$0x9] =	wrdreg s12  }
0x11: {  	s3 =	sadd.s32 s3, s1;
	s1 =	sadd.s32 s7, s1;
	[dreg:$0x7] =	wrdreg s26  }
0x12: {  	s5 =	simm.s32 $0xC;
	[dreg:$0xa] =	wrdreg s6;
	s24 =	sadd.s32 $0x19800, s1  }
.Ltmp0:
0x13: {  	s25 =	sadd.s32 $0xF800, s3;
	[dreg:$0x3] =	wrdreg s24;
	(pc) =	sbr.rel .LBB2_1-.Ltmp0, $4  }
0x14: {  	s8 =	simm.s32 $0xE;
	s3 =	sadd.s32 $0x5800, s3;
	[dreg:$0x5] =	wrdreg s25  }
0x15: {  	s26 =	simm.s32 $0x8000;
	s0 =	sadd.s32 s0, s1;
	[dreg:$0x6] =	wrdreg s3  }
0x16: {  	s7 =	simm.s32 $0xD;
	s1 =	simm.s32 $0x3;
	[dreg:$0x8] =	wrdreg s0  }
0x17: {  	s24 =	simm.s32 $0x7800;
	s0 =	simm.s32 $0x4;
	s25 =	simm.s32 $0xA  }
.LBB2_4:
0x18: {  	_ =	swait.ge [sflag:s25], $0x800  }
0x19: {  	[sflag:s25] =	ssyncset.done $0x0  }
0x1a: {  	[sflag:s25] =	ssyncadd.s32 $0xFFFFF800  }
0x1b: {  	_ =	swait.ge [sflag:s28], $0x800  }
0x1c: {  	[sflag:s28] =	ssyncset.done $0x0  }
0x1d: {  	[sflag:s28] =	ssyncadd.s32 $0xFFFFF800  }
0x1e: {  	_ =	swait.ge [sflag:s5], $0x800  }
0x1f: {  	[sflag:s5] =	ssyncset.done $0x0  }
0x20: {  	[sflag:s5] =	ssyncadd.s32 $0xFFFFF800  }
0x21: {  	_ =	swait.ge [sflag:s7], $0x800  }
0x22: {  	[sflag:s7] =	ssyncset.done $0x0  }
0x23: {  	[sflag:s7] =	ssyncadd.s32 $0xFFFFF800  }
0x24: {  	_ =	swait.ge [sflag:s8], $0x800  }
0x25: {  	[sflag:s8] =	ssyncset.done $0x0  }
0x26: {  	[sflag:s8] =	ssyncadd.s32 $0xFFFFF800  }
0x27: {  	_ =	swait.ge [sflag:s9], $0x800  }
0x28: {  	[sflag:s9] =	ssyncset.done $0x0  }
0x29: {  	[sflag:s9] =	ssyncadd.s32 $0xFFFFF800  }
0x2a: {  	_ =	swait.ge [sflag:s10], $0x800  }
0x2b: {  	[sflag:s10] =	ssyncset.done $0x0  }
0x2c: {  	[sflag:s10] =	ssyncadd.s32 $0xFFFFF800  }
0x2d: {  	[bflag:$0x0] =	sbarrier.arrive $0xFFFF  }
0x2e: {  	s11 =	rddreg [dreg:$0x4]  }
0x2f: {  	s6 =	rddreg [dreg:$0x8]  }
0x30: {  	s12 =	rddreg [dreg:$0x9]  }
0x31: {  	[hbm:s6], [sflag:s11] =	dma.local [spmem:s12], $0x500  }
0x32: {  	s6 =	simm.s32 $0x11  }
0x33: {  	_ =	swait.ge [sflag:s6], $0x500  }
0x34: {  	s3 =	rddreg [dreg:$0xa]  }
0x35: {  	[sflag:s6] =	ssyncset.done $0x0;
	s6 =	rddreg [dreg:$0x7];
	s3 =	sadd.s32 $0x1, s3  }
0x36: {  	p0 =	sne.s32 s3, s6  }
.Ltmp1:
0x37: {  	_ = 	snop;
	(pc) =	sbr.rel @!p0 .LBB2_5-.Ltmp1, $3  }
0x38: {  	_ =	sdelay $0x1  }
0x39: {  	s6 =	simm.s32 $0x11  }
0x3a: {  	[dreg:$0xa] =	wrdreg s3;
	[sflag:s6] =	ssyncadd.s32 $0xFFFFFB00  }
.LBB2_1:
0x3b: {  	s3 =	simm.s32 $0x11;
	s6 =	rddreg [dreg:$0x3]  }
0x3c: {  	[spmem:s12], [sflag:s11] =	dma.local [hbm:s6], $0x500  }
0x3d: {  	_ =	swait.ge [sflag:s3], $0x500  }
0x3e: {  	[sflag:s3] =	ssyncset.done $0x0  }
0x3f: {  	s6 =	simm.s32 $0x0;
	s12 =	rddreg [dreg:$0x5];
	[sflag:s3] =	ssyncadd.s32 $0xFFFFFB00  }
0x40: {  	[tilespmem:s6], [sflag:$0x11] =	stream.linear.gather [hbm4b:s12+s6], $0x2800, $0x38;
	[tilespmem:$0xB800] =	vst v63  }
0x41: {  	_ =	swait.ge [sflag:s3], $0x2800  }
0x42: {  	[sflag:s3] =	ssyncset.done $0x0  }
0x43: {  	s12 =	simm.s32 $0x2800;
	s11 =	rddreg [dreg:$0x6];
	[sflag:s3] =	ssyncadd.s32 $0xFFFFD800  }
0x44: {  	[tilespmem:s12], [sflag:$0x11] =	stream.linear.gather [hbm4b:s11+s6], $0x2800, $0x38;
	[tilespmem:$0xB800] =	vst v63  }
0x45: {  	_ =	swait.ge [sflag:s3], $0x2800  }
0x46: {  	[sflag:s3] =	ssyncset.done $0x0  }
0x47: {  	[sflag:s3] =	ssyncadd.s32 $0xFFFFD800  }
0x48: {  	[bflag:$0x0] =	sbarrier.arrive $0xFFFF  }
0x49: {  	[tilespmem:s15], [sflag:$0x1] =	stream.indirect.gather [hbm4b:s4+s14], $0x10, s6, s14, $0xb8;
	[tilespmem:$0xB800] =	vst v63  }
0x4a: {  	_ = 	snop  }
0x4b: {  	[tilespmem:s16], [sflag:$0x2] =	stream.indirect.gather [hbm4b:s4+s14], $0x10, s14, s14, $0xb8;
	[tilespmem:$0xB800] =	vst v63  }
0x4c: {  	s6 =	simm.s32 $0x100  }
0x4d: {  	[tilespmem:s18], [sflag:$0x3] =	stream.indirect.gather [hbm4b:s4+s14], $0x10, s6, s14, $0xb8;
	[tilespmem:$0xB800] =	vst v63  }
0x4e: {  	s11 =	simm.s32 $0x180  }
0x4f: {  	[tilespmem:s20], [sflag:$0x4] =	stream.indirect.gather [hbm4b:s4+s14], $0x10, s11, s14, $0xb8;
	[tilespmem:$0xB800] =	vst v63  }
0x50: {  	s12 =	simm.s32 $0x200  }
0x51: {  	[tilespmem:s22], [sflag:$0x5] =	stream.indirect.gather [hbm4b:s4+s14], $0x10, s12, s14, $0xb8;
	[tilespmem:$0xB800] =	vst v63  }
0x52: {  	s6 =	simm.s32 $0x280  }
0x53: {  	[tilespmem:s24], [sflag:$0x6] =	stream.indirect.gather [hbm4b:s4+s14], $0x10, s6, s14, $0xb8;
	[tilespmem:$0xB800] =	vst v63  }
0x54: {  	s11 =	simm.s32 $0x300  }
0x55: {  	[tilespmem:s26], [sflag:$0x7] =	stream.indirect.gather [hbm4b:s4+s14], $0x10, s11, s14, $0xb8;
	[tilespmem:$0xB800] =	vst v63  }
0x56: {  	s12 =	simm.s32 $0x380;
	s6 =	simm.s32 $0x0  }
0x57: {  	[tilespmem:s29], [sflag:$0x8] =	stream.indirect.gather [hbm4b:s4+s14], $0x10, s12, s14, $0xb8;
	[tilespmem:$0xB800] =	vst v63  }
.LBB2_2:
0x58: {  	_ =	swait.ge [sflag:s30], $0x800  }
0x59: {  	s11 =	sshra.s32 s6, $0x2;
	[sflag:s30] =	ssyncset.done $0x0  }
0x5a: {  	s12 =	sadd.s32 $0x2800, s11;
	[sflag:s30] =	ssyncadd.s32 $0xFFFFF800  }
0x5b: {  	[spmem:s2] =	stream.indirect.scatter.add.f32 [tilespmem:s15], [sflag:$0x9], $0x10, s12, s14, $0xb8;
	[tilespmem:$0xB800] =	vst v63  }
0x5c: {  	_ =	swait.ge [sflag:s31], $0x800  }
0x5d: {  	[sflag:s31] =	ssyncset.done $0x0  }
0x5e: {  	s3 =	sadd.s32 $0x2880, s11;
	[sflag:s31] =	ssyncadd.s32 $0xFFFFF800  }
0x5f: {  	[spmem:s2] =	stream.indirect.scatter.add.f32 [tilespmem:s16], [sflag:$0xA], $0x10, s3, s14, $0xb8;
	[tilespmem:$0xB800] =	vst v63  }
0x60: {  	_ =	swait.ge [sflag:s1], $0x800  }
0x61: {  	[sflag:s1] =	ssyncset.done $0x0  }
0x62: {  	s3 =	sadd.s32 $0x2900, s11;
	[sflag:s1] =	ssyncadd.s32 $0xFFFFF800  }
0x63: {  	[spmem:s2] =	stream.indirect.scatter.add.f32 [tilespmem:s18], [sflag:$0xB], $0x10, s3, s14, $0xb8;
	[tilespmem:$0xB800] =	vst v63  }
0x64: {  	_ =	swait.ge [sflag:s0], $0x800  }
0x65: {  	[sflag:s0] =	ssyncset.done $0x0  }
0x66: {  	s3 =	sadd.s32 $0x2980, s11;
	[sflag:s0] =	ssyncadd.s32 $0xFFFFF800  }
0x67: {  	[spmem:s2] =	stream.indirect.scatter.add.f32 [tilespmem:s20], [sflag:$0xC], $0x10, s3, s14, $0xb8;
	[tilespmem:$0xB800] =	vst v63  }
0x68: {  	_ =	swait.ge [sflag:s13], $0x800  }
0x69: {  	[sflag:s13] =	ssyncset.done $0x0  }
0x6a: {  	s3 =	sadd.s32 $0x2A00, s11;
	[sflag:s13] =	ssyncadd.s32 $0xFFFFF800  }
0x6b: {  	[spmem:s2] =	stream.indirect.scatter.add.f32 [tilespmem:s22], [sflag:$0xD], $0x10, s3, s14, $0xb8;
	[tilespmem:$0xB800] =	vst v63  }
0x6c: {  	_ =	swait.ge [sflag:s17], $0x800  }
0x6d: {  	[sflag:s17] =	ssyncset.done $0x0  }
0x6e: {  	s3 =	sadd.s32 $0x2A80, s11;
	[sflag:s17] =	ssyncadd.s32 $0xFFFFF800  }
0x6f: {  	[spmem:s2] =	stream.indirect.scatter.add.f32 [tilespmem:s24], [sflag:$0xE], $0x10, s3, s14, $0xb8;
	[tilespmem:$0xB800] =	vst v63  }
0x70: {  	_ =	swait.ge [sflag:s19], $0x800  }
0x71: {  	[sflag:s19] =	ssyncset.done $0x0  }
0x72: {  	s3 =	sadd.s32 $0x2B00, s11;
	[sflag:s19] =	ssyncadd.s32 $0xFFFFF800  }
0x73: {  	[spmem:s2] =	stream.indirect.scatter.add.f32 [tilespmem:s26], [sflag:$0xF], $0x10, s3, s14, $0xb8;
	[tilespmem:$0xB800] =	vst v63  }
0x74: {  	_ =	swait.ge [sflag:s21], $0x800  }
0x75: {  	p0 =	seq.s32 s6, $0x9000;
	[sflag:s21] =	ssyncset.done $0x0  }
.Ltmp2:
0x76: {  	s3 =	sadd.s32 $0x2B80, s11;
	[sflag:s21] =	ssyncadd.s32 $0xFFFFF800;
	(pc) =	sbr.rel @p0 .LBB2_4-.Ltmp2, $4  }
0x77: {  	[spmem:s2] =	stream.indirect.scatter.add.f32 [tilespmem:s29], [sflag:$0x10], $0x10, s3, s14, $0xb8;
	[tilespmem:$0xB800] =	vst v63  }
0x78: {  	_ =	swait.ge [sflag:s23], $0x800  }
0x79: {  	[sflag:s23] =	ssyncset.done $0x0  }
0x7a: {  	[sflag:s23] =	ssyncadd.s32 $0xFFFFF800  }
0x7b: {  	s12 =	sadd.s32 $0x400, s11  }
0x7c: {  	[tilespmem:s15], [sflag:$0x1] =	stream.indirect.gather [hbm4b:s4+s14], $0x10, s12, s14, $0xb8;
	[tilespmem:$0xB800] =	vst v63  }
0x7d: {  	_ =	swait.ge [sflag:s25], $0x800  }
0x7e: {  	[sflag:s25] =	ssyncset.done $0x0  }
0x7f: {  	s3 =	sadd.s32 $0x480, s11;
	[sflag:s25] =	ssyncadd.s32 $0xFFFFF800  }
0x80: {  	[tilespmem:s16], [sflag:$0x2] =	stream.indirect.gather [hbm4b:s4+s14], $0x10, s3, s14, $0xb8;
	[tilespmem:$0xB800] =	vst v63  }
0x81: {  	_ =	swait.ge [sflag:s28], $0x800  }
0x82: {  	[sflag:s28] =	ssyncset.done $0x0  }
0x83: {  	s3 =	sadd.s32 $0x500, s11;
	[sflag:s28] =	ssyncadd.s32 $0xFFFFF800  }
0x84: {  	[tilespmem:s18], [sflag:$0x3] =	stream.indirect.gather [hbm4b:s4+s14], $0x10, s3, s14, $0xb8;
	[tilespmem:$0xB800] =	vst v63  }
0x85: {  	_ =	swait.ge [sflag:s5], $0x800  }
0x86: {  	[sflag:s5] =	ssyncset.done $0x0  }
0x87: {  	s3 =	sadd.s32 $0x580, s11;
	[sflag:s5] =	ssyncadd.s32 $0xFFFFF800  }
0x88: {  	[tilespmem:s20], [sflag:$0x4] =	stream.indirect.gather [hbm4b:s4+s14], $0x10, s3, s14, $0xb8;
	[tilespmem:$0xB800] =	vst v63  }
0x89: {  	_ =	swait.ge [sflag:s7], $0x800  }
0x8a: {  	[sflag:s7] =	ssyncset.done $0x0  }
0x8b: {  	s3 =	sadd.s32 $0x600, s11;
	[sflag:s7] =	ssyncadd.s32 $0xFFFFF800  }
0x8c: {  	[tilespmem:s22], [sflag:$0x5] =	stream.indirect.gather [hbm4b:s4+s14], $0x10, s3, s14, $0xb8;
	[tilespmem:$0xB800] =	vst v63  }
0x8d: {  	_ =	swait.ge [sflag:s8], $0x800  }
0x8e: {  	[sflag:s8] =	ssyncset.done $0x0  }
0x8f: {  	s3 =	sadd.s32 $0x680, s11;
	[sflag:s8] =	ssyncadd.s32 $0xFFFFF800  }
0x90: {  	[tilespmem:s24], [sflag:$0x6] =	stream.indirect.gather [hbm4b:s4+s14], $0x10, s3, s14, $0xb8;
	[tilespmem:$0xB800] =	vst v63  }
0x91: {  	_ =	swait.ge [sflag:s9], $0x800  }
0x92: {  	[sflag:s9] =	ssyncset.done $0x0  }
0x93: {  	s3 =	sadd.s32 $0x700, s11;
	[sflag:s9] =	ssyncadd.s32 $0xFFFFF800  }
0x94: {  	[tilespmem:s26], [sflag:$0x7] =	stream.indirect.gather [hbm4b:s4+s14], $0x10, s3, s14, $0xb8;
	[tilespmem:$0xB800] =	vst v63  }
.Ltmp3:
0x95: {  	_ = 	snop;
	(pc) =	sbr.rel .LBB2_2-.Ltmp3, $4  }
0x96: {  	_ =	swait.ge [sflag:s10], $0x800  }
0x97: {  	[sflag:s10] =	ssyncset.done $0x0  }
0x98: {  	s6 =	sadd.s32 $0x1000, s6;
	s12 =	sadd.s32 $0x780, s11;
	[sflag:s10] =	ssyncadd.s32 $0xFFFFF800  }
0x99: {  	[tilespmem:s29], [sflag:$0x8] =	stream.indirect.gather [hbm4b:s4+s14], $0x10, s12, s14, $0xb8;
	[tilespmem:$0xB800] =	vst v63  }
.LBB2_5:
0x9a: {  	_ =	sfence.sel $0x180000  }
0x9b: {  	[bflag:$0x0] =	sbarrier.arrive $0xFFFF  }
0x9c: {  	_ =	strace $0x90000050  }
0x9d: {  	s0 =	stileid.u32;
	[bflag:$0x2] =	sbarrier.arrive $0xFFFF  }
0x9e: {  	p0 =	sne.s32 s0, $0x0;
	s0 =	rddreg [dreg:$0x2]  }
0x9f: {  	s0 =	sadd.s32 @!p0 $0x100000, s0  }
0xa0: {  	[sflag:s0] =	ssyncadd.tile.s32 @!p0 $0x1;
	_ =	shalt  }
.Lfunc_end2:
_tile_overlayer_lowered:
.L_overlay_start_2:
0xa1: {  	(tag) =	ssettag $0x2  }
0xa2: {  	s0 =	rddreg [dreg:$0x0];
	s2 =	stileid.u32  }
0xa3: {  	s1 =	rddreg [dreg:$0x1];
	p0 =	sne.s32 s2, $0x0  }
0xa4: {  	s3 =	rddreg [dreg:$0x2];
	[bflag:$0x3] =	sbarrier.arrive $0xFFFF;
	s2 =	simm.s32 @!p0 $0x1C11  }
0xa5: {  	[timem:s3], [sflag:s2] =	dma.local @!p0 [hbm:s0], s1  }
0xa6: {  	s0 =	simm.s32 @!p0 $0x11  }
0xa7: {  	_ =	swait.ge @!p0 [sflag:s0], s1  }
0xa8: {  	s1 =	ssub.s32 @!p0 $0x0, s1;
	[sflag:s0] =	ssyncset.done @!p0 $0x0  }
0xa9: {  	[sflag:s0] =	ssyncadd.s32 @!p0 s1  }
0xaa: {  	[bflag:$0x3] =	sbarrier.arrive $0xFFFF  }
0xab: {  	_ =	shalt  }

</sc_bundles>
